<compile_context>
chip_gen: v7x
topology: tpu7x:2x2x1
jax: 0.10.2.dev20260603
libtpu: 0.0.44.dev20260713+nightly
codegen_flags: <defaults>
</compile_context>

<pallas_src>
import functools

import jax
import jax.numpy as jnp
from jax import lax
from jax.experimental import pallas as pl
from jax.experimental.pallas import tpu as pltpu
from jax.experimental.pallas import tpu_sc as plsc

N = 10000
E = 320000
D = 128

_NC = 2
_NS = 16
_NW = _NC * _NS



def _dot(a, b):
    return jnp.dot(a, b, preferred_element_type=jnp.float32)


def _row_sum(x):
    acc = x[:, 0:8]
    for i in range(1, 16):
        acc = acc + x[:, i * 8:(i + 1) * 8]
    while acc.shape[1] > 1:
        s = acc.shape[1] // 2
        acc = acc[:, :s] + acc[:, s:]
    return acc


def _mlp_body(n_in, groups, has_ln):
    def body(*refs):
        ins = refs[:n_in]
        w1 = refs[n_in]
        idx = n_in + 1
        b1 = refs[idx]
        idx += 1
        slabs = []
        for grp in groups:
            a = ins[grp[0]][...]
            for k in grp[1:]:
                a = a + ins[k][...]
            slabs.append(a)
        a = slabs[0] if len(slabs) == 1 else jnp.concatenate(slabs, axis=1)
        h = jnp.maximum(_dot(a, w1[...]) + b1[...], 0.0)
        for li in range(3):
            w = refs[idx][...]
            b = refs[idx + 1][...]
            idx += 2
            h = _dot(h, w) + b
            if li < 2:
                h = jnp.maximum(h, 0.0)
        if has_ln:
            g = refs[idx][...]
            bb = refs[idx + 1][...]
            idx += 2
            mu = _row_sum(h) * (1.0 / 128.0)
            d = h - mu
            var = _row_sum(d * d) * (1.0 / 128.0)
            h = d / jnp.sqrt(var + 1e-5) * g + bb
        refs[-1][...] = h
    return body


def _const_spec(shape):
    nd = len(shape)
    return pl.BlockSpec(shape, lambda i: (0,) * nd)


def _mlp(inputs, in_maps, w1, b1, rest, ln, block_rows, n_rows,
         groups=None):
    n_in = len(inputs)
    if groups is None:
        groups = [[k] for k in range(n_in)]
    grid = (n_rows // block_rows,)
    in_specs = [pl.BlockSpec((block_rows, D), m) for m in in_maps]
    args = list(inputs)
    args.append(w1)
    in_specs.append(_const_spec(w1.shape))
    args.append(b1.reshape(1, D))
    in_specs.append(_const_spec((1, D)))
    for (w, b) in rest:
        args.append(w)
        in_specs.append(_const_spec(w.shape))
        args.append(b.reshape(1, D))
        in_specs.append(_const_spec((1, D)))
    if ln is not None:
        for v in ln:
            args.append(v.reshape(1, D))
            in_specs.append(_const_spec((1, D)))
    return pl.pallas_call(
        _mlp_body(n_in, groups, ln is not None),
        grid=grid,
        in_specs=in_specs,
        out_specs=pl.BlockSpec((block_rows, D), lambda i: (i, 0)),
        out_shape=jax.ShapeDtypeStruct((n_rows, D), jnp.float32),
    )(*args)


def _pad_w(w):
    r, c = w.shape
    rp = (-r) % D
    cp = (-c) % D
    if rp or cp:
        w = jnp.pad(w, ((0, rp), (0, cp)))
    return w


def _pad_b(b):
    cp = (-b.shape[0]) % D
    if cp:
        b = jnp.pad(b, ((0, cp),))
    return b



_G_B = 2 * E
_G_PW = _G_B // _NW
_G_CH = 80
_G_NCH = _G_PW // _G_CH

def _sc_mesh():
    return plsc.VectorSubcoreMesh(core_axis_name="c", subcore_axis_name="s",
                                  num_cores=_NC, num_subcores=_NS)


@functools.cache
def _gather_kernel():
    @functools.partial(
        pl.kernel,
        out_type=jax.ShapeDtypeStruct((_G_B, D), jnp.float32),
        mesh=_sc_mesh(),
        scratch_types=[
            pltpu.VMEM((_G_CH,), jnp.int32),
            pltpu.VMEM((_G_CH, D), jnp.float32),
            pltpu.SemaphoreType.DMA,
        ],
    )
    def _gather(table_hbm, idx_hbm, out_hbm, idx_v, rows_v, sem):
        wid = lax.axis_index("s") * _NC + lax.axis_index("c")
        base = wid * _G_PW

        def step(g, _):
            off = base + g * _G_CH
            pltpu.sync_copy(idx_hbm.at[pl.ds(off, _G_CH)], idx_v)
            pltpu.async_copy(table_hbm.at[idx_v], rows_v, sem).wait()
            pltpu.sync_copy(rows_v, out_hbm.at[pl.ds(off, _G_CH)])
            return 0

        lax.fori_loop(0, _G_NCH, step, 0)

    return _gather



_W_ROWS = 312
_RC = 4000
_NSEG = E // _RC
_SEGCAP = 4096
_S_CH = 128
_NA = N + 16


@functools.cache
def _prep_kernel():
    @functools.partial(
        pl.kernel,
        out_type=(
            jax.ShapeDtypeStruct((_NW * _NSEG * _SEGCAP,), jnp.int32),
            jax.ShapeDtypeStruct((_NW * _NSEG * _SEGCAP,), jnp.int32),
        ),
        mesh=_sc_mesh(),
        compiler_params=pltpu.CompilerParams(needs_layout_passes=False),
        scratch_types=[
            pltpu.VMEM((_RC,), jnp.int32),
            pltpu.VMEM((_SEGCAP + 160,), jnp.int32),
            pltpu.VMEM((_SEGCAP + 160,), jnp.int32),
        ],
    )
    def _prep(recv_hbm, eid_hbm, tgt_hbm, recv_v, ebuf, tbuf):
        cid = lax.axis_index("c")
        sid = lax.axis_index("s")
        wid = sid * _NC + cid
        lanes = lax.iota(jnp.int32, 16)
        zero_v = lanes * 0
        lo_v = zero_v + wid * _W_ROWS
        hi_v = jnp.where(zero_v + wid == _NW - 1, N, lo_v + _W_ROWS)
        trash = zero_v + (N + sid)
        dummy_e = zero_v + wid * 16 + lanes
        shift_idx = [jnp.maximum(lanes - d, 0) for d in (1, 2, 4, 8)]
        shift_msk = [lanes >= d for d in (1, 2, 4, 8)]

        def vgather(s, ix):
            return lax.gather(
                s, ix[:, None],
                dimension_numbers=lax.GatherDimensionNumbers(
                    offset_dims=(), collapsed_slice_dims=(0,),
                    start_index_map=(0,)),
                slice_sizes=(1,),
                mode=lax.GatherScatterMode.PROMISE_IN_BOUNDS)

        def prefix(m32):
            s = m32
            for ix, mk in zip(shift_idx, shift_msk):
                s = s + jnp.where(mk, vgather(s, ix), 0)
            return s

        splat_last = jnp.full((16,), 15, jnp.int32)

        def seg(oc, _):
            pltpu.sync_copy(recv_hbm.at[pl.ds(oc * _RC, _RC)], recv_v)
            ids0 = zero_v + oc * _RC + lanes

            def step(i, carry):
                off_v, ids = carry
                r = recv_v[pl.ds(i * 16, 16)]
                mask = (r >= lo_v) & (r < hi_v)
                m32 = jnp.where(mask, 1, 0)
                inc = prefix(m32)
                pos = off_v + inc - m32
                plsc.store_scatter(ebuf, [pos], ids, mask=mask)
                plsc.store_scatter(tbuf, [pos], r, mask=mask)
                tot = vgather(inc, splat_last)
                return (off_v + tot, ids + 16)

            off_v, _ids = lax.fori_loop(0, _RC // 16, step,
                                        (zero_v, ids0))

            full = zero_v == 0
            for k in range(10):
                ppos = off_v + lanes + k * 16
                plsc.store_scatter(ebuf, [ppos], dummy_e, mask=full)
                plsc.store_scatter(tbuf, [ppos], trash, mask=full)

            seg_off = (wid * _NSEG + oc) * _SEGCAP
            pltpu.sync_copy(ebuf.at[pl.ds(0, _SEGCAP)],
                            eid_hbm.at[pl.ds(seg_off, _SEGCAP)])
            pltpu.sync_copy(tbuf.at[pl.ds(0, _SEGCAP)],
                            tgt_hbm.at[pl.ds(seg_off, _SEGCAP)])
            return 0

        lax.fori_loop(0, _NSEG, seg, 0)

    return _prep


@functools.cache
def _scatter_kernel():
    @functools.partial(
        pl.kernel,
        out_type=jax.ShapeDtypeStruct((N, D), jnp.float32),
        mesh=_sc_mesh(),
        compiler_params=pltpu.CompilerParams(needs_layout_passes=False),
        scratch_types=[
            pltpu.VMEM((_S_CH,), jnp.int32),
            pltpu.VMEM((_S_CH,), jnp.int32),
            pltpu.VMEM((_S_CH, D), jnp.float32),
            pltpu.VMEM_SHARED((_NA, D), jnp.float32),
            pltpu.SemaphoreType.DMA,
        ],
    )
    def _scatter_add(edge_hbm, eid_hbm, tgt_hbm, zeros_hbm, out_hbm,
                     eid_v, tgt_v, rows_v, acc, sem):
        cid = lax.axis_index("c")
        sid = lax.axis_index("s")
        wid = sid * _NC + cid
        pltpu.sync_copy(zeros_hbm.at[pl.ds(sid * 624, 624)],
                        acc.at[pl.ds(sid * 624, 624)])

        @pl.when(sid == 0)
        def _():
            pltpu.sync_copy(zeros_hbm.at[pl.ds(9984, _NA - 9984)],
                            acc.at[pl.ds(9984, _NA - 9984)])

        plsc.subcore_barrier()
        nsent = jnp.full((16,), N, jnp.int32)

        def seg(oc, _):
            seg_off = (wid * _NSEG + oc) * _SEGCAP

            def cond(carry):
                return carry[1]

            def chunk(carry):
                j, _cont = carry
                off = seg_off + j * _S_CH
                pltpu.sync_copy(eid_hbm.at[pl.ds(off, _S_CH)], eid_v)
                pltpu.sync_copy(tgt_hbm.at[pl.ds(off, _S_CH)], tgt_v)
                pltpu.async_copy(edge_hbm.at[eid_v], rows_v, sem).wait()
                pltpu.sync_copy(rows_v, acc.at[tgt_v], add=True)
                pl.delay(1024)
                tail = tgt_v[pl.ds(_S_CH - 16, 16)]
                more = jnp.logical_not(jnp.any(tail >= nsent))
                return (j + 1, more)

            lax.while_loop(cond, chunk, (jnp.int32(0), True))
            return 0

        lax.fori_loop(0, _NSEG, seg, 0)
        plsc.subcore_barrier()

        @pl.when(wid < _NW - 1)
        def _():
            pltpu.sync_copy(acc.at[pl.ds(wid * _W_ROWS, _W_ROWS)],
                            out_hbm.at[pl.ds(wid * _W_ROWS, _W_ROWS)])

        @pl.when(wid == _NW - 1)
        def _():
            lastb = (_NW - 1) * _W_ROWS
            pltpu.sync_copy(acc.at[pl.ds(lastb, N - lastb)],
                            out_hbm.at[pl.ds(lastb, N - lastb)])

    return _scatter_add



_BN = 1000
_BE = 2000


def _mlp_args(ps):
    (w1, b1) = ps[0]
    rest = [(w, b) for (w, b) in ps[1:]]
    return w1, b1, rest


def kernel(x, edge_attr, params, edge_index):
    zeros_nd = jnp.zeros((_NA, D), jnp.float32)
    row_map = lambda i: (i, 0)

    w1, b1, rest = _mlp_args(params['enc_node']['mlp'])
    xp = jnp.pad(x, ((0, 0), (0, D - x.shape[1])))
    node = _mlp([xp], [row_map], _pad_w(w1), b1, rest,
                params['enc_node']['ln'], _BN, N)

    w1, b1, rest = _mlp_args(params['enc_edge']['mlp'])
    eap = jnp.pad(edge_attr, ((0, 0), (0, D - edge_attr.shape[1])))
    edge = _mlp([eap], [row_map], _pad_w(w1), b1, rest,
                params['enc_edge']['ln'], _BE, E)

    send = edge_index[0]
    recv = edge_index[1]
    idx2 = jnp.concatenate([send, recv])
    eids, tgts = _prep_kernel()(recv)

    nb = E // _BE

    for layer in params['mp']:
        gath = _gather_kernel()(node, idx2)

        w1, b1, rest = _mlp_args(layer['edge']['mlp'])
        edge = _mlp(
            [gath, gath, edge],
            [row_map, lambda i: (i + nb, 0), row_map],
            w1, b1, rest, layer['edge']['ln'], _BE, E,
            groups=[[0], [1], [2]])

        agg = _scatter_kernel()(edge, eids, tgts, zeros_nd)

        w1, b1, rest = _mlp_args(layer['node']['mlp'])
        node = _mlp(
            [node, agg],
            [row_map, row_map],
            w1, b1, rest, layer['node']['ln'], _BN, N,
            groups=[[0], [1]])

    w1, b1, rest = _mlp_args(params['dec']['mlp'])
    (w4, b4) = rest[-1]
    rest = rest[:-1] + [(_pad_w(w4), _pad_b(b4))]
    out = _mlp([node], [row_map], w1, b1, rest, None, _BN, N)
    return out[:, 1:3]

# --- scband reference (transcript-rebuilt; emitter-appended) ---
"""Pipeline reference for scband-gmn-54099408060560 (READ-ONLY COPY).

The authoritative reference and input builder live on the scoring server;
editing this copy changes nothing except your own understanding.
"""

import jax, jax.numpy as jnp
import numpy as np

N = 10000
E = 320000
NODE_ATTR = 11
EDGE_ATTR = 4
LATENT = 128
MP_NUM = 5


def _mlp_params(key, in_dim, hidden, out_dim):
    dims = [in_dim, hidden, hidden, hidden, out_dim]
    ps = []
    for i in range(len(dims) - 1):
        key, k = jax.random.split(key)
        W = jax.random.normal(k, (dims[i], dims[i + 1]), dtype=jnp.float32) / np.sqrt(dims[i])
        ps.append([W, jnp.zeros((dims[i + 1],), jnp.float32)])
    return ps, key


def _mlp_apply(ps, x):
    n = len(ps)
    for i, (W, b) in enumerate(ps):
        x = x @ W + b
        if i < n - 1:
            x = jax.nn.relu(x)
    return x


def _ln(x, g, b):
    mu = jnp.mean(x, axis=-1, keepdims=True)
    var = jnp.var(x, axis=-1, keepdims=True)
    return (x - mu) / jnp.sqrt(var + 1e-5) * g + b


def _ln_params(dim):
    return [jnp.ones((dim,), jnp.float32), jnp.zeros((dim,), jnp.float32)]


def setup_inputs(seed: int = 0):
    key = jax.random.key(seed)
    k1, k2, k3, key = jax.random.split(key, 4)
    x = jax.random.normal(k1, (N, NODE_ATTR), dtype=jnp.float32)
    edge_index = jax.random.randint(k2, (2, E), 0, N, dtype=jnp.int32)
    edge_attr = jax.random.normal(k3, (E, EDGE_ATTR), dtype=jnp.float32)

    params = {}
    mlp, key = _mlp_params(key, NODE_ATTR, LATENT, LATENT)
    params['enc_node'] = {'mlp': mlp, 'ln': _ln_params(LATENT)}
    mlp, key = _mlp_params(key, EDGE_ATTR, LATENT, LATENT)
    params['enc_edge'] = {'mlp': mlp, 'ln': _ln_params(LATENT)}
    mp = []
    for _ in range(MP_NUM):
        emlp, key = _mlp_params(key, 3 * LATENT, LATENT, LATENT)
        nmlp, key = _mlp_params(key, 2 * LATENT, LATENT, LATENT)
        mp.append({'edge': {'mlp': emlp, 'ln': _ln_params(LATENT)},
                   'node': {'mlp': nmlp, 'ln': _ln_params(LATENT)}})
    params['mp'] = mp
    dmlp, key = _mlp_params(key, LATENT, LATENT, NODE_ATTR)
    params['dec'] = {'mlp': dmlp}

    return {'x': x, 'edge_attr': edge_attr, 'params': params, 'edge_index': edge_index}


def reference(x, edge_attr, params, edge_index):
    node = _ln(_mlp_apply(params['enc_node']['mlp'], x), *params['enc_node']['ln'])
    edge = _ln(_mlp_apply(params['enc_edge']['mlp'], edge_attr), *params['enc_edge']['ln'])
    send = edge_index[0]
    recv = edge_index[1]
    for layer in params['mp']:
        senders_attr = jnp.take(node, send, axis=0)
        receivers_attr = jnp.take(node, recv, axis=0)
        collected_edges = jnp.concatenate([senders_attr, receivers_attr, edge], axis=1)
        edge = _ln(_mlp_apply(layer['edge']['mlp'], collected_edges), *layer['edge']['ln'])
        agg = jax.ops.segment_sum(edge, recv, num_segments=N)
        collected_nodes = jnp.concatenate([node, agg], axis=-1)
        node = _ln(_mlp_apply(layer['node']['mlp'], collected_nodes), *layer['node']['ln'])
    out = _mlp_apply(params['dec']['mlp'], node)
    return out[:, 1:3]

if __name__ == "__main__":
    import jax
    _d = setup_inputs()
    print(jax.jit(kernel)(*tuple(_d.values())))

</pallas_src>

<mosaic_0001>
#map = affine_map<(d0, d1) -> (0)>
module attributes {stable_mosaic.version = 14 : i64} {
  func.func @_prep(%arg0: i32, %arg1: i32, %arg2: memref<320000xi32, #tpu.memory_space<hbm>>, %arg3: memref<10485760xi32, #tpu.memory_space<hbm>>, %arg4: memref<10485760xi32, #tpu.memory_space<hbm>>, %arg5: memref<4000xi32, #tpu.memory_space<vmem>>, %arg6: memref<4256xi32, #tpu.memory_space<vmem>>, %arg7: memref<4256xi32, #tpu.memory_space<vmem>>) attributes {dimension_semantics = [#tpu.dimension_semantics<core_parallel>, #tpu.dimension_semantics<subcore_parallel>], iteration_bounds = array<i64: 2, 16>, scalar_prefetch = 0 : i64, scratch_operands = 3 : i64, tpu.core_type = #tpu.core_type<sc_vector_subcore>, window_params = [{transform_indices = #map}, {transform_indices = #map}, {transform_indices = #map}]} {
    %mul3A = arith.constant 2 : i32
    %mul3A_0 = arith.muli %arg1, %mul3A : i32
    %add3A = arith.addi %mul3A_0, %arg0 : i32
    %iota3A = tpu.iota {dimensions = array<i32: 0>} : vector<16xi32>
    %mul3A_1 = arith.constant 0 : i32
    %mul3A_2 = vector.broadcast %mul3A_1 : i32 to vector<16xi32>
    %mul3A_3 = arith.muli %iota3A, %mul3A_2 : vector<16xi32>
    %mul3A_4 = arith.constant 312 : i32
    %mul3A_5 = arith.muli %add3A, %mul3A_4 : i32
    %add3A_6 = vector.broadcast %mul3A_5 : i32 to vector<16xi32>
    %add3A_7 = arith.addi %mul3A_3, %add3A_6 : vector<16xi32>
    %add3A_8 = vector.broadcast %add3A : i32 to vector<16xi32>
    %add3A_9 = arith.addi %mul3A_3, %add3A_8 : vector<16xi32>
    %eq3A = arith.constant 31 : i32
    %eq3A_10 = vector.broadcast %eq3A : i32 to vector<16xi32>
    %eq3A_11 = arith.cmpi eq, %add3A_9, %eq3A_10 : vector<16xi32>
    %add3A_12 = arith.constant 312 : i32
    %add3A_13 = vector.broadcast %add3A_12 : i32 to vector<16xi32>
    %add3A_14 = arith.addi %add3A_7, %add3A_13 : vector<16xi32>
    %jit3A = arith.constant 10000 : i32
    %broadcast_in_dim3A = vector.broadcast %jit3A : i32 to vector<16xi32>
    %select_n3A = arith.select %eq3A_11, %broadcast_in_dim3A, %add3A_14 : vector<16xi1>, vector<16xi32>
    %add3A_15 = arith.constant 10000 : i32
    %add3A_16 = arith.addi %add3A_15, %arg1 : i32
    %add3A_17 = vector.broadcast %add3A_16 : i32 to vector<16xi32>
    %add3A_18 = arith.addi %mul3A_3, %add3A_17 : vector<16xi32>
    %mul3A_19 = arith.constant 16 : i32
    %mul3A_20 = arith.muli %add3A, %mul3A_19 : i32
    %add3A_21 = vector.broadcast %mul3A_20 : i32 to vector<16xi32>
    %add3A_22 = arith.addi %mul3A_3, %add3A_21 : vector<16xi32>
    %add3A_23 = arith.addi %add3A_22, %iota3A : vector<16xi32>
    %sub3A = arith.constant 1 : i32
    %sub3A_24 = vector.broadcast %sub3A : i32 to vector<16xi32>
    %sub3A_25 = arith.subi %iota3A, %sub3A_24 : vector<16xi32>
    %max3A = arith.constant 0 : i32
    %max3A_26 = vector.broadcast %max3A : i32 to vector<16xi32>
    %max3A_27 = arith.maxsi %sub3A_25, %max3A_26 : vector<16xi32>
    %sub3A_28 = arith.constant 2 : i32
    %sub3A_29 = vector.broadcast %sub3A_28 : i32 to vector<16xi32>
    %sub3A_30 = arith.subi %iota3A, %sub3A_29 : vector<16xi32>
    %max3A_31 = arith.constant 0 : i32
    %max3A_32 = vector.broadcast %max3A_31 : i32 to vector<16xi32>
    %max3A_33 = arith.maxsi %sub3A_30, %max3A_32 : vector<16xi32>
    %sub3A_34 = arith.constant 4 : i32
    %sub3A_35 = vector.broadcast %sub3A_34 : i32 to vector<16xi32>
    %sub3A_36 = arith.subi %iota3A, %sub3A_35 : vector<16xi32>
    %max3A_37 = arith.constant 0 : i32
    %max3A_38 = vector.broadcast %max3A_37 : i32 to vector<16xi32>
    %max3A_39 = arith.maxsi %sub3A_36, %max3A_38 : vector<16xi32>
    %sub3A_40 = arith.constant 8 : i32
    %sub3A_41 = vector.broadcast %sub3A_40 : i32 to vector<16xi32>
    %sub3A_42 = arith.subi %iota3A, %sub3A_41 : vector<16xi32>
    %max3A_43 = arith.constant 0 : i32
    %max3A_44 = vector.broadcast %max3A_43 : i32 to vector<16xi32>
    %max3A_45 = arith.maxsi %sub3A_42, %max3A_44 : vector<16xi32>
    %ge3A = arith.constant 1 : i32
    %ge3A_46 = vector.broadcast %ge3A : i32 to vector<16xi32>
    %ge3A_47 = arith.cmpi sge, %iota3A, %ge3A_46 : vector<16xi32>
    %ge3A_48 = arith.constant 2 : i32
    %ge3A_49 = vector.broadcast %ge3A_48 : i32 to vector<16xi32>
    %ge3A_50 = arith.cmpi sge, %iota3A, %ge3A_49 : vector<16xi32>
    %ge3A_51 = arith.constant 4 : i32
    %ge3A_52 = vector.broadcast %ge3A_51 : i32 to vector<16xi32>
    %ge3A_53 = arith.cmpi sge, %iota3A, %ge3A_52 : vector<16xi32>
    %ge3A_54 = arith.constant 8 : i32
    %ge3A_55 = vector.broadcast %ge3A_54 : i32 to vector<16xi32>
    %ge3A_56 = arith.cmpi sge, %iota3A, %ge3A_55 : vector<16xi32>
    %broadcast_in_dim3A_57 = arith.constant 15 : i32
    %broadcast_in_dim3A_58 = vector.broadcast %broadcast_in_dim3A_57 : i32 to vector<16xi32>
    %scan3A = arith.constant 0 : i32
    %scan3A_59 = arith.constant 0 : i32
    %scan3A_60 = arith.constant 80 : i32
    %scan3A_61 = arith.addi %scan3A_59, %scan3A_60 : i32
    %scan3A_62 = arith.constant 1 : i32
    %scan3A_63 = scf.for %scan3A_65 = %scan3A_59 to %scan3A_61 step %scan3A_62 iter_args(%scan3A_66 = %scan3A) -> (i32)  : i32 {
      %mul3A_67 = arith.constant 4000 : i32
      %mul3A_68 = arith.muli %scan3A_65, %mul3A_67 : i32
      "tpu.region"() ({
        %run_scoped3A = tpu.sem_alloc : memref<!tpu.dma_semaphore, #tpu.memory_space<semaphore_mem>>
        %dma_start3A = tpu.memref_slice %arg2[%mul3A_68] : memref<320000xi32, #tpu.memory_space<hbm>> -> memref<4000xi32, #tpu.memory_space<hbm>>
        %dma_start3A_129 = tpu.memref_slice %arg2[%mul3A_68] : memref<320000xi32, #tpu.memory_space<hbm>> -> memref<4000xi32, #tpu.memory_space<hbm>>
        tpu.enqueue_dma source(%dma_start3A_129 : memref<4000xi32, #tpu.memory_space<hbm>>) target(%arg5 : memref<4000xi32, #tpu.memory_space<vmem>>) target_semaphore(%run_scoped3A : memref<!tpu.dma_semaphore, #tpu.memory_space<semaphore_mem>>)
        %dma_wait3A = tpu.memref_slice %arg2[%mul3A_68] : memref<320000xi32, #tpu.memory_space<hbm>> -> memref<4000xi32, #tpu.memory_space<hbm>>
        %dma_wait3A_130 = tpu.memref_slice %arg2[%mul3A_68] : memref<320000xi32, #tpu.memory_space<hbm>> -> memref<4000xi32, #tpu.memory_space<hbm>>
        tpu.wait_dma2 semaphore(%run_scoped3A : memref<!tpu.dma_semaphore, #tpu.memory_space<semaphore_mem>>) src(%dma_wait3A_130 : memref<4000xi32, #tpu.memory_space<hbm>>) dst(%arg5 : memref<4000xi32, #tpu.memory_space<vmem>>)
        tpu.yield
      }) : () -> ()
      %mul3A_69 = arith.constant 4000 : i32
      %mul3A_70 = arith.muli %scan3A_65, %mul3A_69 : i32
      %add3A_71 = vector.broadcast %mul3A_70 : i32 to vector<16xi32>
      %add3A_72 = arith.addi %mul3A_3, %add3A_71 : vector<16xi32>
      %add3A_73 = arith.addi %add3A_72, %iota3A : vector<16xi32>
      %scan3A_74 = arith.constant 0 : i32
      %scan3A_75 = arith.constant 250 : i32
      %scan3A_76 = arith.addi %scan3A_74, %scan3A_75 : i32
      %scan3A_77 = arith.constant 1 : i32
      %scan3A_78:2 = scf.for %scan3A_129 = %scan3A_74 to %scan3A_76 step %scan3A_77 iter_args(%scan3A_130 = %mul3A_3, %scan3A_131 = %add3A_73) -> (vector<16xi32>, vector<16xi32>)  : i32 {
        %mul3A_132 = arith.constant 16 : i32
        %mul3A_133 = arith.muli %scan3A_129, %mul3A_132 : i32
        %get3A = arith.index_cast %mul3A_133 : i32 to index
        %get3A_134 = tpu.vector_load %arg5[%get3A] {strides = array<i32>} : memref<4000xi32, #tpu.memory_space<vmem>>, vector<16xi32>,
        %ge3A_135 = arith.cmpi sge, %get3A_134, %add3A_7 : vector<16xi32>
        %lt3A = arith.cmpi slt, %get3A_134, %select_n3A : vector<16xi32>
        %and3A = arith.andi %ge3A_135, %lt3A : vector<16xi1>
        %jit3A_136 = arith.constant 1 : i32
        %jit3A_137 = arith.constant 0 : i32
        %broadcast_in_dim3A_138 = vector.broadcast %jit3A_136 : i32 to vector<16xi32>
        %broadcast_in_dim3A_139 = vector.broadcast %jit3A_137 : i32 to vector<16xi32>
        %select_n3A_140 = arith.select %and3A, %broadcast_in_dim3A_138, %broadcast_in_dim3A_139 : vector<16xi1>, vector<16xi32>
        %broadcast_in_dim3A_141 = vector.shape_cast %max3A_27 : vector<16xi32> to vector<16x1xi32>
        %gather3A = vector.shape_cast %broadcast_in_dim3A_141 : vector<16x1xi32> to vector<16xi32>
        %gather3A_142 = tpu.dynamic_gather %select_n3A_140[%gather3A] in [0] : vector<16xi32>, vector<16xi32> -> vector<16xi32>
        %jit3A_143 = arith.constant 0 : i32
        %broadcast_in_dim3A_144 = vector.broadcast %jit3A_143 : i32 to vector<16xi32>
        %select_n3A_145 = arith.select %ge3A_47, %gather3A_142, %broadcast_in_dim3A_144 : vector<16xi1>, vector<16xi32>
        %add3A_146 = arith.addi %select_n3A_140, %select_n3A_145 : vector<16xi32>
        %broadcast_in_dim3A_147 = vector.shape_cast %max3A_33 : vector<16xi32> to vector<16x1xi32>
        %gather3A_148 = vector.shape_cast %broadcast_in_dim3A_147 : vector<16x1xi32> to vector<16xi32>
        %gather3A_149 = tpu.dynamic_gather %add3A_146[%gather3A_148] in [0] : vector<16xi32>, vector<16xi32> -> vector<16xi32>
        %jit3A_150 = arith.constant 0 : i32
        %broadcast_in_dim3A_151 = vector.broadcast %jit3A_150 : i32 to vector<16xi32>
        %select_n3A_152 = arith.select %ge3A_50, %gather3A_149, %broadcast_in_dim3A_151 : vector<16xi1>, vector<16xi32>
        %add3A_153 = arith.addi %add3A_146, %select_n3A_152 : vector<16xi32>
        %broadcast_in_dim3A_154 = vector.shape_cast %max3A_39 : vector<16xi32> to vector<16x1xi32>
        %gather3A_155 = vector.shape_cast %broadcast_in_dim3A_154 : vector<16x1xi32> to vector<16xi32>
        %gather3A_156 = tpu.dynamic_gather %add3A_153[%gather3A_155] in [0] : vector<16xi32>, vector<16xi32> -> vector<16xi32>
        %jit3A_157 = arith.constant 0 : i32
        %broadcast_in_dim3A_158 = vector.broadcast %jit3A_157 : i32 to vector<16xi32>
        %select_n3A_159 = arith.select %ge3A_53, %gather3A_156, %broadcast_in_dim3A_158 : vector<16xi1>, vector<16xi32>
        %add3A_160 = arith.addi %add3A_153, %select_n3A_159 : vector<16xi32>
        %broadcast_in_dim3A_161 = vector.shape_cast %max3A_45 : vector<16xi32> to vector<16x1xi32>
        %gather3A_162 = vector.shape_cast %broadcast_in_dim3A_161 : vector<16x1xi32> to vector<16xi32>
        %gather3A_163 = tpu.dynamic_gather %add3A_160[%gather3A_162] in [0] : vector<16xi32>, vector<16xi32> -> vector<16xi32>
        %jit3A_164 = arith.constant 0 : i32
        %broadcast_in_dim3A_165 = vector.broadcast %jit3A_164 : i32 to vector<16xi32>
        %select_n3A_166 = arith.select %ge3A_56, %gather3A_163, %broadcast_in_dim3A_165 : vector<16xi1>, vector<16xi32>
        %add3A_167 = arith.addi %add3A_160, %select_n3A_166 : vector<16xi32>
        %add3A_168 = arith.addi %scan3A_130, %add3A_167 : vector<16xi32>
        %sub3A_169 = arith.subi %add3A_168, %select_n3A_140 : vector<16xi32>
        tpu.vector_store_idx %arg6[%sub3A_169], %scan3A_131 masked %and3A : memref<4256xi32, #tpu.memory_space<vmem>>[vector<16xi32>], vector<16xi32>, vector<16xi1>
        tpu.vector_store_idx %arg7[%sub3A_169], %get3A_134 masked %and3A : memref<4256xi32, #tpu.memory_space<vmem>>[vector<16xi32>], vector<16xi32>, vector<16xi1>
        %broadcast_in_dim3A_170 = vector.shape_cast %broadcast_in_dim3A_58 : vector<16xi32> to vector<16x1xi32>
        %gather3A_171 = vector.shape_cast %broadcast_in_dim3A_170 : vector<16x1xi32> to vector<16xi32>
        %gather3A_172 = tpu.dynamic_gather %add3A_167[%gather3A_171] in [0] : vector<16xi32>, vector<16xi32> -> vector<16xi32>
        %add3A_173 = arith.addi %scan3A_130, %gather3A_172 : vector<16xi32>
        %add3A_174 = arith.constant 16 : i32
        %add3A_175 = vector.broadcast %add3A_174 : i32 to vector<16xi32>
        %add3A_176 = arith.addi %scan3A_131, %add3A_175 : vector<16xi32>
        scf.yield %add3A_173, %add3A_176 : vector<16xi32>, vector<16xi32>
      }
      %scan3A_79 = arith.constant 250 : i32
      %eq3A_80 = arith.constant 0 : i32
      %eq3A_81 = vector.broadcast %eq3A_80 : i32 to vector<16xi32>
      %eq3A_82 = arith.cmpi eq, %mul3A_3, %eq3A_81 : vector<16xi32>
      %add3A_83 = arith.addi %scan3A_78#0, %iota3A : vector<16xi32>
      %add3A_84 = arith.constant 0 : i32
      %add3A_85 = vector.broadcast %add3A_84 : i32 to vector<16xi32>
      %add3A_86 = arith.addi %add3A_83, %add3A_85 : vector<16xi32>
      tpu.vector_store_idx %arg6[%add3A_86], %add3A_23 masked %eq3A_82 : memref<4256xi32, #tpu.memory_space<vmem>>[vector<16xi32>], vector<16xi32>, vector<16xi1>
      tpu.vector_store_idx %arg7[%add3A_86], %add3A_18 masked %eq3A_82 : memref<4256xi32, #tpu.memory_space<vmem>>[vector<16xi32>], vector<16xi32>, vector<16xi1>
      %add3A_87 = arith.addi %scan3A_78#0, %iota3A : vector<16xi32>
      %add3A_88 = arith.constant 16 : i32
      %add3A_89 = vector.broadcast %add3A_88 : i32 to vector<16xi32>
      %add3A_90 = arith.addi %add3A_87, %add3A_89 : vector<16xi32>
      tpu.vector_store_idx %arg6[%add3A_90], %add3A_23 masked %eq3A_82 : memref<4256xi32, #tpu.memory_space<vmem>>[vector<16xi32>], vector<16xi32>, vector<16xi1>
      tpu.vector_store_idx %arg7[%add3A_90], %add3A_18 masked %eq3A_82 : memref<4256xi32, #tpu.memory_space<vmem>>[vector<16xi32>], vector<16xi32>, vector<16xi1>
      %add3A_91 = arith.addi %scan3A_78#0, %iota3A : vector<16xi32>
      %add3A_92 = arith.constant 32 : i32
      %add3A_93 = vector.broadcast %add3A_92 : i32 to vector<16xi32>
      %add3A_94 = arith.addi %add3A_91, %add3A_93 : vector<16xi32>
      tpu.vector_store_idx %arg6[%add3A_94], %add3A_23 masked %eq3A_82 : memref<4256xi32, #tpu.memory_space<vmem>>[vector<16xi32>], vector<16xi32>, vector<16xi1>
      tpu.vector_store_idx %arg7[%add3A_94], %add3A_18 masked %eq3A_82 : memref<4256xi32, #tpu.memory_space<vmem>>[vector<16xi32>], vector<16xi32>, vector<16xi1>
      %add3A_95 = arith.addi %scan3A_78#0, %iota3A : vector<16xi32>
      %add3A_96 = arith.constant 48 : i32
      %add3A_97 = vector.broadcast %add3A_96 : i32 to vector<16xi32>
      %add3A_98 = arith.addi %add3A_95, %add3A_97 : vector<16xi32>
      tpu.vector_store_idx %arg6[%add3A_98], %add3A_23 masked %eq3A_82 : memref<4256xi32, #tpu.memory_space<vmem>>[vector<16xi32>], vector<16xi32>, vector<16xi1>
      tpu.vector_store_idx %arg7[%add3A_98], %add3A_18 masked %eq3A_82 : memref<4256xi32, #tpu.memory_space<vmem>>[vector<16xi32>], vector<16xi32>, vector<16xi1>
      %add3A_99 = arith.addi %scan3A_78#0, %iota3A : vector<16xi32>
      %add3A_100 = arith.constant 64 : i32
      %add3A_101 = vector.broadcast %add3A_100 : i32 to vector<16xi32>
      %add3A_102 = arith.addi %add3A_99, %add3A_101 : vector<16xi32>
      tpu.vector_store_idx %arg6[%add3A_102], %add3A_23 masked %eq3A_82 : memref<4256xi32, #tpu.memory_space<vmem>>[vector<16xi32>], vector<16xi32>, vector<16xi1>
      tpu.vector_store_idx %arg7[%add3A_102], %add3A_18 masked %eq3A_82 : memref<4256xi32, #tpu.memory_space<vmem>>[vector<16xi32>], vector<16xi32>, vector<16xi1>
      %add3A_103 = arith.addi %scan3A_78#0, %iota3A : vector<16xi32>
      %add3A_104 = arith.constant 80 : i32
      %add3A_105 = vector.broadcast %add3A_104 : i32 to vector<16xi32>
      %add3A_106 = arith.addi %add3A_103, %add3A_105 : vector<16xi32>
      tpu.vector_store_idx %arg6[%add3A_106], %add3A_23 masked %eq3A_82 : memref<4256xi32, #tpu.memory_space<vmem>>[vector<16xi32>], vector<16xi32>, vector<16xi1>
      tpu.vector_store_idx %arg7[%add3A_106], %add3A_18 masked %eq3A_82 : memref<4256xi32, #tpu.memory_space<vmem>>[vector<16xi32>], vector<16xi32>, vector<16xi1>
      %add3A_107 = arith.addi %scan3A_78#0, %iota3A : vector<16xi32>
      %add3A_108 = arith.constant 96 : i32
      %add3A_109 = vector.broadcast %add3A_108 : i32 to vector<16xi32>
      %add3A_110 = arith.addi %add3A_107, %add3A_109 : vector<16xi32>
      tpu.vector_store_idx %arg6[%add3A_110], %add3A_23 masked %eq3A_82 : memref<4256xi32, #tpu.memory_space<vmem>>[vector<16xi32>], vector<16xi32>, vector<16xi1>
      tpu.vector_store_idx %arg7[%add3A_110], %add3A_18 masked %eq3A_82 : memref<4256xi32, #tpu.memory_space<vmem>>[vector<16xi32>], vector<16xi32>, vector<16xi1>
      %add3A_111 = arith.addi %scan3A_78#0, %iota3A : vector<16xi32>
      %add3A_112 = arith.constant 112 : i32
      %add3A_113 = vector.broadcast %add3A_112 : i32 to vector<16xi32>
      %add3A_114 = arith.addi %add3A_111, %add3A_113 : vector<16xi32>
      tpu.vector_store_idx %arg6[%add3A_114], %add3A_23 masked %eq3A_82 : memref<4256xi32, #tpu.memory_space<vmem>>[vector<16xi32>], vector<16xi32>, vector<16xi1>
      tpu.vector_store_idx %arg7[%add3A_114], %add3A_18 masked %eq3A_82 : memref<4256xi32, #tpu.memory_space<vmem>>[vector<16xi32>], vector<16xi32>, vector<16xi1>
      %add3A_115 = arith.addi %scan3A_78#0, %iota3A : vector<16xi32>
      %add3A_116 = arith.constant 128 : i32
      %add3A_117 = vector.broadcast %add3A_116 : i32 to vector<16xi32>
      %add3A_118 = arith.addi %add3A_115, %add3A_117 : vector<16xi32>
      tpu.vector_store_idx %arg6[%add3A_118], %add3A_23 masked %eq3A_82 : memref<4256xi32, #tpu.memory_space<vmem>>[vector<16xi32>], vector<16xi32>, vector<16xi1>
      tpu.vector_store_idx %arg7[%add3A_118], %add3A_18 masked %eq3A_82 : memref<4256xi32, #tpu.memory_space<vmem>>[vector<16xi32>], vector<16xi32>, vector<16xi1>
      %add3A_119 = arith.addi %scan3A_78#0, %iota3A : vector<16xi32>
      %add3A_120 = arith.constant 144 : i32
      %add3A_121 = vector.broadcast %add3A_120 : i32 to vector<16xi32>
      %add3A_122 = arith.addi %add3A_119, %add3A_121 : vector<16xi32>
      tpu.vector_store_idx %arg6[%add3A_122], %add3A_23 masked %eq3A_82 : memref<4256xi32, #tpu.memory_space<vmem>>[vector<16xi32>], vector<16xi32>, vector<16xi1>
      tpu.vector_store_idx %arg7[%add3A_122], %add3A_18 masked %eq3A_82 : memref<4256xi32, #tpu.memory_space<vmem>>[vector<16xi32>], vector<16xi32>, vector<16xi1>
      %mul3A_123 = arith.constant 80 : i32
      %mul3A_124 = arith.muli %add3A, %mul3A_123 : i32
      %add3A_125 = arith.addi %mul3A_124, %scan3A_65 : i32
      %mul3A_126 = arith.constant 4096 : i32
      %mul3A_127 = arith.muli %add3A_125, %mul3A_126 : i32
      "tpu.region"() ({
        %run_scoped3A = tpu.sem_alloc : memref<!tpu.dma_semaphore, #tpu.memory_space<semaphore_mem>>
        %dma_start3A = arith.constant 0 : i32
        %dma_start3A_129 = tpu.memref_slice %arg6[%dma_start3A] : memref<4256xi32, #tpu.memory_space<vmem>> -> memref<4096xi32, #tpu.memory_space<vmem>>
        %dma_start3A_130 = tpu.memref_slice %arg3[%mul3A_127] : memref<10485760xi32, #tpu.memory_space<hbm>> -> memref<4096xi32, #tpu.memory_space<hbm>>
        %dma_start3A_131 = tpu.memref_slice %arg3[%mul3A_127] : memref<10485760xi32, #tpu.memory_space<hbm>> -> memref<4096xi32, #tpu.memory_space<hbm>>
        %dma_start3A_132 = arith.constant 0 : i32
        %dma_start3A_133 = tpu.memref_slice %arg6[%dma_start3A_132] : memref<4256xi32, #tpu.memory_space<vmem>> -> memref<4096xi32, #tpu.memory_space<vmem>>
        tpu.enqueue_dma source(%dma_start3A_133 : memref<4096xi32, #tpu.memory_space<vmem>>) target(%dma_start3A_131 : memref<4096xi32, #tpu.memory_space<hbm>>) target_semaphore(%run_scoped3A : memref<!tpu.dma_semaphore, #tpu.memory_space<semaphore_mem>>)
        %dma_wait3A = arith.constant 0 : i32
        %dma_wait3A_134 = tpu.memref_slice %arg6[%dma_wait3A] : memref<4256xi32, #tpu.memory_space<vmem>> -> memref<4096xi32, #tpu.memory_space<vmem>>
        %dma_wait3A_135 = tpu.memref_slice %arg3[%mul3A_127] : memref<10485760xi32, #tpu.memory_space<hbm>> -> memref<4096xi32, #tpu.memory_space<hbm>>
        %dma_wait3A_136 = tpu.memref_slice %arg3[%mul3A_127] : memref<10485760xi32, #tpu.memory_space<hbm>> -> memref<4096xi32, #tpu.memory_space<hbm>>
        %dma_wait3A_137 = arith.constant 0 : i32
        %dma_wait3A_138 = tpu.memref_slice %arg6[%dma_wait3A_137] : memref<4256xi32, #tpu.memory_space<vmem>> -> memref<4096xi32, #tpu.memory_space<vmem>>
        tpu.wait_dma2 semaphore(%run_scoped3A : memref<!tpu.dma_semaphore, #tpu.memory_space<semaphore_mem>>) src(%dma_wait3A_138 : memref<4096xi32, #tpu.memory_space<vmem>>) dst(%dma_wait3A_136 : memref<4096xi32, #tpu.memory_space<hbm>>)
        tpu.yield
      }) : () -> ()
      "tpu.region"() ({
        %run_scoped3A = tpu.sem_alloc : memref<!tpu.dma_semaphore, #tpu.memory_space<semaphore_mem>>
        %dma_start3A = arith.constant 0 : i32
        %dma_start3A_129 = tpu.memref_slice %arg7[%dma_start3A] : memref<4256xi32, #tpu.memory_space<vmem>> -> memref<4096xi32, #tpu.memory_space<vmem>>
        %dma_start3A_130 = tpu.memref_slice %arg4[%mul3A_127] : memref<10485760xi32, #tpu.memory_space<hbm>> -> memref<4096xi32, #tpu.memory_space<hbm>>
        %dma_start3A_131 = tpu.memref_slice %arg4[%mul3A_127] : memref<10485760xi32, #tpu.memory_space<hbm>> -> memref<4096xi32, #tpu.memory_space<hbm>>
        %dma_start3A_132 = arith.constant 0 : i32
        %dma_start3A_133 = tpu.memref_slice %arg7[%dma_start3A_132] : memref<4256xi32, #tpu.memory_space<vmem>> -> memref<4096xi32, #tpu.memory_space<vmem>>
        tpu.enqueue_dma source(%dma_start3A_133 : memref<4096xi32, #tpu.memory_space<vmem>>) target(%dma_start3A_131 : memref<4096xi32, #tpu.memory_space<hbm>>) target_semaphore(%run_scoped3A : memref<!tpu.dma_semaphore, #tpu.memory_space<semaphore_mem>>)
        %dma_wait3A = arith.constant 0 : i32
        %dma_wait3A_134 = tpu.memref_slice %arg7[%dma_wait3A] : memref<4256xi32, #tpu.memory_space<vmem>> -> memref<4096xi32, #tpu.memory_space<vmem>>
        %dma_wait3A_135 = tpu.memref_slice %arg4[%mul3A_127] : memref<10485760xi32, #tpu.memory_space<hbm>> -> memref<4096xi32, #tpu.memory_space<hbm>>
        %dma_wait3A_136 = tpu.memref_slice %arg4[%mul3A_127] : memref<10485760xi32, #tpu.memory_space<hbm>> -> memref<4096xi32, #tpu.memory_space<hbm>>
        %dma_wait3A_137 = arith.constant 0 : i32
        %dma_wait3A_138 = tpu.memref_slice %arg7[%dma_wait3A_137] : memref<4256xi32, #tpu.memory_space<vmem>> -> memref<4096xi32, #tpu.memory_space<vmem>>
        tpu.wait_dma2 semaphore(%run_scoped3A : memref<!tpu.dma_semaphore, #tpu.memory_space<semaphore_mem>>) src(%dma_wait3A_138 : memref<4096xi32, #tpu.memory_space<vmem>>) dst(%dma_wait3A_136 : memref<4096xi32, #tpu.memory_space<hbm>>)
        tpu.yield
      }) : () -> ()
      %scan3A_128 = arith.constant 0 : i32
      scf.yield %scan3A_128 : i32
    }
    %scan3A_64 = arith.constant 80 : i32
    return
  }
}

#map = affine_map<(d0, d1) -> (0, 0)>
#map1 = affine_map<(d0, d1) -> (0)>
module attributes {stable_mosaic.version = 14 : i64} {
  func.func @_gather(%arg0: i32, %arg1: i32, %arg2: memref<10000x128xf32, #tpu.memory_space<hbm>>, %arg3: memref<640000xi32, #tpu.memory_space<hbm>>, %arg4: memref<640000x128xf32, #tpu.memory_space<hbm>>, %arg5: memref<80xi32, #tpu.memory_space<vmem>>, %arg6: memref<80x128xf32, #tpu.memory_space<vmem>>, %arg7: memref<!tpu.dma_semaphore, #tpu.memory_space<semaphore_mem>>) attributes {dimension_semantics = [#tpu.dimension_semantics<core_parallel>, #tpu.dimension_semantics<subcore_parallel>], iteration_bounds = array<i64: 2, 16>, scalar_prefetch = 0 : i64, scratch_operands = 3 : i64, tpu.core_type = #tpu.core_type<sc_vector_subcore>, window_params = [{transform_indices = #map}, {transform_indices = #map1}, {transform_indices = #map}]} {
    %mul3A = arith.constant 2 : i32
    %mul3A_0 = arith.muli %arg1, %mul3A : i32
    %add3A = arith.addi %mul3A_0, %arg0 : i32
    %mul3A_1 = arith.constant 20000 : i32
    %mul3A_2 = arith.muli %add3A, %mul3A_1 : i32
    %scan3A = arith.constant 0 : i32
    %scan3A_3 = arith.constant 0 : i32
    %scan3A_4 = arith.constant 250 : i32
    %scan3A_5 = arith.addi %scan3A_3, %scan3A_4 : i32
    %scan3A_6 = arith.constant 1 : i32
    %scan3A_7 = scf.for %scan3A_9 = %scan3A_3 to %scan3A_5 step %scan3A_6 iter_args(%scan3A_10 = %scan3A) -> (i32)  : i32 {
      %mul3A_11 = arith.constant 80 : i32
      %mul3A_12 = arith.muli %scan3A_9, %mul3A_11 : i32
      %add3A_13 = arith.addi %mul3A_2, %mul3A_12 : i32
      "tpu.region"() ({
        %run_scoped3A = tpu.sem_alloc : memref<!tpu.dma_semaphore, #tpu.memory_space<semaphore_mem>>
        %dma_start3A_19 = tpu.memref_slice %arg3[%add3A_13] : memref<640000xi32, #tpu.memory_space<hbm>> -> memref<80xi32, #tpu.memory_space<hbm>>
        %dma_start3A_20 = tpu.memref_slice %arg3[%add3A_13] : memref<640000xi32, #tpu.memory_space<hbm>> -> memref<80xi32, #tpu.memory_space<hbm>>
        tpu.enqueue_dma source(%dma_start3A_20 : memref<80xi32, #tpu.memory_space<hbm>>) target(%arg5 : memref<80xi32, #tpu.memory_space<vmem>>) target_semaphore(%run_scoped3A : memref<!tpu.dma_semaphore, #tpu.memory_space<semaphore_mem>>)
        %dma_wait3A_21 = tpu.memref_slice %arg3[%add3A_13] : memref<640000xi32, #tpu.memory_space<hbm>> -> memref<80xi32, #tpu.memory_space<hbm>>
        %dma_wait3A_22 = tpu.memref_slice %arg3[%add3A_13] : memref<640000xi32, #tpu.memory_space<hbm>> -> memref<80xi32, #tpu.memory_space<hbm>>
        tpu.wait_dma2 semaphore(%run_scoped3A : memref<!tpu.dma_semaphore, #tpu.memory_space<semaphore_mem>>) src(%dma_wait3A_22 : memref<80xi32, #tpu.memory_space<hbm>>) dst(%arg5 : memref<80xi32, #tpu.memory_space<vmem>>)
        tpu.yield
      }) : () -> ()
      %dma_start3A = arith.constant 0 : i32
      %dma_start3A_14 = arith.constant 0 : i32
      %dma_start3A_15 = tpu.memref_slice %arg2[%dma_start3A, %dma_start3A_14] : memref<10000x128xf32, #tpu.memory_space<hbm>> -> memref<10000x128xf32, #tpu.memory_space<hbm>>
      tpu.enqueue_indirect_dma source(%dma_start3A_15 : memref<10000x128xf32, #tpu.memory_space<hbm>>) target(%arg6 : memref<80x128xf32, #tpu.memory_space<vmem>>) offsets(%arg5 : memref<80xi32, #tpu.memory_space<vmem>>) semaphore(%arg7 : memref<!tpu.dma_semaphore, #tpu.memory_space<semaphore_mem>>)
      %dma_wait3A = arith.constant 0 : i32
      %dma_wait3A_16 = arith.constant 0 : i32
      %dma_wait3A_17 = tpu.memref_slice %arg2[%dma_wait3A, %dma_wait3A_16] : memref<10000x128xf32, #tpu.memory_space<hbm>> -> memref<10000x128xf32, #tpu.memory_space<hbm>>
      tpu.wait_indirect_dma semaphore(%arg7 : memref<!tpu.dma_semaphore, #tpu.memory_space<semaphore_mem>>) src(%dma_wait3A_17 : memref<10000x128xf32, #tpu.memory_space<hbm>>) dst(%arg6 : memref<80x128xf32, #tpu.memory_space<vmem>>)
      "tpu.region"() ({
        %run_scoped3A = tpu.sem_alloc : memref<!tpu.dma_semaphore, #tpu.memory_space<semaphore_mem>>
        %dma_start3A_19 = arith.constant 0 : i32
        %dma_start3A_20 = tpu.memref_slice %arg4[%add3A_13, %dma_start3A_19] : memref<640000x128xf32, #tpu.memory_space<hbm>> -> memref<80x128xf32, #tpu.memory_space<hbm>>
        %dma_start3A_21 = arith.constant 0 : i32
        %dma_start3A_22 = tpu.memref_slice %arg4[%add3A_13, %dma_start3A_21] : memref<640000x128xf32, #tpu.memory_space<hbm>> -> memref<80x128xf32, #tpu.memory_space<hbm>>
        tpu.enqueue_dma source(%arg6 : memref<80x128xf32, #tpu.memory_space<vmem>>) target(%dma_start3A_22 : memref<80x128xf32, #tpu.memory_space<hbm>>) target_semaphore(%run_scoped3A : memref<!tpu.dma_semaphore, #tpu.memory_space<semaphore_mem>>)
        %dma_wait3A_23 = arith.constant 0 : i32
        %dma_wait3A_24 = tpu.memref_slice %arg4[%add3A_13, %dma_wait3A_23] : memref<640000x128xf32, #tpu.memory_space<hbm>> -> memref<80x128xf32, #tpu.memory_space<hbm>>
        %dma_wait3A_25 = arith.constant 0 : i32
        %dma_wait3A_26 = tpu.memref_slice %arg4[%add3A_13, %dma_wait3A_25] : memref<640000x128xf32, #tpu.memory_space<hbm>> -> memref<80x128xf32, #tpu.memory_space<hbm>>
        tpu.wait_dma2 semaphore(%run_scoped3A : memref<!tpu.dma_semaphore, #tpu.memory_space<semaphore_mem>>) src(%arg6 : memref<80x128xf32, #tpu.memory_space<vmem>>) dst(%dma_wait3A_26 : memref<80x128xf32, #tpu.memory_space<hbm>>)
        tpu.yield
      }) : () -> ()
      %scan3A_18 = arith.constant 0 : i32
      scf.yield %scan3A_18 : i32
    }
    %scan3A_8 = arith.constant 250 : i32
    return
  }
}

#map = affine_map<(d0, d1) -> (0, 0)>
#map1 = affine_map<(d0, d1) -> (0)>
module attributes {stable_mosaic.version = 14 : i64} {
  func.func @_gather(%arg0: i32, %arg1: i32, %arg2: memref<10000x128xf32, #tpu.memory_space<hbm>>, %arg3: memref<640000xi32, #tpu.memory_space<hbm>>, %arg4: memref<640000x128xf32, #tpu.memory_space<hbm>>, %arg5: memref<80xi32, #tpu.memory_space<vmem>>, %arg6: memref<80x128xf32, #tpu.memory_space<vmem>>, %arg7: memref<!tpu.dma_semaphore, #tpu.memory_space<semaphore_mem>>) attributes {dimension_semantics = [#tpu.dimension_semantics<core_parallel>, #tpu.dimension_semantics<subcore_parallel>], iteration_bounds = array<i64: 2, 16>, scalar_prefetch = 0 : i64, scratch_operands = 3 : i64, tpu.core_type = #tpu.core_type<sc_vector_subcore>, window_params = [{transform_indices = #map}, {transform_indices = #map1}, {transform_indices = #map}]} {
    %mul3A = arith.constant 2 : i32
    %mul3A_0 = arith.muli %arg1, %mul3A : i32
    %add3A = arith.addi %mul3A_0, %arg0 : i32
    %mul3A_1 = arith.constant 20000 : i32
    %mul3A_2 = arith.muli %add3A, %mul3A_1 : i32
    %scan3A = arith.constant 0 : i32
    %scan3A_3 = arith.constant 0 : i32
    %scan3A_4 = arith.constant 250 : i32
    %scan3A_5 = arith.addi %scan3A_3, %scan3A_4 : i32
    %scan3A_6 = arith.constant 1 : i32
    %scan3A_7 = scf.for %scan3A_9 = %scan3A_3 to %scan3A_5 step %scan3A_6 iter_args(%scan3A_10 = %scan3A) -> (i32)  : i32 {
      %mul3A_11 = arith.constant 80 : i32
      %mul3A_12 = arith.muli %scan3A_9, %mul3A_11 : i32
      %add3A_13 = arith.addi %mul3A_2, %mul3A_12 : i32
      "tpu.region"() ({
        %run_scoped3A = tpu.sem_alloc : memref<!tpu.dma_semaphore, #tpu.memory_space<semaphore_mem>>
        %dma_start3A_19 = tpu.memref_slice %arg3[%add3A_13] : memref<640000xi32, #tpu.memory_space<hbm>> -> memref<80xi32, #tpu.memory_space<hbm>>
        %dma_start3A_20 = tpu.memref_slice %arg3[%add3A_13] : memref<640000xi32, #tpu.memory_space<hbm>> -> memref<80xi32, #tpu.memory_space<hbm>>
        tpu.enqueue_dma source(%dma_start3A_20 : memref<80xi32, #tpu.memory_space<hbm>>) target(%arg5 : memref<80xi32, #tpu.memory_space<vmem>>) target_semaphore(%run_scoped3A : memref<!tpu.dma_semaphore, #tpu.memory_space<semaphore_mem>>)
        %dma_wait3A_21 = tpu.memref_slice %arg3[%add3A_13] : memref<640000xi32, #tpu.memory_space<hbm>> -> memref<80xi32, #tpu.memory_space<hbm>>
        %dma_wait3A_22 = tpu.memref_slice %arg3[%add3A_13] : memref<640000xi32, #tpu.memory_space<hbm>> -> memref<80xi32, #tpu.memory_space<hbm>>
        tpu.wait_dma2 semaphore(%run_scoped3A : memref<!tpu.dma_semaphore, #tpu.memory_space<semaphore_mem>>) src(%dma_wait3A_22 : memref<80xi32, #tpu.memory_space<hbm>>) dst(%arg5 : memref<80xi32, #tpu.memory_space<vmem>>)
        tpu.yield
      }) : () -> ()
      %dma_start3A = arith.constant 0 : i32
      %dma_start3A_14 = arith.constant 0 : i32
      %dma_start3A_15 = tpu.memref_slice %arg2[%dma_start3A, %dma_start3A_14] : memref<10000x128xf32, #tpu.memory_space<hbm>> -> memref<10000x128xf32, #tpu.memory_space<hbm>>
      tpu.enqueue_indirect_dma source(%dma_start3A_15 : memref<10000x128xf32, #tpu.memory_space<hbm>>) target(%arg6 : memref<80x128xf32, #tpu.memory_space<vmem>>) offsets(%arg5 : memref<80xi32, #tpu.memory_space<vmem>>) semaphore(%arg7 : memref<!tpu.dma_semaphore, #tpu.memory_space<semaphore_mem>>)
      %dma_wait3A = arith.constant 0 : i32
      %dma_wait3A_16 = arith.constant 0 : i32
      %dma_wait3A_17 = tpu.memref_slice %arg2[%dma_wait3A, %dma_wait3A_16] : memref<10000x128xf32, #tpu.memory_space<hbm>> -> memref<10000x128xf32, #tpu.memory_space<hbm>>
      tpu.wait_indirect_dma semaphore(%arg7 : memref<!tpu.dma_semaphore, #tpu.memory_space<semaphore_mem>>) src(%dma_wait3A_17 : memref<10000x128xf32, #tpu.memory_space<hbm>>) dst(%arg6 : memref<80x128xf32, #tpu.memory_space<vmem>>)
      "tpu.region"() ({
        %run_scoped3A = tpu.sem_alloc : memref<!tpu.dma_semaphore, #tpu.memory_space<semaphore_mem>>
        %dma_start3A_19 = arith.constant 0 : i32
        %dma_start3A_20 = tpu.memref_slice %arg4[%add3A_13, %dma_start3A_19] : memref<640000x128xf32, #tpu.memory_space<hbm>> -> memref<80x128xf32, #tpu.memory_space<hbm>>
        %dma_start3A_21 = arith.constant 0 : i32
        %dma_start3A_22 = tpu.memref_slice %arg4[%add3A_13, %dma_start3A_21] : memref<640000x128xf32, #tpu.memory_space<hbm>> -> memref<80x128xf32, #tpu.memory_space<hbm>>
        tpu.enqueue_dma source(%arg6 : memref<80x128xf32, #tpu.memory_space<vmem>>) target(%dma_start3A_22 : memref<80x128xf32, #tpu.memory_space<hbm>>) target_semaphore(%run_scoped3A : memref<!tpu.dma_semaphore, #tpu.memory_space<semaphore_mem>>)
        %dma_wait3A_23 = arith.constant 0 : i32
        %dma_wait3A_24 = tpu.memref_slice %arg4[%add3A_13, %dma_wait3A_23] : memref<640000x128xf32, #tpu.memory_space<hbm>> -> memref<80x128xf32, #tpu.memory_space<hbm>>
        %dma_wait3A_25 = arith.constant 0 : i32
        %dma_wait3A_26 = tpu.memref_slice %arg4[%add3A_13, %dma_wait3A_25] : memref<640000x128xf32, #tpu.memory_space<hbm>> -> memref<80x128xf32, #tpu.memory_space<hbm>>
        tpu.wait_dma2 semaphore(%run_scoped3A : memref<!tpu.dma_semaphore, #tpu.memory_space<semaphore_mem>>) src(%arg6 : memref<80x128xf32, #tpu.memory_space<vmem>>) dst(%dma_wait3A_26 : memref<80x128xf32, #tpu.memory_space<hbm>>)
        tpu.yield
      }) : () -> ()
      %scan3A_18 = arith.constant 0 : i32
      scf.yield %scan3A_18 : i32
    }
    %scan3A_8 = arith.constant 250 : i32
    return
  }
}

#map = affine_map<(d0, d1) -> (0, 0)>
#map1 = affine_map<(d0, d1) -> (0)>
module attributes {stable_mosaic.version = 14 : i64} {
  func.func @_scatter_add(%arg0: i32, %arg1: i32, %arg2: memref<320000x128xf32, #tpu.memory_space<hbm>>, %arg3: memref<10485760xi32, #tpu.memory_space<hbm>>, %arg4: memref<10485760xi32, #tpu.memory_space<hbm>>, %arg5: memref<10016x128xf32, #tpu.memory_space<hbm>>, %arg6: memref<10000x128xf32, #tpu.memory_space<hbm>>, %arg7: memref<128xi32, #tpu.memory_space<vmem>>, %arg8: memref<128xi32, #tpu.memory_space<vmem>>, %arg9: memref<128x128xf32, #tpu.memory_space<vmem>>, %arg10: memref<10016x128xf32, #tpu.memory_space<vmem_shared>>, %arg11: memref<!tpu.dma_semaphore, #tpu.memory_space<semaphore_mem>>) attributes {dimension_semantics = [#tpu.dimension_semantics<core_parallel>, #tpu.dimension_semantics<subcore_parallel>], iteration_bounds = array<i64: 2, 16>, scalar_prefetch = 0 : i64, scratch_operands = 5 : i64, tpu.core_type = #tpu.core_type<sc_vector_subcore>, window_params = [{transform_indices = #map}, {transform_indices = #map1}, {transform_indices = #map1}, {transform_indices = #map}, {transform_indices = #map}]} {
    %mul3A = arith.constant 2 : i32
    %mul3A_0 = arith.muli %arg1, %mul3A : i32
    %add3A = arith.addi %mul3A_0, %arg0 : i32
    %mul3A_1 = arith.constant 624 : i32
    %mul3A_2 = arith.muli %arg1, %mul3A_1 : i32
    %mul3A_3 = arith.constant 624 : i32
    %mul3A_4 = arith.muli %arg1, %mul3A_3 : i32
    "tpu.region"() ({
      %run_scoped3A = tpu.sem_alloc : memref<!tpu.dma_semaphore, #tpu.memory_space<semaphore_mem>>
      %dma_start3A = arith.constant 0 : i32
      %dma_start3A_24 = tpu.memref_slice %arg10[%mul3A_4, %dma_start3A] : memref<10016x128xf32, #tpu.memory_space<vmem_shared>> -> memref<624x128xf32, #tpu.memory_space<vmem_shared>>
      %dma_start3A_25 = arith.constant 0 : i32
      %dma_start3A_26 = tpu.memref_slice %arg5[%mul3A_2, %dma_start3A_25] : memref<10016x128xf32, #tpu.memory_space<hbm>> -> memref<624x128xf32, #tpu.memory_space<hbm>>
      tpu.enqueue_dma source(%dma_start3A_26 : memref<624x128xf32, #tpu.memory_space<hbm>>) target(%dma_start3A_24 : memref<624x128xf32, #tpu.memory_space<vmem_shared>>) target_semaphore(%run_scoped3A : memref<!tpu.dma_semaphore, #tpu.memory_space<semaphore_mem>>)
      %dma_wait3A = arith.constant 0 : i32
      %dma_wait3A_27 = tpu.memref_slice %arg10[%mul3A_4, %dma_wait3A] : memref<10016x128xf32, #tpu.memory_space<vmem_shared>> -> memref<624x128xf32, #tpu.memory_space<vmem_shared>>
      %dma_wait3A_28 = arith.constant 0 : i32
      %dma_wait3A_29 = tpu.memref_slice %arg5[%mul3A_2, %dma_wait3A_28] : memref<10016x128xf32, #tpu.memory_space<hbm>> -> memref<624x128xf32, #tpu.memory_space<hbm>>
      tpu.wait_dma2 semaphore(%run_scoped3A : memref<!tpu.dma_semaphore, #tpu.memory_space<semaphore_mem>>) src(%dma_wait3A_29 : memref<624x128xf32, #tpu.memory_space<hbm>>) dst(%dma_wait3A_27 : memref<624x128xf32, #tpu.memory_space<vmem_shared>>)
      tpu.yield
    }) : () -> ()
    %eq3A = arith.constant 0 : i32
    %eq3A_5 = arith.cmpi eq, %arg1, %eq3A : i32
    %convert_element_type3A = arith.extui %eq3A_5 : i1 to i32
    %cond3A = arith.constant 0 : i32
    %cond3A_6 = arith.cmpi ne, %convert_element_type3A, %cond3A : i32
    scf.if %cond3A_6 {
      "tpu.region"() ({
        %run_scoped3A = tpu.sem_alloc : memref<!tpu.dma_semaphore, #tpu.memory_space<semaphore_mem>>
        %dma_start3A = arith.constant 9984 : i32
        %dma_start3A_24 = arith.constant 0 : i32
        %dma_start3A_25 = tpu.memref_slice %arg10[%dma_start3A, %dma_start3A_24] : memref<10016x128xf32, #tpu.memory_space<vmem_shared>> -> memref<32x128xf32, #tpu.memory_space<vmem_shared>>
        %dma_start3A_26 = arith.constant 9984 : i32
        %dma_start3A_27 = arith.constant 0 : i32
        %dma_start3A_28 = tpu.memref_slice %arg5[%dma_start3A_26, %dma_start3A_27] : memref<10016x128xf32, #tpu.memory_space<hbm>> -> memref<32x128xf32, #tpu.memory_space<hbm>>
        tpu.enqueue_dma source(%dma_start3A_28 : memref<32x128xf32, #tpu.memory_space<hbm>>) target(%dma_start3A_25 : memref<32x128xf32, #tpu.memory_space<vmem_shared>>) target_semaphore(%run_scoped3A : memref<!tpu.dma_semaphore, #tpu.memory_space<semaphore_mem>>)
        %dma_wait3A = arith.constant 9984 : i32
        %dma_wait3A_29 = arith.constant 0 : i32
        %dma_wait3A_30 = tpu.memref_slice %arg10[%dma_wait3A, %dma_wait3A_29] : memref<10016x128xf32, #tpu.memory_space<vmem_shared>> -> memref<32x128xf32, #tpu.memory_space<vmem_shared>>
        %dma_wait3A_31 = arith.constant 9984 : i32
        %dma_wait3A_32 = arith.constant 0 : i32
        %dma_wait3A_33 = tpu.memref_slice %arg5[%dma_wait3A_31, %dma_wait3A_32] : memref<10016x128xf32, #tpu.memory_space<hbm>> -> memref<32x128xf32, #tpu.memory_space<hbm>>
        tpu.wait_dma2 semaphore(%run_scoped3A : memref<!tpu.dma_semaphore, #tpu.memory_space<semaphore_mem>>) src(%dma_wait3A_33 : memref<32x128xf32, #tpu.memory_space<hbm>>) dst(%dma_wait3A_30 : memref<32x128xf32, #tpu.memory_space<vmem_shared>>)
        tpu.yield
      }) : () -> ()
    } else {
    }
    %barrier3A = arith.constant 0 : index
    tpu.barrier barrier_id(%barrier3A)
    %broadcast_in_dim3A = arith.constant 10000 : i32
    %broadcast_in_dim3A_7 = vector.broadcast %broadcast_in_dim3A : i32 to vector<16xi32>
    %scan3A = arith.constant 0 : i32
    %scan3A_8 = arith.constant 0 : i32
    %scan3A_9 = arith.constant 80 : i32
    %scan3A_10 = arith.addi %scan3A_8, %scan3A_9 : i32
    %scan3A_11 = arith.constant 1 : i32
    %scan3A_12 = scf.for %scan3A_24 = %scan3A_8 to %scan3A_10 step %scan3A_11 iter_args(%scan3A_25 = %scan3A) -> (i32)  : i32 {
      %mul3A_26 = arith.constant 80 : i32
      %mul3A_27 = arith.muli %add3A, %mul3A_26 : i32
      %add3A_28 = arith.addi %mul3A_27, %scan3A_24 : i32
      %mul3A_29 = arith.constant 4096 : i32
      %mul3A_30 = arith.muli %add3A_28, %mul3A_29 : i32
      %while3A = arith.constant 0 : i32
      %while3A_31 = arith.constant true
      %while3A_32:2 = scf.while (%while3A_34 = %while3A, %while3A_35 = %while3A_31) : (i32, i1) -> (i32, i1) {
        scf.condition(%while3A_35) %while3A_34, %while3A_35 : i32, i1
      } do {
      ^bb0(%while3A_34: i32, %while3A_35: i1):
        %mul3A_36 = arith.constant 128 : i32
        %mul3A_37 = arith.muli %while3A_34, %mul3A_36 : i32
        %add3A_38 = arith.addi %mul3A_30, %mul3A_37 : i32
        "tpu.region"() ({
          %run_scoped3A = tpu.sem_alloc : memref<!tpu.dma_semaphore, #tpu.memory_space<semaphore_mem>>
          %dma_start3A_57 = tpu.memref_slice %arg3[%add3A_38] : memref<10485760xi32, #tpu.memory_space<hbm>> -> memref<128xi32, #tpu.memory_space<hbm>>
          %dma_start3A_58 = tpu.memref_slice %arg3[%add3A_38] : memref<10485760xi32, #tpu.memory_space<hbm>> -> memref<128xi32, #tpu.memory_space<hbm>>
          tpu.enqueue_dma source(%dma_start3A_58 : memref<128xi32, #tpu.memory_space<hbm>>) target(%arg7 : memref<128xi32, #tpu.memory_space<vmem>>) target_semaphore(%run_scoped3A : memref<!tpu.dma_semaphore, #tpu.memory_space<semaphore_mem>>)
          %dma_wait3A_59 = tpu.memref_slice %arg3[%add3A_38] : memref<10485760xi32, #tpu.memory_space<hbm>> -> memref<128xi32, #tpu.memory_space<hbm>>
          %dma_wait3A_60 = tpu.memref_slice %arg3[%add3A_38] : memref<10485760xi32, #tpu.memory_space<hbm>> -> memref<128xi32, #tpu.memory_space<hbm>>
          tpu.wait_dma2 semaphore(%run_scoped3A : memref<!tpu.dma_semaphore, #tpu.memory_space<semaphore_mem>>) src(%dma_wait3A_60 : memref<128xi32, #tpu.memory_space<hbm>>) dst(%arg7 : memref<128xi32, #tpu.memory_space<vmem>>)
          tpu.yield
        }) : () -> ()
        "tpu.region"() ({
          %run_scoped3A = tpu.sem_alloc : memref<!tpu.dma_semaphore, #tpu.memory_space<semaphore_mem>>
          %dma_start3A_57 = tpu.memref_slice %arg4[%add3A_38] : memref<10485760xi32, #tpu.memory_space<hbm>> -> memref<128xi32, #tpu.memory_space<hbm>>
          %dma_start3A_58 = tpu.memref_slice %arg4[%add3A_38] : memref<10485760xi32, #tpu.memory_space<hbm>> -> memref<128xi32, #tpu.memory_space<hbm>>
          tpu.enqueue_dma source(%dma_start3A_58 : memref<128xi32, #tpu.memory_space<hbm>>) target(%arg8 : memref<128xi32, #tpu.memory_space<vmem>>) target_semaphore(%run_scoped3A : memref<!tpu.dma_semaphore, #tpu.memory_space<semaphore_mem>>)
          %dma_wait3A_59 = tpu.memref_slice %arg4[%add3A_38] : memref<10485760xi32, #tpu.memory_space<hbm>> -> memref<128xi32, #tpu.memory_space<hbm>>
          %dma_wait3A_60 = tpu.memref_slice %arg4[%add3A_38] : memref<10485760xi32, #tpu.memory_space<hbm>> -> memref<128xi32, #tpu.memory_space<hbm>>
          tpu.wait_dma2 semaphore(%run_scoped3A : memref<!tpu.dma_semaphore, #tpu.memory_space<semaphore_mem>>) src(%dma_wait3A_60 : memref<128xi32, #tpu.memory_space<hbm>>) dst(%arg8 : memref<128xi32, #tpu.memory_space<vmem>>)
          tpu.yield
        }) : () -> ()
        %dma_start3A = arith.constant 0 : i32
        %dma_start3A_39 = arith.constant 0 : i32
        %dma_start3A_40 = tpu.memref_slice %arg2[%dma_start3A, %dma_start3A_39] : memref<320000x128xf32, #tpu.memory_space<hbm>> -> memref<320000x128xf32, #tpu.memory_space<hbm>>
        tpu.enqueue_indirect_dma source(%dma_start3A_40 : memref<320000x128xf32, #tpu.memory_space<hbm>>) target(%arg9 : memref<128x128xf32, #tpu.memory_space<vmem>>) offsets(%arg7 : memref<128xi32, #tpu.memory_space<vmem>>) semaphore(%arg11 : memref<!tpu.dma_semaphore, #tpu.memory_space<semaphore_mem>>)
        %dma_wait3A = arith.constant 0 : i32
        %dma_wait3A_41 = arith.constant 0 : i32
        %dma_wait3A_42 = tpu.memref_slice %arg2[%dma_wait3A, %dma_wait3A_41] : memref<320000x128xf32, #tpu.memory_space<hbm>> -> memref<320000x128xf32, #tpu.memory_space<hbm>>
        tpu.wait_indirect_dma semaphore(%arg11 : memref<!tpu.dma_semaphore, #tpu.memory_space<semaphore_mem>>) src(%dma_wait3A_42 : memref<320000x128xf32, #tpu.memory_space<hbm>>) dst(%arg9 : memref<128x128xf32, #tpu.memory_space<vmem>>)
        "tpu.region"() ({
          %run_scoped3A = tpu.sem_alloc : memref<!tpu.dma_semaphore, #tpu.memory_space<semaphore_mem>>
          %dma_start3A_57 = arith.constant 0 : i32
          %dma_start3A_58 = arith.constant 0 : i32
          %dma_start3A_59 = tpu.memref_slice %arg10[%dma_start3A_57, %dma_start3A_58] : memref<10016x128xf32, #tpu.memory_space<vmem_shared>> -> memref<10016x128xf32, #tpu.memory_space<vmem_shared>>
          tpu.enqueue_indirect_dma source(%arg9 : memref<128x128xf32, #tpu.memory_space<vmem>>) target(%dma_start3A_59 : memref<10016x128xf32, #tpu.memory_space<vmem_shared>>) offsets(%arg8 : memref<128xi32, #tpu.memory_space<vmem>>) semaphore(%run_scoped3A : memref<!tpu.dma_semaphore, #tpu.memory_space<semaphore_mem>>) {add = true}
          %dma_wait3A_60 = arith.constant 0 : i32
          %dma_wait3A_61 = arith.constant 0 : i32
          %dma_wait3A_62 = tpu.memref_slice %arg10[%dma_wait3A_60, %dma_wait3A_61] : memref<10016x128xf32, #tpu.memory_space<vmem_shared>> -> memref<10016x128xf32, #tpu.memory_space<vmem_shared>>
          tpu.wait_indirect_dma semaphore(%run_scoped3A : memref<!tpu.dma_semaphore, #tpu.memory_space<semaphore_mem>>) src(%arg9 : memref<128x128xf32, #tpu.memory_space<vmem>>) dst(%dma_wait3A_62 : memref<10016x128xf32, #tpu.memory_space<vmem_shared>>)
          tpu.yield
        }) : () -> ()
        %delay3A = arith.constant 1024 : i32
        tpu.delay %delay3A
        %get3A = arith.constant 112 : index
        %get3A_43 = tpu.vector_load %arg8[%get3A] {strides = array<i32>} : memref<128xi32, #tpu.memory_space<vmem>>, vector<16xi32>,
        %ge3A = arith.cmpi sge, %get3A_43, %broadcast_in_dim3A_7 : vector<16xi32>
        %reduce_or3A = arith.constant 1.000000e+00 : f32
        %reduce_or3A_44 = arith.constant 0.000000e+00 : f32
        %reduce_or3A_45 = vector.broadcast %reduce_or3A : f32 to vector<16xf32>
        %reduce_or3A_46 = vector.broadcast %reduce_or3A_44 : f32 to vector<16xf32>
        %reduce_or3A_47 = arith.select %ge3A, %reduce_or3A_45, %reduce_or3A_46 : vector<16xi1>, vector<16xf32>
        %reduce_or3A_48 = arith.constant true
        %reduce_or3A_49 = vector.broadcast %reduce_or3A_48 : i1 to vector<16xi1>
        %reduce_or3A_50 = tpu.scan <max>, %reduce_or3A_47 masked %reduce_or3A_49 : vector<16xf32>, vector<16xi1> -> vector<16xf32>
        %reduce_or3A_51 = vector.extract %reduce_or3A_50[15] : f32 from vector<16xf32>
        %reduce_or3A_52 = arith.constant 0.000000e+00 : f32
        %reduce_or3A_53 = arith.cmpf ogt, %reduce_or3A_51, %reduce_or3A_52 : f32
        %not3A = arith.constant true
        %not3A_54 = arith.xori %reduce_or3A_53, %not3A : i1
        %add3A_55 = arith.constant 1 : i32
        %add3A_56 = arith.addi %while3A_34, %add3A_55 : i32
        scf.yield %add3A_56, %not3A_54 : i32, i1
      }
      %scan3A_33 = arith.constant 0 : i32
      scf.yield %scan3A_33 : i32
    }
    %scan3A_13 = arith.constant 80 : i32
    %barrier3A_14 = arith.constant 0 : index
    tpu.barrier barrier_id(%barrier3A_14)
    %lt3A = arith.constant 31 : i32
    %lt3A_15 = arith.cmpi slt, %add3A, %lt3A : i32
    %convert_element_type3A_16 = arith.extui %lt3A_15 : i1 to i32
    %cond3A_17 = arith.constant 0 : i32
    %cond3A_18 = arith.cmpi ne, %convert_element_type3A_16, %cond3A_17 : i32
    scf.if %cond3A_18 {
      %mul3A_24 = arith.constant 312 : i32
      %mul3A_25 = arith.muli %add3A, %mul3A_24 : i32
      %mul3A_26 = arith.constant 312 : i32
      %mul3A_27 = arith.muli %add3A, %mul3A_26 : i32
      "tpu.region"() ({
        %run_scoped3A = tpu.sem_alloc : memref<!tpu.dma_semaphore, #tpu.memory_space<semaphore_mem>>
        %dma_start3A = arith.constant 0 : i32
        %dma_start3A_28 = tpu.memref_slice %arg6[%mul3A_27, %dma_start3A] : memref<10000x128xf32, #tpu.memory_space<hbm>> -> memref<312x128xf32, #tpu.memory_space<hbm>>
        %dma_start3A_29 = arith.constant 0 : i32
        %dma_start3A_30 = tpu.memref_slice %arg10[%mul3A_25, %dma_start3A_29] : memref<10016x128xf32, #tpu.memory_space<vmem_shared>> -> memref<312x128xf32, #tpu.memory_space<vmem_shared>>
        tpu.enqueue_dma source(%dma_start3A_30 : memref<312x128xf32, #tpu.memory_space<vmem_shared>>) target(%dma_start3A_28 : memref<312x128xf32, #tpu.memory_space<hbm>>) target_semaphore(%run_scoped3A : memref<!tpu.dma_semaphore, #tpu.memory_space<semaphore_mem>>)
        %dma_wait3A = arith.constant 0 : i32
        %dma_wait3A_31 = tpu.memref_slice %arg6[%mul3A_27, %dma_wait3A] : memref<10000x128xf32, #tpu.memory_space<hbm>> -> memref<312x128xf32, #tpu.memory_space<hbm>>
        %dma_wait3A_32 = arith.constant 0 : i32
        %dma_wait3A_33 = tpu.memref_slice %arg10[%mul3A_25, %dma_wait3A_32] : memref<10016x128xf32, #tpu.memory_space<vmem_shared>> -> memref<312x128xf32, #tpu.memory_space<vmem_shared>>
        tpu.wait_dma2 semaphore(%run_scoped3A : memref<!tpu.dma_semaphore, #tpu.memory_space<semaphore_mem>>) src(%dma_wait3A_33 : memref<312x128xf32, #tpu.memory_space<vmem_shared>>) dst(%dma_wait3A_31 : memref<312x128xf32, #tpu.memory_space<hbm>>)
        tpu.yield
      }) : () -> ()
    } else {
    }
    %eq3A_19 = arith.constant 31 : i32
    %eq3A_20 = arith.cmpi eq, %add3A, %eq3A_19 : i32
    %convert_element_type3A_21 = arith.extui %eq3A_20 : i1 to i32
    %cond3A_22 = arith.constant 0 : i32
    %cond3A_23 = arith.cmpi ne, %convert_element_type3A_21, %cond3A_22 : i32
    scf.if %cond3A_23 {
      "tpu.region"() ({
        %run_scoped3A = tpu.sem_alloc : memref<!tpu.dma_semaphore, #tpu.memory_space<semaphore_mem>>
        %dma_start3A = arith.constant 9672 : i32
        %dma_start3A_24 = arith.constant 0 : i32
        %dma_start3A_25 = tpu.memref_slice %arg6[%dma_start3A, %dma_start3A_24] : memref<10000x128xf32, #tpu.memory_space<hbm>> -> memref<328x128xf32, #tpu.memory_space<hbm>>
        %dma_start3A_26 = arith.constant 9672 : i32
        %dma_start3A_27 = arith.constant 0 : i32
        %dma_start3A_28 = tpu.memref_slice %arg10[%dma_start3A_26, %dma_start3A_27] : memref<10016x128xf32, #tpu.memory_space<vmem_shared>> -> memref<328x128xf32, #tpu.memory_space<vmem_shared>>
        tpu.enqueue_dma source(%dma_start3A_28 : memref<328x128xf32, #tpu.memory_space<vmem_shared>>) target(%dma_start3A_25 : memref<328x128xf32, #tpu.memory_space<hbm>>) target_semaphore(%run_scoped3A : memref<!tpu.dma_semaphore, #tpu.memory_space<semaphore_mem>>)
        %dma_wait3A = arith.constant 9672 : i32
        %dma_wait3A_29 = arith.constant 0 : i32
        %dma_wait3A_30 = tpu.memref_slice %arg6[%dma_wait3A, %dma_wait3A_29] : memref<10000x128xf32, #tpu.memory_space<hbm>> -> memref<328x128xf32, #tpu.memory_space<hbm>>
        %dma_wait3A_31 = arith.constant 9672 : i32
        %dma_wait3A_32 = arith.constant 0 : i32
        %dma_wait3A_33 = tpu.memref_slice %arg10[%dma_wait3A_31, %dma_wait3A_32] : memref<10016x128xf32, #tpu.memory_space<vmem_shared>> -> memref<328x128xf32, #tpu.memory_space<vmem_shared>>
        tpu.wait_dma2 semaphore(%run_scoped3A : memref<!tpu.dma_semaphore, #tpu.memory_space<semaphore_mem>>) src(%dma_wait3A_33 : memref<328x128xf32, #tpu.memory_space<vmem_shared>>) dst(%dma_wait3A_30 : memref<328x128xf32, #tpu.memory_space<hbm>>)
        tpu.yield
      }) : () -> ()
    } else {
    }
    return
  }
}

#map = affine_map<(d0, d1) -> (0, 0)>
#map1 = affine_map<(d0, d1) -> (0)>
module attributes {stable_mosaic.version = 14 : i64} {
  func.func @_scatter_add(%arg0: i32, %arg1: i32, %arg2: memref<320000x128xf32, #tpu.memory_space<hbm>>, %arg3: memref<10485760xi32, #tpu.memory_space<hbm>>, %arg4: memref<10485760xi32, #tpu.memory_space<hbm>>, %arg5: memref<10016x128xf32, #tpu.memory_space<hbm>>, %arg6: memref<10000x128xf32, #tpu.memory_space<hbm>>, %arg7: memref<128xi32, #tpu.memory_space<vmem>>, %arg8: memref<128xi32, #tpu.memory_space<vmem>>, %arg9: memref<128x128xf32, #tpu.memory_space<vmem>>, %arg10: memref<10016x128xf32, #tpu.memory_space<vmem_shared>>, %arg11: memref<!tpu.dma_semaphore, #tpu.memory_space<semaphore_mem>>) attributes {dimension_semantics = [#tpu.dimension_semantics<core_parallel>, #tpu.dimension_semantics<subcore_parallel>], iteration_bounds = array<i64: 2, 16>, scalar_prefetch = 0 : i64, scratch_operands = 5 : i64, tpu.core_type = #tpu.core_type<sc_vector_subcore>, window_params = [{transform_indices = #map}, {transform_indices = #map1}, {transform_indices = #map1}, {transform_indices = #map}, {transform_indices = #map}]} {
    %mul3A = arith.constant 2 : i32
    %mul3A_0 = arith.muli %arg1, %mul3A : i32
    %add3A = arith.addi %mul3A_0, %arg0 : i32
    %mul3A_1 = arith.constant 624 : i32
    %mul3A_2 = arith.muli %arg1, %mul3A_1 : i32
    %mul3A_3 = arith.constant 624 : i32
    %mul3A_4 = arith.muli %arg1, %mul3A_3 : i32
    "tpu.region"() ({
      %run_scoped3A = tpu.sem_alloc : memref<!tpu.dma_semaphore, #tpu.memory_space<semaphore_mem>>
      %dma_start3A = arith.constant 0 : i32
      %dma_start3A_24 = tpu.memref_slice %arg10[%mul3A_4, %dma_start3A] : memref<10016x128xf32, #tpu.memory_space<vmem_shared>> -> memref<624x128xf32, #tpu.memory_space<vmem_shared>>
      %dma_start3A_25 = arith.constant 0 : i32
      %dma_start3A_26 = tpu.memref_slice %arg5[%mul3A_2, %dma_start3A_25] : memref<10016x128xf32, #tpu.memory_space<hbm>> -> memref<624x128xf32, #tpu.memory_space<hbm>>
      tpu.enqueue_dma source(%dma_start3A_26 : memref<624x128xf32, #tpu.memory_space<hbm>>) target(%dma_start3A_24 : memref<624x128xf32, #tpu.memory_space<vmem_shared>>) target_semaphore(%run_scoped3A : memref<!tpu.dma_semaphore, #tpu.memory_space<semaphore_mem>>)
      %dma_wait3A = arith.constant 0 : i32
      %dma_wait3A_27 = tpu.memref_slice %arg10[%mul3A_4, %dma_wait3A] : memref<10016x128xf32, #tpu.memory_space<vmem_shared>> -> memref<624x128xf32, #tpu.memory_space<vmem_shared>>
      %dma_wait3A_28 = arith.constant 0 : i32
      %dma_wait3A_29 = tpu.memref_slice %arg5[%mul3A_2, %dma_wait3A_28] : memref<10016x128xf32, #tpu.memory_space<hbm>> -> memref<624x128xf32, #tpu.memory_space<hbm>>
      tpu.wait_dma2 semaphore(%run_scoped3A : memref<!tpu.dma_semaphore, #tpu.memory_space<semaphore_mem>>) src(%dma_wait3A_29 : memref<624x128xf32, #tpu.memory_space<hbm>>) dst(%dma_wait3A_27 : memref<624x128xf32, #tpu.memory_space<vmem_shared>>)
      tpu.yield
    }) : () -> ()
    %eq3A = arith.constant 0 : i32
    %eq3A_5 = arith.cmpi eq, %arg1, %eq3A : i32
    %convert_element_type3A = arith.extui %eq3A_5 : i1 to i32
    %cond3A = arith.constant 0 : i32
    %cond3A_6 = arith.cmpi ne, %convert_element_type3A, %cond3A : i32
    scf.if %cond3A_6 {
      "tpu.region"() ({
        %run_scoped3A = tpu.sem_alloc : memref<!tpu.dma_semaphore, #tpu.memory_space<semaphore_mem>>
        %dma_start3A = arith.constant 9984 : i32
        %dma_start3A_24 = arith.constant 0 : i32
        %dma_start3A_25 = tpu.memref_slice %arg10[%dma_start3A, %dma_start3A_24] : memref<10016x128xf32, #tpu.memory_space<vmem_shared>> -> memref<32x128xf32, #tpu.memory_space<vmem_shared>>
        %dma_start3A_26 = arith.constant 9984 : i32
        %dma_start3A_27 = arith.constant 0 : i32
        %dma_start3A_28 = tpu.memref_slice %arg5[%dma_start3A_26, %dma_start3A_27] : memref<10016x128xf32, #tpu.memory_space<hbm>> -> memref<32x128xf32, #tpu.memory_space<hbm>>
        tpu.enqueue_dma source(%dma_start3A_28 : memref<32x128xf32, #tpu.memory_space<hbm>>) target(%dma_start3A_25 : memref<32x128xf32, #tpu.memory_space<vmem_shared>>) target_semaphore(%run_scoped3A : memref<!tpu.dma_semaphore, #tpu.memory_space<semaphore_mem>>)
        %dma_wait3A = arith.constant 9984 : i32
        %dma_wait3A_29 = arith.constant 0 : i32
        %dma_wait3A_30 = tpu.memref_slice %arg10[%dma_wait3A, %dma_wait3A_29] : memref<10016x128xf32, #tpu.memory_space<vmem_shared>> -> memref<32x128xf32, #tpu.memory_space<vmem_shared>>
        %dma_wait3A_31 = arith.constant 9984 : i32
        %dma_wait3A_32 = arith.constant 0 : i32
        %dma_wait3A_33 = tpu.memref_slice %arg5[%dma_wait3A_31, %dma_wait3A_32] : memref<10016x128xf32, #tpu.memory_space<hbm>> -> memref<32x128xf32, #tpu.memory_space<hbm>>
        tpu.wait_dma2 semaphore(%run_scoped3A : memref<!tpu.dma_semaphore, #tpu.memory_space<semaphore_mem>>) src(%dma_wait3A_33 : memref<32x128xf32, #tpu.memory_space<hbm>>) dst(%dma_wait3A_30 : memref<32x128xf32, #tpu.memory_space<vmem_shared>>)
        tpu.yield
      }) : () -> ()
    } else {
    }
    %barrier3A = arith.constant 0 : index
    tpu.barrier barrier_id(%barrier3A)
    %broadcast_in_dim3A = arith.constant 10000 : i32
    %broadcast_in_dim3A_7 = vector.broadcast %broadcast_in_dim3A : i32 to vector<16xi32>
    %scan3A = arith.constant 0 : i32
    %scan3A_8 = arith.constant 0 : i32
    %scan3A_9 = arith.constant 80 : i32
    %scan3A_10 = arith.addi %scan3A_8, %scan3A_9 : i32
    %scan3A_11 = arith.constant 1 : i32
    %scan3A_12 = scf.for %scan3A_24 = %scan3A_8 to %scan3A_10 step %scan3A_11 iter_args(%scan3A_25 = %scan3A) -> (i32)  : i32 {
      %mul3A_26 = arith.constant 80 : i32
      %mul3A_27 = arith.muli %add3A, %mul3A_26 : i32
      %add3A_28 = arith.addi %mul3A_27, %scan3A_24 : i32
      %mul3A_29 = arith.constant 4096 : i32
      %mul3A_30 = arith.muli %add3A_28, %mul3A_29 : i32
      %while3A = arith.constant 0 : i32
      %while3A_31 = arith.constant true
      %while3A_32:2 = scf.while (%while3A_34 = %while3A, %while3A_35 = %while3A_31) : (i32, i1) -> (i32, i1) {
        scf.condition(%while3A_35) %while3A_34, %while3A_35 : i32, i1
      } do {
      ^bb0(%while3A_34: i32, %while3A_35: i1):
        %mul3A_36 = arith.constant 128 : i32
        %mul3A_37 = arith.muli %while3A_34, %mul3A_36 : i32
        %add3A_38 = arith.addi %mul3A_30, %mul3A_37 : i32
        "tpu.region"() ({
          %run_scoped3A = tpu.sem_alloc : memref<!tpu.dma_semaphore, #tpu.memory_space<semaphore_mem>>
          %dma_start3A_57 = tpu.memref_slice %arg3[%add3A_38] : memref<10485760xi32, #tpu.memory_space<hbm>> -> memref<128xi32, #tpu.memory_space<hbm>>
          %dma_start3A_58 = tpu.memref_slice %arg3[%add3A_38] : memref<10485760xi32, #tpu.memory_space<hbm>> -> memref<128xi32, #tpu.memory_space<hbm>>
          tpu.enqueue_dma source(%dma_start3A_58 : memref<128xi32, #tpu.memory_space<hbm>>) target(%arg7 : memref<128xi32, #tpu.memory_space<vmem>>) target_semaphore(%run_scoped3A : memref<!tpu.dma_semaphore, #tpu.memory_space<semaphore_mem>>)
          %dma_wait3A_59 = tpu.memref_slice %arg3[%add3A_38] : memref<10485760xi32, #tpu.memory_space<hbm>> -> memref<128xi32, #tpu.memory_space<hbm>>
          %dma_wait3A_60 = tpu.memref_slice %arg3[%add3A_38] : memref<10485760xi32, #tpu.memory_space<hbm>> -> memref<128xi32, #tpu.memory_space<hbm>>
          tpu.wait_dma2 semaphore(%run_scoped3A : memref<!tpu.dma_semaphore, #tpu.memory_space<semaphore_mem>>) src(%dma_wait3A_60 : memref<128xi32, #tpu.memory_space<hbm>>) dst(%arg7 : memref<128xi32, #tpu.memory_space<vmem>>)
          tpu.yield
        }) : () -> ()
        "tpu.region"() ({
          %run_scoped3A = tpu.sem_alloc : memref<!tpu.dma_semaphore, #tpu.memory_space<semaphore_mem>>
          %dma_start3A_57 = tpu.memref_slice %arg4[%add3A_38] : memref<10485760xi32, #tpu.memory_space<hbm>> -> memref<128xi32, #tpu.memory_space<hbm>>
          %dma_start3A_58 = tpu.memref_slice %arg4[%add3A_38] : memref<10485760xi32, #tpu.memory_space<hbm>> -> memref<128xi32, #tpu.memory_space<hbm>>
          tpu.enqueue_dma source(%dma_start3A_58 : memref<128xi32, #tpu.memory_space<hbm>>) target(%arg8 : memref<128xi32, #tpu.memory_space<vmem>>) target_semaphore(%run_scoped3A : memref<!tpu.dma_semaphore, #tpu.memory_space<semaphore_mem>>)
          %dma_wait3A_59 = tpu.memref_slice %arg4[%add3A_38] : memref<10485760xi32, #tpu.memory_space<hbm>> -> memref<128xi32, #tpu.memory_space<hbm>>
          %dma_wait3A_60 = tpu.memref_slice %arg4[%add3A_38] : memref<10485760xi32, #tpu.memory_space<hbm>> -> memref<128xi32, #tpu.memory_space<hbm>>
          tpu.wait_dma2 semaphore(%run_scoped3A : memref<!tpu.dma_semaphore, #tpu.memory_space<semaphore_mem>>) src(%dma_wait3A_60 : memref<128xi32, #tpu.memory_space<hbm>>) dst(%arg8 : memref<128xi32, #tpu.memory_space<vmem>>)
          tpu.yield
        }) : () -> ()
        %dma_start3A = arith.constant 0 : i32
        %dma_start3A_39 = arith.constant 0 : i32
        %dma_start3A_40 = tpu.memref_slice %arg2[%dma_start3A, %dma_start3A_39] : memref<320000x128xf32, #tpu.memory_space<hbm>> -> memref<320000x128xf32, #tpu.memory_space<hbm>>
        tpu.enqueue_indirect_dma source(%dma_start3A_40 : memref<320000x128xf32, #tpu.memory_space<hbm>>) target(%arg9 : memref<128x128xf32, #tpu.memory_space<vmem>>) offsets(%arg7 : memref<128xi32, #tpu.memory_space<vmem>>) semaphore(%arg11 : memref<!tpu.dma_semaphore, #tpu.memory_space<semaphore_mem>>)
        %dma_wait3A = arith.constant 0 : i32
        %dma_wait3A_41 = arith.constant 0 : i32
        %dma_wait3A_42 = tpu.memref_slice %arg2[%dma_wait3A, %dma_wait3A_41] : memref<320000x128xf32, #tpu.memory_space<hbm>> -> memref<320000x128xf32, #tpu.memory_space<hbm>>
        tpu.wait_indirect_dma semaphore(%arg11 : memref<!tpu.dma_semaphore, #tpu.memory_space<semaphore_mem>>) src(%dma_wait3A_42 : memref<320000x128xf32, #tpu.memory_space<hbm>>) dst(%arg9 : memref<128x128xf32, #tpu.memory_space<vmem>>)
        "tpu.region"() ({
          %run_scoped3A = tpu.sem_alloc : memref<!tpu.dma_semaphore, #tpu.memory_space<semaphore_mem>>
          %dma_start3A_57 = arith.constant 0 : i32
          %dma_start3A_58 = arith.constant 0 : i32
          %dma_start3A_59 = tpu.memref_slice %arg10[%dma_start3A_57, %dma_start3A_58] : memref<10016x128xf32, #tpu.memory_space<vmem_shared>> -> memref<10016x128xf32, #tpu.memory_space<vmem_shared>>
          tpu.enqueue_indirect_dma source(%arg9 : memref<128x128xf32, #tpu.memory_space<vmem>>) target(%dma_start3A_59 : memref<10016x128xf32, #tpu.memory_space<vmem_shared>>) offsets(%arg8 : memref<128xi32, #tpu.memory_space<vmem>>) semaphore(%run_scoped3A : memref<!tpu.dma_semaphore, #tpu.memory_space<semaphore_mem>>) {add = true}
          %dma_wait3A_60 = arith.constant 0 : i32
          %dma_wait3A_61 = arith.constant 0 : i32
          %dma_wait3A_62 = tpu.memref_slice %arg10[%dma_wait3A_60, %dma_wait3A_61] : memref<10016x128xf32, #tpu.memory_space<vmem_shared>> -> memref<10016x128xf32, #tpu.memory_space<vmem_shared>>
          tpu.wait_indirect_dma semaphore(%run_scoped3A : memref<!tpu.dma_semaphore, #tpu.memory_space<semaphore_mem>>) src(%arg9 : memref<128x128xf32, #tpu.memory_space<vmem>>) dst(%dma_wait3A_62 : memref<10016x128xf32, #tpu.memory_space<vmem_shared>>)
          tpu.yield
        }) : () -> ()
        %delay3A = arith.constant 1024 : i32
        tpu.delay %delay3A
        %get3A = arith.constant 112 : index
        %get3A_43 = tpu.vector_load %arg8[%get3A] {strides = array<i32>} : memref<128xi32, #tpu.memory_space<vmem>>, vector<16xi32>,
        %ge3A = arith.cmpi sge, %get3A_43, %broadcast_in_dim3A_7 : vector<16xi32>
        %reduce_or3A = arith.constant 1.000000e+00 : f32
        %reduce_or3A_44 = arith.constant 0.000000e+00 : f32
        %reduce_or3A_45 = vector.broadcast %reduce_or3A : f32 to vector<16xf32>
        %reduce_or3A_46 = vector.broadcast %reduce_or3A_44 : f32 to vector<16xf32>
        %reduce_or3A_47 = arith.select %ge3A, %reduce_or3A_45, %reduce_or3A_46 : vector<16xi1>, vector<16xf32>
        %reduce_or3A_48 = arith.constant true
        %reduce_or3A_49 = vector.broadcast %reduce_or3A_48 : i1 to vector<16xi1>
        %reduce_or3A_50 = tpu.scan <max>, %reduce_or3A_47 masked %reduce_or3A_49 : vector<16xf32>, vector<16xi1> -> vector<16xf32>
        %reduce_or3A_51 = vector.extract %reduce_or3A_50[15] : f32 from vector<16xf32>
        %reduce_or3A_52 = arith.constant 0.000000e+00 : f32
        %reduce_or3A_53 = arith.cmpf ogt, %reduce_or3A_51, %reduce_or3A_52 : f32
        %not3A = arith.constant true
        %not3A_54 = arith.xori %reduce_or3A_53, %not3A : i1
        %add3A_55 = arith.constant 1 : i32
        %add3A_56 = arith.addi %while3A_34, %add3A_55 : i32
        scf.yield %add3A_56, %not3A_54 : i32, i1
      }
      %scan3A_33 = arith.constant 0 : i32
      scf.yield %scan3A_33 : i32
    }
    %scan3A_13 = arith.constant 80 : i32
    %barrier3A_14 = arith.constant 0 : index
    tpu.barrier barrier_id(%barrier3A_14)
    %lt3A = arith.constant 31 : i32
    %lt3A_15 = arith.cmpi slt, %add3A, %lt3A : i32
    %convert_element_type3A_16 = arith.extui %lt3A_15 : i1 to i32
    %cond3A_17 = arith.constant 0 : i32
    %cond3A_18 = arith.cmpi ne, %convert_element_type3A_16, %cond3A_17 : i32
    scf.if %cond3A_18 {
      %mul3A_24 = arith.constant 312 : i32
      %mul3A_25 = arith.muli %add3A, %mul3A_24 : i32
      %mul3A_26 = arith.constant 312 : i32
      %mul3A_27 = arith.muli %add3A, %mul3A_26 : i32
      "tpu.region"() ({
        %run_scoped3A = tpu.sem_alloc : memref<!tpu.dma_semaphore, #tpu.memory_space<semaphore_mem>>
        %dma_start3A = arith.constant 0 : i32
        %dma_start3A_28 = tpu.memref_slice %arg6[%mul3A_27, %dma_start3A] : memref<10000x128xf32, #tpu.memory_space<hbm>> -> memref<312x128xf32, #tpu.memory_space<hbm>>
        %dma_start3A_29 = arith.constant 0 : i32
        %dma_start3A_30 = tpu.memref_slice %arg10[%mul3A_25, %dma_start3A_29] : memref<10016x128xf32, #tpu.memory_space<vmem_shared>> -> memref<312x128xf32, #tpu.memory_space<vmem_shared>>
        tpu.enqueue_dma source(%dma_start3A_30 : memref<312x128xf32, #tpu.memory_space<vmem_shared>>) target(%dma_start3A_28 : memref<312x128xf32, #tpu.memory_space<hbm>>) target_semaphore(%run_scoped3A : memref<!tpu.dma_semaphore, #tpu.memory_space<semaphore_mem>>)
        %dma_wait3A = arith.constant 0 : i32
        %dma_wait3A_31 = tpu.memref_slice %arg6[%mul3A_27, %dma_wait3A] : memref<10000x128xf32, #tpu.memory_space<hbm>> -> memref<312x128xf32, #tpu.memory_space<hbm>>
        %dma_wait3A_32 = arith.constant 0 : i32
        %dma_wait3A_33 = tpu.memref_slice %arg10[%mul3A_25, %dma_wait3A_32] : memref<10016x128xf32, #tpu.memory_space<vmem_shared>> -> memref<312x128xf32, #tpu.memory_space<vmem_shared>>
        tpu.wait_dma2 semaphore(%run_scoped3A : memref<!tpu.dma_semaphore, #tpu.memory_space<semaphore_mem>>) src(%dma_wait3A_33 : memref<312x128xf32, #tpu.memory_space<vmem_shared>>) dst(%dma_wait3A_31 : memref<312x128xf32, #tpu.memory_space<hbm>>)
        tpu.yield
      }) : () -> ()
    } else {
    }
    %eq3A_19 = arith.constant 31 : i32
    %eq3A_20 = arith.cmpi eq, %add3A, %eq3A_19 : i32
    %convert_element_type3A_21 = arith.extui %eq3A_20 : i1 to i32
    %cond3A_22 = arith.constant 0 : i32
    %cond3A_23 = arith.cmpi ne, %convert_element_type3A_21, %cond3A_22 : i32
    scf.if %cond3A_23 {
      "tpu.region"() ({
        %run_scoped3A = tpu.sem_alloc : memref<!tpu.dma_semaphore, #tpu.memory_space<semaphore_mem>>
        %dma_start3A = arith.constant 9672 : i32
        %dma_start3A_24 = arith.constant 0 : i32
        %dma_start3A_25 = tpu.memref_slice %arg6[%dma_start3A, %dma_start3A_24] : memref<10000x128xf32, #tpu.memory_space<hbm>> -> memref<328x128xf32, #tpu.memory_space<hbm>>
        %dma_start3A_26 = arith.constant 9672 : i32
        %dma_start3A_27 = arith.constant 0 : i32
        %dma_start3A_28 = tpu.memref_slice %arg10[%dma_start3A_26, %dma_start3A_27] : memref<10016x128xf32, #tpu.memory_space<vmem_shared>> -> memref<328x128xf32, #tpu.memory_space<vmem_shared>>
        tpu.enqueue_dma source(%dma_start3A_28 : memref<328x128xf32, #tpu.memory_space<vmem_shared>>) target(%dma_start3A_25 : memref<328x128xf32, #tpu.memory_space<hbm>>) target_semaphore(%run_scoped3A : memref<!tpu.dma_semaphore, #tpu.memory_space<semaphore_mem>>)
        %dma_wait3A = arith.constant 9672 : i32
        %dma_wait3A_29 = arith.constant 0 : i32
        %dma_wait3A_30 = tpu.memref_slice %arg6[%dma_wait3A, %dma_wait3A_29] : memref<10000x128xf32, #tpu.memory_space<hbm>> -> memref<328x128xf32, #tpu.memory_space<hbm>>
        %dma_wait3A_31 = arith.constant 9672 : i32
        %dma_wait3A_32 = arith.constant 0 : i32
        %dma_wait3A_33 = tpu.memref_slice %arg10[%dma_wait3A_31, %dma_wait3A_32] : memref<10016x128xf32, #tpu.memory_space<vmem_shared>> -> memref<328x128xf32, #tpu.memory_space<vmem_shared>>
        tpu.wait_dma2 semaphore(%run_scoped3A : memref<!tpu.dma_semaphore, #tpu.memory_space<semaphore_mem>>) src(%dma_wait3A_33 : memref<328x128xf32, #tpu.memory_space<vmem_shared>>) dst(%dma_wait3A_30 : memref<328x128xf32, #tpu.memory_space<hbm>>)
        tpu.yield
      }) : () -> ()
    } else {
    }
    return
  }
}

#map = affine_map<(d0, d1) -> (0, 0)>
#map1 = affine_map<(d0, d1) -> (0)>
module attributes {stable_mosaic.version = 14 : i64} {
  func.func @_gather(%arg0: i32, %arg1: i32, %arg2: memref<10000x128xf32, #tpu.memory_space<hbm>>, %arg3: memref<640000xi32, #tpu.memory_space<hbm>>, %arg4: memref<640000x128xf32, #tpu.memory_space<hbm>>, %arg5: memref<80xi32, #tpu.memory_space<vmem>>, %arg6: memref<80x128xf32, #tpu.memory_space<vmem>>, %arg7: memref<!tpu.dma_semaphore, #tpu.memory_space<semaphore_mem>>) attributes {dimension_semantics = [#tpu.dimension_semantics<core_parallel>, #tpu.dimension_semantics<subcore_parallel>], iteration_bounds = array<i64: 2, 16>, scalar_prefetch = 0 : i64, scratch_operands = 3 : i64, tpu.core_type = #tpu.core_type<sc_vector_subcore>, window_params = [{transform_indices = #map}, {transform_indices = #map1}, {transform_indices = #map}]} {
    %mul3A = arith.constant 2 : i32
    %mul3A_0 = arith.muli %arg1, %mul3A : i32
    %add3A = arith.addi %mul3A_0, %arg0 : i32
    %mul3A_1 = arith.constant 20000 : i32
    %mul3A_2 = arith.muli %add3A, %mul3A_1 : i32
    %scan3A = arith.constant 0 : i32
    %scan3A_3 = arith.constant 0 : i32
    %scan3A_4 = arith.constant 250 : i32
    %scan3A_5 = arith.addi %scan3A_3, %scan3A_4 : i32
    %scan3A_6 = arith.constant 1 : i32
    %scan3A_7 = scf.for %scan3A_9 = %scan3A_3 to %scan3A_5 step %scan3A_6 iter_args(%scan3A_10 = %scan3A) -> (i32)  : i32 {
      %mul3A_11 = arith.constant 80 : i32
      %mul3A_12 = arith.muli %scan3A_9, %mul3A_11 : i32
      %add3A_13 = arith.addi %mul3A_2, %mul3A_12 : i32
      "tpu.region"() ({
        %run_scoped3A = tpu.sem_alloc : memref<!tpu.dma_semaphore, #tpu.memory_space<semaphore_mem>>
        %dma_start3A_19 = tpu.memref_slice %arg3[%add3A_13] : memref<640000xi32, #tpu.memory_space<hbm>> -> memref<80xi32, #tpu.memory_space<hbm>>
        %dma_start3A_20 = tpu.memref_slice %arg3[%add3A_13] : memref<640000xi32, #tpu.memory_space<hbm>> -> memref<80xi32, #tpu.memory_space<hbm>>
        tpu.enqueue_dma source(%dma_start3A_20 : memref<80xi32, #tpu.memory_space<hbm>>) target(%arg5 : memref<80xi32, #tpu.memory_space<vmem>>) target_semaphore(%run_scoped3A : memref<!tpu.dma_semaphore, #tpu.memory_space<semaphore_mem>>)
        %dma_wait3A_21 = tpu.memref_slice %arg3[%add3A_13] : memref<640000xi32, #tpu.memory_space<hbm>> -> memref<80xi32, #tpu.memory_space<hbm>>
        %dma_wait3A_22 = tpu.memref_slice %arg3[%add3A_13] : memref<640000xi32, #tpu.memory_space<hbm>> -> memref<80xi32, #tpu.memory_space<hbm>>
        tpu.wait_dma2 semaphore(%run_scoped3A : memref<!tpu.dma_semaphore, #tpu.memory_space<semaphore_mem>>) src(%dma_wait3A_22 : memref<80xi32, #tpu.memory_space<hbm>>) dst(%arg5 : memref<80xi32, #tpu.memory_space<vmem>>)
        tpu.yield
      }) : () -> ()
      %dma_start3A = arith.constant 0 : i32
      %dma_start3A_14 = arith.constant 0 : i32
      %dma_start3A_15 = tpu.memref_slice %arg2[%dma_start3A, %dma_start3A_14] : memref<10000x128xf32, #tpu.memory_space<hbm>> -> memref<10000x128xf32, #tpu.memory_space<hbm>>
      tpu.enqueue_indirect_dma source(%dma_start3A_15 : memref<10000x128xf32, #tpu.memory_space<hbm>>) target(%arg6 : memref<80x128xf32, #tpu.memory_space<vmem>>) offsets(%arg5 : memref<80xi32, #tpu.memory_space<vmem>>) semaphore(%arg7 : memref<!tpu.dma_semaphore, #tpu.memory_space<semaphore_mem>>)
      %dma_wait3A = arith.constant 0 : i32
      %dma_wait3A_16 = arith.constant 0 : i32
      %dma_wait3A_17 = tpu.memref_slice %arg2[%dma_wait3A, %dma_wait3A_16] : memref<10000x128xf32, #tpu.memory_space<hbm>> -> memref<10000x128xf32, #tpu.memory_space<hbm>>
      tpu.wait_indirect_dma semaphore(%arg7 : memref<!tpu.dma_semaphore, #tpu.memory_space<semaphore_mem>>) src(%dma_wait3A_17 : memref<10000x128xf32, #tpu.memory_space<hbm>>) dst(%arg6 : memref<80x128xf32, #tpu.memory_space<vmem>>)
      "tpu.region"() ({
        %run_scoped3A = tpu.sem_alloc : memref<!tpu.dma_semaphore, #tpu.memory_space<semaphore_mem>>
        %dma_start3A_19 = arith.constant 0 : i32
        %dma_start3A_20 = tpu.memref_slice %arg4[%add3A_13, %dma_start3A_19] : memref<640000x128xf32, #tpu.memory_space<hbm>> -> memref<80x128xf32, #tpu.memory_space<hbm>>
        %dma_start3A_21 = arith.constant 0 : i32
        %dma_start3A_22 = tpu.memref_slice %arg4[%add3A_13, %dma_start3A_21] : memref<640000x128xf32, #tpu.memory_space<hbm>> -> memref<80x128xf32, #tpu.memory_space<hbm>>
        tpu.enqueue_dma source(%arg6 : memref<80x128xf32, #tpu.memory_space<vmem>>) target(%dma_start3A_22 : memref<80x128xf32, #tpu.memory_space<hbm>>) target_semaphore(%run_scoped3A : memref<!tpu.dma_semaphore, #tpu.memory_space<semaphore_mem>>)
        %dma_wait3A_23 = arith.constant 0 : i32
        %dma_wait3A_24 = tpu.memref_slice %arg4[%add3A_13, %dma_wait3A_23] : memref<640000x128xf32, #tpu.memory_space<hbm>> -> memref<80x128xf32, #tpu.memory_space<hbm>>
        %dma_wait3A_25 = arith.constant 0 : i32
        %dma_wait3A_26 = tpu.memref_slice %arg4[%add3A_13, %dma_wait3A_25] : memref<640000x128xf32, #tpu.memory_space<hbm>> -> memref<80x128xf32, #tpu.memory_space<hbm>>
        tpu.wait_dma2 semaphore(%run_scoped3A : memref<!tpu.dma_semaphore, #tpu.memory_space<semaphore_mem>>) src(%arg6 : memref<80x128xf32, #tpu.memory_space<vmem>>) dst(%dma_wait3A_26 : memref<80x128xf32, #tpu.memory_space<hbm>>)
        tpu.yield
      }) : () -> ()
      %scan3A_18 = arith.constant 0 : i32
      scf.yield %scan3A_18 : i32
    }
    %scan3A_8 = arith.constant 250 : i32
    return
  }
}

#map = affine_map<(d0, d1) -> (0, 0)>
#map1 = affine_map<(d0, d1) -> (0)>
module attributes {stable_mosaic.version = 14 : i64} {
  func.func @_scatter_add(%arg0: i32, %arg1: i32, %arg2: memref<320000x128xf32, #tpu.memory_space<hbm>>, %arg3: memref<10485760xi32, #tpu.memory_space<hbm>>, %arg4: memref<10485760xi32, #tpu.memory_space<hbm>>, %arg5: memref<10016x128xf32, #tpu.memory_space<hbm>>, %arg6: memref<10000x128xf32, #tpu.memory_space<hbm>>, %arg7: memref<128xi32, #tpu.memory_space<vmem>>, %arg8: memref<128xi32, #tpu.memory_space<vmem>>, %arg9: memref<128x128xf32, #tpu.memory_space<vmem>>, %arg10: memref<10016x128xf32, #tpu.memory_space<vmem_shared>>, %arg11: memref<!tpu.dma_semaphore, #tpu.memory_space<semaphore_mem>>) attributes {dimension_semantics = [#tpu.dimension_semantics<core_parallel>, #tpu.dimension_semantics<subcore_parallel>], iteration_bounds = array<i64: 2, 16>, scalar_prefetch = 0 : i64, scratch_operands = 5 : i64, tpu.core_type = #tpu.core_type<sc_vector_subcore>, window_params = [{transform_indices = #map}, {transform_indices = #map1}, {transform_indices = #map1}, {transform_indices = #map}, {transform_indices = #map}]} {
    %mul3A = arith.constant 2 : i32
    %mul3A_0 = arith.muli %arg1, %mul3A : i32
    %add3A = arith.addi %mul3A_0, %arg0 : i32
    %mul3A_1 = arith.constant 624 : i32
    %mul3A_2 = arith.muli %arg1, %mul3A_1 : i32
    %mul3A_3 = arith.constant 624 : i32
    %mul3A_4 = arith.muli %arg1, %mul3A_3 : i32
    "tpu.region"() ({
      %run_scoped3A = tpu.sem_alloc : memref<!tpu.dma_semaphore, #tpu.memory_space<semaphore_mem>>
      %dma_start3A = arith.constant 0 : i32
      %dma_start3A_24 = tpu.memref_slice %arg10[%mul3A_4, %dma_start3A] : memref<10016x128xf32, #tpu.memory_space<vmem_shared>> -> memref<624x128xf32, #tpu.memory_space<vmem_shared>>
      %dma_start3A_25 = arith.constant 0 : i32
      %dma_start3A_26 = tpu.memref_slice %arg5[%mul3A_2, %dma_start3A_25] : memref<10016x128xf32, #tpu.memory_space<hbm>> -> memref<624x128xf32, #tpu.memory_space<hbm>>
      tpu.enqueue_dma source(%dma_start3A_26 : memref<624x128xf32, #tpu.memory_space<hbm>>) target(%dma_start3A_24 : memref<624x128xf32, #tpu.memory_space<vmem_shared>>) target_semaphore(%run_scoped3A : memref<!tpu.dma_semaphore, #tpu.memory_space<semaphore_mem>>)
      %dma_wait3A = arith.constant 0 : i32
      %dma_wait3A_27 = tpu.memref_slice %arg10[%mul3A_4, %dma_wait3A] : memref<10016x128xf32, #tpu.memory_space<vmem_shared>> -> memref<624x128xf32, #tpu.memory_space<vmem_shared>>
      %dma_wait3A_28 = arith.constant 0 : i32
      %dma_wait3A_29 = tpu.memref_slice %arg5[%mul3A_2, %dma_wait3A_28] : memref<10016x128xf32, #tpu.memory_space<hbm>> -> memref<624x128xf32, #tpu.memory_space<hbm>>
      tpu.wait_dma2 semaphore(%run_scoped3A : memref<!tpu.dma_semaphore, #tpu.memory_space<semaphore_mem>>) src(%dma_wait3A_29 : memref<624x128xf32, #tpu.memory_space<hbm>>) dst(%dma_wait3A_27 : memref<624x128xf32, #tpu.memory_space<vmem_shared>>)
      tpu.yield
    }) : () -> ()
    %eq3A = arith.constant 0 : i32
    %eq3A_5 = arith.cmpi eq, %arg1, %eq3A : i32
    %convert_element_type3A = arith.extui %eq3A_5 : i1 to i32
    %cond3A = arith.constant 0 : i32
    %cond3A_6 = arith.cmpi ne, %convert_element_type3A, %cond3A : i32
    scf.if %cond3A_6 {
      "tpu.region"() ({
        %run_scoped3A = tpu.sem_alloc : memref<!tpu.dma_semaphore, #tpu.memory_space<semaphore_mem>>
        %dma_start3A = arith.constant 9984 : i32
        %dma_start3A_24 = arith.constant 0 : i32
        %dma_start3A_25 = tpu.memref_slice %arg10[%dma_start3A, %dma_start3A_24] : memref<10016x128xf32, #tpu.memory_space<vmem_shared>> -> memref<32x128xf32, #tpu.memory_space<vmem_shared>>
        %dma_start3A_26 = arith.constant 9984 : i32
        %dma_start3A_27 = arith.constant 0 : i32
        %dma_start3A_28 = tpu.memref_slice %arg5[%dma_start3A_26, %dma_start3A_27] : memref<10016x128xf32, #tpu.memory_space<hbm>> -> memref<32x128xf32, #tpu.memory_space<hbm>>
        tpu.enqueue_dma source(%dma_start3A_28 : memref<32x128xf32, #tpu.memory_space<hbm>>) target(%dma_start3A_25 : memref<32x128xf32, #tpu.memory_space<vmem_shared>>) target_semaphore(%run_scoped3A : memref<!tpu.dma_semaphore, #tpu.memory_space<semaphore_mem>>)
        %dma_wait3A = arith.constant 9984 : i32
        %dma_wait3A_29 = arith.constant 0 : i32
        %dma_wait3A_30 = tpu.memref_slice %arg10[%dma_wait3A, %dma_wait3A_29] : memref<10016x128xf32, #tpu.memory_space<vmem_shared>> -> memref<32x128xf32, #tpu.memory_space<vmem_shared>>
        %dma_wait3A_31 = arith.constant 9984 : i32
        %dma_wait3A_32 = arith.constant 0 : i32
        %dma_wait3A_33 = tpu.memref_slice %arg5[%dma_wait3A_31, %dma_wait3A_32] : memref<10016x128xf32, #tpu.memory_space<hbm>> -> memref<32x128xf32, #tpu.memory_space<hbm>>
        tpu.wait_dma2 semaphore(%run_scoped3A : memref<!tpu.dma_semaphore, #tpu.memory_space<semaphore_mem>>) src(%dma_wait3A_33 : memref<32x128xf32, #tpu.memory_space<hbm>>) dst(%dma_wait3A_30 : memref<32x128xf32, #tpu.memory_space<vmem_shared>>)
        tpu.yield
      }) : () -> ()
    } else {
    }
    %barrier3A = arith.constant 0 : index
    tpu.barrier barrier_id(%barrier3A)
    %broadcast_in_dim3A = arith.constant 10000 : i32
    %broadcast_in_dim3A_7 = vector.broadcast %broadcast_in_dim3A : i32 to vector<16xi32>
    %scan3A = arith.constant 0 : i32
    %scan3A_8 = arith.constant 0 : i32
    %scan3A_9 = arith.constant 80 : i32
    %scan3A_10 = arith.addi %scan3A_8, %scan3A_9 : i32
    %scan3A_11 = arith.constant 1 : i32
    %scan3A_12 = scf.for %scan3A_24 = %scan3A_8 to %scan3A_10 step %scan3A_11 iter_args(%scan3A_25 = %scan3A) -> (i32)  : i32 {
      %mul3A_26 = arith.constant 80 : i32
      %mul3A_27 = arith.muli %add3A, %mul3A_26 : i32
      %add3A_28 = arith.addi %mul3A_27, %scan3A_24 : i32
      %mul3A_29 = arith.constant 4096 : i32
      %mul3A_30 = arith.muli %add3A_28, %mul3A_29 : i32
      %while3A = arith.constant 0 : i32
      %while3A_31 = arith.constant true
      %while3A_32:2 = scf.while (%while3A_34 = %while3A, %while3A_35 = %while3A_31) : (i32, i1) -> (i32, i1) {
        scf.condition(%while3A_35) %while3A_34, %while3A_35 : i32, i1
      } do {
      ^bb0(%while3A_34: i32, %while3A_35: i1):
        %mul3A_36 = arith.constant 128 : i32
        %mul3A_37 = arith.muli %while3A_34, %mul3A_36 : i32
        %add3A_38 = arith.addi %mul3A_30, %mul3A_37 : i32
        "tpu.region"() ({
          %run_scoped3A = tpu.sem_alloc : memref<!tpu.dma_semaphore, #tpu.memory_space<semaphore_mem>>
          %dma_start3A_57 = tpu.memref_slice %arg3[%add3A_38] : memref<10485760xi32, #tpu.memory_space<hbm>> -> memref<128xi32, #tpu.memory_space<hbm>>
          %dma_start3A_58 = tpu.memref_slice %arg3[%add3A_38] : memref<10485760xi32, #tpu.memory_space<hbm>> -> memref<128xi32, #tpu.memory_space<hbm>>
          tpu.enqueue_dma source(%dma_start3A_58 : memref<128xi32, #tpu.memory_space<hbm>>) target(%arg7 : memref<128xi32, #tpu.memory_space<vmem>>) target_semaphore(%run_scoped3A : memref<!tpu.dma_semaphore, #tpu.memory_space<semaphore_mem>>)
          %dma_wait3A_59 = tpu.memref_slice %arg3[%add3A_38] : memref<10485760xi32, #tpu.memory_space<hbm>> -> memref<128xi32, #tpu.memory_space<hbm>>
          %dma_wait3A_60 = tpu.memref_slice %arg3[%add3A_38] : memref<10485760xi32, #tpu.memory_space<hbm>> -> memref<128xi32, #tpu.memory_space<hbm>>
          tpu.wait_dma2 semaphore(%run_scoped3A : memref<!tpu.dma_semaphore, #tpu.memory_space<semaphore_mem>>) src(%dma_wait3A_60 : memref<128xi32, #tpu.memory_space<hbm>>) dst(%arg7 : memref<128xi32, #tpu.memory_space<vmem>>)
          tpu.yield
        }) : () -> ()
        "tpu.region"() ({
          %run_scoped3A = tpu.sem_alloc : memref<!tpu.dma_semaphore, #tpu.memory_space<semaphore_mem>>
          %dma_start3A_57 = tpu.memref_slice %arg4[%add3A_38] : memref<10485760xi32, #tpu.memory_space<hbm>> -> memref<128xi32, #tpu.memory_space<hbm>>
          %dma_start3A_58 = tpu.memref_slice %arg4[%add3A_38] : memref<10485760xi32, #tpu.memory_space<hbm>> -> memref<128xi32, #tpu.memory_space<hbm>>
          tpu.enqueue_dma source(%dma_start3A_58 : memref<128xi32, #tpu.memory_space<hbm>>) target(%arg8 : memref<128xi32, #tpu.memory_space<vmem>>) target_semaphore(%run_scoped3A : memref<!tpu.dma_semaphore, #tpu.memory_space<semaphore_mem>>)
          %dma_wait3A_59 = tpu.memref_slice %arg4[%add3A_38] : memref<10485760xi32, #tpu.memory_space<hbm>> -> memref<128xi32, #tpu.memory_space<hbm>>
          %dma_wait3A_60 = tpu.memref_slice %arg4[%add3A_38] : memref<10485760xi32, #tpu.memory_space<hbm>> -> memref<128xi32, #tpu.memory_space<hbm>>
          tpu.wait_dma2 semaphore(%run_scoped3A : memref<!tpu.dma_semaphore, #tpu.memory_space<semaphore_mem>>) src(%dma_wait3A_60 : memref<128xi32, #tpu.memory_space<hbm>>) dst(%arg8 : memref<128xi32, #tpu.memory_space<vmem>>)
          tpu.yield
        }) : () -> ()
        %dma_start3A = arith.constant 0 : i32
        %dma_start3A_39 = arith.constant 0 : i32
        %dma_start3A_40 = tpu.memref_slice %arg2[%dma_start3A, %dma_start3A_39] : memref<320000x128xf32, #tpu.memory_space<hbm>> -> memref<320000x128xf32, #tpu.memory_space<hbm>>
        tpu.enqueue_indirect_dma source(%dma_start3A_40 : memref<320000x128xf32, #tpu.memory_space<hbm>>) target(%arg9 : memref<128x128xf32, #tpu.memory_space<vmem>>) offsets(%arg7 : memref<128xi32, #tpu.memory_space<vmem>>) semaphore(%arg11 : memref<!tpu.dma_semaphore, #tpu.memory_space<semaphore_mem>>)
        %dma_wait3A = arith.constant 0 : i32
        %dma_wait3A_41 = arith.constant 0 : i32
        %dma_wait3A_42 = tpu.memref_slice %arg2[%dma_wait3A, %dma_wait3A_41] : memref<320000x128xf32, #tpu.memory_space<hbm>> -> memref<320000x128xf32, #tpu.memory_space<hbm>>
        tpu.wait_indirect_dma semaphore(%arg11 : memref<!tpu.dma_semaphore, #tpu.memory_space<semaphore_mem>>) src(%dma_wait3A_42 : memref<320000x128xf32, #tpu.memory_space<hbm>>) dst(%arg9 : memref<128x128xf32, #tpu.memory_space<vmem>>)
        "tpu.region"() ({
          %run_scoped3A = tpu.sem_alloc : memref<!tpu.dma_semaphore, #tpu.memory_space<semaphore_mem>>
          %dma_start3A_57 = arith.constant 0 : i32
          %dma_start3A_58 = arith.constant 0 : i32
          %dma_start3A_59 = tpu.memref_slice %arg10[%dma_start3A_57, %dma_start3A_58] : memref<10016x128xf32, #tpu.memory_space<vmem_shared>> -> memref<10016x128xf32, #tpu.memory_space<vmem_shared>>
          tpu.enqueue_indirect_dma source(%arg9 : memref<128x128xf32, #tpu.memory_space<vmem>>) target(%dma_start3A_59 : memref<10016x128xf32, #tpu.memory_space<vmem_shared>>) offsets(%arg8 : memref<128xi32, #tpu.memory_space<vmem>>) semaphore(%run_scoped3A : memref<!tpu.dma_semaphore, #tpu.memory_space<semaphore_mem>>) {add = true}
          %dma_wait3A_60 = arith.constant 0 : i32
          %dma_wait3A_61 = arith.constant 0 : i32
          %dma_wait3A_62 = tpu.memref_slice %arg10[%dma_wait3A_60, %dma_wait3A_61] : memref<10016x128xf32, #tpu.memory_space<vmem_shared>> -> memref<10016x128xf32, #tpu.memory_space<vmem_shared>>
          tpu.wait_indirect_dma semaphore(%run_scoped3A : memref<!tpu.dma_semaphore, #tpu.memory_space<semaphore_mem>>) src(%arg9 : memref<128x128xf32, #tpu.memory_space<vmem>>) dst(%dma_wait3A_62 : memref<10016x128xf32, #tpu.memory_space<vmem_shared>>)
          tpu.yield
        }) : () -> ()
        %delay3A = arith.constant 1024 : i32
        tpu.delay %delay3A
        %get3A = arith.constant 112 : index
        %get3A_43 = tpu.vector_load %arg8[%get3A] {strides = array<i32>} : memref<128xi32, #tpu.memory_space<vmem>>, vector<16xi32>,
        %ge3A = arith.cmpi sge, %get3A_43, %broadcast_in_dim3A_7 : vector<16xi32>
        %reduce_or3A = arith.constant 1.000000e+00 : f32
        %reduce_or3A_44 = arith.constant 0.000000e+00 : f32
        %reduce_or3A_45 = vector.broadcast %reduce_or3A : f32 to vector<16xf32>
        %reduce_or3A_46 = vector.broadcast %reduce_or3A_44 : f32 to vector<16xf32>
        %reduce_or3A_47 = arith.select %ge3A, %reduce_or3A_45, %reduce_or3A_46 : vector<16xi1>, vector<16xf32>
        %reduce_or3A_48 = arith.constant true
        %reduce_or3A_49 = vector.broadcast %reduce_or3A_48 : i1 to vector<16xi1>
        %reduce_or3A_50 = tpu.scan <max>, %reduce_or3A_47 masked %reduce_or3A_49 : vector<16xf32>, vector<16xi1> -> vector<16xf32>
        %reduce_or3A_51 = vector.extract %reduce_or3A_50[15] : f32 from vector<16xf32>
        %reduce_or3A_52 = arith.constant 0.000000e+00 : f32
        %reduce_or3A_53 = arith.cmpf ogt, %reduce_or3A_51, %reduce_or3A_52 : f32
        %not3A = arith.constant true
        %not3A_54 = arith.xori %reduce_or3A_53, %not3A : i1
        %add3A_55 = arith.constant 1 : i32
        %add3A_56 = arith.addi %while3A_34, %add3A_55 : i32
        scf.yield %add3A_56, %not3A_54 : i32, i1
      }
      %scan3A_33 = arith.constant 0 : i32
      scf.yield %scan3A_33 : i32
    }
    %scan3A_13 = arith.constant 80 : i32
    %barrier3A_14 = arith.constant 0 : index
    tpu.barrier barrier_id(%barrier3A_14)
    %lt3A = arith.constant 31 : i32
    %lt3A_15 = arith.cmpi slt, %add3A, %lt3A : i32
    %convert_element_type3A_16 = arith.extui %lt3A_15 : i1 to i32
    %cond3A_17 = arith.constant 0 : i32
    %cond3A_18 = arith.cmpi ne, %convert_element_type3A_16, %cond3A_17 : i32
    scf.if %cond3A_18 {
      %mul3A_24 = arith.constant 312 : i32
      %mul3A_25 = arith.muli %add3A, %mul3A_24 : i32
      %mul3A_26 = arith.constant 312 : i32
      %mul3A_27 = arith.muli %add3A, %mul3A_26 : i32
      "tpu.region"() ({
        %run_scoped3A = tpu.sem_alloc : memref<!tpu.dma_semaphore, #tpu.memory_space<semaphore_mem>>
        %dma_start3A = arith.constant 0 : i32
        %dma_start3A_28 = tpu.memref_slice %arg6[%mul3A_27, %dma_start3A] : memref<10000x128xf32, #tpu.memory_space<hbm>> -> memref<312x128xf32, #tpu.memory_space<hbm>>
        %dma_start3A_29 = arith.constant 0 : i32
        %dma_start3A_30 = tpu.memref_slice %arg10[%mul3A_25, %dma_start3A_29] : memref<10016x128xf32, #tpu.memory_space<vmem_shared>> -> memref<312x128xf32, #tpu.memory_space<vmem_shared>>
        tpu.enqueue_dma source(%dma_start3A_30 : memref<312x128xf32, #tpu.memory_space<vmem_shared>>) target(%dma_start3A_28 : memref<312x128xf32, #tpu.memory_space<hbm>>) target_semaphore(%run_scoped3A : memref<!tpu.dma_semaphore, #tpu.memory_space<semaphore_mem>>)
        %dma_wait3A = arith.constant 0 : i32
        %dma_wait3A_31 = tpu.memref_slice %arg6[%mul3A_27, %dma_wait3A] : memref<10000x128xf32, #tpu.memory_space<hbm>> -> memref<312x128xf32, #tpu.memory_space<hbm>>
        %dma_wait3A_32 = arith.constant 0 : i32
        %dma_wait3A_33 = tpu.memref_slice %arg10[%mul3A_25, %dma_wait3A_32] : memref<10016x128xf32, #tpu.memory_space<vmem_shared>> -> memref<312x128xf32, #tpu.memory_space<vmem_shared>>
        tpu.wait_dma2 semaphore(%run_scoped3A : memref<!tpu.dma_semaphore, #tpu.memory_space<semaphore_mem>>) src(%dma_wait3A_33 : memref<312x128xf32, #tpu.memory_space<vmem_shared>>) dst(%dma_wait3A_31 : memref<312x128xf32, #tpu.memory_space<hbm>>)
        tpu.yield
      }) : () -> ()
    } else {
    }
    %eq3A_19 = arith.constant 31 : i32
    %eq3A_20 = arith.cmpi eq, %add3A, %eq3A_19 : i32
    %convert_element_type3A_21 = arith.extui %eq3A_20 : i1 to i32
    %cond3A_22 = arith.constant 0 : i32
    %cond3A_23 = arith.cmpi ne, %convert_element_type3A_21, %cond3A_22 : i32
    scf.if %cond3A_23 {
      "tpu.region"() ({
        %run_scoped3A = tpu.sem_alloc : memref<!tpu.dma_semaphore, #tpu.memory_space<semaphore_mem>>
        %dma_start3A = arith.constant 9672 : i32
        %dma_start3A_24 = arith.constant 0 : i32
        %dma_start3A_25 = tpu.memref_slice %arg6[%dma_start3A, %dma_start3A_24] : memref<10000x128xf32, #tpu.memory_space<hbm>> -> memref<328x128xf32, #tpu.memory_space<hbm>>
        %dma_start3A_26 = arith.constant 9672 : i32
        %dma_start3A_27 = arith.constant 0 : i32
        %dma_start3A_28 = tpu.memref_slice %arg10[%dma_start3A_26, %dma_start3A_27] : memref<10016x128xf32, #tpu.memory_space<vmem_shared>> -> memref<328x128xf32, #tpu.memory_space<vmem_shared>>
        tpu.enqueue_dma source(%dma_start3A_28 : memref<328x128xf32, #tpu.memory_space<vmem_shared>>) target(%dma_start3A_25 : memref<328x128xf32, #tpu.memory_space<hbm>>) target_semaphore(%run_scoped3A : memref<!tpu.dma_semaphore, #tpu.memory_space<semaphore_mem>>)
        %dma_wait3A = arith.constant 9672 : i32
        %dma_wait3A_29 = arith.constant 0 : i32
        %dma_wait3A_30 = tpu.memref_slice %arg6[%dma_wait3A, %dma_wait3A_29] : memref<10000x128xf32, #tpu.memory_space<hbm>> -> memref<328x128xf32, #tpu.memory_space<hbm>>
        %dma_wait3A_31 = arith.constant 9672 : i32
        %dma_wait3A_32 = arith.constant 0 : i32
        %dma_wait3A_33 = tpu.memref_slice %arg10[%dma_wait3A_31, %dma_wait3A_32] : memref<10016x128xf32, #tpu.memory_space<vmem_shared>> -> memref<328x128xf32, #tpu.memory_space<vmem_shared>>
        tpu.wait_dma2 semaphore(%run_scoped3A : memref<!tpu.dma_semaphore, #tpu.memory_space<semaphore_mem>>) src(%dma_wait3A_33 : memref<328x128xf32, #tpu.memory_space<vmem_shared>>) dst(%dma_wait3A_30 : memref<328x128xf32, #tpu.memory_space<hbm>>)
        tpu.yield
      }) : () -> ()
    } else {
    }
    return
  }
}

#map = affine_map<(d0, d1) -> (0, 0)>
#map1 = affine_map<(d0, d1) -> (0)>
module attributes {stable_mosaic.version = 14 : i64} {
  func.func @_gather(%arg0: i32, %arg1: i32, %arg2: memref<10000x128xf32, #tpu.memory_space<hbm>>, %arg3: memref<640000xi32, #tpu.memory_space<hbm>>, %arg4: memref<640000x128xf32, #tpu.memory_space<hbm>>, %arg5: memref<80xi32, #tpu.memory_space<vmem>>, %arg6: memref<80x128xf32, #tpu.memory_space<vmem>>, %arg7: memref<!tpu.dma_semaphore, #tpu.memory_space<semaphore_mem>>) attributes {dimension_semantics = [#tpu.dimension_semantics<core_parallel>, #tpu.dimension_semantics<subcore_parallel>], iteration_bounds = array<i64: 2, 16>, scalar_prefetch = 0 : i64, scratch_operands = 3 : i64, tpu.core_type = #tpu.core_type<sc_vector_subcore>, window_params = [{transform_indices = #map}, {transform_indices = #map1}, {transform_indices = #map}]} {
    %mul3A = arith.constant 2 : i32
    %mul3A_0 = arith.muli %arg1, %mul3A : i32
    %add3A = arith.addi %mul3A_0, %arg0 : i32
    %mul3A_1 = arith.constant 20000 : i32
    %mul3A_2 = arith.muli %add3A, %mul3A_1 : i32
    %scan3A = arith.constant 0 : i32
    %scan3A_3 = arith.constant 0 : i32
    %scan3A_4 = arith.constant 250 : i32
    %scan3A_5 = arith.addi %scan3A_3, %scan3A_4 : i32
    %scan3A_6 = arith.constant 1 : i32
    %scan3A_7 = scf.for %scan3A_9 = %scan3A_3 to %scan3A_5 step %scan3A_6 iter_args(%scan3A_10 = %scan3A) -> (i32)  : i32 {
      %mul3A_11 = arith.constant 80 : i32
      %mul3A_12 = arith.muli %scan3A_9, %mul3A_11 : i32
      %add3A_13 = arith.addi %mul3A_2, %mul3A_12 : i32
      "tpu.region"() ({
        %run_scoped3A = tpu.sem_alloc : memref<!tpu.dma_semaphore, #tpu.memory_space<semaphore_mem>>
        %dma_start3A_19 = tpu.memref_slice %arg3[%add3A_13] : memref<640000xi32, #tpu.memory_space<hbm>> -> memref<80xi32, #tpu.memory_space<hbm>>
        %dma_start3A_20 = tpu.memref_slice %arg3[%add3A_13] : memref<640000xi32, #tpu.memory_space<hbm>> -> memref<80xi32, #tpu.memory_space<hbm>>
        tpu.enqueue_dma source(%dma_start3A_20 : memref<80xi32, #tpu.memory_space<hbm>>) target(%arg5 : memref<80xi32, #tpu.memory_space<vmem>>) target_semaphore(%run_scoped3A : memref<!tpu.dma_semaphore, #tpu.memory_space<semaphore_mem>>)
        %dma_wait3A_21 = tpu.memref_slice %arg3[%add3A_13] : memref<640000xi32, #tpu.memory_space<hbm>> -> memref<80xi32, #tpu.memory_space<hbm>>
        %dma_wait3A_22 = tpu.memref_slice %arg3[%add3A_13] : memref<640000xi32, #tpu.memory_space<hbm>> -> memref<80xi32, #tpu.memory_space<hbm>>
        tpu.wait_dma2 semaphore(%run_scoped3A : memref<!tpu.dma_semaphore, #tpu.memory_space<semaphore_mem>>) src(%dma_wait3A_22 : memref<80xi32, #tpu.memory_space<hbm>>) dst(%arg5 : memref<80xi32, #tpu.memory_space<vmem>>)
        tpu.yield
      }) : () -> ()
      %dma_start3A = arith.constant 0 : i32
      %dma_start3A_14 = arith.constant 0 : i32
      %dma_start3A_15 = tpu.memref_slice %arg2[%dma_start3A, %dma_start3A_14] : memref<10000x128xf32, #tpu.memory_space<hbm>> -> memref<10000x128xf32, #tpu.memory_space<hbm>>
      tpu.enqueue_indirect_dma source(%dma_start3A_15 : memref<10000x128xf32, #tpu.memory_space<hbm>>) target(%arg6 : memref<80x128xf32, #tpu.memory_space<vmem>>) offsets(%arg5 : memref<80xi32, #tpu.memory_space<vmem>>) semaphore(%arg7 : memref<!tpu.dma_semaphore, #tpu.memory_space<semaphore_mem>>)
      %dma_wait3A = arith.constant 0 : i32
      %dma_wait3A_16 = arith.constant 0 : i32
      %dma_wait3A_17 = tpu.memref_slice %arg2[%dma_wait3A, %dma_wait3A_16] : memref<10000x128xf32, #tpu.memory_space<hbm>> -> memref<10000x128xf32, #tpu.memory_space<hbm>>
      tpu.wait_indirect_dma semaphore(%arg7 : memref<!tpu.dma_semaphore, #tpu.memory_space<semaphore_mem>>) src(%dma_wait3A_17 : memref<10000x128xf32, #tpu.memory_space<hbm>>) dst(%arg6 : memref<80x128xf32, #tpu.memory_space<vmem>>)
      "tpu.region"() ({
        %run_scoped3A = tpu.sem_alloc : memref<!tpu.dma_semaphore, #tpu.memory_space<semaphore_mem>>
        %dma_start3A_19 = arith.constant 0 : i32
        %dma_start3A_20 = tpu.memref_slice %arg4[%add3A_13, %dma_start3A_19] : memref<640000x128xf32, #tpu.memory_space<hbm>> -> memref<80x128xf32, #tpu.memory_space<hbm>>
        %dma_start3A_21 = arith.constant 0 : i32
        %dma_start3A_22 = tpu.memref_slice %arg4[%add3A_13, %dma_start3A_21] : memref<640000x128xf32, #tpu.memory_space<hbm>> -> memref<80x128xf32, #tpu.memory_space<hbm>>
        tpu.enqueue_dma source(%arg6 : memref<80x128xf32, #tpu.memory_space<vmem>>) target(%dma_start3A_22 : memref<80x128xf32, #tpu.memory_space<hbm>>) target_semaphore(%run_scoped3A : memref<!tpu.dma_semaphore, #tpu.memory_space<semaphore_mem>>)
        %dma_wait3A_23 = arith.constant 0 : i32
        %dma_wait3A_24 = tpu.memref_slice %arg4[%add3A_13, %dma_wait3A_23] : memref<640000x128xf32, #tpu.memory_space<hbm>> -> memref<80x128xf32, #tpu.memory_space<hbm>>
        %dma_wait3A_25 = arith.constant 0 : i32
        %dma_wait3A_26 = tpu.memref_slice %arg4[%add3A_13, %dma_wait3A_25] : memref<640000x128xf32, #tpu.memory_space<hbm>> -> memref<80x128xf32, #tpu.memory_space<hbm>>
        tpu.wait_dma2 semaphore(%run_scoped3A : memref<!tpu.dma_semaphore, #tpu.memory_space<semaphore_mem>>) src(%arg6 : memref<80x128xf32, #tpu.memory_space<vmem>>) dst(%dma_wait3A_26 : memref<80x128xf32, #tpu.memory_space<hbm>>)
        tpu.yield
      }) : () -> ()
      %scan3A_18 = arith.constant 0 : i32
      scf.yield %scan3A_18 : i32
    }
    %scan3A_8 = arith.constant 250 : i32
    return
  }
}

#map = affine_map<(d0, d1) -> (0, 0)>
#map1 = affine_map<(d0, d1) -> (0)>
module attributes {stable_mosaic.version = 14 : i64} {
  func.func @_gather(%arg0: i32, %arg1: i32, %arg2: memref<10000x128xf32, #tpu.memory_space<hbm>>, %arg3: memref<640000xi32, #tpu.memory_space<hbm>>, %arg4: memref<640000x128xf32, #tpu.memory_space<hbm>>, %arg5: memref<80xi32, #tpu.memory_space<vmem>>, %arg6: memref<80x128xf32, #tpu.memory_space<vmem>>, %arg7: memref<!tpu.dma_semaphore, #tpu.memory_space<semaphore_mem>>) attributes {dimension_semantics = [#tpu.dimension_semantics<core_parallel>, #tpu.dimension_semantics<subcore_parallel>], iteration_bounds = array<i64: 2, 16>, scalar_prefetch = 0 : i64, scratch_operands = 3 : i64, tpu.core_type = #tpu.core_type<sc_vector_subcore>, window_params = [{transform_indices = #map}, {transform_indices = #map1}, {transform_indices = #map}]} {
    %mul3A = arith.constant 2 : i32
    %mul3A_0 = arith.muli %arg1, %mul3A : i32
    %add3A = arith.addi %mul3A_0, %arg0 : i32
    %mul3A_1 = arith.constant 20000 : i32
    %mul3A_2 = arith.muli %add3A, %mul3A_1 : i32
    %scan3A = arith.constant 0 : i32
    %scan3A_3 = arith.constant 0 : i32
    %scan3A_4 = arith.constant 250 : i32
    %scan3A_5 = arith.addi %scan3A_3, %scan3A_4 : i32
    %scan3A_6 = arith.constant 1 : i32
    %scan3A_7 = scf.for %scan3A_9 = %scan3A_3 to %scan3A_5 step %scan3A_6 iter_args(%scan3A_10 = %scan3A) -> (i32)  : i32 {
      %mul3A_11 = arith.constant 80 : i32
      %mul3A_12 = arith.muli %scan3A_9, %mul3A_11 : i32
      %add3A_13 = arith.addi %mul3A_2, %mul3A_12 : i32
      "tpu.region"() ({
        %run_scoped3A = tpu.sem_alloc : memref<!tpu.dma_semaphore, #tpu.memory_space<semaphore_mem>>
        %dma_start3A_19 = tpu.memref_slice %arg3[%add3A_13] : memref<640000xi32, #tpu.memory_space<hbm>> -> memref<80xi32, #tpu.memory_space<hbm>>
        %dma_start3A_20 = tpu.memref_slice %arg3[%add3A_13] : memref<640000xi32, #tpu.memory_space<hbm>> -> memref<80xi32, #tpu.memory_space<hbm>>
        tpu.enqueue_dma source(%dma_start3A_20 : memref<80xi32, #tpu.memory_space<hbm>>) target(%arg5 : memref<80xi32, #tpu.memory_space<vmem>>) target_semaphore(%run_scoped3A : memref<!tpu.dma_semaphore, #tpu.memory_space<semaphore_mem>>)
        %dma_wait3A_21 = tpu.memref_slice %arg3[%add3A_13] : memref<640000xi32, #tpu.memory_space<hbm>> -> memref<80xi32, #tpu.memory_space<hbm>>
        %dma_wait3A_22 = tpu.memref_slice %arg3[%add3A_13] : memref<640000xi32, #tpu.memory_space<hbm>> -> memref<80xi32, #tpu.memory_space<hbm>>
        tpu.wait_dma2 semaphore(%run_scoped3A : memref<!tpu.dma_semaphore, #tpu.memory_space<semaphore_mem>>) src(%dma_wait3A_22 : memref<80xi32, #tpu.memory_space<hbm>>) dst(%arg5 : memref<80xi32, #tpu.memory_space<vmem>>)
        tpu.yield
      }) : () -> ()
      %dma_start3A = arith.constant 0 : i32
      %dma_start3A_14 = arith.constant 0 : i32
      %dma_start3A_15 = tpu.memref_slice %arg2[%dma_start3A, %dma_start3A_14] : memref<10000x128xf32, #tpu.memory_space<hbm>> -> memref<10000x128xf32, #tpu.memory_space<hbm>>
      tpu.enqueue_indirect_dma source(%dma_start3A_15 : memref<10000x128xf32, #tpu.memory_space<hbm>>) target(%arg6 : memref<80x128xf32, #tpu.memory_space<vmem>>) offsets(%arg5 : memref<80xi32, #tpu.memory_space<vmem>>) semaphore(%arg7 : memref<!tpu.dma_semaphore, #tpu.memory_space<semaphore_mem>>)
      %dma_wait3A = arith.constant 0 : i32
      %dma_wait3A_16 = arith.constant 0 : i32
      %dma_wait3A_17 = tpu.memref_slice %arg2[%dma_wait3A, %dma_wait3A_16] : memref<10000x128xf32, #tpu.memory_space<hbm>> -> memref<10000x128xf32, #tpu.memory_space<hbm>>
      tpu.wait_indirect_dma semaphore(%arg7 : memref<!tpu.dma_semaphore, #tpu.memory_space<semaphore_mem>>) src(%dma_wait3A_17 : memref<10000x128xf32, #tpu.memory_space<hbm>>) dst(%arg6 : memref<80x128xf32, #tpu.memory_space<vmem>>)
      "tpu.region"() ({
        %run_scoped3A = tpu.sem_alloc : memref<!tpu.dma_semaphore, #tpu.memory_space<semaphore_mem>>
        %dma_start3A_19 = arith.constant 0 : i32
        %dma_start3A_20 = tpu.memref_slice %arg4[%add3A_13, %dma_start3A_19] : memref<640000x128xf32, #tpu.memory_space<hbm>> -> memref<80x128xf32, #tpu.memory_space<hbm>>
        %dma_start3A_21 = arith.constant 0 : i32
        %dma_start3A_22 = tpu.memref_slice %arg4[%add3A_13, %dma_start3A_21] : memref<640000x128xf32, #tpu.memory_space<hbm>> -> memref<80x128xf32, #tpu.memory_space<hbm>>
        tpu.enqueue_dma source(%arg6 : memref<80x128xf32, #tpu.memory_space<vmem>>) target(%dma_start3A_22 : memref<80x128xf32, #tpu.memory_space<hbm>>) target_semaphore(%run_scoped3A : memref<!tpu.dma_semaphore, #tpu.memory_space<semaphore_mem>>)
        %dma_wait3A_23 = arith.constant 0 : i32
        %dma_wait3A_24 = tpu.memref_slice %arg4[%add3A_13, %dma_wait3A_23] : memref<640000x128xf32, #tpu.memory_space<hbm>> -> memref<80x128xf32, #tpu.memory_space<hbm>>
        %dma_wait3A_25 = arith.constant 0 : i32
        %dma_wait3A_26 = tpu.memref_slice %arg4[%add3A_13, %dma_wait3A_25] : memref<640000x128xf32, #tpu.memory_space<hbm>> -> memref<80x128xf32, #tpu.memory_space<hbm>>
        tpu.wait_dma2 semaphore(%run_scoped3A : memref<!tpu.dma_semaphore, #tpu.memory_space<semaphore_mem>>) src(%arg6 : memref<80x128xf32, #tpu.memory_space<vmem>>) dst(%dma_wait3A_26 : memref<80x128xf32, #tpu.memory_space<hbm>>)
        tpu.yield
      }) : () -> ()
      %scan3A_18 = arith.constant 0 : i32
      scf.yield %scan3A_18 : i32
    }
    %scan3A_8 = arith.constant 250 : i32
    return
  }
}

#map = affine_map<(d0, d1) -> (0, 0)>
#map1 = affine_map<(d0, d1) -> (0)>
module attributes {stable_mosaic.version = 14 : i64} {
  func.func @_scatter_add(%arg0: i32, %arg1: i32, %arg2: memref<320000x128xf32, #tpu.memory_space<hbm>>, %arg3: memref<10485760xi32, #tpu.memory_space<hbm>>, %arg4: memref<10485760xi32, #tpu.memory_space<hbm>>, %arg5: memref<10016x128xf32, #tpu.memory_space<hbm>>, %arg6: memref<10000x128xf32, #tpu.memory_space<hbm>>, %arg7: memref<128xi32, #tpu.memory_space<vmem>>, %arg8: memref<128xi32, #tpu.memory_space<vmem>>, %arg9: memref<128x128xf32, #tpu.memory_space<vmem>>, %arg10: memref<10016x128xf32, #tpu.memory_space<vmem_shared>>, %arg11: memref<!tpu.dma_semaphore, #tpu.memory_space<semaphore_mem>>) attributes {dimension_semantics = [#tpu.dimension_semantics<core_parallel>, #tpu.dimension_semantics<subcore_parallel>], iteration_bounds = array<i64: 2, 16>, scalar_prefetch = 0 : i64, scratch_operands = 5 : i64, tpu.core_type = #tpu.core_type<sc_vector_subcore>, window_params = [{transform_indices = #map}, {transform_indices = #map1}, {transform_indices = #map1}, {transform_indices = #map}, {transform_indices = #map}]} {
    %mul3A = arith.constant 2 : i32
    %mul3A_0 = arith.muli %arg1, %mul3A : i32
    %add3A = arith.addi %mul3A_0, %arg0 : i32
    %mul3A_1 = arith.constant 624 : i32
    %mul3A_2 = arith.muli %arg1, %mul3A_1 : i32
    %mul3A_3 = arith.constant 624 : i32
    %mul3A_4 = arith.muli %arg1, %mul3A_3 : i32
    "tpu.region"() ({
      %run_scoped3A = tpu.sem_alloc : memref<!tpu.dma_semaphore, #tpu.memory_space<semaphore_mem>>
      %dma_start3A = arith.constant 0 : i32
      %dma_start3A_24 = tpu.memref_slice %arg10[%mul3A_4, %dma_start3A] : memref<10016x128xf32, #tpu.memory_space<vmem_shared>> -> memref<624x128xf32, #tpu.memory_space<vmem_shared>>
      %dma_start3A_25 = arith.constant 0 : i32
      %dma_start3A_26 = tpu.memref_slice %arg5[%mul3A_2, %dma_start3A_25] : memref<10016x128xf32, #tpu.memory_space<hbm>> -> memref<624x128xf32, #tpu.memory_space<hbm>>
      tpu.enqueue_dma source(%dma_start3A_26 : memref<624x128xf32, #tpu.memory_space<hbm>>) target(%dma_start3A_24 : memref<624x128xf32, #tpu.memory_space<vmem_shared>>) target_semaphore(%run_scoped3A : memref<!tpu.dma_semaphore, #tpu.memory_space<semaphore_mem>>)
      %dma_wait3A = arith.constant 0 : i32
      %dma_wait3A_27 = tpu.memref_slice %arg10[%mul3A_4, %dma_wait3A] : memref<10016x128xf32, #tpu.memory_space<vmem_shared>> -> memref<624x128xf32, #tpu.memory_space<vmem_shared>>
      %dma_wait3A_28 = arith.constant 0 : i32
      %dma_wait3A_29 = tpu.memref_slice %arg5[%mul3A_2, %dma_wait3A_28] : memref<10016x128xf32, #tpu.memory_space<hbm>> -> memref<624x128xf32, #tpu.memory_space<hbm>>
      tpu.wait_dma2 semaphore(%run_scoped3A : memref<!tpu.dma_semaphore, #tpu.memory_space<semaphore_mem>>) src(%dma_wait3A_29 : memref<624x128xf32, #tpu.memory_space<hbm>>) dst(%dma_wait3A_27 : memref<624x128xf32, #tpu.memory_space<vmem_shared>>)
      tpu.yield
    }) : () -> ()
    %eq3A = arith.constant 0 : i32
    %eq3A_5 = arith.cmpi eq, %arg1, %eq3A : i32
    %convert_element_type3A = arith.extui %eq3A_5 : i1 to i32
    %cond3A = arith.constant 0 : i32
    %cond3A_6 = arith.cmpi ne, %convert_element_type3A, %cond3A : i32
    scf.if %cond3A_6 {
      "tpu.region"() ({
        %run_scoped3A = tpu.sem_alloc : memref<!tpu.dma_semaphore, #tpu.memory_space<semaphore_mem>>
        %dma_start3A = arith.constant 9984 : i32
        %dma_start3A_24 = arith.constant 0 : i32
        %dma_start3A_25 = tpu.memref_slice %arg10[%dma_start3A, %dma_start3A_24] : memref<10016x128xf32, #tpu.memory_space<vmem_shared>> -> memref<32x128xf32, #tpu.memory_space<vmem_shared>>
        %dma_start3A_26 = arith.constant 9984 : i32
        %dma_start3A_27 = arith.constant 0 : i32
        %dma_start3A_28 = tpu.memref_slice %arg5[%dma_start3A_26, %dma_start3A_27] : memref<10016x128xf32, #tpu.memory_space<hbm>> -> memref<32x128xf32, #tpu.memory_space<hbm>>
        tpu.enqueue_dma source(%dma_start3A_28 : memref<32x128xf32, #tpu.memory_space<hbm>>) target(%dma_start3A_25 : memref<32x128xf32, #tpu.memory_space<vmem_shared>>) target_semaphore(%run_scoped3A : memref<!tpu.dma_semaphore, #tpu.memory_space<semaphore_mem>>)
        %dma_wait3A = arith.constant 9984 : i32
        %dma_wait3A_29 = arith.constant 0 : i32
        %dma_wait3A_30 = tpu.memref_slice %arg10[%dma_wait3A, %dma_wait3A_29] : memref<10016x128xf32, #tpu.memory_space<vmem_shared>> -> memref<32x128xf32, #tpu.memory_space<vmem_shared>>
        %dma_wait3A_31 = arith.constant 9984 : i32
        %dma_wait3A_32 = arith.constant 0 : i32
        %dma_wait3A_33 = tpu.memref_slice %arg5[%dma_wait3A_31, %dma_wait3A_32] : memref<10016x128xf32, #tpu.memory_space<hbm>> -> memref<32x128xf32, #tpu.memory_space<hbm>>
        tpu.wait_dma2 semaphore(%run_scoped3A : memref<!tpu.dma_semaphore, #tpu.memory_space<semaphore_mem>>) src(%dma_wait3A_33 : memref<32x128xf32, #tpu.memory_space<hbm>>) dst(%dma_wait3A_30 : memref<32x128xf32, #tpu.memory_space<vmem_shared>>)
        tpu.yield
      }) : () -> ()
    } else {
    }
    %barrier3A = arith.constant 0 : index
    tpu.barrier barrier_id(%barrier3A)
    %broadcast_in_dim3A = arith.constant 10000 : i32
    %broadcast_in_dim3A_7 = vector.broadcast %broadcast_in_dim3A : i32 to vector<16xi32>
    %scan3A = arith.constant 0 : i32
    %scan3A_8 = arith.constant 0 : i32
    %scan3A_9 = arith.constant 80 : i32
    %scan3A_10 = arith.addi %scan3A_8, %scan3A_9 : i32
    %scan3A_11 = arith.constant 1 : i32
    %scan3A_12 = scf.for %scan3A_24 = %scan3A_8 to %scan3A_10 step %scan3A_11 iter_args(%scan3A_25 = %scan3A) -> (i32)  : i32 {
      %mul3A_26 = arith.constant 80 : i32
      %mul3A_27 = arith.muli %add3A, %mul3A_26 : i32
      %add3A_28 = arith.addi %mul3A_27, %scan3A_24 : i32
      %mul3A_29 = arith.constant 4096 : i32
      %mul3A_30 = arith.muli %add3A_28, %mul3A_29 : i32
      %while3A = arith.constant 0 : i32
      %while3A_31 = arith.constant true
      %while3A_32:2 = scf.while (%while3A_34 = %while3A, %while3A_35 = %while3A_31) : (i32, i1) -> (i32, i1) {
        scf.condition(%while3A_35) %while3A_34, %while3A_35 : i32, i1
      } do {
      ^bb0(%while3A_34: i32, %while3A_35: i1):
        %mul3A_36 = arith.constant 128 : i32
        %mul3A_37 = arith.muli %while3A_34, %mul3A_36 : i32
        %add3A_38 = arith.addi %mul3A_30, %mul3A_37 : i32
        "tpu.region"() ({
          %run_scoped3A = tpu.sem_alloc : memref<!tpu.dma_semaphore, #tpu.memory_space<semaphore_mem>>
          %dma_start3A_57 = tpu.memref_slice %arg3[%add3A_38] : memref<10485760xi32, #tpu.memory_space<hbm>> -> memref<128xi32, #tpu.memory_space<hbm>>
          %dma_start3A_58 = tpu.memref_slice %arg3[%add3A_38] : memref<10485760xi32, #tpu.memory_space<hbm>> -> memref<128xi32, #tpu.memory_space<hbm>>
          tpu.enqueue_dma source(%dma_start3A_58 : memref<128xi32, #tpu.memory_space<hbm>>) target(%arg7 : memref<128xi32, #tpu.memory_space<vmem>>) target_semaphore(%run_scoped3A : memref<!tpu.dma_semaphore, #tpu.memory_space<semaphore_mem>>)
          %dma_wait3A_59 = tpu.memref_slice %arg3[%add3A_38] : memref<10485760xi32, #tpu.memory_space<hbm>> -> memref<128xi32, #tpu.memory_space<hbm>>
          %dma_wait3A_60 = tpu.memref_slice %arg3[%add3A_38] : memref<10485760xi32, #tpu.memory_space<hbm>> -> memref<128xi32, #tpu.memory_space<hbm>>
          tpu.wait_dma2 semaphore(%run_scoped3A : memref<!tpu.dma_semaphore, #tpu.memory_space<semaphore_mem>>) src(%dma_wait3A_60 : memref<128xi32, #tpu.memory_space<hbm>>) dst(%arg7 : memref<128xi32, #tpu.memory_space<vmem>>)
          tpu.yield
        }) : () -> ()
        "tpu.region"() ({
          %run_scoped3A = tpu.sem_alloc : memref<!tpu.dma_semaphore, #tpu.memory_space<semaphore_mem>>
          %dma_start3A_57 = tpu.memref_slice %arg4[%add3A_38] : memref<10485760xi32, #tpu.memory_space<hbm>> -> memref<128xi32, #tpu.memory_space<hbm>>
          %dma_start3A_58 = tpu.memref_slice %arg4[%add3A_38] : memref<10485760xi32, #tpu.memory_space<hbm>> -> memref<128xi32, #tpu.memory_space<hbm>>
          tpu.enqueue_dma source(%dma_start3A_58 : memref<128xi32, #tpu.memory_space<hbm>>) target(%arg8 : memref<128xi32, #tpu.memory_space<vmem>>) target_semaphore(%run_scoped3A : memref<!tpu.dma_semaphore, #tpu.memory_space<semaphore_mem>>)
          %dma_wait3A_59 = tpu.memref_slice %arg4[%add3A_38] : memref<10485760xi32, #tpu.memory_space<hbm>> -> memref<128xi32, #tpu.memory_space<hbm>>
          %dma_wait3A_60 = tpu.memref_slice %arg4[%add3A_38] : memref<10485760xi32, #tpu.memory_space<hbm>> -> memref<128xi32, #tpu.memory_space<hbm>>
          tpu.wait_dma2 semaphore(%run_scoped3A : memref<!tpu.dma_semaphore, #tpu.memory_space<semaphore_mem>>) src(%dma_wait3A_60 : memref<128xi32, #tpu.memory_space<hbm>>) dst(%arg8 : memref<128xi32, #tpu.memory_space<vmem>>)
          tpu.yield
        }) : () -> ()
        %dma_start3A = arith.constant 0 : i32
        %dma_start3A_39 = arith.constant 0 : i32
        %dma_start3A_40 = tpu.memref_slice %arg2[%dma_start3A, %dma_start3A_39] : memref<320000x128xf32, #tpu.memory_space<hbm>> -> memref<320000x128xf32, #tpu.memory_space<hbm>>
        tpu.enqueue_indirect_dma source(%dma_start3A_40 : memref<320000x128xf32, #tpu.memory_space<hbm>>) target(%arg9 : memref<128x128xf32, #tpu.memory_space<vmem>>) offsets(%arg7 : memref<128xi32, #tpu.memory_space<vmem>>) semaphore(%arg11 : memref<!tpu.dma_semaphore, #tpu.memory_space<semaphore_mem>>)
        %dma_wait3A = arith.constant 0 : i32
        %dma_wait3A_41 = arith.constant 0 : i32
        %dma_wait3A_42 = tpu.memref_slice %arg2[%dma_wait3A, %dma_wait3A_41] : memref<320000x128xf32, #tpu.memory_space<hbm>> -> memref<320000x128xf32, #tpu.memory_space<hbm>>
        tpu.wait_indirect_dma semaphore(%arg11 : memref<!tpu.dma_semaphore, #tpu.memory_space<semaphore_mem>>) src(%dma_wait3A_42 : memref<320000x128xf32, #tpu.memory_space<hbm>>) dst(%arg9 : memref<128x128xf32, #tpu.memory_space<vmem>>)
        "tpu.region"() ({
          %run_scoped3A = tpu.sem_alloc : memref<!tpu.dma_semaphore, #tpu.memory_space<semaphore_mem>>
          %dma_start3A_57 = arith.constant 0 : i32
          %dma_start3A_58 = arith.constant 0 : i32
          %dma_start3A_59 = tpu.memref_slice %arg10[%dma_start3A_57, %dma_start3A_58] : memref<10016x128xf32, #tpu.memory_space<vmem_shared>> -> memref<10016x128xf32, #tpu.memory_space<vmem_shared>>
          tpu.enqueue_indirect_dma source(%arg9 : memref<128x128xf32, #tpu.memory_space<vmem>>) target(%dma_start3A_59 : memref<10016x128xf32, #tpu.memory_space<vmem_shared>>) offsets(%arg8 : memref<128xi32, #tpu.memory_space<vmem>>) semaphore(%run_scoped3A : memref<!tpu.dma_semaphore, #tpu.memory_space<semaphore_mem>>) {add = true}
          %dma_wait3A_60 = arith.constant 0 : i32
          %dma_wait3A_61 = arith.constant 0 : i32
          %dma_wait3A_62 = tpu.memref_slice %arg10[%dma_wait3A_60, %dma_wait3A_61] : memref<10016x128xf32, #tpu.memory_space<vmem_shared>> -> memref<10016x128xf32, #tpu.memory_space<vmem_shared>>
          tpu.wait_indirect_dma semaphore(%run_scoped3A : memref<!tpu.dma_semaphore, #tpu.memory_space<semaphore_mem>>) src(%arg9 : memref<128x128xf32, #tpu.memory_space<vmem>>) dst(%dma_wait3A_62 : memref<10016x128xf32, #tpu.memory_space<vmem_shared>>)
          tpu.yield
        }) : () -> ()
        %delay3A = arith.constant 1024 : i32
        tpu.delay %delay3A
        %get3A = arith.constant 112 : index
        %get3A_43 = tpu.vector_load %arg8[%get3A] {strides = array<i32>} : memref<128xi32, #tpu.memory_space<vmem>>, vector<16xi32>,
        %ge3A = arith.cmpi sge, %get3A_43, %broadcast_in_dim3A_7 : vector<16xi32>
        %reduce_or3A = arith.constant 1.000000e+00 : f32
        %reduce_or3A_44 = arith.constant 0.000000e+00 : f32
        %reduce_or3A_45 = vector.broadcast %reduce_or3A : f32 to vector<16xf32>
        %reduce_or3A_46 = vector.broadcast %reduce_or3A_44 : f32 to vector<16xf32>
        %reduce_or3A_47 = arith.select %ge3A, %reduce_or3A_45, %reduce_or3A_46 : vector<16xi1>, vector<16xf32>
        %reduce_or3A_48 = arith.constant true
        %reduce_or3A_49 = vector.broadcast %reduce_or3A_48 : i1 to vector<16xi1>
        %reduce_or3A_50 = tpu.scan <max>, %reduce_or3A_47 masked %reduce_or3A_49 : vector<16xf32>, vector<16xi1> -> vector<16xf32>
        %reduce_or3A_51 = vector.extract %reduce_or3A_50[15] : f32 from vector<16xf32>
        %reduce_or3A_52 = arith.constant 0.000000e+00 : f32
        %reduce_or3A_53 = arith.cmpf ogt, %reduce_or3A_51, %reduce_or3A_52 : f32
        %not3A = arith.constant true
        %not3A_54 = arith.xori %reduce_or3A_53, %not3A : i1
        %add3A_55 = arith.constant 1 : i32
        %add3A_56 = arith.addi %while3A_34, %add3A_55 : i32
        scf.yield %add3A_56, %not3A_54 : i32, i1
      }
      %scan3A_33 = arith.constant 0 : i32
      scf.yield %scan3A_33 : i32
    }
    %scan3A_13 = arith.constant 80 : i32
    %barrier3A_14 = arith.constant 0 : index
    tpu.barrier barrier_id(%barrier3A_14)
    %lt3A = arith.constant 31 : i32
    %lt3A_15 = arith.cmpi slt, %add3A, %lt3A : i32
    %convert_element_type3A_16 = arith.extui %lt3A_15 : i1 to i32
    %cond3A_17 = arith.constant 0 : i32
    %cond3A_18 = arith.cmpi ne, %convert_element_type3A_16, %cond3A_17 : i32
    scf.if %cond3A_18 {
      %mul3A_24 = arith.constant 312 : i32
      %mul3A_25 = arith.muli %add3A, %mul3A_24 : i32
      %mul3A_26 = arith.constant 312 : i32
      %mul3A_27 = arith.muli %add3A, %mul3A_26 : i32
      "tpu.region"() ({
        %run_scoped3A = tpu.sem_alloc : memref<!tpu.dma_semaphore, #tpu.memory_space<semaphore_mem>>
        %dma_start3A = arith.constant 0 : i32
        %dma_start3A_28 = tpu.memref_slice %arg6[%mul3A_27, %dma_start3A] : memref<10000x128xf32, #tpu.memory_space<hbm>> -> memref<312x128xf32, #tpu.memory_space<hbm>>
        %dma_start3A_29 = arith.constant 0 : i32
        %dma_start3A_30 = tpu.memref_slice %arg10[%mul3A_25, %dma_start3A_29] : memref<10016x128xf32, #tpu.memory_space<vmem_shared>> -> memref<312x128xf32, #tpu.memory_space<vmem_shared>>
        tpu.enqueue_dma source(%dma_start3A_30 : memref<312x128xf32, #tpu.memory_space<vmem_shared>>) target(%dma_start3A_28 : memref<312x128xf32, #tpu.memory_space<hbm>>) target_semaphore(%run_scoped3A : memref<!tpu.dma_semaphore, #tpu.memory_space<semaphore_mem>>)
        %dma_wait3A = arith.constant 0 : i32
        %dma_wait3A_31 = tpu.memref_slice %arg6[%mul3A_27, %dma_wait3A] : memref<10000x128xf32, #tpu.memory_space<hbm>> -> memref<312x128xf32, #tpu.memory_space<hbm>>
        %dma_wait3A_32 = arith.constant 0 : i32
        %dma_wait3A_33 = tpu.memref_slice %arg10[%mul3A_25, %dma_wait3A_32] : memref<10016x128xf32, #tpu.memory_space<vmem_shared>> -> memref<312x128xf32, #tpu.memory_space<vmem_shared>>
        tpu.wait_dma2 semaphore(%run_scoped3A : memref<!tpu.dma_semaphore, #tpu.memory_space<semaphore_mem>>) src(%dma_wait3A_33 : memref<312x128xf32, #tpu.memory_space<vmem_shared>>) dst(%dma_wait3A_31 : memref<312x128xf32, #tpu.memory_space<hbm>>)
        tpu.yield
      }) : () -> ()
    } else {
    }
    %eq3A_19 = arith.constant 31 : i32
    %eq3A_20 = arith.cmpi eq, %add3A, %eq3A_19 : i32
    %convert_element_type3A_21 = arith.extui %eq3A_20 : i1 to i32
    %cond3A_22 = arith.constant 0 : i32
    %cond3A_23 = arith.cmpi ne, %convert_element_type3A_21, %cond3A_22 : i32
    scf.if %cond3A_23 {
      "tpu.region"() ({
        %run_scoped3A = tpu.sem_alloc : memref<!tpu.dma_semaphore, #tpu.memory_space<semaphore_mem>>
        %dma_start3A = arith.constant 9672 : i32
        %dma_start3A_24 = arith.constant 0 : i32
        %dma_start3A_25 = tpu.memref_slice %arg6[%dma_start3A, %dma_start3A_24] : memref<10000x128xf32, #tpu.memory_space<hbm>> -> memref<328x128xf32, #tpu.memory_space<hbm>>
        %dma_start3A_26 = arith.constant 9672 : i32
        %dma_start3A_27 = arith.constant 0 : i32
        %dma_start3A_28 = tpu.memref_slice %arg10[%dma_start3A_26, %dma_start3A_27] : memref<10016x128xf32, #tpu.memory_space<vmem_shared>> -> memref<328x128xf32, #tpu.memory_space<vmem_shared>>
        tpu.enqueue_dma source(%dma_start3A_28 : memref<328x128xf32, #tpu.memory_space<vmem_shared>>) target(%dma_start3A_25 : memref<328x128xf32, #tpu.memory_space<hbm>>) target_semaphore(%run_scoped3A : memref<!tpu.dma_semaphore, #tpu.memory_space<semaphore_mem>>)
        %dma_wait3A = arith.constant 9672 : i32
        %dma_wait3A_29 = arith.constant 0 : i32
        %dma_wait3A_30 = tpu.memref_slice %arg6[%dma_wait3A, %dma_wait3A_29] : memref<10000x128xf32, #tpu.memory_space<hbm>> -> memref<328x128xf32, #tpu.memory_space<hbm>>
        %dma_wait3A_31 = arith.constant 9672 : i32
        %dma_wait3A_32 = arith.constant 0 : i32
        %dma_wait3A_33 = tpu.memref_slice %arg10[%dma_wait3A_31, %dma_wait3A_32] : memref<10016x128xf32, #tpu.memory_space<vmem_shared>> -> memref<328x128xf32, #tpu.memory_space<vmem_shared>>
        tpu.wait_dma2 semaphore(%run_scoped3A : memref<!tpu.dma_semaphore, #tpu.memory_space<semaphore_mem>>) src(%dma_wait3A_33 : memref<328x128xf32, #tpu.memory_space<vmem_shared>>) dst(%dma_wait3A_30 : memref<328x128xf32, #tpu.memory_space<hbm>>)
        tpu.yield
      }) : () -> ()
    } else {
    }
    return
  }
}

#map = affine_map<(d0, d1) -> (0, 0)>
#map1 = affine_map<(d0, d1) -> (0)>
module attributes {stable_mosaic.version = 14 : i64} {
  func.func @_scatter_add(%arg0: i32, %arg1: i32, %arg2: memref<320000x128xf32, #tpu.memory_space<hbm>>, %arg3: memref<10485760xi32, #tpu.memory_space<hbm>>, %arg4: memref<10485760xi32, #tpu.memory_space<hbm>>, %arg5: memref<10016x128xf32, #tpu.memory_space<hbm>>, %arg6: memref<10000x128xf32, #tpu.memory_space<hbm>>, %arg7: memref<128xi32, #tpu.memory_space<vmem>>, %arg8: memref<128xi32, #tpu.memory_space<vmem>>, %arg9: memref<128x128xf32, #tpu.memory_space<vmem>>, %arg10: memref<10016x128xf32, #tpu.memory_space<vmem_shared>>, %arg11: memref<!tpu.dma_semaphore, #tpu.memory_space<semaphore_mem>>) attributes {dimension_semantics = [#tpu.dimension_semantics<core_parallel>, #tpu.dimension_semantics<subcore_parallel>], iteration_bounds = array<i64: 2, 16>, scalar_prefetch = 0 : i64, scratch_operands = 5 : i64, tpu.core_type = #tpu.core_type<sc_vector_subcore>, window_params = [{transform_indices = #map}, {transform_indices = #map1}, {transform_indices = #map1}, {transform_indices = #map}, {transform_indices = #map}]} {
    %mul3A = arith.constant 2 : i32
    %mul3A_0 = arith.muli %arg1, %mul3A : i32
    %add3A = arith.addi %mul3A_0, %arg0 : i32
    %mul3A_1 = arith.constant 624 : i32
    %mul3A_2 = arith.muli %arg1, %mul3A_1 : i32
    %mul3A_3 = arith.constant 624 : i32
    %mul3A_4 = arith.muli %arg1, %mul3A_3 : i32
    "tpu.region"() ({
      %run_scoped3A = tpu.sem_alloc : memref<!tpu.dma_semaphore, #tpu.memory_space<semaphore_mem>>
      %dma_start3A = arith.constant 0 : i32
      %dma_start3A_24 = tpu.memref_slice %arg10[%mul3A_4, %dma_start3A] : memref<10016x128xf32, #tpu.memory_space<vmem_shared>> -> memref<624x128xf32, #tpu.memory_space<vmem_shared>>
      %dma_start3A_25 = arith.constant 0 : i32
      %dma_start3A_26 = tpu.memref_slice %arg5[%mul3A_2, %dma_start3A_25] : memref<10016x128xf32, #tpu.memory_space<hbm>> -> memref<624x128xf32, #tpu.memory_space<hbm>>
      tpu.enqueue_dma source(%dma_start3A_26 : memref<624x128xf32, #tpu.memory_space<hbm>>) target(%dma_start3A_24 : memref<624x128xf32, #tpu.memory_space<vmem_shared>>) target_semaphore(%run_scoped3A : memref<!tpu.dma_semaphore, #tpu.memory_space<semaphore_mem>>)
      %dma_wait3A = arith.constant 0 : i32
      %dma_wait3A_27 = tpu.memref_slice %arg10[%mul3A_4, %dma_wait3A] : memref<10016x128xf32, #tpu.memory_space<vmem_shared>> -> memref<624x128xf32, #tpu.memory_space<vmem_shared>>
      %dma_wait3A_28 = arith.constant 0 : i32
      %dma_wait3A_29 = tpu.memref_slice %arg5[%mul3A_2, %dma_wait3A_28] : memref<10016x128xf32, #tpu.memory_space<hbm>> -> memref<624x128xf32, #tpu.memory_space<hbm>>
      tpu.wait_dma2 semaphore(%run_scoped3A : memref<!tpu.dma_semaphore, #tpu.memory_space<semaphore_mem>>) src(%dma_wait3A_29 : memref<624x128xf32, #tpu.memory_space<hbm>>) dst(%dma_wait3A_27 : memref<624x128xf32, #tpu.memory_space<vmem_shared>>)
      tpu.yield
    }) : () -> ()
    %eq3A = arith.constant 0 : i32
    %eq3A_5 = arith.cmpi eq, %arg1, %eq3A : i32
    %convert_element_type3A = arith.extui %eq3A_5 : i1 to i32
    %cond3A = arith.constant 0 : i32
    %cond3A_6 = arith.cmpi ne, %convert_element_type3A, %cond3A : i32
    scf.if %cond3A_6 {
      "tpu.region"() ({
        %run_scoped3A = tpu.sem_alloc : memref<!tpu.dma_semaphore, #tpu.memory_space<semaphore_mem>>
        %dma_start3A = arith.constant 9984 : i32
        %dma_start3A_24 = arith.constant 0 : i32
        %dma_start3A_25 = tpu.memref_slice %arg10[%dma_start3A, %dma_start3A_24] : memref<10016x128xf32, #tpu.memory_space<vmem_shared>> -> memref<32x128xf32, #tpu.memory_space<vmem_shared>>
        %dma_start3A_26 = arith.constant 9984 : i32
        %dma_start3A_27 = arith.constant 0 : i32
        %dma_start3A_28 = tpu.memref_slice %arg5[%dma_start3A_26, %dma_start3A_27] : memref<10016x128xf32, #tpu.memory_space<hbm>> -> memref<32x128xf32, #tpu.memory_space<hbm>>
        tpu.enqueue_dma source(%dma_start3A_28 : memref<32x128xf32, #tpu.memory_space<hbm>>) target(%dma_start3A_25 : memref<32x128xf32, #tpu.memory_space<vmem_shared>>) target_semaphore(%run_scoped3A : memref<!tpu.dma_semaphore, #tpu.memory_space<semaphore_mem>>)
        %dma_wait3A = arith.constant 9984 : i32
        %dma_wait3A_29 = arith.constant 0 : i32
        %dma_wait3A_30 = tpu.memref_slice %arg10[%dma_wait3A, %dma_wait3A_29] : memref<10016x128xf32, #tpu.memory_space<vmem_shared>> -> memref<32x128xf32, #tpu.memory_space<vmem_shared>>
        %dma_wait3A_31 = arith.constant 9984 : i32
        %dma_wait3A_32 = arith.constant 0 : i32
        %dma_wait3A_33 = tpu.memref_slice %arg5[%dma_wait3A_31, %dma_wait3A_32] : memref<10016x128xf32, #tpu.memory_space<hbm>> -> memref<32x128xf32, #tpu.memory_space<hbm>>
        tpu.wait_dma2 semaphore(%run_scoped3A : memref<!tpu.dma_semaphore, #tpu.memory_space<semaphore_mem>>) src(%dma_wait3A_33 : memref<32x128xf32, #tpu.memory_space<hbm>>) dst(%dma_wait3A_30 : memref<32x128xf32, #tpu.memory_space<vmem_shared>>)
        tpu.yield
      }) : () -> ()
    } else {
    }
    %barrier3A = arith.constant 0 : index
    tpu.barrier barrier_id(%barrier3A)
    %broadcast_in_dim3A = arith.constant 10000 : i32
    %broadcast_in_dim3A_7 = vector.broadcast %broadcast_in_dim3A : i32 to vector<16xi32>
    %scan3A = arith.constant 0 : i32
    %scan3A_8 = arith.constant 0 : i32
    %scan3A_9 = arith.constant 80 : i32
    %scan3A_10 = arith.addi %scan3A_8, %scan3A_9 : i32
    %scan3A_11 = arith.constant 1 : i32
    %scan3A_12 = scf.for %scan3A_24 = %scan3A_8 to %scan3A_10 step %scan3A_11 iter_args(%scan3A_25 = %scan3A) -> (i32)  : i32 {
      %mul3A_26 = arith.constant 80 : i32
      %mul3A_27 = arith.muli %add3A, %mul3A_26 : i32
      %add3A_28 = arith.addi %mul3A_27, %scan3A_24 : i32
      %mul3A_29 = arith.constant 4096 : i32
      %mul3A_30 = arith.muli %add3A_28, %mul3A_29 : i32
      %while3A = arith.constant 0 : i32
      %while3A_31 = arith.constant true
      %while3A_32:2 = scf.while (%while3A_34 = %while3A, %while3A_35 = %while3A_31) : (i32, i1) -> (i32, i1) {
        scf.condition(%while3A_35) %while3A_34, %while3A_35 : i32, i1
      } do {
      ^bb0(%while3A_34: i32, %while3A_35: i1):
        %mul3A_36 = arith.constant 128 : i32
        %mul3A_37 = arith.muli %while3A_34, %mul3A_36 : i32
        %add3A_38 = arith.addi %mul3A_30, %mul3A_37 : i32
        "tpu.region"() ({
          %run_scoped3A = tpu.sem_alloc : memref<!tpu.dma_semaphore, #tpu.memory_space<semaphore_mem>>
          %dma_start3A_57 = tpu.memref_slice %arg3[%add3A_38] : memref<10485760xi32, #tpu.memory_space<hbm>> -> memref<128xi32, #tpu.memory_space<hbm>>
          %dma_start3A_58 = tpu.memref_slice %arg3[%add3A_38] : memref<10485760xi32, #tpu.memory_space<hbm>> -> memref<128xi32, #tpu.memory_space<hbm>>
          tpu.enqueue_dma source(%dma_start3A_58 : memref<128xi32, #tpu.memory_space<hbm>>) target(%arg7 : memref<128xi32, #tpu.memory_space<vmem>>) target_semaphore(%run_scoped3A : memref<!tpu.dma_semaphore, #tpu.memory_space<semaphore_mem>>)
          %dma_wait3A_59 = tpu.memref_slice %arg3[%add3A_38] : memref<10485760xi32, #tpu.memory_space<hbm>> -> memref<128xi32, #tpu.memory_space<hbm>>
          %dma_wait3A_60 = tpu.memref_slice %arg3[%add3A_38] : memref<10485760xi32, #tpu.memory_space<hbm>> -> memref<128xi32, #tpu.memory_space<hbm>>
          tpu.wait_dma2 semaphore(%run_scoped3A : memref<!tpu.dma_semaphore, #tpu.memory_space<semaphore_mem>>) src(%dma_wait3A_60 : memref<128xi32, #tpu.memory_space<hbm>>) dst(%arg7 : memref<128xi32, #tpu.memory_space<vmem>>)
          tpu.yield
        }) : () -> ()
        "tpu.region"() ({
          %run_scoped3A = tpu.sem_alloc : memref<!tpu.dma_semaphore, #tpu.memory_space<semaphore_mem>>
          %dma_start3A_57 = tpu.memref_slice %arg4[%add3A_38] : memref<10485760xi32, #tpu.memory_space<hbm>> -> memref<128xi32, #tpu.memory_space<hbm>>
          %dma_start3A_58 = tpu.memref_slice %arg4[%add3A_38] : memref<10485760xi32, #tpu.memory_space<hbm>> -> memref<128xi32, #tpu.memory_space<hbm>>
          tpu.enqueue_dma source(%dma_start3A_58 : memref<128xi32, #tpu.memory_space<hbm>>) target(%arg8 : memref<128xi32, #tpu.memory_space<vmem>>) target_semaphore(%run_scoped3A : memref<!tpu.dma_semaphore, #tpu.memory_space<semaphore_mem>>)
          %dma_wait3A_59 = tpu.memref_slice %arg4[%add3A_38] : memref<10485760xi32, #tpu.memory_space<hbm>> -> memref<128xi32, #tpu.memory_space<hbm>>
          %dma_wait3A_60 = tpu.memref_slice %arg4[%add3A_38] : memref<10485760xi32, #tpu.memory_space<hbm>> -> memref<128xi32, #tpu.memory_space<hbm>>
          tpu.wait_dma2 semaphore(%run_scoped3A : memref<!tpu.dma_semaphore, #tpu.memory_space<semaphore_mem>>) src(%dma_wait3A_60 : memref<128xi32, #tpu.memory_space<hbm>>) dst(%arg8 : memref<128xi32, #tpu.memory_space<vmem>>)
          tpu.yield
        }) : () -> ()
        %dma_start3A = arith.constant 0 : i32
        %dma_start3A_39 = arith.constant 0 : i32
        %dma_start3A_40 = tpu.memref_slice %arg2[%dma_start3A, %dma_start3A_39] : memref<320000x128xf32, #tpu.memory_space<hbm>> -> memref<320000x128xf32, #tpu.memory_space<hbm>>
        tpu.enqueue_indirect_dma source(%dma_start3A_40 : memref<320000x128xf32, #tpu.memory_space<hbm>>) target(%arg9 : memref<128x128xf32, #tpu.memory_space<vmem>>) offsets(%arg7 : memref<128xi32, #tpu.memory_space<vmem>>) semaphore(%arg11 : memref<!tpu.dma_semaphore, #tpu.memory_space<semaphore_mem>>)
        %dma_wait3A = arith.constant 0 : i32
        %dma_wait3A_41 = arith.constant 0 : i32
        %dma_wait3A_42 = tpu.memref_slice %arg2[%dma_wait3A, %dma_wait3A_41] : memref<320000x128xf32, #tpu.memory_space<hbm>> -> memref<320000x128xf32, #tpu.memory_space<hbm>>
        tpu.wait_indirect_dma semaphore(%arg11 : memref<!tpu.dma_semaphore, #tpu.memory_space<semaphore_mem>>) src(%dma_wait3A_42 : memref<320000x128xf32, #tpu.memory_space<hbm>>) dst(%arg9 : memref<128x128xf32, #tpu.memory_space<vmem>>)
        "tpu.region"() ({
          %run_scoped3A = tpu.sem_alloc : memref<!tpu.dma_semaphore, #tpu.memory_space<semaphore_mem>>
          %dma_start3A_57 = arith.constant 0 : i32
          %dma_start3A_58 = arith.constant 0 : i32
          %dma_start3A_59 = tpu.memref_slice %arg10[%dma_start3A_57, %dma_start3A_58] : memref<10016x128xf32, #tpu.memory_space<vmem_shared>> -> memref<10016x128xf32, #tpu.memory_space<vmem_shared>>
          tpu.enqueue_indirect_dma source(%arg9 : memref<128x128xf32, #tpu.memory_space<vmem>>) target(%dma_start3A_59 : memref<10016x128xf32, #tpu.memory_space<vmem_shared>>) offsets(%arg8 : memref<128xi32, #tpu.memory_space<vmem>>) semaphore(%run_scoped3A : memref<!tpu.dma_semaphore, #tpu.memory_space<semaphore_mem>>) {add = true}
          %dma_wait3A_60 = arith.constant 0 : i32
          %dma_wait3A_61 = arith.constant 0 : i32
          %dma_wait3A_62 = tpu.memref_slice %arg10[%dma_wait3A_60, %dma_wait3A_61] : memref<10016x128xf32, #tpu.memory_space<vmem_shared>> -> memref<10016x128xf32, #tpu.memory_space<vmem_shared>>
          tpu.wait_indirect_dma semaphore(%run_scoped3A : memref<!tpu.dma_semaphore, #tpu.memory_space<semaphore_mem>>) src(%arg9 : memref<128x128xf32, #tpu.memory_space<vmem>>) dst(%dma_wait3A_62 : memref<10016x128xf32, #tpu.memory_space<vmem_shared>>)
          tpu.yield
        }) : () -> ()
        %delay3A = arith.constant 1024 : i32
        tpu.delay %delay3A
        %get3A = arith.constant 112 : index
        %get3A_43 = tpu.vector_load %arg8[%get3A] {strides = array<i32>} : memref<128xi32, #tpu.memory_space<vmem>>, vector<16xi32>,
        %ge3A = arith.cmpi sge, %get3A_43, %broadcast_in_dim3A_7 : vector<16xi32>
        %reduce_or3A = arith.constant 1.000000e+00 : f32
        %reduce_or3A_44 = arith.constant 0.000000e+00 : f32
        %reduce_or3A_45 = vector.broadcast %reduce_or3A : f32 to vector<16xf32>
        %reduce_or3A_46 = vector.broadcast %reduce_or3A_44 : f32 to vector<16xf32>
        %reduce_or3A_47 = arith.select %ge3A, %reduce_or3A_45, %reduce_or3A_46 : vector<16xi1>, vector<16xf32>
        %reduce_or3A_48 = arith.constant true
        %reduce_or3A_49 = vector.broadcast %reduce_or3A_48 : i1 to vector<16xi1>
        %reduce_or3A_50 = tpu.scan <max>, %reduce_or3A_47 masked %reduce_or3A_49 : vector<16xf32>, vector<16xi1> -> vector<16xf32>
        %reduce_or3A_51 = vector.extract %reduce_or3A_50[15] : f32 from vector<16xf32>
        %reduce_or3A_52 = arith.constant 0.000000e+00 : f32
        %reduce_or3A_53 = arith.cmpf ogt, %reduce_or3A_51, %reduce_or3A_52 : f32
        %not3A = arith.constant true
        %not3A_54 = arith.xori %reduce_or3A_53, %not3A : i1
        %add3A_55 = arith.constant 1 : i32
        %add3A_56 = arith.addi %while3A_34, %add3A_55 : i32
        scf.yield %add3A_56, %not3A_54 : i32, i1
      }
      %scan3A_33 = arith.constant 0 : i32
      scf.yield %scan3A_33 : i32
    }
    %scan3A_13 = arith.constant 80 : i32
    %barrier3A_14 = arith.constant 0 : index
    tpu.barrier barrier_id(%barrier3A_14)
    %lt3A = arith.constant 31 : i32
    %lt3A_15 = arith.cmpi slt, %add3A, %lt3A : i32
    %convert_element_type3A_16 = arith.extui %lt3A_15 : i1 to i32
    %cond3A_17 = arith.constant 0 : i32
    %cond3A_18 = arith.cmpi ne, %convert_element_type3A_16, %cond3A_17 : i32
    scf.if %cond3A_18 {
      %mul3A_24 = arith.constant 312 : i32
      %mul3A_25 = arith.muli %add3A, %mul3A_24 : i32
      %mul3A_26 = arith.constant 312 : i32
      %mul3A_27 = arith.muli %add3A, %mul3A_26 : i32
      "tpu.region"() ({
        %run_scoped3A = tpu.sem_alloc : memref<!tpu.dma_semaphore, #tpu.memory_space<semaphore_mem>>
        %dma_start3A = arith.constant 0 : i32
        %dma_start3A_28 = tpu.memref_slice %arg6[%mul3A_27, %dma_start3A] : memref<10000x128xf32, #tpu.memory_space<hbm>> -> memref<312x128xf32, #tpu.memory_space<hbm>>
        %dma_start3A_29 = arith.constant 0 : i32
        %dma_start3A_30 = tpu.memref_slice %arg10[%mul3A_25, %dma_start3A_29] : memref<10016x128xf32, #tpu.memory_space<vmem_shared>> -> memref<312x128xf32, #tpu.memory_space<vmem_shared>>
        tpu.enqueue_dma source(%dma_start3A_30 : memref<312x128xf32, #tpu.memory_space<vmem_shared>>) target(%dma_start3A_28 : memref<312x128xf32, #tpu.memory_space<hbm>>) target_semaphore(%run_scoped3A : memref<!tpu.dma_semaphore, #tpu.memory_space<semaphore_mem>>)
        %dma_wait3A = arith.constant 0 : i32
        %dma_wait3A_31 = tpu.memref_slice %arg6[%mul3A_27, %dma_wait3A] : memref<10000x128xf32, #tpu.memory_space<hbm>> -> memref<312x128xf32, #tpu.memory_space<hbm>>
        %dma_wait3A_32 = arith.constant 0 : i32
        %dma_wait3A_33 = tpu.memref_slice %arg10[%mul3A_25, %dma_wait3A_32] : memref<10016x128xf32, #tpu.memory_space<vmem_shared>> -> memref<312x128xf32, #tpu.memory_space<vmem_shared>>
        tpu.wait_dma2 semaphore(%run_scoped3A : memref<!tpu.dma_semaphore, #tpu.memory_space<semaphore_mem>>) src(%dma_wait3A_33 : memref<312x128xf32, #tpu.memory_space<vmem_shared>>) dst(%dma_wait3A_31 : memref<312x128xf32, #tpu.memory_space<hbm>>)
        tpu.yield
      }) : () -> ()
    } else {
    }
    %eq3A_19 = arith.constant 31 : i32
    %eq3A_20 = arith.cmpi eq, %add3A, %eq3A_19 : i32
    %convert_element_type3A_21 = arith.extui %eq3A_20 : i1 to i32
    %cond3A_22 = arith.constant 0 : i32
    %cond3A_23 = arith.cmpi ne, %convert_element_type3A_21, %cond3A_22 : i32
    scf.if %cond3A_23 {
      "tpu.region"() ({
        %run_scoped3A = tpu.sem_alloc : memref<!tpu.dma_semaphore, #tpu.memory_space<semaphore_mem>>
        %dma_start3A = arith.constant 9672 : i32
        %dma_start3A_24 = arith.constant 0 : i32
        %dma_start3A_25 = tpu.memref_slice %arg6[%dma_start3A, %dma_start3A_24] : memref<10000x128xf32, #tpu.memory_space<hbm>> -> memref<328x128xf32, #tpu.memory_space<hbm>>
        %dma_start3A_26 = arith.constant 9672 : i32
        %dma_start3A_27 = arith.constant 0 : i32
        %dma_start3A_28 = tpu.memref_slice %arg10[%dma_start3A_26, %dma_start3A_27] : memref<10016x128xf32, #tpu.memory_space<vmem_shared>> -> memref<328x128xf32, #tpu.memory_space<vmem_shared>>
        tpu.enqueue_dma source(%dma_start3A_28 : memref<328x128xf32, #tpu.memory_space<vmem_shared>>) target(%dma_start3A_25 : memref<328x128xf32, #tpu.memory_space<hbm>>) target_semaphore(%run_scoped3A : memref<!tpu.dma_semaphore, #tpu.memory_space<semaphore_mem>>)
        %dma_wait3A = arith.constant 9672 : i32
        %dma_wait3A_29 = arith.constant 0 : i32
        %dma_wait3A_30 = tpu.memref_slice %arg6[%dma_wait3A, %dma_wait3A_29] : memref<10000x128xf32, #tpu.memory_space<hbm>> -> memref<328x128xf32, #tpu.memory_space<hbm>>
        %dma_wait3A_31 = arith.constant 9672 : i32
        %dma_wait3A_32 = arith.constant 0 : i32
        %dma_wait3A_33 = tpu.memref_slice %arg10[%dma_wait3A_31, %dma_wait3A_32] : memref<10016x128xf32, #tpu.memory_space<vmem_shared>> -> memref<328x128xf32, #tpu.memory_space<vmem_shared>>
        tpu.wait_dma2 semaphore(%run_scoped3A : memref<!tpu.dma_semaphore, #tpu.memory_space<semaphore_mem>>) src(%dma_wait3A_33 : memref<328x128xf32, #tpu.memory_space<vmem_shared>>) dst(%dma_wait3A_30 : memref<328x128xf32, #tpu.memory_space<hbm>>)
        tpu.yield
      }) : () -> ()
    } else {
    }
    return
  }
}

module attributes {stable_mosaic.version = 14 : i64} {
  func.func @body(%arg0: i32, %arg1: memref<1000x128xf32, #tpu.memory_space<vmem>>, %arg2: memref<128x128xf32, #tpu.memory_space<vmem>>, %arg3: memref<1x128xf32, #tpu.memory_space<vmem>>, %arg4: memref<128x128xf32, #tpu.memory_space<vmem>>, %arg5: memref<1x128xf32, #tpu.memory_space<vmem>>, %arg6: memref<128x128xf32, #tpu.memory_space<vmem>>, %arg7: memref<1x128xf32, #tpu.memory_space<vmem>>, %arg8: memref<128x128xf32, #tpu.memory_space<vmem>>, %arg9: memref<1x128xf32, #tpu.memory_space<vmem>>, %arg10: memref<1x128xf32, #tpu.memory_space<vmem>>, %arg11: memref<1x128xf32, #tpu.memory_space<vmem>>, %arg12: memref<1000x128xf32, #tpu.memory_space<vmem>>) attributes {dimension_semantics = [#tpu.dimension_semantics<arbitrary>], iteration_bounds = array<i64: 10>, scalar_prefetch = 0 : i64, scratch_operands = 0 : i64, tpu.core_type = #tpu.core_type<tc>, window_params = [{transform_indices = @transform_0, window_bounds = array<i64: 1000, 128>}, {pipeline_mode = #tpu.pipeline_mode<synchronous>, transform_indices = @transform_1, window_bounds = array<i64: 128, 128>}, {pipeline_mode = #tpu.pipeline_mode<synchronous>, transform_indices = @transform_2, window_bounds = array<i64: 1, 128>}, {pipeline_mode = #tpu.pipeline_mode<synchronous>, transform_indices = @transform_3, window_bounds = array<i64: 128, 128>}, {pipeline_mode = #tpu.pipeline_mode<synchronous>, transform_indices = @transform_4, window_bounds = array<i64: 1, 128>}, {pipeline_mode = #tpu.pipeline_mode<synchronous>, transform_indices = @transform_5, window_bounds = array<i64: 128, 128>}, {pipeline_mode = #tpu.pipeline_mode<synchronous>, transform_indices = @transform_6, window_bounds = array<i64: 1, 128>}, {pipeline_mode = #tpu.pipeline_mode<synchronous>, transform_indices = @transform_7, window_bounds = array<i64: 128, 128>}, {pipeline_mode = #tpu.pipeline_mode<synchronous>, transform_indices = @transform_8, window_bounds = array<i64: 1, 128>}, {pipeline_mode = #tpu.pipeline_mode<synchronous>, transform_indices = @transform_9, window_bounds = array<i64: 1, 128>}, {pipeline_mode = #tpu.pipeline_mode<synchronous>, transform_indices = @transform_10, window_bounds = array<i64: 1, 128>}, {transform_indices = @transform_11, window_bounds = array<i64: 1000, 128>}]} {
    %get3A = arith.constant 0 : index
    %get3A_0 = arith.constant 0 : index
    %get3A_1 = vector.load %arg1[%get3A, %get3A_0] : memref<1000x128xf32, #tpu.memory_space<vmem>>, vector<1000x128xf32>
    %get3A_2 = arith.constant 0 : index
    %get3A_3 = arith.constant 0 : index
    %get3A_4 = vector.load %arg2[%get3A_2, %get3A_3] : memref<128x128xf32, #tpu.memory_space<vmem>>, vector<128x128xf32>
    %dot_general3A = arith.constant dense<0.000000e+00> : vector<1000x128xf32>
    %dot_general3A_5 = tpu.matmul %get3A_1, %get3A_4, %dot_general3A {dimension_numbers = #tpu.dot_dimension_numbers<[1], [0], [0], [1], [0, 0, 1, 1], [], []>, transpose_lhs_hint = false} : vector<1000x128xf32>, vector<128x128xf32>, vector<1000x128xf32> -> vector<1000x128xf32>
    %get3A_6 = arith.constant 0 : index
    %get3A_7 = arith.constant 0 : index
    %get3A_8 = vector.load %arg3[%get3A_6, %get3A_7] : memref<1x128xf32, #tpu.memory_space<vmem>>, vector<1x128xf32>
    %add3A = vector.broadcast %get3A_8 : vector<1x128xf32> to vector<1000x128xf32>
    %add3A_9 = arith.addf %dot_general3A_5, %add3A : vector<1000x128xf32>
    %max3A = arith.constant 0.000000e+00 : f32
    %max3A_10 = vector.broadcast %max3A : f32 to vector<1000x128xf32>
    %max3A_11 = arith.maximumf %add3A_9, %max3A_10 : vector<1000x128xf32>
    %get3A_12 = arith.constant 0 : index
    %get3A_13 = arith.constant 0 : index
    %get3A_14 = vector.load %arg4[%get3A_12, %get3A_13] : memref<128x128xf32, #tpu.memory_space<vmem>>, vector<128x128xf32>
    %get3A_15 = arith.constant 0 : index
    %get3A_16 = arith.constant 0 : index
    %get3A_17 = vector.load %arg5[%get3A_15, %get3A_16] : memref<1x128xf32, #tpu.memory_space<vmem>>, vector<1x128xf32>
    %dot_general3A_18 = arith.constant dense<0.000000e+00> : vector<1000x128xf32>
    %dot_general3A_19 = tpu.matmul %max3A_11, %get3A_14, %dot_general3A_18 {dimension_numbers = #tpu.dot_dimension_numbers<[1], [0], [0], [1], [0, 0, 1, 1], [], []>, transpose_lhs_hint = false} : vector<1000x128xf32>, vector<128x128xf32>, vector<1000x128xf32> -> vector<1000x128xf32>
    %add3A_20 = vector.broadcast %get3A_17 : vector<1x128xf32> to vector<1000x128xf32>
    %add3A_21 = arith.addf %dot_general3A_19, %add3A_20 : vector<1000x128xf32>
    %max3A_22 = arith.constant 0.000000e+00 : f32
    %max3A_23 = vector.broadcast %max3A_22 : f32 to vector<1000x128xf32>
    %max3A_24 = arith.maximumf %add3A_21, %max3A_23 : vector<1000x128xf32>
    %get3A_25 = arith.constant 0 : index
    %get3A_26 = arith.constant 0 : index
    %get3A_27 = vector.load %arg6[%get3A_25, %get3A_26] : memref<128x128xf32, #tpu.memory_space<vmem>>, vector<128x128xf32>
    %get3A_28 = arith.constant 0 : index
    %get3A_29 = arith.constant 0 : index
    %get3A_30 = vector.load %arg7[%get3A_28, %get3A_29] : memref<1x128xf32, #tpu.memory_space<vmem>>, vector<1x128xf32>
    %dot_general3A_31 = arith.constant dense<0.000000e+00> : vector<1000x128xf32>
    %dot_general3A_32 = tpu.matmul %max3A_24, %get3A_27, %dot_general3A_31 {dimension_numbers = #tpu.dot_dimension_numbers<[1], [0], [0], [1], [0, 0, 1, 1], [], []>, transpose_lhs_hint = false} : vector<1000x128xf32>, vector<128x128xf32>, vector<1000x128xf32> -> vector<1000x128xf32>
    %add3A_33 = vector.broadcast %get3A_30 : vector<1x128xf32> to vector<1000x128xf32>
    %add3A_34 = arith.addf %dot_general3A_32, %add3A_33 : vector<1000x128xf32>
    %max3A_35 = arith.constant 0.000000e+00 : f32
    %max3A_36 = vector.broadcast %max3A_35 : f32 to vector<1000x128xf32>
    %max3A_37 = arith.maximumf %add3A_34, %max3A_36 : vector<1000x128xf32>
    %get3A_38 = arith.constant 0 : index
    %get3A_39 = arith.constant 0 : index
    %get3A_40 = vector.load %arg8[%get3A_38, %get3A_39] : memref<128x128xf32, #tpu.memory_space<vmem>>, vector<128x128xf32>
    %get3A_41 = arith.constant 0 : index
    %get3A_42 = arith.constant 0 : index
    %get3A_43 = vector.load %arg9[%get3A_41, %get3A_42] : memref<1x128xf32, #tpu.memory_space<vmem>>, vector<1x128xf32>
    %dot_general3A_44 = arith.constant dense<0.000000e+00> : vector<1000x128xf32>
    %dot_general3A_45 = tpu.matmul %max3A_37, %get3A_40, %dot_general3A_44 {dimension_numbers = #tpu.dot_dimension_numbers<[1], [0], [0], [1], [0, 0, 1, 1], [], []>, transpose_lhs_hint = false} : vector<1000x128xf32>, vector<128x128xf32>, vector<1000x128xf32> -> vector<1000x128xf32>
    %add3A_46 = vector.broadcast %get3A_43 : vector<1x128xf32> to vector<1000x128xf32>
    %add3A_47 = arith.addf %dot_general3A_45, %add3A_46 : vector<1000x128xf32>
    %get3A_48 = arith.constant 0 : index
    %get3A_49 = arith.constant 0 : index
    %get3A_50 = vector.load %arg10[%get3A_48, %get3A_49] : memref<1x128xf32, #tpu.memory_space<vmem>>, vector<1x128xf32>
    %get3A_51 = arith.constant 0 : index
    %get3A_52 = arith.constant 0 : index
    %get3A_53 = vector.load %arg11[%get3A_51, %get3A_52] : memref<1x128xf32, #tpu.memory_space<vmem>>, vector<1x128xf32>
    %slice3A = vector.extract_strided_slice %add3A_47 {offsets = [0, 0], sizes = [1000, 8], strides = [1, 1]} : vector<1000x128xf32> to vector<1000x8xf32>
    %slice3A_54 = vector.extract_strided_slice %add3A_47 {offsets = [0, 8], sizes = [1000, 8], strides = [1, 1]} : vector<1000x128xf32> to vector<1000x8xf32>
    %add3A_55 = arith.addf %slice3A, %slice3A_54 : vector<1000x8xf32>
    %slice3A_56 = vector.extract_strided_slice %add3A_47 {offsets = [0, 16], sizes = [1000, 8], strides = [1, 1]} : vector<1000x128xf32> to vector<1000x8xf32>
    %add3A_57 = arith.addf %add3A_55, %slice3A_56 : vector<1000x8xf32>
    %slice3A_58 = vector.extract_strided_slice %add3A_47 {offsets = [0, 24], sizes = [1000, 8], strides = [1, 1]} : vector<1000x128xf32> to vector<1000x8xf32>
    %add3A_59 = arith.addf %add3A_57, %slice3A_58 : vector<1000x8xf32>
    %slice3A_60 = vector.extract_strided_slice %add3A_47 {offsets = [0, 32], sizes = [1000, 8], strides = [1, 1]} : vector<1000x128xf32> to vector<1000x8xf32>
    %add3A_61 = arith.addf %add3A_59, %slice3A_60 : vector<1000x8xf32>
    %slice3A_62 = vector.extract_strided_slice %add3A_47 {offsets = [0, 40], sizes = [1000, 8], strides = [1, 1]} : vector<1000x128xf32> to vector<1000x8xf32>
    %add3A_63 = arith.addf %add3A_61, %slice3A_62 : vector<1000x8xf32>
    %slice3A_64 = vector.extract_strided_slice %add3A_47 {offsets = [0, 48], sizes = [1000, 8], strides = [1, 1]} : vector<1000x128xf32> to vector<1000x8xf32>
    %add3A_65 = arith.addf %add3A_63, %slice3A_64 : vector<1000x8xf32>
    %slice3A_66 = vector.extract_strided_slice %add3A_47 {offsets = [0, 56], sizes = [1000, 8], strides = [1, 1]} : vector<1000x128xf32> to vector<1000x8xf32>
    %add3A_67 = arith.addf %add3A_65, %slice3A_66 : vector<1000x8xf32>
    %slice3A_68 = vector.extract_strided_slice %add3A_47 {offsets = [0, 64], sizes = [1000, 8], strides = [1, 1]} : vector<1000x128xf32> to vector<1000x8xf32>
    %add3A_69 = arith.addf %add3A_67, %slice3A_68 : vector<1000x8xf32>
    %slice3A_70 = vector.extract_strided_slice %add3A_47 {offsets = [0, 72], sizes = [1000, 8], strides = [1, 1]} : vector<1000x128xf32> to vector<1000x8xf32>
    %add3A_71 = arith.addf %add3A_69, %slice3A_70 : vector<1000x8xf32>
    %slice3A_72 = vector.extract_strided_slice %add3A_47 {offsets = [0, 80], sizes = [1000, 8], strides = [1, 1]} : vector<1000x128xf32> to vector<1000x8xf32>
    %add3A_73 = arith.addf %add3A_71, %slice3A_72 : vector<1000x8xf32>
    %slice3A_74 = vector.extract_strided_slice %add3A_47 {offsets = [0, 88], sizes = [1000, 8], strides = [1, 1]} : vector<1000x128xf32> to vector<1000x8xf32>
    %add3A_75 = arith.addf %add3A_73, %slice3A_74 : vector<1000x8xf32>
    %slice3A_76 = vector.extract_strided_slice %add3A_47 {offsets = [0, 96], sizes = [1000, 8], strides = [1, 1]} : vector<1000x128xf32> to vector<1000x8xf32>
    %add3A_77 = arith.addf %add3A_75, %slice3A_76 : vector<1000x8xf32>
    %slice3A_78 = vector.extract_strided_slice %add3A_47 {offsets = [0, 104], sizes = [1000, 8], strides = [1, 1]} : vector<1000x128xf32> to vector<1000x8xf32>
    %add3A_79 = arith.addf %add3A_77, %slice3A_78 : vector<1000x8xf32>
    %slice3A_80 = vector.extract_strided_slice %add3A_47 {offsets = [0, 112], sizes = [1000, 8], strides = [1, 1]} : vector<1000x128xf32> to vector<1000x8xf32>
    %add3A_81 = arith.addf %add3A_79, %slice3A_80 : vector<1000x8xf32>
    %slice3A_82 = vector.extract_strided_slice %add3A_47 {offsets = [0, 120], sizes = [1000, 8], strides = [1, 1]} : vector<1000x128xf32> to vector<1000x8xf32>
    %add3A_83 = arith.addf %add3A_81, %slice3A_82 : vector<1000x8xf32>
    %slice3A_84 = vector.extract_strided_slice %add3A_83 {offsets = [0, 0], sizes = [1000, 4], strides = [1, 1]} : vector<1000x8xf32> to vector<1000x4xf32>
    %slice3A_85 = vector.extract_strided_slice %add3A_83 {offsets = [0, 4], sizes = [1000, 4], strides = [1, 1]} : vector<1000x8xf32> to vector<1000x4xf32>
    %add3A_86 = arith.addf %slice3A_84, %slice3A_85 : vector<1000x4xf32>
    %slice3A_87 = vector.extract_strided_slice %add3A_86 {offsets = [0, 0], sizes = [1000, 2], strides = [1, 1]} : vector<1000x4xf32> to vector<1000x2xf32>
    %slice3A_88 = vector.extract_strided_slice %add3A_86 {offsets = [0, 2], sizes = [1000, 2], strides = [1, 1]} : vector<1000x4xf32> to vector<1000x2xf32>
    %add3A_89 = arith.addf %slice3A_87, %slice3A_88 : vector<1000x2xf32>
    %slice3A_90 = vector.extract_strided_slice %add3A_89 {offsets = [0, 0], sizes = [1000, 1], strides = [1, 1]} : vector<1000x2xf32> to vector<1000x1xf32>
    %slice3A_91 = vector.extract_strided_slice %add3A_89 {offsets = [0, 1], sizes = [1000, 1], strides = [1, 1]} : vector<1000x2xf32> to vector<1000x1xf32>
    %add3A_92 = arith.addf %slice3A_90, %slice3A_91 : vector<1000x1xf32>
    %mul3A = arith.constant 7.812500e-03 : f32
    %mul3A_93 = vector.broadcast %mul3A : f32 to vector<1000x1xf32>
    %mul3A_94 = arith.mulf %add3A_92, %mul3A_93 : vector<1000x1xf32>
    %sub3A = vector.broadcast %mul3A_94 : vector<1000x1xf32> to vector<1000x128xf32>
    %sub3A_95 = arith.subf %add3A_47, %sub3A : vector<1000x128xf32>
    %mul3A_96 = arith.mulf %sub3A_95, %sub3A_95 : vector<1000x128xf32>
    %slice3A_97 = vector.extract_strided_slice %mul3A_96 {offsets = [0, 0], sizes = [1000, 8], strides = [1, 1]} : vector<1000x128xf32> to vector<1000x8xf32>
    %slice3A_98 = vector.extract_strided_slice %mul3A_96 {offsets = [0, 8], sizes = [1000, 8], strides = [1, 1]} : vector<1000x128xf32> to vector<1000x8xf32>
    %add3A_99 = arith.addf %slice3A_97, %slice3A_98 : vector<1000x8xf32>
    %slice3A_100 = vector.extract_strided_slice %mul3A_96 {offsets = [0, 16], sizes = [1000, 8], strides = [1, 1]} : vector<1000x128xf32> to vector<1000x8xf32>
    %add3A_101 = arith.addf %add3A_99, %slice3A_100 : vector<1000x8xf32>
    %slice3A_102 = vector.extract_strided_slice %mul3A_96 {offsets = [0, 24], sizes = [1000, 8], strides = [1, 1]} : vector<1000x128xf32> to vector<1000x8xf32>
    %add3A_103 = arith.addf %add3A_101, %slice3A_102 : vector<1000x8xf32>
    %slice3A_104 = vector.extract_strided_slice %mul3A_96 {offsets = [0, 32], sizes = [1000, 8], strides = [1, 1]} : vector<1000x128xf32> to vector<1000x8xf32>
    %add3A_105 = arith.addf %add3A_103, %slice3A_104 : vector<1000x8xf32>
    %slice3A_106 = vector.extract_strided_slice %mul3A_96 {offsets = [0, 40], sizes = [1000, 8], strides = [1, 1]} : vector<1000x128xf32> to vector<1000x8xf32>
    %add3A_107 = arith.addf %add3A_105, %slice3A_106 : vector<1000x8xf32>
    %slice3A_108 = vector.extract_strided_slice %mul3A_96 {offsets = [0, 48], sizes = [1000, 8], strides = [1, 1]} : vector<1000x128xf32> to vector<1000x8xf32>
    %add3A_109 = arith.addf %add3A_107, %slice3A_108 : vector<1000x8xf32>
    %slice3A_110 = vector.extract_strided_slice %mul3A_96 {offsets = [0, 56], sizes = [1000, 8], strides = [1, 1]} : vector<1000x128xf32> to vector<1000x8xf32>
    %add3A_111 = arith.addf %add3A_109, %slice3A_110 : vector<1000x8xf32>
    %slice3A_112 = vector.extract_strided_slice %mul3A_96 {offsets = [0, 64], sizes = [1000, 8], strides = [1, 1]} : vector<1000x128xf32> to vector<1000x8xf32>
    %add3A_113 = arith.addf %add3A_111, %slice3A_112 : vector<1000x8xf32>
    %slice3A_114 = vector.extract_strided_slice %mul3A_96 {offsets = [0, 72], sizes = [1000, 8], strides = [1, 1]} : vector<1000x128xf32> to vector<1000x8xf32>
    %add3A_115 = arith.addf %add3A_113, %slice3A_114 : vector<1000x8xf32>
    %slice3A_116 = vector.extract_strided_slice %mul3A_96 {offsets = [0, 80], sizes = [1000, 8], strides = [1, 1]} : vector<1000x128xf32> to vector<1000x8xf32>
    %add3A_117 = arith.addf %add3A_115, %slice3A_116 : vector<1000x8xf32>
    %slice3A_118 = vector.extract_strided_slice %mul3A_96 {offsets = [0, 88], sizes = [1000, 8], strides = [1, 1]} : vector<1000x128xf32> to vector<1000x8xf32>
    %add3A_119 = arith.addf %add3A_117, %slice3A_118 : vector<1000x8xf32>
    %slice3A_120 = vector.extract_strided_slice %mul3A_96 {offsets = [0, 96], sizes = [1000, 8], strides = [1, 1]} : vector<1000x128xf32> to vector<1000x8xf32>
    %add3A_121 = arith.addf %add3A_119, %slice3A_120 : vector<1000x8xf32>
    %slice3A_122 = vector.extract_strided_slice %mul3A_96 {offsets = [0, 104], sizes = [1000, 8], strides = [1, 1]} : vector<1000x128xf32> to vector<1000x8xf32>
    %add3A_123 = arith.addf %add3A_121, %slice3A_122 : vector<1000x8xf32>
    %slice3A_124 = vector.extract_strided_slice %mul3A_96 {offsets = [0, 112], sizes = [1000, 8], strides = [1, 1]} : vector<1000x128xf32> to vector<1000x8xf32>
    %add3A_125 = arith.addf %add3A_123, %slice3A_124 : vector<1000x8xf32>
    %slice3A_126 = vector.extract_strided_slice %mul3A_96 {offsets = [0, 120], sizes = [1000, 8], strides = [1, 1]} : vector<1000x128xf32> to vector<1000x8xf32>
    %add3A_127 = arith.addf %add3A_125, %slice3A_126 : vector<1000x8xf32>
    %slice3A_128 = vector.extract_strided_slice %add3A_127 {offsets = [0, 0], sizes = [1000, 4], strides = [1, 1]} : vector<1000x8xf32> to vector<1000x4xf32>
    %slice3A_129 = vector.extract_strided_slice %add3A_127 {offsets = [0, 4], sizes = [1000, 4], strides = [1, 1]} : vector<1000x8xf32> to vector<1000x4xf32>
    %add3A_130 = arith.addf %slice3A_128, %slice3A_129 : vector<1000x4xf32>
    %slice3A_131 = vector.extract_strided_slice %add3A_130 {offsets = [0, 0], sizes = [1000, 2], strides = [1, 1]} : vector<1000x4xf32> to vector<1000x2xf32>
    %slice3A_132 = vector.extract_strided_slice %add3A_130 {offsets = [0, 2], sizes = [1000, 2], strides = [1, 1]} : vector<1000x4xf32> to vector<1000x2xf32>
    %add3A_133 = arith.addf %slice3A_131, %slice3A_132 : vector<1000x2xf32>
    %slice3A_134 = vector.extract_strided_slice %add3A_133 {offsets = [0, 0], sizes = [1000, 1], strides = [1, 1]} : vector<1000x2xf32> to vector<1000x1xf32>
    %slice3A_135 = vector.extract_strided_slice %add3A_133 {offsets = [0, 1], sizes = [1000, 1], strides = [1, 1]} : vector<1000x2xf32> to vector<1000x1xf32>
    %add3A_136 = arith.addf %slice3A_134, %slice3A_135 : vector<1000x1xf32>
    %mul3A_137 = arith.constant 7.812500e-03 : f32
    %mul3A_138 = vector.broadcast %mul3A_137 : f32 to vector<1000x1xf32>
    %mul3A_139 = arith.mulf %add3A_136, %mul3A_138 : vector<1000x1xf32>
    %add3A_140 = arith.constant 9.99999974E-6 : f32
    %add3A_141 = vector.broadcast %add3A_140 : f32 to vector<1000x1xf32>
    %add3A_142 = arith.addf %mul3A_139, %add3A_141 : vector<1000x1xf32>
    %sqrt3A = math.sqrt %add3A_142 : vector<1000x1xf32>
    %div3A = vector.broadcast %sqrt3A : vector<1000x1xf32> to vector<1000x128xf32>
    %div3A_143 = arith.divf %sub3A_95, %div3A : vector<1000x128xf32>
    %mul3A_144 = vector.broadcast %get3A_50 : vector<1x128xf32> to vector<1000x128xf32>
    %mul3A_145 = arith.mulf %div3A_143, %mul3A_144 : vector<1000x128xf32>
    %add3A_146 = vector.broadcast %get3A_53 : vector<1x128xf32> to vector<1000x128xf32>
    %add3A_147 = arith.addf %mul3A_145, %add3A_146 : vector<1000x128xf32>
    %swap3A = arith.constant 0 : index
    %swap3A_148 = arith.constant 0 : index
    %swap3A_149 = vector.load %arg12[%swap3A, %swap3A_148] : memref<1000x128xf32, #tpu.memory_space<vmem>>, vector<1000x128xf32>
    tpu.vector_store %arg12[%swap3A, %swap3A_148], %add3A_147 {strides = array<i32>} : memref<1000x128xf32, #tpu.memory_space<vmem>>, vector<1000x128xf32>,
    return
  }
  func.func @transform_0(%arg0: i32) -> (i32, i32) {
    %c0_i32 = arith.constant 0 : i32
    %c0_i32_0 = arith.constant 0 : i32
    return %arg0, %c0_i32 : i32, i32
  }
  func.func @transform_1(%arg0: i32) -> (i32, i32) {
    %c0_i32 = arith.constant 0 : i32
    %c0_i32_0 = arith.constant 0 : i32
    %c0_i32_1 = arith.constant 0 : i32
    return %c0_i32, %c0_i32_0 : i32, i32
  }
  func.func @transform_2(%arg0: i32) -> (i32, i32) {
    %c0_i32 = arith.constant 0 : i32
    %c0_i32_0 = arith.constant 0 : i32
    %c0_i32_1 = arith.constant 0 : i32
    return %c0_i32, %c0_i32_0 : i32, i32
  }
  func.func @transform_3(%arg0: i32) -> (i32, i32) {
    %c0_i32 = arith.constant 0 : i32
    %c0_i32_0 = arith.constant 0 : i32
    %c0_i32_1 = arith.constant 0 : i32
    return %c0_i32, %c0_i32_0 : i32, i32
  }
  func.func @transform_4(%arg0: i32) -> (i32, i32) {
    %c0_i32 = arith.constant 0 : i32
    %c0_i32_0 = arith.constant 0 : i32
    %c0_i32_1 = arith.constant 0 : i32
    return %c0_i32, %c0_i32_0 : i32, i32
  }
  func.func @transform_5(%arg0: i32) -> (i32, i32) {
    %c0_i32 = arith.constant 0 : i32
    %c0_i32_0 = arith.constant 0 : i32
    %c0_i32_1 = arith.constant 0 : i32
    return %c0_i32, %c0_i32_0 : i32, i32
  }
  func.func @transform_6(%arg0: i32) -> (i32, i32) {
    %c0_i32 = arith.constant 0 : i32
    %c0_i32_0 = arith.constant 0 : i32
    %c0_i32_1 = arith.constant 0 : i32
    return %c0_i32, %c0_i32_0 : i32, i32
  }
  func.func @transform_7(%arg0: i32) -> (i32, i32) {
    %c0_i32 = arith.constant 0 : i32
    %c0_i32_0 = arith.constant 0 : i32
    %c0_i32_1 = arith.constant 0 : i32
    return %c0_i32, %c0_i32_0 : i32, i32
  }
  func.func @transform_8(%arg0: i32) -> (i32, i32) {
    %c0_i32 = arith.constant 0 : i32
    %c0_i32_0 = arith.constant 0 : i32
    %c0_i32_1 = arith.constant 0 : i32
    return %c0_i32, %c0_i32_0 : i32, i32
  }
  func.func @transform_9(%arg0: i32) -> (i32, i32) {
    %c0_i32 = arith.constant 0 : i32
    %c0_i32_0 = arith.constant 0 : i32
    %c0_i32_1 = arith.constant 0 : i32
    return %c0_i32, %c0_i32_0 : i32, i32
  }
  func.func @transform_10(%arg0: i32) -> (i32, i32) {
    %c0_i32 = arith.constant 0 : i32
    %c0_i32_0 = arith.constant 0 : i32
    %c0_i32_1 = arith.constant 0 : i32
    return %c0_i32, %c0_i32_0 : i32, i32
  }
  func.func @transform_11(%arg0: i32) -> (i32, i32) {
    %c0_i32 = arith.constant 0 : i32
    %c0_i32_0 = arith.constant 0 : i32
    return %arg0, %c0_i32 : i32, i32
  }
}

module attributes {stable_mosaic.version = 14 : i64} {
  func.func @body(%arg0: i32, %arg1: memref<2000x128xf32, #tpu.memory_space<vmem>>, %arg2: memref<128x128xf32, #tpu.memory_space<vmem>>, %arg3: memref<1x128xf32, #tpu.memory_space<vmem>>, %arg4: memref<128x128xf32, #tpu.memory_space<vmem>>, %arg5: memref<1x128xf32, #tpu.memory_space<vmem>>, %arg6: memref<128x128xf32, #tpu.memory_space<vmem>>, %arg7: memref<1x128xf32, #tpu.memory_space<vmem>>, %arg8: memref<128x128xf32, #tpu.memory_space<vmem>>, %arg9: memref<1x128xf32, #tpu.memory_space<vmem>>, %arg10: memref<1x128xf32, #tpu.memory_space<vmem>>, %arg11: memref<1x128xf32, #tpu.memory_space<vmem>>, %arg12: memref<2000x128xf32, #tpu.memory_space<vmem>>) attributes {dimension_semantics = [#tpu.dimension_semantics<arbitrary>], iteration_bounds = array<i64: 160>, scalar_prefetch = 0 : i64, scratch_operands = 0 : i64, tpu.core_type = #tpu.core_type<tc>, window_params = [{transform_indices = @transform_0, window_bounds = array<i64: 2000, 128>}, {pipeline_mode = #tpu.pipeline_mode<synchronous>, transform_indices = @transform_1, window_bounds = array<i64: 128, 128>}, {pipeline_mode = #tpu.pipeline_mode<synchronous>, transform_indices = @transform_2, window_bounds = array<i64: 1, 128>}, {pipeline_mode = #tpu.pipeline_mode<synchronous>, transform_indices = @transform_3, window_bounds = array<i64: 128, 128>}, {pipeline_mode = #tpu.pipeline_mode<synchronous>, transform_indices = @transform_4, window_bounds = array<i64: 1, 128>}, {pipeline_mode = #tpu.pipeline_mode<synchronous>, transform_indices = @transform_5, window_bounds = array<i64: 128, 128>}, {pipeline_mode = #tpu.pipeline_mode<synchronous>, transform_indices = @transform_6, window_bounds = array<i64: 1, 128>}, {pipeline_mode = #tpu.pipeline_mode<synchronous>, transform_indices = @transform_7, window_bounds = array<i64: 128, 128>}, {pipeline_mode = #tpu.pipeline_mode<synchronous>, transform_indices = @transform_8, window_bounds = array<i64: 1, 128>}, {pipeline_mode = #tpu.pipeline_mode<synchronous>, transform_indices = @transform_9, window_bounds = array<i64: 1, 128>}, {pipeline_mode = #tpu.pipeline_mode<synchronous>, transform_indices = @transform_10, window_bounds = array<i64: 1, 128>}, {transform_indices = @transform_11, window_bounds = array<i64: 2000, 128>}]} {
    %get3A = arith.constant 0 : index
    %get3A_0 = arith.constant 0 : index
    %get3A_1 = vector.load %arg1[%get3A, %get3A_0] : memref<2000x128xf32, #tpu.memory_space<vmem>>, vector<2000x128xf32>
    %get3A_2 = arith.constant 0 : index
    %get3A_3 = arith.constant 0 : index
    %get3A_4 = vector.load %arg2[%get3A_2, %get3A_3] : memref<128x128xf32, #tpu.memory_space<vmem>>, vector<128x128xf32>
    %dot_general3A = arith.constant dense<0.000000e+00> : vector<2000x128xf32>
    %dot_general3A_5 = tpu.matmul %get3A_1, %get3A_4, %dot_general3A {dimension_numbers = #tpu.dot_dimension_numbers<[1], [0], [0], [1], [0, 0, 1, 1], [], []>, transpose_lhs_hint = false} : vector<2000x128xf32>, vector<128x128xf32>, vector<2000x128xf32> -> vector<2000x128xf32>
    %get3A_6 = arith.constant 0 : index
    %get3A_7 = arith.constant 0 : index
    %get3A_8 = vector.load %arg3[%get3A_6, %get3A_7] : memref<1x128xf32, #tpu.memory_space<vmem>>, vector<1x128xf32>
    %add3A = vector.broadcast %get3A_8 : vector<1x128xf32> to vector<2000x128xf32>
    %add3A_9 = arith.addf %dot_general3A_5, %add3A : vector<2000x128xf32>
    %max3A = arith.constant 0.000000e+00 : f32
    %max3A_10 = vector.broadcast %max3A : f32 to vector<2000x128xf32>
    %max3A_11 = arith.maximumf %add3A_9, %max3A_10 : vector<2000x128xf32>
    %get3A_12 = arith.constant 0 : index
    %get3A_13 = arith.constant 0 : index
    %get3A_14 = vector.load %arg4[%get3A_12, %get3A_13] : memref<128x128xf32, #tpu.memory_space<vmem>>, vector<128x128xf32>
    %get3A_15 = arith.constant 0 : index
    %get3A_16 = arith.constant 0 : index
    %get3A_17 = vector.load %arg5[%get3A_15, %get3A_16] : memref<1x128xf32, #tpu.memory_space<vmem>>, vector<1x128xf32>
    %dot_general3A_18 = arith.constant dense<0.000000e+00> : vector<2000x128xf32>
    %dot_general3A_19 = tpu.matmul %max3A_11, %get3A_14, %dot_general3A_18 {dimension_numbers = #tpu.dot_dimension_numbers<[1], [0], [0], [1], [0, 0, 1, 1], [], []>, transpose_lhs_hint = false} : vector<2000x128xf32>, vector<128x128xf32>, vector<2000x128xf32> -> vector<2000x128xf32>
    %add3A_20 = vector.broadcast %get3A_17 : vector<1x128xf32> to vector<2000x128xf32>
    %add3A_21 = arith.addf %dot_general3A_19, %add3A_20 : vector<2000x128xf32>
    %max3A_22 = arith.constant 0.000000e+00 : f32
    %max3A_23 = vector.broadcast %max3A_22 : f32 to vector<2000x128xf32>
    %max3A_24 = arith.maximumf %add3A_21, %max3A_23 : vector<2000x128xf32>
    %get3A_25 = arith.constant 0 : index
    %get3A_26 = arith.constant 0 : index
    %get3A_27 = vector.load %arg6[%get3A_25, %get3A_26] : memref<128x128xf32, #tpu.memory_space<vmem>>, vector<128x128xf32>
    %get3A_28 = arith.constant 0 : index
    %get3A_29 = arith.constant 0 : index
    %get3A_30 = vector.load %arg7[%get3A_28, %get3A_29] : memref<1x128xf32, #tpu.memory_space<vmem>>, vector<1x128xf32>
    %dot_general3A_31 = arith.constant dense<0.000000e+00> : vector<2000x128xf32>
    %dot_general3A_32 = tpu.matmul %max3A_24, %get3A_27, %dot_general3A_31 {dimension_numbers = #tpu.dot_dimension_numbers<[1], [0], [0], [1], [0, 0, 1, 1], [], []>, transpose_lhs_hint = false} : vector<2000x128xf32>, vector<128x128xf32>, vector<2000x128xf32> -> vector<2000x128xf32>
    %add3A_33 = vector.broadcast %get3A_30 : vector<1x128xf32> to vector<2000x128xf32>
    %add3A_34 = arith.addf %dot_general3A_32, %add3A_33 : vector<2000x128xf32>
    %max3A_35 = arith.constant 0.000000e+00 : f32
    %max3A_36 = vector.broadcast %max3A_35 : f32 to vector<2000x128xf32>
    %max3A_37 = arith.maximumf %add3A_34, %max3A_36 : vector<2000x128xf32>
    %get3A_38 = arith.constant 0 : index
    %get3A_39 = arith.constant 0 : index
    %get3A_40 = vector.load %arg8[%get3A_38, %get3A_39] : memref<128x128xf32, #tpu.memory_space<vmem>>, vector<128x128xf32>
    %get3A_41 = arith.constant 0 : index
    %get3A_42 = arith.constant 0 : index
    %get3A_43 = vector.load %arg9[%get3A_41, %get3A_42] : memref<1x128xf32, #tpu.memory_space<vmem>>, vector<1x128xf32>
    %dot_general3A_44 = arith.constant dense<0.000000e+00> : vector<2000x128xf32>
    %dot_general3A_45 = tpu.matmul %max3A_37, %get3A_40, %dot_general3A_44 {dimension_numbers = #tpu.dot_dimension_numbers<[1], [0], [0], [1], [0, 0, 1, 1], [], []>, transpose_lhs_hint = false} : vector<2000x128xf32>, vector<128x128xf32>, vector<2000x128xf32> -> vector<2000x128xf32>
    %add3A_46 = vector.broadcast %get3A_43 : vector<1x128xf32> to vector<2000x128xf32>
    %add3A_47 = arith.addf %dot_general3A_45, %add3A_46 : vector<2000x128xf32>
    %get3A_48 = arith.constant 0 : index
    %get3A_49 = arith.constant 0 : index
    %get3A_50 = vector.load %arg10[%get3A_48, %get3A_49] : memref<1x128xf32, #tpu.memory_space<vmem>>, vector<1x128xf32>
    %get3A_51 = arith.constant 0 : index
    %get3A_52 = arith.constant 0 : index
    %get3A_53 = vector.load %arg11[%get3A_51, %get3A_52] : memref<1x128xf32, #tpu.memory_space<vmem>>, vector<1x128xf32>
    %slice3A = vector.extract_strided_slice %add3A_47 {offsets = [0, 0], sizes = [2000, 8], strides = [1, 1]} : vector<2000x128xf32> to vector<2000x8xf32>
    %slice3A_54 = vector.extract_strided_slice %add3A_47 {offsets = [0, 8], sizes = [2000, 8], strides = [1, 1]} : vector<2000x128xf32> to vector<2000x8xf32>
    %add3A_55 = arith.addf %slice3A, %slice3A_54 : vector<2000x8xf32>
    %slice3A_56 = vector.extract_strided_slice %add3A_47 {offsets = [0, 16], sizes = [2000, 8], strides = [1, 1]} : vector<2000x128xf32> to vector<2000x8xf32>
    %add3A_57 = arith.addf %add3A_55, %slice3A_56 : vector<2000x8xf32>
    %slice3A_58 = vector.extract_strided_slice %add3A_47 {offsets = [0, 24], sizes = [2000, 8], strides = [1, 1]} : vector<2000x128xf32> to vector<2000x8xf32>
    %add3A_59 = arith.addf %add3A_57, %slice3A_58 : vector<2000x8xf32>
    %slice3A_60 = vector.extract_strided_slice %add3A_47 {offsets = [0, 32], sizes = [2000, 8], strides = [1, 1]} : vector<2000x128xf32> to vector<2000x8xf32>
    %add3A_61 = arith.addf %add3A_59, %slice3A_60 : vector<2000x8xf32>
    %slice3A_62 = vector.extract_strided_slice %add3A_47 {offsets = [0, 40], sizes = [2000, 8], strides = [1, 1]} : vector<2000x128xf32> to vector<2000x8xf32>
    %add3A_63 = arith.addf %add3A_61, %slice3A_62 : vector<2000x8xf32>
    %slice3A_64 = vector.extract_strided_slice %add3A_47 {offsets = [0, 48], sizes = [2000, 8], strides = [1, 1]} : vector<2000x128xf32> to vector<2000x8xf32>
    %add3A_65 = arith.addf %add3A_63, %slice3A_64 : vector<2000x8xf32>
    %slice3A_66 = vector.extract_strided_slice %add3A_47 {offsets = [0, 56], sizes = [2000, 8], strides = [1, 1]} : vector<2000x128xf32> to vector<2000x8xf32>
    %add3A_67 = arith.addf %add3A_65, %slice3A_66 : vector<2000x8xf32>
    %slice3A_68 = vector.extract_strided_slice %add3A_47 {offsets = [0, 64], sizes = [2000, 8], strides = [1, 1]} : vector<2000x128xf32> to vector<2000x8xf32>
    %add3A_69 = arith.addf %add3A_67, %slice3A_68 : vector<2000x8xf32>
    %slice3A_70 = vector.extract_strided_slice %add3A_47 {offsets = [0, 72], sizes = [2000, 8], strides = [1, 1]} : vector<2000x128xf32> to vector<2000x8xf32>
    %add3A_71 = arith.addf %add3A_69, %slice3A_70 : vector<2000x8xf32>
    %slice3A_72 = vector.extract_strided_slice %add3A_47 {offsets = [0, 80], sizes = [2000, 8], strides = [1, 1]} : vector<2000x128xf32> to vector<2000x8xf32>
    %add3A_73 = arith.addf %add3A_71, %slice3A_72 : vector<2000x8xf32>
    %slice3A_74 = vector.extract_strided_slice %add3A_47 {offsets = [0, 88], sizes = [2000, 8], strides = [1, 1]} : vector<2000x128xf32> to vector<2000x8xf32>
    %add3A_75 = arith.addf %add3A_73, %slice3A_74 : vector<2000x8xf32>
    %slice3A_76 = vector.extract_strided_slice %add3A_47 {offsets = [0, 96], sizes = [2000, 8], strides = [1, 1]} : vector<2000x128xf32> to vector<2000x8xf32>
    %add3A_77 = arith.addf %add3A_75, %slice3A_76 : vector<2000x8xf32>
    %slice3A_78 = vector.extract_strided_slice %add3A_47 {offsets = [0, 104], sizes = [2000, 8], strides = [1, 1]} : vector<2000x128xf32> to vector<2000x8xf32>
    %add3A_79 = arith.addf %add3A_77, %slice3A_78 : vector<2000x8xf32>
    %slice3A_80 = vector.extract_strided_slice %add3A_47 {offsets = [0, 112], sizes = [2000, 8], strides = [1, 1]} : vector<2000x128xf32> to vector<2000x8xf32>
    %add3A_81 = arith.addf %add3A_79, %slice3A_80 : vector<2000x8xf32>
    %slice3A_82 = vector.extract_strided_slice %add3A_47 {offsets = [0, 120], sizes = [2000, 8], strides = [1, 1]} : vector<2000x128xf32> to vector<2000x8xf32>
    %add3A_83 = arith.addf %add3A_81, %slice3A_82 : vector<2000x8xf32>
    %slice3A_84 = vector.extract_strided_slice %add3A_83 {offsets = [0, 0], sizes = [2000, 4], strides = [1, 1]} : vector<2000x8xf32> to vector<2000x4xf32>
    %slice3A_85 = vector.extract_strided_slice %add3A_83 {offsets = [0, 4], sizes = [2000, 4], strides = [1, 1]} : vector<2000x8xf32> to vector<2000x4xf32>
    %add3A_86 = arith.addf %slice3A_84, %slice3A_85 : vector<2000x4xf32>
    %slice3A_87 = vector.extract_strided_slice %add3A_86 {offsets = [0, 0], sizes = [2000, 2], strides = [1, 1]} : vector<2000x4xf32> to vector<2000x2xf32>
    %slice3A_88 = vector.extract_strided_slice %add3A_86 {offsets = [0, 2], sizes = [2000, 2], strides = [1, 1]} : vector<2000x4xf32> to vector<2000x2xf32>
    %add3A_89 = arith.addf %slice3A_87, %slice3A_88 : vector<2000x2xf32>
    %slice3A_90 = vector.extract_strided_slice %add3A_89 {offsets = [0, 0], sizes = [2000, 1], strides = [1, 1]} : vector<2000x2xf32> to vector<2000x1xf32>
    %slice3A_91 = vector.extract_strided_slice %add3A_89 {offsets = [0, 1], sizes = [2000, 1], strides = [1, 1]} : vector<2000x2xf32> to vector<2000x1xf32>
    %add3A_92 = arith.addf %slice3A_90, %slice3A_91 : vector<2000x1xf32>
    %mul3A = arith.constant 7.812500e-03 : f32
    %mul3A_93 = vector.broadcast %mul3A : f32 to vector<2000x1xf32>
    %mul3A_94 = arith.mulf %add3A_92, %mul3A_93 : vector<2000x1xf32>
    %sub3A = vector.broadcast %mul3A_94 : vector<2000x1xf32> to vector<2000x128xf32>
    %sub3A_95 = arith.subf %add3A_47, %sub3A : vector<2000x128xf32>
    %mul3A_96 = arith.mulf %sub3A_95, %sub3A_95 : vector<2000x128xf32>
    %slice3A_97 = vector.extract_strided_slice %mul3A_96 {offsets = [0, 0], sizes = [2000, 8], strides = [1, 1]} : vector<2000x128xf32> to vector<2000x8xf32>
    %slice3A_98 = vector.extract_strided_slice %mul3A_96 {offsets = [0, 8], sizes = [2000, 8], strides = [1, 1]} : vector<2000x128xf32> to vector<2000x8xf32>
    %add3A_99 = arith.addf %slice3A_97, %slice3A_98 : vector<2000x8xf32>
    %slice3A_100 = vector.extract_strided_slice %mul3A_96 {offsets = [0, 16], sizes = [2000, 8], strides = [1, 1]} : vector<2000x128xf32> to vector<2000x8xf32>
    %add3A_101 = arith.addf %add3A_99, %slice3A_100 : vector<2000x8xf32>
    %slice3A_102 = vector.extract_strided_slice %mul3A_96 {offsets = [0, 24], sizes = [2000, 8], strides = [1, 1]} : vector<2000x128xf32> to vector<2000x8xf32>
    %add3A_103 = arith.addf %add3A_101, %slice3A_102 : vector<2000x8xf32>
    %slice3A_104 = vector.extract_strided_slice %mul3A_96 {offsets = [0, 32], sizes = [2000, 8], strides = [1, 1]} : vector<2000x128xf32> to vector<2000x8xf32>
    %add3A_105 = arith.addf %add3A_103, %slice3A_104 : vector<2000x8xf32>
    %slice3A_106 = vector.extract_strided_slice %mul3A_96 {offsets = [0, 40], sizes = [2000, 8], strides = [1, 1]} : vector<2000x128xf32> to vector<2000x8xf32>
    %add3A_107 = arith.addf %add3A_105, %slice3A_106 : vector<2000x8xf32>
    %slice3A_108 = vector.extract_strided_slice %mul3A_96 {offsets = [0, 48], sizes = [2000, 8], strides = [1, 1]} : vector<2000x128xf32> to vector<2000x8xf32>
    %add3A_109 = arith.addf %add3A_107, %slice3A_108 : vector<2000x8xf32>
    %slice3A_110 = vector.extract_strided_slice %mul3A_96 {offsets = [0, 56], sizes = [2000, 8], strides = [1, 1]} : vector<2000x128xf32> to vector<2000x8xf32>
    %add3A_111 = arith.addf %add3A_109, %slice3A_110 : vector<2000x8xf32>
    %slice3A_112 = vector.extract_strided_slice %mul3A_96 {offsets = [0, 64], sizes = [2000, 8], strides = [1, 1]} : vector<2000x128xf32> to vector<2000x8xf32>
    %add3A_113 = arith.addf %add3A_111, %slice3A_112 : vector<2000x8xf32>
    %slice3A_114 = vector.extract_strided_slice %mul3A_96 {offsets = [0, 72], sizes = [2000, 8], strides = [1, 1]} : vector<2000x128xf32> to vector<2000x8xf32>
    %add3A_115 = arith.addf %add3A_113, %slice3A_114 : vector<2000x8xf32>
    %slice3A_116 = vector.extract_strided_slice %mul3A_96 {offsets = [0, 80], sizes = [2000, 8], strides = [1, 1]} : vector<2000x128xf32> to vector<2000x8xf32>
    %add3A_117 = arith.addf %add3A_115, %slice3A_116 : vector<2000x8xf32>
    %slice3A_118 = vector.extract_strided_slice %mul3A_96 {offsets = [0, 88], sizes = [2000, 8], strides = [1, 1]} : vector<2000x128xf32> to vector<2000x8xf32>
    %add3A_119 = arith.addf %add3A_117, %slice3A_118 : vector<2000x8xf32>
    %slice3A_120 = vector.extract_strided_slice %mul3A_96 {offsets = [0, 96], sizes = [2000, 8], strides = [1, 1]} : vector<2000x128xf32> to vector<2000x8xf32>
    %add3A_121 = arith.addf %add3A_119, %slice3A_120 : vector<2000x8xf32>
    %slice3A_122 = vector.extract_strided_slice %mul3A_96 {offsets = [0, 104], sizes = [2000, 8], strides = [1, 1]} : vector<2000x128xf32> to vector<2000x8xf32>
    %add3A_123 = arith.addf %add3A_121, %slice3A_122 : vector<2000x8xf32>
    %slice3A_124 = vector.extract_strided_slice %mul3A_96 {offsets = [0, 112], sizes = [2000, 8], strides = [1, 1]} : vector<2000x128xf32> to vector<2000x8xf32>
    %add3A_125 = arith.addf %add3A_123, %slice3A_124 : vector<2000x8xf32>
    %slice3A_126 = vector.extract_strided_slice %mul3A_96 {offsets = [0, 120], sizes = [2000, 8], strides = [1, 1]} : vector<2000x128xf32> to vector<2000x8xf32>
    %add3A_127 = arith.addf %add3A_125, %slice3A_126 : vector<2000x8xf32>
    %slice3A_128 = vector.extract_strided_slice %add3A_127 {offsets = [0, 0], sizes = [2000, 4], strides = [1, 1]} : vector<2000x8xf32> to vector<2000x4xf32>
    %slice3A_129 = vector.extract_strided_slice %add3A_127 {offsets = [0, 4], sizes = [2000, 4], strides = [1, 1]} : vector<2000x8xf32> to vector<2000x4xf32>
    %add3A_130 = arith.addf %slice3A_128, %slice3A_129 : vector<2000x4xf32>
    %slice3A_131 = vector.extract_strided_slice %add3A_130 {offsets = [0, 0], sizes = [2000, 2], strides = [1, 1]} : vector<2000x4xf32> to vector<2000x2xf32>
    %slice3A_132 = vector.extract_strided_slice %add3A_130 {offsets = [0, 2], sizes = [2000, 2], strides = [1, 1]} : vector<2000x4xf32> to vector<2000x2xf32>
    %add3A_133 = arith.addf %slice3A_131, %slice3A_132 : vector<2000x2xf32>
    %slice3A_134 = vector.extract_strided_slice %add3A_133 {offsets = [0, 0], sizes = [2000, 1], strides = [1, 1]} : vector<2000x2xf32> to vector<2000x1xf32>
    %slice3A_135 = vector.extract_strided_slice %add3A_133 {offsets = [0, 1], sizes = [2000, 1], strides = [1, 1]} : vector<2000x2xf32> to vector<2000x1xf32>
    %add3A_136 = arith.addf %slice3A_134, %slice3A_135 : vector<2000x1xf32>
    %mul3A_137 = arith.constant 7.812500e-03 : f32
    %mul3A_138 = vector.broadcast %mul3A_137 : f32 to vector<2000x1xf32>
    %mul3A_139 = arith.mulf %add3A_136, %mul3A_138 : vector<2000x1xf32>
    %add3A_140 = arith.constant 9.99999974E-6 : f32
    %add3A_141 = vector.broadcast %add3A_140 : f32 to vector<2000x1xf32>
    %add3A_142 = arith.addf %mul3A_139, %add3A_141 : vector<2000x1xf32>
    %sqrt3A = math.sqrt %add3A_142 : vector<2000x1xf32>
    %div3A = vector.broadcast %sqrt3A : vector<2000x1xf32> to vector<2000x128xf32>
    %div3A_143 = arith.divf %sub3A_95, %div3A : vector<2000x128xf32>
    %mul3A_144 = vector.broadcast %get3A_50 : vector<1x128xf32> to vector<2000x128xf32>
    %mul3A_145 = arith.mulf %div3A_143, %mul3A_144 : vector<2000x128xf32>
    %add3A_146 = vector.broadcast %get3A_53 : vector<1x128xf32> to vector<2000x128xf32>
    %add3A_147 = arith.addf %mul3A_145, %add3A_146 : vector<2000x128xf32>
    %swap3A = arith.constant 0 : index
    %swap3A_148 = arith.constant 0 : index
    %swap3A_149 = vector.load %arg12[%swap3A, %swap3A_148] : memref<2000x128xf32, #tpu.memory_space<vmem>>, vector<2000x128xf32>
    tpu.vector_store %arg12[%swap3A, %swap3A_148], %add3A_147 {strides = array<i32>} : memref<2000x128xf32, #tpu.memory_space<vmem>>, vector<2000x128xf32>,
    return
  }
  func.func @transform_0(%arg0: i32) -> (i32, i32) {
    %c0_i32 = arith.constant 0 : i32
    %c0_i32_0 = arith.constant 0 : i32
    return %arg0, %c0_i32 : i32, i32
  }
  func.func @transform_1(%arg0: i32) -> (i32, i32) {
    %c0_i32 = arith.constant 0 : i32
    %c0_i32_0 = arith.constant 0 : i32
    %c0_i32_1 = arith.constant 0 : i32
    return %c0_i32, %c0_i32_0 : i32, i32
  }
  func.func @transform_2(%arg0: i32) -> (i32, i32) {
    %c0_i32 = arith.constant 0 : i32
    %c0_i32_0 = arith.constant 0 : i32
    %c0_i32_1 = arith.constant 0 : i32
    return %c0_i32, %c0_i32_0 : i32, i32
  }
  func.func @transform_3(%arg0: i32) -> (i32, i32) {
    %c0_i32 = arith.constant 0 : i32
    %c0_i32_0 = arith.constant 0 : i32
    %c0_i32_1 = arith.constant 0 : i32
    return %c0_i32, %c0_i32_0 : i32, i32
  }
  func.func @transform_4(%arg0: i32) -> (i32, i32) {
    %c0_i32 = arith.constant 0 : i32
    %c0_i32_0 = arith.constant 0 : i32
    %c0_i32_1 = arith.constant 0 : i32
    return %c0_i32, %c0_i32_0 : i32, i32
  }
  func.func @transform_5(%arg0: i32) -> (i32, i32) {
    %c0_i32 = arith.constant 0 : i32
    %c0_i32_0 = arith.constant 0 : i32
    %c0_i32_1 = arith.constant 0 : i32
    return %c0_i32, %c0_i32_0 : i32, i32
  }
  func.func @transform_6(%arg0: i32) -> (i32, i32) {
    %c0_i32 = arith.constant 0 : i32
    %c0_i32_0 = arith.constant 0 : i32
    %c0_i32_1 = arith.constant 0 : i32
    return %c0_i32, %c0_i32_0 : i32, i32
  }
  func.func @transform_7(%arg0: i32) -> (i32, i32) {
    %c0_i32 = arith.constant 0 : i32
    %c0_i32_0 = arith.constant 0 : i32
    %c0_i32_1 = arith.constant 0 : i32
    return %c0_i32, %c0_i32_0 : i32, i32
  }
  func.func @transform_8(%arg0: i32) -> (i32, i32) {
    %c0_i32 = arith.constant 0 : i32
    %c0_i32_0 = arith.constant 0 : i32
    %c0_i32_1 = arith.constant 0 : i32
    return %c0_i32, %c0_i32_0 : i32, i32
  }
  func.func @transform_9(%arg0: i32) -> (i32, i32) {
    %c0_i32 = arith.constant 0 : i32
    %c0_i32_0 = arith.constant 0 : i32
    %c0_i32_1 = arith.constant 0 : i32
    return %c0_i32, %c0_i32_0 : i32, i32
  }
  func.func @transform_10(%arg0: i32) -> (i32, i32) {
    %c0_i32 = arith.constant 0 : i32
    %c0_i32_0 = arith.constant 0 : i32
    %c0_i32_1 = arith.constant 0 : i32
    return %c0_i32, %c0_i32_0 : i32, i32
  }
  func.func @transform_11(%arg0: i32) -> (i32, i32) {
    %c0_i32 = arith.constant 0 : i32
    %c0_i32_0 = arith.constant 0 : i32
    return %arg0, %c0_i32 : i32, i32
  }
}

module attributes {stable_mosaic.version = 14 : i64} {
  func.func @body(%arg0: i32, %arg1: memref<2000x128xf32, #tpu.memory_space<vmem>>, %arg2: memref<2000x128xf32, #tpu.memory_space<vmem>>, %arg3: memref<2000x128xf32, #tpu.memory_space<vmem>>, %arg4: memref<384x128xf32, #tpu.memory_space<vmem>>, %arg5: memref<1x128xf32, #tpu.memory_space<vmem>>, %arg6: memref<128x128xf32, #tpu.memory_space<vmem>>, %arg7: memref<1x128xf32, #tpu.memory_space<vmem>>, %arg8: memref<128x128xf32, #tpu.memory_space<vmem>>, %arg9: memref<1x128xf32, #tpu.memory_space<vmem>>, %arg10: memref<128x128xf32, #tpu.memory_space<vmem>>, %arg11: memref<1x128xf32, #tpu.memory_space<vmem>>, %arg12: memref<1x128xf32, #tpu.memory_space<vmem>>, %arg13: memref<1x128xf32, #tpu.memory_space<vmem>>, %arg14: memref<2000x128xf32, #tpu.memory_space<vmem>>) attributes {dimension_semantics = [#tpu.dimension_semantics<arbitrary>], iteration_bounds = array<i64: 160>, scalar_prefetch = 0 : i64, scratch_operands = 0 : i64, tpu.core_type = #tpu.core_type<tc>, window_params = [{transform_indices = @transform_0, window_bounds = array<i64: 2000, 128>}, {transform_indices = @transform_1, window_bounds = array<i64: 2000, 128>}, {transform_indices = @transform_2, window_bounds = array<i64: 2000, 128>}, {pipeline_mode = #tpu.pipeline_mode<synchronous>, transform_indices = @transform_3, window_bounds = array<i64: 384, 128>}, {pipeline_mode = #tpu.pipeline_mode<synchronous>, transform_indices = @transform_4, window_bounds = array<i64: 1, 128>}, {pipeline_mode = #tpu.pipeline_mode<synchronous>, transform_indices = @transform_5, window_bounds = array<i64: 128, 128>}, {pipeline_mode = #tpu.pipeline_mode<synchronous>, transform_indices = @transform_6, window_bounds = array<i64: 1, 128>}, {pipeline_mode = #tpu.pipeline_mode<synchronous>, transform_indices = @transform_7, window_bounds = array<i64: 128, 128>}, {pipeline_mode = #tpu.pipeline_mode<synchronous>, transform_indices = @transform_8, window_bounds = array<i64: 1, 128>}, {pipeline_mode = #tpu.pipeline_mode<synchronous>, transform_indices = @transform_9, window_bounds = array<i64: 128, 128>}, {pipeline_mode = #tpu.pipeline_mode<synchronous>, transform_indices = @transform_10, window_bounds = array<i64: 1, 128>}, {pipeline_mode = #tpu.pipeline_mode<synchronous>, transform_indices = @transform_11, window_bounds = array<i64: 1, 128>}, {pipeline_mode = #tpu.pipeline_mode<synchronous>, transform_indices = @transform_12, window_bounds = array<i64: 1, 128>}, {transform_indices = @transform_13, window_bounds = array<i64: 2000, 128>}]} {
    %get3A = arith.constant 0 : index
    %get3A_0 = arith.constant 0 : index
    %get3A_1 = vector.load %arg1[%get3A, %get3A_0] : memref<2000x128xf32, #tpu.memory_space<vmem>>, vector<2000x128xf32>
    %get3A_2 = arith.constant 0 : index
    %get3A_3 = arith.constant 0 : index
    %get3A_4 = vector.load %arg2[%get3A_2, %get3A_3] : memref<2000x128xf32, #tpu.memory_space<vmem>>, vector<2000x128xf32>
    %get3A_5 = arith.constant 0 : index
    %get3A_6 = arith.constant 0 : index
    %get3A_7 = vector.load %arg3[%get3A_5, %get3A_6] : memref<2000x128xf32, #tpu.memory_space<vmem>>, vector<2000x128xf32>
    %concatenate3A = tpu.concatenate %get3A_1, %get3A_4, %get3A_7 in 1 : vector<2000x128xf32>, vector<2000x128xf32>, vector<2000x128xf32> -> vector<2000x384xf32>
    %get3A_8 = arith.constant 0 : index
    %get3A_9 = arith.constant 0 : index
    %get3A_10 = vector.load %arg4[%get3A_8, %get3A_9] : memref<384x128xf32, #tpu.memory_space<vmem>>, vector<384x128xf32>
    %dot_general3A = arith.constant dense<0.000000e+00> : vector<2000x128xf32>
    %dot_general3A_11 = tpu.matmul %concatenate3A, %get3A_10, %dot_general3A {dimension_numbers = #tpu.dot_dimension_numbers<[1], [0], [0], [1], [0, 0, 1, 1], [], []>, transpose_lhs_hint = false} : vector<2000x384xf32>, vector<384x128xf32>, vector<2000x128xf32> -> vector<2000x128xf32>
    %get3A_12 = arith.constant 0 : index
    %get3A_13 = arith.constant 0 : index
    %get3A_14 = vector.load %arg5[%get3A_12, %get3A_13] : memref<1x128xf32, #tpu.memory_space<vmem>>, vector<1x128xf32>
    %add3A = vector.broadcast %get3A_14 : vector<1x128xf32> to vector<2000x128xf32>
    %add3A_15 = arith.addf %dot_general3A_11, %add3A : vector<2000x128xf32>
    %max3A = arith.constant 0.000000e+00 : f32
    %max3A_16 = vector.broadcast %max3A : f32 to vector<2000x128xf32>
    %max3A_17 = arith.maximumf %add3A_15, %max3A_16 : vector<2000x128xf32>
    %get3A_18 = arith.constant 0 : index
    %get3A_19 = arith.constant 0 : index
    %get3A_20 = vector.load %arg6[%get3A_18, %get3A_19] : memref<128x128xf32, #tpu.memory_space<vmem>>, vector<128x128xf32>
    %get3A_21 = arith.constant 0 : index
    %get3A_22 = arith.constant 0 : index
    %get3A_23 = vector.load %arg7[%get3A_21, %get3A_22] : memref<1x128xf32, #tpu.memory_space<vmem>>, vector<1x128xf32>
    %dot_general3A_24 = arith.constant dense<0.000000e+00> : vector<2000x128xf32>
    %dot_general3A_25 = tpu.matmul %max3A_17, %get3A_20, %dot_general3A_24 {dimension_numbers = #tpu.dot_dimension_numbers<[1], [0], [0], [1], [0, 0, 1, 1], [], []>, transpose_lhs_hint = false} : vector<2000x128xf32>, vector<128x128xf32>, vector<2000x128xf32> -> vector<2000x128xf32>
    %add3A_26 = vector.broadcast %get3A_23 : vector<1x128xf32> to vector<2000x128xf32>
    %add3A_27 = arith.addf %dot_general3A_25, %add3A_26 : vector<2000x128xf32>
    %max3A_28 = arith.constant 0.000000e+00 : f32
    %max3A_29 = vector.broadcast %max3A_28 : f32 to vector<2000x128xf32>
    %max3A_30 = arith.maximumf %add3A_27, %max3A_29 : vector<2000x128xf32>
    %get3A_31 = arith.constant 0 : index
    %get3A_32 = arith.constant 0 : index
    %get3A_33 = vector.load %arg8[%get3A_31, %get3A_32] : memref<128x128xf32, #tpu.memory_space<vmem>>, vector<128x128xf32>
    %get3A_34 = arith.constant 0 : index
    %get3A_35 = arith.constant 0 : index
    %get3A_36 = vector.load %arg9[%get3A_34, %get3A_35] : memref<1x128xf32, #tpu.memory_space<vmem>>, vector<1x128xf32>
    %dot_general3A_37 = arith.constant dense<0.000000e+00> : vector<2000x128xf32>
    %dot_general3A_38 = tpu.matmul %max3A_30, %get3A_33, %dot_general3A_37 {dimension_numbers = #tpu.dot_dimension_numbers<[1], [0], [0], [1], [0, 0, 1, 1], [], []>, transpose_lhs_hint = false} : vector<2000x128xf32>, vector<128x128xf32>, vector<2000x128xf32> -> vector<2000x128xf32>
    %add3A_39 = vector.broadcast %get3A_36 : vector<1x128xf32> to vector<2000x128xf32>
    %add3A_40 = arith.addf %dot_general3A_38, %add3A_39 : vector<2000x128xf32>
    %max3A_41 = arith.constant 0.000000e+00 : f32
    %max3A_42 = vector.broadcast %max3A_41 : f32 to vector<2000x128xf32>
    %max3A_43 = arith.maximumf %add3A_40, %max3A_42 : vector<2000x128xf32>
    %get3A_44 = arith.constant 0 : index
    %get3A_45 = arith.constant 0 : index
    %get3A_46 = vector.load %arg10[%get3A_44, %get3A_45] : memref<128x128xf32, #tpu.memory_space<vmem>>, vector<128x128xf32>
    %get3A_47 = arith.constant 0 : index
    %get3A_48 = arith.constant 0 : index
    %get3A_49 = vector.load %arg11[%get3A_47, %get3A_48] : memref<1x128xf32, #tpu.memory_space<vmem>>, vector<1x128xf32>
    %dot_general3A_50 = arith.constant dense<0.000000e+00> : vector<2000x128xf32>
    %dot_general3A_51 = tpu.matmul %max3A_43, %get3A_46, %dot_general3A_50 {dimension_numbers = #tpu.dot_dimension_numbers<[1], [0], [0], [1], [0, 0, 1, 1], [], []>, transpose_lhs_hint = false} : vector<2000x128xf32>, vector<128x128xf32>, vector<2000x128xf32> -> vector<2000x128xf32>
    %add3A_52 = vector.broadcast %get3A_49 : vector<1x128xf32> to vector<2000x128xf32>
    %add3A_53 = arith.addf %dot_general3A_51, %add3A_52 : vector<2000x128xf32>
    %get3A_54 = arith.constant 0 : index
    %get3A_55 = arith.constant 0 : index
    %get3A_56 = vector.load %arg12[%get3A_54, %get3A_55] : memref<1x128xf32, #tpu.memory_space<vmem>>, vector<1x128xf32>
    %get3A_57 = arith.constant 0 : index
    %get3A_58 = arith.constant 0 : index
    %get3A_59 = vector.load %arg13[%get3A_57, %get3A_58] : memref<1x128xf32, #tpu.memory_space<vmem>>, vector<1x128xf32>
    %slice3A = vector.extract_strided_slice %add3A_53 {offsets = [0, 0], sizes = [2000, 8], strides = [1, 1]} : vector<2000x128xf32> to vector<2000x8xf32>
    %slice3A_60 = vector.extract_strided_slice %add3A_53 {offsets = [0, 8], sizes = [2000, 8], strides = [1, 1]} : vector<2000x128xf32> to vector<2000x8xf32>
    %add3A_61 = arith.addf %slice3A, %slice3A_60 : vector<2000x8xf32>
    %slice3A_62 = vector.extract_strided_slice %add3A_53 {offsets = [0, 16], sizes = [2000, 8], strides = [1, 1]} : vector<2000x128xf32> to vector<2000x8xf32>
    %add3A_63 = arith.addf %add3A_61, %slice3A_62 : vector<2000x8xf32>
    %slice3A_64 = vector.extract_strided_slice %add3A_53 {offsets = [0, 24], sizes = [2000, 8], strides = [1, 1]} : vector<2000x128xf32> to vector<2000x8xf32>
    %add3A_65 = arith.addf %add3A_63, %slice3A_64 : vector<2000x8xf32>
    %slice3A_66 = vector.extract_strided_slice %add3A_53 {offsets = [0, 32], sizes = [2000, 8], strides = [1, 1]} : vector<2000x128xf32> to vector<2000x8xf32>
    %add3A_67 = arith.addf %add3A_65, %slice3A_66 : vector<2000x8xf32>
    %slice3A_68 = vector.extract_strided_slice %add3A_53 {offsets = [0, 40], sizes = [2000, 8], strides = [1, 1]} : vector<2000x128xf32> to vector<2000x8xf32>
    %add3A_69 = arith.addf %add3A_67, %slice3A_68 : vector<2000x8xf32>
    %slice3A_70 = vector.extract_strided_slice %add3A_53 {offsets = [0, 48], sizes = [2000, 8], strides = [1, 1]} : vector<2000x128xf32> to vector<2000x8xf32>
    %add3A_71 = arith.addf %add3A_69, %slice3A_70 : vector<2000x8xf32>
    %slice3A_72 = vector.extract_strided_slice %add3A_53 {offsets = [0, 56], sizes = [2000, 8], strides = [1, 1]} : vector<2000x128xf32> to vector<2000x8xf32>
    %add3A_73 = arith.addf %add3A_71, %slice3A_72 : vector<2000x8xf32>
    %slice3A_74 = vector.extract_strided_slice %add3A_53 {offsets = [0, 64], sizes = [2000, 8], strides = [1, 1]} : vector<2000x128xf32> to vector<2000x8xf32>
    %add3A_75 = arith.addf %add3A_73, %slice3A_74 : vector<2000x8xf32>
    %slice3A_76 = vector.extract_strided_slice %add3A_53 {offsets = [0, 72], sizes = [2000, 8], strides = [1, 1]} : vector<2000x128xf32> to vector<2000x8xf32>
    %add3A_77 = arith.addf %add3A_75, %slice3A_76 : vector<2000x8xf32>
    %slice3A_78 = vector.extract_strided_slice %add3A_53 {offsets = [0, 80], sizes = [2000, 8], strides = [1, 1]} : vector<2000x128xf32> to vector<2000x8xf32>
    %add3A_79 = arith.addf %add3A_77, %slice3A_78 : vector<2000x8xf32>
    %slice3A_80 = vector.extract_strided_slice %add3A_53 {offsets = [0, 88], sizes = [2000, 8], strides = [1, 1]} : vector<2000x128xf32> to vector<2000x8xf32>
    %add3A_81 = arith.addf %add3A_79, %slice3A_80 : vector<2000x8xf32>
    %slice3A_82 = vector.extract_strided_slice %add3A_53 {offsets = [0, 96], sizes = [2000, 8], strides = [1, 1]} : vector<2000x128xf32> to vector<2000x8xf32>
    %add3A_83 = arith.addf %add3A_81, %slice3A_82 : vector<2000x8xf32>
    %slice3A_84 = vector.extract_strided_slice %add3A_53 {offsets = [0, 104], sizes = [2000, 8], strides = [1, 1]} : vector<2000x128xf32> to vector<2000x8xf32>
    %add3A_85 = arith.addf %add3A_83, %slice3A_84 : vector<2000x8xf32>
    %slice3A_86 = vector.extract_strided_slice %add3A_53 {offsets = [0, 112], sizes = [2000, 8], strides = [1, 1]} : vector<2000x128xf32> to vector<2000x8xf32>
    %add3A_87 = arith.addf %add3A_85, %slice3A_86 : vector<2000x8xf32>
    %slice3A_88 = vector.extract_strided_slice %add3A_53 {offsets = [0, 120], sizes = [2000, 8], strides = [1, 1]} : vector<2000x128xf32> to vector<2000x8xf32>
    %add3A_89 = arith.addf %add3A_87, %slice3A_88 : vector<2000x8xf32>
    %slice3A_90 = vector.extract_strided_slice %add3A_89 {offsets = [0, 0], sizes = [2000, 4], strides = [1, 1]} : vector<2000x8xf32> to vector<2000x4xf32>
    %slice3A_91 = vector.extract_strided_slice %add3A_89 {offsets = [0, 4], sizes = [2000, 4], strides = [1, 1]} : vector<2000x8xf32> to vector<2000x4xf32>
    %add3A_92 = arith.addf %slice3A_90, %slice3A_91 : vector<2000x4xf32>
    %slice3A_93 = vector.extract_strided_slice %add3A_92 {offsets = [0, 0], sizes = [2000, 2], strides = [1, 1]} : vector<2000x4xf32> to vector<2000x2xf32>
    %slice3A_94 = vector.extract_strided_slice %add3A_92 {offsets = [0, 2], sizes = [2000, 2], strides = [1, 1]} : vector<2000x4xf32> to vector<2000x2xf32>
    %add3A_95 = arith.addf %slice3A_93, %slice3A_94 : vector<2000x2xf32>
    %slice3A_96 = vector.extract_strided_slice %add3A_95 {offsets = [0, 0], sizes = [2000, 1], strides = [1, 1]} : vector<2000x2xf32> to vector<2000x1xf32>
    %slice3A_97 = vector.extract_strided_slice %add3A_95 {offsets = [0, 1], sizes = [2000, 1], strides = [1, 1]} : vector<2000x2xf32> to vector<2000x1xf32>
    %add3A_98 = arith.addf %slice3A_96, %slice3A_97 : vector<2000x1xf32>
    %mul3A = arith.constant 7.812500e-03 : f32
    %mul3A_99 = vector.broadcast %mul3A : f32 to vector<2000x1xf32>
    %mul3A_100 = arith.mulf %add3A_98, %mul3A_99 : vector<2000x1xf32>
    %sub3A = vector.broadcast %mul3A_100 : vector<2000x1xf32> to vector<2000x128xf32>
    %sub3A_101 = arith.subf %add3A_53, %sub3A : vector<2000x128xf32>
    %mul3A_102 = arith.mulf %sub3A_101, %sub3A_101 : vector<2000x128xf32>
    %slice3A_103 = vector.extract_strided_slice %mul3A_102 {offsets = [0, 0], sizes = [2000, 8], strides = [1, 1]} : vector<2000x128xf32> to vector<2000x8xf32>
    %slice3A_104 = vector.extract_strided_slice %mul3A_102 {offsets = [0, 8], sizes = [2000, 8], strides = [1, 1]} : vector<2000x128xf32> to vector<2000x8xf32>
    %add3A_105 = arith.addf %slice3A_103, %slice3A_104 : vector<2000x8xf32>
    %slice3A_106 = vector.extract_strided_slice %mul3A_102 {offsets = [0, 16], sizes = [2000, 8], strides = [1, 1]} : vector<2000x128xf32> to vector<2000x8xf32>
    %add3A_107 = arith.addf %add3A_105, %slice3A_106 : vector<2000x8xf32>
    %slice3A_108 = vector.extract_strided_slice %mul3A_102 {offsets = [0, 24], sizes = [2000, 8], strides = [1, 1]} : vector<2000x128xf32> to vector<2000x8xf32>
    %add3A_109 = arith.addf %add3A_107, %slice3A_108 : vector<2000x8xf32>
    %slice3A_110 = vector.extract_strided_slice %mul3A_102 {offsets = [0, 32], sizes = [2000, 8], strides = [1, 1]} : vector<2000x128xf32> to vector<2000x8xf32>
    %add3A_111 = arith.addf %add3A_109, %slice3A_110 : vector<2000x8xf32>
    %slice3A_112 = vector.extract_strided_slice %mul3A_102 {offsets = [0, 40], sizes = [2000, 8], strides = [1, 1]} : vector<2000x128xf32> to vector<2000x8xf32>
    %add3A_113 = arith.addf %add3A_111, %slice3A_112 : vector<2000x8xf32>
    %slice3A_114 = vector.extract_strided_slice %mul3A_102 {offsets = [0, 48], sizes = [2000, 8], strides = [1, 1]} : vector<2000x128xf32> to vector<2000x8xf32>
    %add3A_115 = arith.addf %add3A_113, %slice3A_114 : vector<2000x8xf32>
    %slice3A_116 = vector.extract_strided_slice %mul3A_102 {offsets = [0, 56], sizes = [2000, 8], strides = [1, 1]} : vector<2000x128xf32> to vector<2000x8xf32>
    %add3A_117 = arith.addf %add3A_115, %slice3A_116 : vector<2000x8xf32>
    %slice3A_118 = vector.extract_strided_slice %mul3A_102 {offsets = [0, 64], sizes = [2000, 8], strides = [1, 1]} : vector<2000x128xf32> to vector<2000x8xf32>
    %add3A_119 = arith.addf %add3A_117, %slice3A_118 : vector<2000x8xf32>
    %slice3A_120 = vector.extract_strided_slice %mul3A_102 {offsets = [0, 72], sizes = [2000, 8], strides = [1, 1]} : vector<2000x128xf32> to vector<2000x8xf32>
    %add3A_121 = arith.addf %add3A_119, %slice3A_120 : vector<2000x8xf32>
    %slice3A_122 = vector.extract_strided_slice %mul3A_102 {offsets = [0, 80], sizes = [2000, 8], strides = [1, 1]} : vector<2000x128xf32> to vector<2000x8xf32>
    %add3A_123 = arith.addf %add3A_121, %slice3A_122 : vector<2000x8xf32>
    %slice3A_124 = vector.extract_strided_slice %mul3A_102 {offsets = [0, 88], sizes = [2000, 8], strides = [1, 1]} : vector<2000x128xf32> to vector<2000x8xf32>
    %add3A_125 = arith.addf %add3A_123, %slice3A_124 : vector<2000x8xf32>
    %slice3A_126 = vector.extract_strided_slice %mul3A_102 {offsets = [0, 96], sizes = [2000, 8], strides = [1, 1]} : vector<2000x128xf32> to vector<2000x8xf32>
    %add3A_127 = arith.addf %add3A_125, %slice3A_126 : vector<2000x8xf32>
    %slice3A_128 = vector.extract_strided_slice %mul3A_102 {offsets = [0, 104], sizes = [2000, 8], strides = [1, 1]} : vector<2000x128xf32> to vector<2000x8xf32>
    %add3A_129 = arith.addf %add3A_127, %slice3A_128 : vector<2000x8xf32>
    %slice3A_130 = vector.extract_strided_slice %mul3A_102 {offsets = [0, 112], sizes = [2000, 8], strides = [1, 1]} : vector<2000x128xf32> to vector<2000x8xf32>
    %add3A_131 = arith.addf %add3A_129, %slice3A_130 : vector<2000x8xf32>
    %slice3A_132 = vector.extract_strided_slice %mul3A_102 {offsets = [0, 120], sizes = [2000, 8], strides = [1, 1]} : vector<2000x128xf32> to vector<2000x8xf32>
    %add3A_133 = arith.addf %add3A_131, %slice3A_132 : vector<2000x8xf32>
    %slice3A_134 = vector.extract_strided_slice %add3A_133 {offsets = [0, 0], sizes = [2000, 4], strides = [1, 1]} : vector<2000x8xf32> to vector<2000x4xf32>
    %slice3A_135 = vector.extract_strided_slice %add3A_133 {offsets = [0, 4], sizes = [2000, 4], strides = [1, 1]} : vector<2000x8xf32> to vector<2000x4xf32>
    %add3A_136 = arith.addf %slice3A_134, %slice3A_135 : vector<2000x4xf32>
    %slice3A_137 = vector.extract_strided_slice %add3A_136 {offsets = [0, 0], sizes = [2000, 2], strides = [1, 1]} : vector<2000x4xf32> to vector<2000x2xf32>
    %slice3A_138 = vector.extract_strided_slice %add3A_136 {offsets = [0, 2], sizes = [2000, 2], strides = [1, 1]} : vector<2000x4xf32> to vector<2000x2xf32>
    %add3A_139 = arith.addf %slice3A_137, %slice3A_138 : vector<2000x2xf32>
    %slice3A_140 = vector.extract_strided_slice %add3A_139 {offsets = [0, 0], sizes = [2000, 1], strides = [1, 1]} : vector<2000x2xf32> to vector<2000x1xf32>
    %slice3A_141 = vector.extract_strided_slice %add3A_139 {offsets = [0, 1], sizes = [2000, 1], strides = [1, 1]} : vector<2000x2xf32> to vector<2000x1xf32>
    %add3A_142 = arith.addf %slice3A_140, %slice3A_141 : vector<2000x1xf32>
    %mul3A_143 = arith.constant 7.812500e-03 : f32
    %mul3A_144 = vector.broadcast %mul3A_143 : f32 to vector<2000x1xf32>
    %mul3A_145 = arith.mulf %add3A_142, %mul3A_144 : vector<2000x1xf32>
    %add3A_146 = arith.constant 9.99999974E-6 : f32
    %add3A_147 = vector.broadcast %add3A_146 : f32 to vector<2000x1xf32>
    %add3A_148 = arith.addf %mul3A_145, %add3A_147 : vector<2000x1xf32>
    %sqrt3A = math.sqrt %add3A_148 : vector<2000x1xf32>
    %div3A = vector.broadcast %sqrt3A : vector<2000x1xf32> to vector<2000x128xf32>
    %div3A_149 = arith.divf %sub3A_101, %div3A : vector<2000x128xf32>
    %mul3A_150 = vector.broadcast %get3A_56 : vector<1x128xf32> to vector<2000x128xf32>
    %mul3A_151 = arith.mulf %div3A_149, %mul3A_150 : vector<2000x128xf32>
    %add3A_152 = vector.broadcast %get3A_59 : vector<1x128xf32> to vector<2000x128xf32>
    %add3A_153 = arith.addf %mul3A_151, %add3A_152 : vector<2000x128xf32>
    %swap3A = arith.constant 0 : index
    %swap3A_154 = arith.constant 0 : index
    %swap3A_155 = vector.load %arg14[%swap3A, %swap3A_154] : memref<2000x128xf32, #tpu.memory_space<vmem>>, vector<2000x128xf32>
    tpu.vector_store %arg14[%swap3A, %swap3A_154], %add3A_153 {strides = array<i32>} : memref<2000x128xf32, #tpu.memory_space<vmem>>, vector<2000x128xf32>,
    return
  }
  func.func @transform_0(%arg0: i32) -> (i32, i32) {
    %c0_i32 = arith.constant 0 : i32
    %c0_i32_0 = arith.constant 0 : i32
    return %arg0, %c0_i32 : i32, i32
  }
  func.func @transform_1(%arg0: i32) -> (i32, i32) {
    %add3A = arith.constant 160 : i32
    %add3A_0 = arith.addi %arg0, %add3A : i32
    %c0_i32 = arith.constant 0 : i32
    %c0_i32_1 = arith.constant 0 : i32
    return %add3A_0, %c0_i32 : i32, i32
  }
  func.func @transform_2(%arg0: i32) -> (i32, i32) {
    %c0_i32 = arith.constant 0 : i32
    %c0_i32_0 = arith.constant 0 : i32
    return %arg0, %c0_i32 : i32, i32
  }
  func.func @transform_3(%arg0: i32) -> (i32, i32) {
    %c0_i32 = arith.constant 0 : i32
    %c0_i32_0 = arith.constant 0 : i32
    %c0_i32_1 = arith.constant 0 : i32
    return %c0_i32, %c0_i32_0 : i32, i32
  }
  func.func @transform_4(%arg0: i32) -> (i32, i32) {
    %c0_i32 = arith.constant 0 : i32
    %c0_i32_0 = arith.constant 0 : i32
    %c0_i32_1 = arith.constant 0 : i32
    return %c0_i32, %c0_i32_0 : i32, i32
  }
  func.func @transform_5(%arg0: i32) -> (i32, i32) {
    %c0_i32 = arith.constant 0 : i32
    %c0_i32_0 = arith.constant 0 : i32
    %c0_i32_1 = arith.constant 0 : i32
    return %c0_i32, %c0_i32_0 : i32, i32
  }
  func.func @transform_6(%arg0: i32) -> (i32, i32) {
    %c0_i32 = arith.constant 0 : i32
    %c0_i32_0 = arith.constant 0 : i32
    %c0_i32_1 = arith.constant 0 : i32
    return %c0_i32, %c0_i32_0 : i32, i32
  }
  func.func @transform_7(%arg0: i32) -> (i32, i32) {
    %c0_i32 = arith.constant 0 : i32
    %c0_i32_0 = arith.constant 0 : i32
    %c0_i32_1 = arith.constant 0 : i32
    return %c0_i32, %c0_i32_0 : i32, i32
  }
  func.func @transform_8(%arg0: i32) -> (i32, i32) {
    %c0_i32 = arith.constant 0 : i32
    %c0_i32_0 = arith.constant 0 : i32
    %c0_i32_1 = arith.constant 0 : i32
    return %c0_i32, %c0_i32_0 : i32, i32
  }
  func.func @transform_9(%arg0: i32) -> (i32, i32) {
    %c0_i32 = arith.constant 0 : i32
    %c0_i32_0 = arith.constant 0 : i32
    %c0_i32_1 = arith.constant 0 : i32
    return %c0_i32, %c0_i32_0 : i32, i32
  }
  func.func @transform_10(%arg0: i32) -> (i32, i32) {
    %c0_i32 = arith.constant 0 : i32
    %c0_i32_0 = arith.constant 0 : i32
    %c0_i32_1 = arith.constant 0 : i32
    return %c0_i32, %c0_i32_0 : i32, i32
  }
  func.func @transform_11(%arg0: i32) -> (i32, i32) {
    %c0_i32 = arith.constant 0 : i32
    %c0_i32_0 = arith.constant 0 : i32
    %c0_i32_1 = arith.constant 0 : i32
    return %c0_i32, %c0_i32_0 : i32, i32
  }
  func.func @transform_12(%arg0: i32) -> (i32, i32) {
    %c0_i32 = arith.constant 0 : i32
    %c0_i32_0 = arith.constant 0 : i32
    %c0_i32_1 = arith.constant 0 : i32
    return %c0_i32, %c0_i32_0 : i32, i32
  }
  func.func @transform_13(%arg0: i32) -> (i32, i32) {
    %c0_i32 = arith.constant 0 : i32
    %c0_i32_0 = arith.constant 0 : i32
    return %arg0, %c0_i32 : i32, i32
  }
}

module attributes {stable_mosaic.version = 14 : i64} {
  func.func @body(%arg0: i32, %arg1: memref<1000x128xf32, #tpu.memory_space<vmem>>, %arg2: memref<1000x128xf32, #tpu.memory_space<vmem>>, %arg3: memref<256x128xf32, #tpu.memory_space<vmem>>, %arg4: memref<1x128xf32, #tpu.memory_space<vmem>>, %arg5: memref<128x128xf32, #tpu.memory_space<vmem>>, %arg6: memref<1x128xf32, #tpu.memory_space<vmem>>, %arg7: memref<128x128xf32, #tpu.memory_space<vmem>>, %arg8: memref<1x128xf32, #tpu.memory_space<vmem>>, %arg9: memref<128x128xf32, #tpu.memory_space<vmem>>, %arg10: memref<1x128xf32, #tpu.memory_space<vmem>>, %arg11: memref<1x128xf32, #tpu.memory_space<vmem>>, %arg12: memref<1x128xf32, #tpu.memory_space<vmem>>, %arg13: memref<1000x128xf32, #tpu.memory_space<vmem>>) attributes {dimension_semantics = [#tpu.dimension_semantics<arbitrary>], iteration_bounds = array<i64: 10>, scalar_prefetch = 0 : i64, scratch_operands = 0 : i64, tpu.core_type = #tpu.core_type<tc>, window_params = [{transform_indices = @transform_0, window_bounds = array<i64: 1000, 128>}, {transform_indices = @transform_1, window_bounds = array<i64: 1000, 128>}, {pipeline_mode = #tpu.pipeline_mode<synchronous>, transform_indices = @transform_2, window_bounds = array<i64: 256, 128>}, {pipeline_mode = #tpu.pipeline_mode<synchronous>, transform_indices = @transform_3, window_bounds = array<i64: 1, 128>}, {pipeline_mode = #tpu.pipeline_mode<synchronous>, transform_indices = @transform_4, window_bounds = array<i64: 128, 128>}, {pipeline_mode = #tpu.pipeline_mode<synchronous>, transform_indices = @transform_5, window_bounds = array<i64: 1, 128>}, {pipeline_mode = #tpu.pipeline_mode<synchronous>, transform_indices = @transform_6, window_bounds = array<i64: 128, 128>}, {pipeline_mode = #tpu.pipeline_mode<synchronous>, transform_indices = @transform_7, window_bounds = array<i64: 1, 128>}, {pipeline_mode = #tpu.pipeline_mode<synchronous>, transform_indices = @transform_8, window_bounds = array<i64: 128, 128>}, {pipeline_mode = #tpu.pipeline_mode<synchronous>, transform_indices = @transform_9, window_bounds = array<i64: 1, 128>}, {pipeline_mode = #tpu.pipeline_mode<synchronous>, transform_indices = @transform_10, window_bounds = array<i64: 1, 128>}, {pipeline_mode = #tpu.pipeline_mode<synchronous>, transform_indices = @transform_11, window_bounds = array<i64: 1, 128>}, {transform_indices = @transform_12, window_bounds = array<i64: 1000, 128>}]} {
    %get3A = arith.constant 0 : index
    %get3A_0 = arith.constant 0 : index
    %get3A_1 = vector.load %arg1[%get3A, %get3A_0] : memref<1000x128xf32, #tpu.memory_space<vmem>>, vector<1000x128xf32>
    %get3A_2 = arith.constant 0 : index
    %get3A_3 = arith.constant 0 : index
    %get3A_4 = vector.load %arg2[%get3A_2, %get3A_3] : memref<1000x128xf32, #tpu.memory_space<vmem>>, vector<1000x128xf32>
    %concatenate3A = tpu.concatenate %get3A_1, %get3A_4 in 1 : vector<1000x128xf32>, vector<1000x128xf32> -> vector<1000x256xf32>
    %get3A_5 = arith.constant 0 : index
    %get3A_6 = arith.constant 0 : index
    %get3A_7 = vector.load %arg3[%get3A_5, %get3A_6] : memref<256x128xf32, #tpu.memory_space<vmem>>, vector<256x128xf32>
    %dot_general3A = arith.constant dense<0.000000e+00> : vector<1000x128xf32>
    %dot_general3A_8 = tpu.matmul %concatenate3A, %get3A_7, %dot_general3A {dimension_numbers = #tpu.dot_dimension_numbers<[1], [0], [0], [1], [0, 0, 1, 1], [], []>, transpose_lhs_hint = false} : vector<1000x256xf32>, vector<256x128xf32>, vector<1000x128xf32> -> vector<1000x128xf32>
    %get3A_9 = arith.constant 0 : index
    %get3A_10 = arith.constant 0 : index
    %get3A_11 = vector.load %arg4[%get3A_9, %get3A_10] : memref<1x128xf32, #tpu.memory_space<vmem>>, vector<1x128xf32>
    %add3A = vector.broadcast %get3A_11 : vector<1x128xf32> to vector<1000x128xf32>
    %add3A_12 = arith.addf %dot_general3A_8, %add3A : vector<1000x128xf32>
    %max3A = arith.constant 0.000000e+00 : f32
    %max3A_13 = vector.broadcast %max3A : f32 to vector<1000x128xf32>
    %max3A_14 = arith.maximumf %add3A_12, %max3A_13 : vector<1000x128xf32>
    %get3A_15 = arith.constant 0 : index
    %get3A_16 = arith.constant 0 : index
    %get3A_17 = vector.load %arg5[%get3A_15, %get3A_16] : memref<128x128xf32, #tpu.memory_space<vmem>>, vector<128x128xf32>
    %get3A_18 = arith.constant 0 : index
    %get3A_19 = arith.constant 0 : index
    %get3A_20 = vector.load %arg6[%get3A_18, %get3A_19] : memref<1x128xf32, #tpu.memory_space<vmem>>, vector<1x128xf32>
    %dot_general3A_21 = arith.constant dense<0.000000e+00> : vector<1000x128xf32>
    %dot_general3A_22 = tpu.matmul %max3A_14, %get3A_17, %dot_general3A_21 {dimension_numbers = #tpu.dot_dimension_numbers<[1], [0], [0], [1], [0, 0, 1, 1], [], []>, transpose_lhs_hint = false} : vector<1000x128xf32>, vector<128x128xf32>, vector<1000x128xf32> -> vector<1000x128xf32>
    %add3A_23 = vector.broadcast %get3A_20 : vector<1x128xf32> to vector<1000x128xf32>
    %add3A_24 = arith.addf %dot_general3A_22, %add3A_23 : vector<1000x128xf32>
    %max3A_25 = arith.constant 0.000000e+00 : f32
    %max3A_26 = vector.broadcast %max3A_25 : f32 to vector<1000x128xf32>
    %max3A_27 = arith.maximumf %add3A_24, %max3A_26 : vector<1000x128xf32>
    %get3A_28 = arith.constant 0 : index
    %get3A_29 = arith.constant 0 : index
    %get3A_30 = vector.load %arg7[%get3A_28, %get3A_29] : memref<128x128xf32, #tpu.memory_space<vmem>>, vector<128x128xf32>
    %get3A_31 = arith.constant 0 : index
    %get3A_32 = arith.constant 0 : index
    %get3A_33 = vector.load %arg8[%get3A_31, %get3A_32] : memref<1x128xf32, #tpu.memory_space<vmem>>, vector<1x128xf32>
    %dot_general3A_34 = arith.constant dense<0.000000e+00> : vector<1000x128xf32>
    %dot_general3A_35 = tpu.matmul %max3A_27, %get3A_30, %dot_general3A_34 {dimension_numbers = #tpu.dot_dimension_numbers<[1], [0], [0], [1], [0, 0, 1, 1], [], []>, transpose_lhs_hint = false} : vector<1000x128xf32>, vector<128x128xf32>, vector<1000x128xf32> -> vector<1000x128xf32>
    %add3A_36 = vector.broadcast %get3A_33 : vector<1x128xf32> to vector<1000x128xf32>
    %add3A_37 = arith.addf %dot_general3A_35, %add3A_36 : vector<1000x128xf32>
    %max3A_38 = arith.constant 0.000000e+00 : f32
    %max3A_39 = vector.broadcast %max3A_38 : f32 to vector<1000x128xf32>
    %max3A_40 = arith.maximumf %add3A_37, %max3A_39 : vector<1000x128xf32>
    %get3A_41 = arith.constant 0 : index
    %get3A_42 = arith.constant 0 : index
    %get3A_43 = vector.load %arg9[%get3A_41, %get3A_42] : memref<128x128xf32, #tpu.memory_space<vmem>>, vector<128x128xf32>
    %get3A_44 = arith.constant 0 : index
    %get3A_45 = arith.constant 0 : index
    %get3A_46 = vector.load %arg10[%get3A_44, %get3A_45] : memref<1x128xf32, #tpu.memory_space<vmem>>, vector<1x128xf32>
    %dot_general3A_47 = arith.constant dense<0.000000e+00> : vector<1000x128xf32>
    %dot_general3A_48 = tpu.matmul %max3A_40, %get3A_43, %dot_general3A_47 {dimension_numbers = #tpu.dot_dimension_numbers<[1], [0], [0], [1], [0, 0, 1, 1], [], []>, transpose_lhs_hint = false} : vector<1000x128xf32>, vector<128x128xf32>, vector<1000x128xf32> -> vector<1000x128xf32>
    %add3A_49 = vector.broadcast %get3A_46 : vector<1x128xf32> to vector<1000x128xf32>
    %add3A_50 = arith.addf %dot_general3A_48, %add3A_49 : vector<1000x128xf32>
    %get3A_51 = arith.constant 0 : index
    %get3A_52 = arith.constant 0 : index
    %get3A_53 = vector.load %arg11[%get3A_51, %get3A_52] : memref<1x128xf32, #tpu.memory_space<vmem>>, vector<1x128xf32>
    %get3A_54 = arith.constant 0 : index
    %get3A_55 = arith.constant 0 : index
    %get3A_56 = vector.load %arg12[%get3A_54, %get3A_55] : memref<1x128xf32, #tpu.memory_space<vmem>>, vector<1x128xf32>
    %slice3A = vector.extract_strided_slice %add3A_50 {offsets = [0, 0], sizes = [1000, 8], strides = [1, 1]} : vector<1000x128xf32> to vector<1000x8xf32>
    %slice3A_57 = vector.extract_strided_slice %add3A_50 {offsets = [0, 8], sizes = [1000, 8], strides = [1, 1]} : vector<1000x128xf32> to vector<1000x8xf32>
    %add3A_58 = arith.addf %slice3A, %slice3A_57 : vector<1000x8xf32>
    %slice3A_59 = vector.extract_strided_slice %add3A_50 {offsets = [0, 16], sizes = [1000, 8], strides = [1, 1]} : vector<1000x128xf32> to vector<1000x8xf32>
    %add3A_60 = arith.addf %add3A_58, %slice3A_59 : vector<1000x8xf32>
    %slice3A_61 = vector.extract_strided_slice %add3A_50 {offsets = [0, 24], sizes = [1000, 8], strides = [1, 1]} : vector<1000x128xf32> to vector<1000x8xf32>
    %add3A_62 = arith.addf %add3A_60, %slice3A_61 : vector<1000x8xf32>
    %slice3A_63 = vector.extract_strided_slice %add3A_50 {offsets = [0, 32], sizes = [1000, 8], strides = [1, 1]} : vector<1000x128xf32> to vector<1000x8xf32>
    %add3A_64 = arith.addf %add3A_62, %slice3A_63 : vector<1000x8xf32>
    %slice3A_65 = vector.extract_strided_slice %add3A_50 {offsets = [0, 40], sizes = [1000, 8], strides = [1, 1]} : vector<1000x128xf32> to vector<1000x8xf32>
    %add3A_66 = arith.addf %add3A_64, %slice3A_65 : vector<1000x8xf32>
    %slice3A_67 = vector.extract_strided_slice %add3A_50 {offsets = [0, 48], sizes = [1000, 8], strides = [1, 1]} : vector<1000x128xf32> to vector<1000x8xf32>
    %add3A_68 = arith.addf %add3A_66, %slice3A_67 : vector<1000x8xf32>
    %slice3A_69 = vector.extract_strided_slice %add3A_50 {offsets = [0, 56], sizes = [1000, 8], strides = [1, 1]} : vector<1000x128xf32> to vector<1000x8xf32>
    %add3A_70 = arith.addf %add3A_68, %slice3A_69 : vector<1000x8xf32>
    %slice3A_71 = vector.extract_strided_slice %add3A_50 {offsets = [0, 64], sizes = [1000, 8], strides = [1, 1]} : vector<1000x128xf32> to vector<1000x8xf32>
    %add3A_72 = arith.addf %add3A_70, %slice3A_71 : vector<1000x8xf32>
    %slice3A_73 = vector.extract_strided_slice %add3A_50 {offsets = [0, 72], sizes = [1000, 8], strides = [1, 1]} : vector<1000x128xf32> to vector<1000x8xf32>
    %add3A_74 = arith.addf %add3A_72, %slice3A_73 : vector<1000x8xf32>
    %slice3A_75 = vector.extract_strided_slice %add3A_50 {offsets = [0, 80], sizes = [1000, 8], strides = [1, 1]} : vector<1000x128xf32> to vector<1000x8xf32>
    %add3A_76 = arith.addf %add3A_74, %slice3A_75 : vector<1000x8xf32>
    %slice3A_77 = vector.extract_strided_slice %add3A_50 {offsets = [0, 88], sizes = [1000, 8], strides = [1, 1]} : vector<1000x128xf32> to vector<1000x8xf32>
    %add3A_78 = arith.addf %add3A_76, %slice3A_77 : vector<1000x8xf32>
    %slice3A_79 = vector.extract_strided_slice %add3A_50 {offsets = [0, 96], sizes = [1000, 8], strides = [1, 1]} : vector<1000x128xf32> to vector<1000x8xf32>
    %add3A_80 = arith.addf %add3A_78, %slice3A_79 : vector<1000x8xf32>
    %slice3A_81 = vector.extract_strided_slice %add3A_50 {offsets = [0, 104], sizes = [1000, 8], strides = [1, 1]} : vector<1000x128xf32> to vector<1000x8xf32>
    %add3A_82 = arith.addf %add3A_80, %slice3A_81 : vector<1000x8xf32>
    %slice3A_83 = vector.extract_strided_slice %add3A_50 {offsets = [0, 112], sizes = [1000, 8], strides = [1, 1]} : vector<1000x128xf32> to vector<1000x8xf32>
    %add3A_84 = arith.addf %add3A_82, %slice3A_83 : vector<1000x8xf32>
    %slice3A_85 = vector.extract_strided_slice %add3A_50 {offsets = [0, 120], sizes = [1000, 8], strides = [1, 1]} : vector<1000x128xf32> to vector<1000x8xf32>
    %add3A_86 = arith.addf %add3A_84, %slice3A_85 : vector<1000x8xf32>
    %slice3A_87 = vector.extract_strided_slice %add3A_86 {offsets = [0, 0], sizes = [1000, 4], strides = [1, 1]} : vector<1000x8xf32> to vector<1000x4xf32>
    %slice3A_88 = vector.extract_strided_slice %add3A_86 {offsets = [0, 4], sizes = [1000, 4], strides = [1, 1]} : vector<1000x8xf32> to vector<1000x4xf32>
    %add3A_89 = arith.addf %slice3A_87, %slice3A_88 : vector<1000x4xf32>
    %slice3A_90 = vector.extract_strided_slice %add3A_89 {offsets = [0, 0], sizes = [1000, 2], strides = [1, 1]} : vector<1000x4xf32> to vector<1000x2xf32>
    %slice3A_91 = vector.extract_strided_slice %add3A_89 {offsets = [0, 2], sizes = [1000, 2], strides = [1, 1]} : vector<1000x4xf32> to vector<1000x2xf32>
    %add3A_92 = arith.addf %slice3A_90, %slice3A_91 : vector<1000x2xf32>
    %slice3A_93 = vector.extract_strided_slice %add3A_92 {offsets = [0, 0], sizes = [1000, 1], strides = [1, 1]} : vector<1000x2xf32> to vector<1000x1xf32>
    %slice3A_94 = vector.extract_strided_slice %add3A_92 {offsets = [0, 1], sizes = [1000, 1], strides = [1, 1]} : vector<1000x2xf32> to vector<1000x1xf32>
    %add3A_95 = arith.addf %slice3A_93, %slice3A_94 : vector<1000x1xf32>
    %mul3A = arith.constant 7.812500e-03 : f32
    %mul3A_96 = vector.broadcast %mul3A : f32 to vector<1000x1xf32>
    %mul3A_97 = arith.mulf %add3A_95, %mul3A_96 : vector<1000x1xf32>
    %sub3A = vector.broadcast %mul3A_97 : vector<1000x1xf32> to vector<1000x128xf32>
    %sub3A_98 = arith.subf %add3A_50, %sub3A : vector<1000x128xf32>
    %mul3A_99 = arith.mulf %sub3A_98, %sub3A_98 : vector<1000x128xf32>
    %slice3A_100 = vector.extract_strided_slice %mul3A_99 {offsets = [0, 0], sizes = [1000, 8], strides = [1, 1]} : vector<1000x128xf32> to vector<1000x8xf32>
    %slice3A_101 = vector.extract_strided_slice %mul3A_99 {offsets = [0, 8], sizes = [1000, 8], strides = [1, 1]} : vector<1000x128xf32> to vector<1000x8xf32>
    %add3A_102 = arith.addf %slice3A_100, %slice3A_101 : vector<1000x8xf32>
    %slice3A_103 = vector.extract_strided_slice %mul3A_99 {offsets = [0, 16], sizes = [1000, 8], strides = [1, 1]} : vector<1000x128xf32> to vector<1000x8xf32>
    %add3A_104 = arith.addf %add3A_102, %slice3A_103 : vector<1000x8xf32>
    %slice3A_105 = vector.extract_strided_slice %mul3A_99 {offsets = [0, 24], sizes = [1000, 8], strides = [1, 1]} : vector<1000x128xf32> to vector<1000x8xf32>
    %add3A_106 = arith.addf %add3A_104, %slice3A_105 : vector<1000x8xf32>
    %slice3A_107 = vector.extract_strided_slice %mul3A_99 {offsets = [0, 32], sizes = [1000, 8], strides = [1, 1]} : vector<1000x128xf32> to vector<1000x8xf32>
    %add3A_108 = arith.addf %add3A_106, %slice3A_107 : vector<1000x8xf32>
    %slice3A_109 = vector.extract_strided_slice %mul3A_99 {offsets = [0, 40], sizes = [1000, 8], strides = [1, 1]} : vector<1000x128xf32> to vector<1000x8xf32>
    %add3A_110 = arith.addf %add3A_108, %slice3A_109 : vector<1000x8xf32>
    %slice3A_111 = vector.extract_strided_slice %mul3A_99 {offsets = [0, 48], sizes = [1000, 8], strides = [1, 1]} : vector<1000x128xf32> to vector<1000x8xf32>
    %add3A_112 = arith.addf %add3A_110, %slice3A_111 : vector<1000x8xf32>
    %slice3A_113 = vector.extract_strided_slice %mul3A_99 {offsets = [0, 56], sizes = [1000, 8], strides = [1, 1]} : vector<1000x128xf32> to vector<1000x8xf32>
    %add3A_114 = arith.addf %add3A_112, %slice3A_113 : vector<1000x8xf32>
    %slice3A_115 = vector.extract_strided_slice %mul3A_99 {offsets = [0, 64], sizes = [1000, 8], strides = [1, 1]} : vector<1000x128xf32> to vector<1000x8xf32>
    %add3A_116 = arith.addf %add3A_114, %slice3A_115 : vector<1000x8xf32>
    %slice3A_117 = vector.extract_strided_slice %mul3A_99 {offsets = [0, 72], sizes = [1000, 8], strides = [1, 1]} : vector<1000x128xf32> to vector<1000x8xf32>
    %add3A_118 = arith.addf %add3A_116, %slice3A_117 : vector<1000x8xf32>
    %slice3A_119 = vector.extract_strided_slice %mul3A_99 {offsets = [0, 80], sizes = [1000, 8], strides = [1, 1]} : vector<1000x128xf32> to vector<1000x8xf32>
    %add3A_120 = arith.addf %add3A_118, %slice3A_119 : vector<1000x8xf32>
    %slice3A_121 = vector.extract_strided_slice %mul3A_99 {offsets = [0, 88], sizes = [1000, 8], strides = [1, 1]} : vector<1000x128xf32> to vector<1000x8xf32>
    %add3A_122 = arith.addf %add3A_120, %slice3A_121 : vector<1000x8xf32>
    %slice3A_123 = vector.extract_strided_slice %mul3A_99 {offsets = [0, 96], sizes = [1000, 8], strides = [1, 1]} : vector<1000x128xf32> to vector<1000x8xf32>
    %add3A_124 = arith.addf %add3A_122, %slice3A_123 : vector<1000x8xf32>
    %slice3A_125 = vector.extract_strided_slice %mul3A_99 {offsets = [0, 104], sizes = [1000, 8], strides = [1, 1]} : vector<1000x128xf32> to vector<1000x8xf32>
    %add3A_126 = arith.addf %add3A_124, %slice3A_125 : vector<1000x8xf32>
    %slice3A_127 = vector.extract_strided_slice %mul3A_99 {offsets = [0, 112], sizes = [1000, 8], strides = [1, 1]} : vector<1000x128xf32> to vector<1000x8xf32>
    %add3A_128 = arith.addf %add3A_126, %slice3A_127 : vector<1000x8xf32>
    %slice3A_129 = vector.extract_strided_slice %mul3A_99 {offsets = [0, 120], sizes = [1000, 8], strides = [1, 1]} : vector<1000x128xf32> to vector<1000x8xf32>
    %add3A_130 = arith.addf %add3A_128, %slice3A_129 : vector<1000x8xf32>
    %slice3A_131 = vector.extract_strided_slice %add3A_130 {offsets = [0, 0], sizes = [1000, 4], strides = [1, 1]} : vector<1000x8xf32> to vector<1000x4xf32>
    %slice3A_132 = vector.extract_strided_slice %add3A_130 {offsets = [0, 4], sizes = [1000, 4], strides = [1, 1]} : vector<1000x8xf32> to vector<1000x4xf32>
    %add3A_133 = arith.addf %slice3A_131, %slice3A_132 : vector<1000x4xf32>
    %slice3A_134 = vector.extract_strided_slice %add3A_133 {offsets = [0, 0], sizes = [1000, 2], strides = [1, 1]} : vector<1000x4xf32> to vector<1000x2xf32>
    %slice3A_135 = vector.extract_strided_slice %add3A_133 {offsets = [0, 2], sizes = [1000, 2], strides = [1, 1]} : vector<1000x4xf32> to vector<1000x2xf32>
    %add3A_136 = arith.addf %slice3A_134, %slice3A_135 : vector<1000x2xf32>
    %slice3A_137 = vector.extract_strided_slice %add3A_136 {offsets = [0, 0], sizes = [1000, 1], strides = [1, 1]} : vector<1000x2xf32> to vector<1000x1xf32>
    %slice3A_138 = vector.extract_strided_slice %add3A_136 {offsets = [0, 1], sizes = [1000, 1], strides = [1, 1]} : vector<1000x2xf32> to vector<1000x1xf32>
    %add3A_139 = arith.addf %slice3A_137, %slice3A_138 : vector<1000x1xf32>
    %mul3A_140 = arith.constant 7.812500e-03 : f32
    %mul3A_141 = vector.broadcast %mul3A_140 : f32 to vector<1000x1xf32>
    %mul3A_142 = arith.mulf %add3A_139, %mul3A_141 : vector<1000x1xf32>
    %add3A_143 = arith.constant 9.99999974E-6 : f32
    %add3A_144 = vector.broadcast %add3A_143 : f32 to vector<1000x1xf32>
    %add3A_145 = arith.addf %mul3A_142, %add3A_144 : vector<1000x1xf32>
    %sqrt3A = math.sqrt %add3A_145 : vector<1000x1xf32>
    %div3A = vector.broadcast %sqrt3A : vector<1000x1xf32> to vector<1000x128xf32>
    %div3A_146 = arith.divf %sub3A_98, %div3A : vector<1000x128xf32>
    %mul3A_147 = vector.broadcast %get3A_53 : vector<1x128xf32> to vector<1000x128xf32>
    %mul3A_148 = arith.mulf %div3A_146, %mul3A_147 : vector<1000x128xf32>
    %add3A_149 = vector.broadcast %get3A_56 : vector<1x128xf32> to vector<1000x128xf32>
    %add3A_150 = arith.addf %mul3A_148, %add3A_149 : vector<1000x128xf32>
    %swap3A = arith.constant 0 : index
    %swap3A_151 = arith.constant 0 : index
    %swap3A_152 = vector.load %arg13[%swap3A, %swap3A_151] : memref<1000x128xf32, #tpu.memory_space<vmem>>, vector<1000x128xf32>
    tpu.vector_store %arg13[%swap3A, %swap3A_151], %add3A_150 {strides = array<i32>} : memref<1000x128xf32, #tpu.memory_space<vmem>>, vector<1000x128xf32>,
    return
  }
  func.func @transform_0(%arg0: i32) -> (i32, i32) {
    %c0_i32 = arith.constant 0 : i32
    %c0_i32_0 = arith.constant 0 : i32
    return %arg0, %c0_i32 : i32, i32
  }
  func.func @transform_1(%arg0: i32) -> (i32, i32) {
    %c0_i32 = arith.constant 0 : i32
    %c0_i32_0 = arith.constant 0 : i32
    return %arg0, %c0_i32 : i32, i32
  }
  func.func @transform_2(%arg0: i32) -> (i32, i32) {
    %c0_i32 = arith.constant 0 : i32
    %c0_i32_0 = arith.constant 0 : i32
    %c0_i32_1 = arith.constant 0 : i32
    return %c0_i32, %c0_i32_0 : i32, i32
  }
  func.func @transform_3(%arg0: i32) -> (i32, i32) {
    %c0_i32 = arith.constant 0 : i32
    %c0_i32_0 = arith.constant 0 : i32
    %c0_i32_1 = arith.constant 0 : i32
    return %c0_i32, %c0_i32_0 : i32, i32
  }
  func.func @transform_4(%arg0: i32) -> (i32, i32) {
    %c0_i32 = arith.constant 0 : i32
    %c0_i32_0 = arith.constant 0 : i32
    %c0_i32_1 = arith.constant 0 : i32
    return %c0_i32, %c0_i32_0 : i32, i32
  }
  func.func @transform_5(%arg0: i32) -> (i32, i32) {
    %c0_i32 = arith.constant 0 : i32
    %c0_i32_0 = arith.constant 0 : i32
    %c0_i32_1 = arith.constant 0 : i32
    return %c0_i32, %c0_i32_0 : i32, i32
  }
  func.func @transform_6(%arg0: i32) -> (i32, i32) {
    %c0_i32 = arith.constant 0 : i32
    %c0_i32_0 = arith.constant 0 : i32
    %c0_i32_1 = arith.constant 0 : i32
    return %c0_i32, %c0_i32_0 : i32, i32
  }
  func.func @transform_7(%arg0: i32) -> (i32, i32) {
    %c0_i32 = arith.constant 0 : i32
    %c0_i32_0 = arith.constant 0 : i32
    %c0_i32_1 = arith.constant 0 : i32
    return %c0_i32, %c0_i32_0 : i32, i32
  }
  func.func @transform_8(%arg0: i32) -> (i32, i32) {
    %c0_i32 = arith.constant 0 : i32
    %c0_i32_0 = arith.constant 0 : i32
    %c0_i32_1 = arith.constant 0 : i32
    return %c0_i32, %c0_i32_0 : i32, i32
  }
  func.func @transform_9(%arg0: i32) -> (i32, i32) {
    %c0_i32 = arith.constant 0 : i32
    %c0_i32_0 = arith.constant 0 : i32
    %c0_i32_1 = arith.constant 0 : i32
    return %c0_i32, %c0_i32_0 : i32, i32
  }
  func.func @transform_10(%arg0: i32) -> (i32, i32) {
    %c0_i32 = arith.constant 0 : i32
    %c0_i32_0 = arith.constant 0 : i32
    %c0_i32_1 = arith.constant 0 : i32
    return %c0_i32, %c0_i32_0 : i32, i32
  }
  func.func @transform_11(%arg0: i32) -> (i32, i32) {
    %c0_i32 = arith.constant 0 : i32
    %c0_i32_0 = arith.constant 0 : i32
    %c0_i32_1 = arith.constant 0 : i32
    return %c0_i32, %c0_i32_0 : i32, i32
  }
  func.func @transform_12(%arg0: i32) -> (i32, i32) {
    %c0_i32 = arith.constant 0 : i32
    %c0_i32_0 = arith.constant 0 : i32
    return %arg0, %c0_i32 : i32, i32
  }
}

module attributes {stable_mosaic.version = 14 : i64} {
  func.func @body(%arg0: i32, %arg1: memref<1000x128xf32, #tpu.memory_space<vmem>>, %arg2: memref<128x128xf32, #tpu.memory_space<vmem>>, %arg3: memref<1x128xf32, #tpu.memory_space<vmem>>, %arg4: memref<128x128xf32, #tpu.memory_space<vmem>>, %arg5: memref<1x128xf32, #tpu.memory_space<vmem>>, %arg6: memref<128x128xf32, #tpu.memory_space<vmem>>, %arg7: memref<1x128xf32, #tpu.memory_space<vmem>>, %arg8: memref<128x128xf32, #tpu.memory_space<vmem>>, %arg9: memref<1x128xf32, #tpu.memory_space<vmem>>, %arg10: memref<1000x128xf32, #tpu.memory_space<vmem>>) attributes {dimension_semantics = [#tpu.dimension_semantics<arbitrary>], iteration_bounds = array<i64: 10>, scalar_prefetch = 0 : i64, scratch_operands = 0 : i64, tpu.core_type = #tpu.core_type<tc>, window_params = [{transform_indices = @transform_0, window_bounds = array<i64: 1000, 128>}, {pipeline_mode = #tpu.pipeline_mode<synchronous>, transform_indices = @transform_1, window_bounds = array<i64: 128, 128>}, {pipeline_mode = #tpu.pipeline_mode<synchronous>, transform_indices = @transform_2, window_bounds = array<i64: 1, 128>}, {pipeline_mode = #tpu.pipeline_mode<synchronous>, transform_indices = @transform_3, window_bounds = array<i64: 128, 128>}, {pipeline_mode = #tpu.pipeline_mode<synchronous>, transform_indices = @transform_4, window_bounds = array<i64: 1, 128>}, {pipeline_mode = #tpu.pipeline_mode<synchronous>, transform_indices = @transform_5, window_bounds = array<i64: 128, 128>}, {pipeline_mode = #tpu.pipeline_mode<synchronous>, transform_indices = @transform_6, window_bounds = array<i64: 1, 128>}, {pipeline_mode = #tpu.pipeline_mode<synchronous>, transform_indices = @transform_7, window_bounds = array<i64: 128, 128>}, {pipeline_mode = #tpu.pipeline_mode<synchronous>, transform_indices = @transform_8, window_bounds = array<i64: 1, 128>}, {transform_indices = @transform_9, window_bounds = array<i64: 1000, 128>}]} {
    %get3A = arith.constant 0 : index
    %get3A_0 = arith.constant 0 : index
    %get3A_1 = vector.load %arg1[%get3A, %get3A_0] : memref<1000x128xf32, #tpu.memory_space<vmem>>, vector<1000x128xf32>
    %get3A_2 = arith.constant 0 : index
    %get3A_3 = arith.constant 0 : index
    %get3A_4 = vector.load %arg2[%get3A_2, %get3A_3] : memref<128x128xf32, #tpu.memory_space<vmem>>, vector<128x128xf32>
    %dot_general3A = arith.constant dense<0.000000e+00> : vector<1000x128xf32>
    %dot_general3A_5 = tpu.matmul %get3A_1, %get3A_4, %dot_general3A {dimension_numbers = #tpu.dot_dimension_numbers<[1], [0], [0], [1], [0, 0, 1, 1], [], []>, transpose_lhs_hint = false} : vector<1000x128xf32>, vector<128x128xf32>, vector<1000x128xf32> -> vector<1000x128xf32>
    %get3A_6 = arith.constant 0 : index
    %get3A_7 = arith.constant 0 : index
    %get3A_8 = vector.load %arg3[%get3A_6, %get3A_7] : memref<1x128xf32, #tpu.memory_space<vmem>>, vector<1x128xf32>
    %add3A = vector.broadcast %get3A_8 : vector<1x128xf32> to vector<1000x128xf32>
    %add3A_9 = arith.addf %dot_general3A_5, %add3A : vector<1000x128xf32>
    %max3A = arith.constant 0.000000e+00 : f32
    %max3A_10 = vector.broadcast %max3A : f32 to vector<1000x128xf32>
    %max3A_11 = arith.maximumf %add3A_9, %max3A_10 : vector<1000x128xf32>
    %get3A_12 = arith.constant 0 : index
    %get3A_13 = arith.constant 0 : index
    %get3A_14 = vector.load %arg4[%get3A_12, %get3A_13] : memref<128x128xf32, #tpu.memory_space<vmem>>, vector<128x128xf32>
    %get3A_15 = arith.constant 0 : index
    %get3A_16 = arith.constant 0 : index
    %get3A_17 = vector.load %arg5[%get3A_15, %get3A_16] : memref<1x128xf32, #tpu.memory_space<vmem>>, vector<1x128xf32>
    %dot_general3A_18 = arith.constant dense<0.000000e+00> : vector<1000x128xf32>
    %dot_general3A_19 = tpu.matmul %max3A_11, %get3A_14, %dot_general3A_18 {dimension_numbers = #tpu.dot_dimension_numbers<[1], [0], [0], [1], [0, 0, 1, 1], [], []>, transpose_lhs_hint = false} : vector<1000x128xf32>, vector<128x128xf32>, vector<1000x128xf32> -> vector<1000x128xf32>
    %add3A_20 = vector.broadcast %get3A_17 : vector<1x128xf32> to vector<1000x128xf32>
    %add3A_21 = arith.addf %dot_general3A_19, %add3A_20 : vector<1000x128xf32>
    %max3A_22 = arith.constant 0.000000e+00 : f32
    %max3A_23 = vector.broadcast %max3A_22 : f32 to vector<1000x128xf32>
    %max3A_24 = arith.maximumf %add3A_21, %max3A_23 : vector<1000x128xf32>
    %get3A_25 = arith.constant 0 : index
    %get3A_26 = arith.constant 0 : index
    %get3A_27 = vector.load %arg6[%get3A_25, %get3A_26] : memref<128x128xf32, #tpu.memory_space<vmem>>, vector<128x128xf32>
    %get3A_28 = arith.constant 0 : index
    %get3A_29 = arith.constant 0 : index
    %get3A_30 = vector.load %arg7[%get3A_28, %get3A_29] : memref<1x128xf32, #tpu.memory_space<vmem>>, vector<1x128xf32>
    %dot_general3A_31 = arith.constant dense<0.000000e+00> : vector<1000x128xf32>
    %dot_general3A_32 = tpu.matmul %max3A_24, %get3A_27, %dot_general3A_31 {dimension_numbers = #tpu.dot_dimension_numbers<[1], [0], [0], [1], [0, 0, 1, 1], [], []>, transpose_lhs_hint = false} : vector<1000x128xf32>, vector<128x128xf32>, vector<1000x128xf32> -> vector<1000x128xf32>
    %add3A_33 = vector.broadcast %get3A_30 : vector<1x128xf32> to vector<1000x128xf32>
    %add3A_34 = arith.addf %dot_general3A_32, %add3A_33 : vector<1000x128xf32>
    %max3A_35 = arith.constant 0.000000e+00 : f32
    %max3A_36 = vector.broadcast %max3A_35 : f32 to vector<1000x128xf32>
    %max3A_37 = arith.maximumf %add3A_34, %max3A_36 : vector<1000x128xf32>
    %get3A_38 = arith.constant 0 : index
    %get3A_39 = arith.constant 0 : index
    %get3A_40 = vector.load %arg8[%get3A_38, %get3A_39] : memref<128x128xf32, #tpu.memory_space<vmem>>, vector<128x128xf32>
    %get3A_41 = arith.constant 0 : index
    %get3A_42 = arith.constant 0 : index
    %get3A_43 = vector.load %arg9[%get3A_41, %get3A_42] : memref<1x128xf32, #tpu.memory_space<vmem>>, vector<1x128xf32>
    %dot_general3A_44 = arith.constant dense<0.000000e+00> : vector<1000x128xf32>
    %dot_general3A_45 = tpu.matmul %max3A_37, %get3A_40, %dot_general3A_44 {dimension_numbers = #tpu.dot_dimension_numbers<[1], [0], [0], [1], [0, 0, 1, 1], [], []>, transpose_lhs_hint = false} : vector<1000x128xf32>, vector<128x128xf32>, vector<1000x128xf32> -> vector<1000x128xf32>
    %add3A_46 = vector.broadcast %get3A_43 : vector<1x128xf32> to vector<1000x128xf32>
    %add3A_47 = arith.addf %dot_general3A_45, %add3A_46 : vector<1000x128xf32>
    %swap3A = arith.constant 0 : index
    %swap3A_48 = arith.constant 0 : index
    %swap3A_49 = vector.load %arg10[%swap3A, %swap3A_48] : memref<1000x128xf32, #tpu.memory_space<vmem>>, vector<1000x128xf32>
    tpu.vector_store %arg10[%swap3A, %swap3A_48], %add3A_47 {strides = array<i32>} : memref<1000x128xf32, #tpu.memory_space<vmem>>, vector<1000x128xf32>,
    return
  }
  func.func @transform_0(%arg0: i32) -> (i32, i32) {
    %c0_i32 = arith.constant 0 : i32
    %c0_i32_0 = arith.constant 0 : i32
    return %arg0, %c0_i32 : i32, i32
  }
  func.func @transform_1(%arg0: i32) -> (i32, i32) {
    %c0_i32 = arith.constant 0 : i32
    %c0_i32_0 = arith.constant 0 : i32
    %c0_i32_1 = arith.constant 0 : i32
    return %c0_i32, %c0_i32_0 : i32, i32
  }
  func.func @transform_2(%arg0: i32) -> (i32, i32) {
    %c0_i32 = arith.constant 0 : i32
    %c0_i32_0 = arith.constant 0 : i32
    %c0_i32_1 = arith.constant 0 : i32
    return %c0_i32, %c0_i32_0 : i32, i32
  }
  func.func @transform_3(%arg0: i32) -> (i32, i32) {
    %c0_i32 = arith.constant 0 : i32
    %c0_i32_0 = arith.constant 0 : i32
    %c0_i32_1 = arith.constant 0 : i32
    return %c0_i32, %c0_i32_0 : i32, i32
  }
  func.func @transform_4(%arg0: i32) -> (i32, i32) {
    %c0_i32 = arith.constant 0 : i32
    %c0_i32_0 = arith.constant 0 : i32
    %c0_i32_1 = arith.constant 0 : i32
    return %c0_i32, %c0_i32_0 : i32, i32
  }
  func.func @transform_5(%arg0: i32) -> (i32, i32) {
    %c0_i32 = arith.constant 0 : i32
    %c0_i32_0 = arith.constant 0 : i32
    %c0_i32_1 = arith.constant 0 : i32
    return %c0_i32, %c0_i32_0 : i32, i32
  }
  func.func @transform_6(%arg0: i32) -> (i32, i32) {
    %c0_i32 = arith.constant 0 : i32
    %c0_i32_0 = arith.constant 0 : i32
    %c0_i32_1 = arith.constant 0 : i32
    return %c0_i32, %c0_i32_0 : i32, i32
  }
  func.func @transform_7(%arg0: i32) -> (i32, i32) {
    %c0_i32 = arith.constant 0 : i32
    %c0_i32_0 = arith.constant 0 : i32
    %c0_i32_1 = arith.constant 0 : i32
    return %c0_i32, %c0_i32_0 : i32, i32
  }
  func.func @transform_8(%arg0: i32) -> (i32, i32) {
    %c0_i32 = arith.constant 0 : i32
    %c0_i32_0 = arith.constant 0 : i32
    %c0_i32_1 = arith.constant 0 : i32
    return %c0_i32, %c0_i32_0 : i32, i32
  }
  func.func @transform_9(%arg0: i32) -> (i32, i32) {
    %c0_i32 = arith.constant 0 : i32
    %c0_i32_0 = arith.constant 0 : i32
    return %arg0, %c0_i32 : i32, i32
  }
}

</mosaic_0001>

<sc_bundles>
// kernel: kernel.26.cloned.1.call-start
scs
__scs_entry_jumppad:
0x0: {  	(pc) =	sbr.rel $0x88, $3  }
0x1: {  	(tag) =	ssettag $0x0;
	lr =	simm.s32 $0x1  }
0x2: {  	[smem:$0x3F1E] =	sst lr;
	_ =	strace $0xD0000000  }
0x3: {  	_ = 	snop  }
0x4: {  	_ = 	snop  }
0x5: {  	_ = 	snop  }
0x6: {  	_ = 	snop  }
0x7: {  	_ = 	snop  }
__scs_overlays_trampoline_lowered:
0x8: {  	[smem:$0x3F2D] =	sst s0  }
0x9: {  	[smem:$0x3F2E] =	sst s1  }
0xa: {  	[smem:$0x3F2F] =	sst s2  }
0xb: {  	[smem:$0x3F30] =	sst s3  }
0xc: {  	[smem:$0x3F31] =	sst s4  }
0xd: {  	[smem:$0x3F32] =	sst s5  }
0xe: {  	[smem:$0x3F33] =	sst s6  }
0xf: {  	[smem:$0x3F34] =	sst s7  }
0x10: {  	[smem:$0x3F35] =	sst s8  }
0x11: {  	[smem:$0x3F36] =	sst s9;
	s0 =	simm.s32 @!p0 $0x0  }
0x12: {  	s1 =	sld [smem:$0x3F1C];
	s0 =	simm.s32 @p0 $0x1  }
0x13: {  	[smem:$0x3F37] =	sst s0;
	s0 =	simm.s32 @!p1 $0x0  }
0x14: {  	s2 =	sld [smem:$0x3F1B];
	s0 =	simm.s32 @p1 $0x1  }
0x15: {  	[smem:$0x3F38] =	sst s0;
	s0 =	simm.s32 @!p2 $0x0  }
0x16: {  	s3 =	sld [smem:$0x3FDB];
	s0 =	simm.s32 @p2 $0x1  }
0x17: {  	s4 =	simm.s32 $0x1BF5;
	[smem:$0x3F3A] =	sst s0  }
0x18: {  	s0 =	sld [smem:$0x3F1D];
	_ =	swait.ge [sflag:s4], $0x0  }
0x19: {  	s7 =	sld [smem:$0x3F1E]  }
0x1a: {  	s8 =	sadd.s32 $0xFFFFE003, lr  }
0x1b: {  	s9 =	sadd.s32 $0xFFFFFEF7, lr;
	s5 =	simm.s32 $0xFFFFFFFF;
	p2 =	slt.u32 s8, $0xFFFFF086  }
0x1c: {  	p1 =	slt.u32 s9, $0xF7A;
	s5 =	simm.s32 @!p2 $0x0  }
0x1d: {  	s5 =	simm.s32 @p1 $0x1;
	p0 =	seq.s32 s7, s2  }
0x1e: {  	s7 =	smul.u32 @!p0 $0xF7A, s2;
	p2 =	seq.s32 @!p0 s5, $0x0  }
0x1f: {  	s9 =	smul.u32 $0xF7A, s1;
	s8 =	simm.s32 @!p0 $0x1BF5;
	p2 =	por !p2, p0  }
0x20: {  	[sflag:s8] =	ssyncset.s32 @!p0 $0xFFFFF086;
	s6 =	sadd.s32 @!p0 s3, s7;
	s7 =	simm.s32 @!p0 $0x108  }
0x21: {  	s3 =	sadd.s32 s3, s9;
	s6 =	sadd.s32 @!p0 $0x88, s6;
	s7 =	simm.s32 @p2 $0x1082  }
0x22: {  	[simem:s7], [sflag:s8] =	dma.local @!p0 [hbm:s6], $0xF7A  }
0x23: {  	s9 =	sor.u32 $0xD0000000, s2;
	s6 =	simm.s32 $0x108;
	_ =	swait.ge @!p0 [sflag:s8], $0x0  }
0x24: {  	s3 =	sadd.s32 $0x88, s3;
	s6 =	simm.s32 @!p1 $0x1082;
	[sflag:s4] =	ssyncset.s32 $0xFFFFF086  }
0x25: {  	[simem:s6], [sflag:s4] =	dma.local [hbm:s3], $0xF7A  }
0x26: {  	[smem:$0x3F1E] =	sst s1;
	(tag) =	ssettag s2;
	_ =	strace s9  }
0x27: {  	s1 =	sld [smem:$0x3F2E]  }
0x28: {  	s2 =	sld [smem:$0x3F2F]  }
0x29: {  	s4 =	sld [smem:$0x3F31]  }
0x2a: {  	p0 =	seq.s32 s5, $0x0;
	s5 =	sld [smem:$0x3F32]  }
0x2b: {  	s6 =	sld [smem:$0x3F33]  }
0x2c: {  	s7 =	sld [smem:$0x3F34]  }
0x2d: {  	s3 =	simm.s32 $0x108;
	s8 =	sld [smem:$0x3F35]  }
0x2e: {  	s3 =	simm.s32 @!p0 $0x1082;
	s9 =	sld [smem:$0x3F36]  }
0x2f: {  	lr =	sadd.s32 s0, s3;
	s0 =	sld [smem:$0x3F2D]  }
0x30: {  	s3 =	sld [smem:$0x3F30]  }
0x31: {  	[smem:$0x3F39] =	sst s10  }
0x32: {  	s10 =	sld [smem:$0x3F37];
	_ =	sdelay $0x3  }
0x33: {  	p0 =	seq.s32 s10, $0x1;
	s10 =	sld [smem:$0x3F39];
	_ =	sdelay $0x3  }
0x34: {  	[smem:$0x3F39] =	sst s10  }
0x35: {  	s10 =	sld [smem:$0x3F38];
	_ =	sdelay $0x3  }
0x36: {  	p1 =	seq.s32 s10, $0x1;
	s10 =	sld [smem:$0x3F39];
	_ =	sdelay $0x3  }
0x37: {  	[smem:$0x3F39] =	sst s10  }
0x38: {  	s10 =	sld [smem:$0x3F3A]  }
0x39: {  	_ = 	snop;
	(pc) =	sbr.ind lr, $3  }
0x3a: {  	_ = 	snop  }
0x3b: {  	_ = 	snop  }
0x3c: {  	p2 =	seq.s32 s10, $0x1;
	s10 =	sld [smem:$0x3F39]  }
0x3d: {  	_ =	shalt  }
0x3e: {  	_ =	shalt  }
0x3f: {  	_ =	shalt  }
0x40: {  	_ =	shalt  }
0x41: {  	_ =	shalt  }
0x42: {  	_ =	shalt  }
0x43: {  	_ =	shalt  }
0x44: {  	_ =	shalt  }
0x45: {  	_ =	shalt  }
0x46: {  	_ =	shalt  }
0x47: {  	_ =	shalt  }
0x48: {  	_ =	shalt  }
0x49: {  	_ =	shalt  }
0x4a: {  	_ =	shalt  }
0x4b: {  	_ =	shalt  }
0x4c: {  	_ =	shalt  }
0x4d: {  	_ =	shalt  }
0x4e: {  	_ =	shalt  }
0x4f: {  	_ =	shalt  }
0x50: {  	_ =	shalt  }
0x51: {  	_ =	shalt  }
0x52: {  	_ =	shalt  }
0x53: {  	_ =	shalt  }
0x54: {  	_ =	shalt  }
0x55: {  	_ =	shalt  }
0x56: {  	_ =	shalt  }
0x57: {  	_ =	shalt  }
0x58: {  	_ =	shalt  }
0x59: {  	_ =	shalt  }
0x5a: {  	_ =	shalt  }
0x5b: {  	_ =	shalt  }
0x5c: {  	_ =	shalt  }
0x5d: {  	_ =	shalt  }
0x5e: {  	_ =	shalt  }
0x5f: {  	_ =	shalt  }
0x60: {  	_ =	shalt  }
0x61: {  	_ =	shalt  }
0x62: {  	_ =	shalt  }
0x63: {  	_ =	shalt  }
0x64: {  	_ =	shalt  }
0x65: {  	_ =	shalt  }
0x66: {  	_ =	shalt  }
0x67: {  	_ =	shalt  }
0x68: {  	_ =	shalt  }
0x69: {  	_ =	shalt  }
0x6a: {  	_ =	shalt  }
0x6b: {  	_ =	shalt  }
0x6c: {  	_ =	shalt  }
0x6d: {  	_ =	shalt  }
0x6e: {  	_ =	shalt  }
0x6f: {  	_ =	shalt  }
0x70: {  	_ =	shalt  }
0x71: {  	_ =	shalt  }
0x72: {  	_ =	shalt  }
0x73: {  	_ =	shalt  }
0x74: {  	_ =	shalt  }
0x75: {  	_ =	shalt  }
0x76: {  	_ =	shalt  }
0x77: {  	_ =	shalt  }
0x78: {  	_ =	shalt  }
0x79: {  	_ =	shalt  }
0x7a: {  	_ =	shalt  }
0x7b: {  	_ =	shalt  }
0x7c: {  	_ =	shalt  }
0x7d: {  	_ =	shalt  }
0x7e: {  	_ =	shalt  }
0x7f: {  	_ =	shalt  }
0x80: {  	_ =	shalt  }
0x81: {  	_ =	shalt  }
0x82: {  	_ =	shalt  }
0x83: {  	_ =	shalt  }
0x84: {  	_ =	shalt  }
0x85: {  	_ =	shalt  }
0x86: {  	_ =	shalt  }
0x87: {  	_ =	shalt  }
.Lfunc_end0:
.L_simem_size_0:
called_computation_lowered:
.L_overlay_start_0:
0x88: {  	s2 =	sld [smem:$0x3FD9]  }
0x89: {  	s3 =	sld [smem:$0x3FFE];
	_ =	sdelay $0x1  }
0x8a: {  	s1 =	srdreg.scid  }
0x8b: {  	s0 =	sand.u32 $0x1, s1  }
0x8c: {  	s17 =	sshll.u32 s0, $0xA;
	s2 =	sadd.s32 s3, s2  }
0x8d: {  	s2 =	sadd.s32 s2, s17  }
0x8e: {  	[smem:$0x3F45] =	sst s2  }
0x8f: {  	_ = 	snop  }
0x90: {  	(tm) =	ssettm $0x1  }
0x91: {  	s18 =	sld [smem:$0x3FFB];
	_ =	sdelay $0x3  }
0x92: {  	_ =	strace s18  }
0x93: {  	s2 =	sld [smem:$0x3FFC];
	_ =	sdelay $0x3  }
0x94: {  	_ =	strace s2  }
0x95: {  	s2 =	sld [smem:$0x3FFD];
	_ =	sdelay $0x3  }
0x96: {  	_ =	strace s2  }
0x97: {  	_ =	strace $0x8FFFFFFF  }
0x98: {  	s19 =	sld [smem:$0x3FDB];
	_ =	sdelay $0x1  }
0x99: {  	s20 =	simm.s32 $_scs_section_size  }
0x9a: {  	s4 =	simm.s32 $_size__tile_overlayer_lowered;
	s5 =	simm.s32 $_tile_overlayer_lowered  }
0x9b: {  	s6 =	simm.s32 $0x1BFF;
	s21 =	sshll.u32 s5, $0x1;
	s3 =	sadd.s32 s20, s19  }
0x9c: {  	s22 =	simm.s32 $0x0;
	s4 =	sshll.u32 s4, $0x1;
	s5 =	sadd.s32 s21, s3  }
0x9d: {  	[timem:s22], [sflag:s6] =	dma.local [hbm:s5], s4  }
0x9e: {  	_ =	swait.ge [sflag:s6], s4  }
0x9f: {  	s4 =	ssub.s32 $0x0, s4;
	[sflag:s6] =	ssyncset.done $0x0  }
0xa0: {  	[sflag:s6] =	ssyncadd.s32 s4;
	_ =	sdelay $0x1  }
0xa1: {  	s23 =	simm.s32 $0x1B8B  }
0xa2: {  	_ =	swait.ge [sflag:s23], $0x1  }
0xa3: {  	[sflag:s23] =	ssyncset.done $0x0  }
0xa4: {  	[sflag:s23] =	ssyncadd.s32 $0xFFFFFFFF  }
0xa5: {  	s4 =	sld [smem:$0x0]  }
0xa6: {  	s5 =	sand.u32 $0xFFFFFFFE, s1  }
0xa7: {  	p0 =	sne.s32 s1, s5  }
0xa8: {  	s5 =	sshll.u32 @p0 s5, $0xE  }
0xa9: {  	s5 =	sadd.s32 @p0 $0x11B8D, s5;
	s6 =	sshll.u32 @p0 s4, $0x11  }
0xaa: {  	s5 =	sor.u32 @p0 s6, s5  }
0xab: {  	[sflag:s5] =	ssyncadd.remote.s32 @p0 $0x1;
	_ =	sdelay $0x1  }
0xac: {  	s5 =	simm.s32 @p0 $0x1B8D  }
0xad: {  	_ =	swait.eq @p0 [sflag:s5], $0x1  }
0xae: {  	[sflag:s5] =	ssyncadd.s32 @p0 $0xFFFFFFFF  }
0xaf: {  	s6 =	sshll.u32 @!p0 s1, $0xE  }
0xb0: {  	s6 =	sor.u32 @!p0 $0x4000, s6;
	s5 =	simm.s32 @!p0 $0x1B8D  }
0xb1: {  	s4 =	sshll.u32 @!p0 s4, $0x11;
	s6 =	sadd.s32 @!p0 $0x11B8D, s6;
	_ =	swait.eq @!p0 [sflag:s5], $0x1  }
0xb2: {  	s4 =	sor.u32 @!p0 s4, s6;
	[sflag:s5] =	ssyncadd.s32 @!p0 $0xFFFFFFFF  }
0xb3: {  	s25 =	simm.s32 $0x1B8E;
	s24 =	sld [smem:$0x3FFE];
	[sflag:s4] =	ssyncadd.remote.s32 @!p0 $0x1  }
0xb4: {  	s26 =	simm.s32 $execute0_lowered;
	[smem:$0x3FD2] =	sst s25  }
0xb5: {  	s5 =	sshll.u32 s26, $0x1;
	_ =	strace $0x80000049;
	[dreg:$0x1] =	wrdreg $0xFFFFFFFF  }
0xb6: {  	s28 =	simm.s32 $_size_execute0_lowered;
	s3 =	sadd.s32 s3, s5;
	[dreg:$0x0] =	wrdreg $0x0  }
0xb7: {  	s5 =	sshll.u32 s28, $0x1;
	[dreg:$0x2] =	wrdreg s3  }
0xb8: {  	[dreg:$0x3] =	wrdreg s5  }
0xb9: {  	[dreg:$0x4] =	wrdreg $0xC0  }
0xba: {  	_ =	task [dreg:s22], $0x5FFFF  }
0xbb: {  	[dreg:$0x1] =	wrdreg $0xFFFFFFFF  }
0xbc: {  	[dreg:$0x0] =	wrdreg $0x60  }
0xbd: {  	[dreg:$0x2] =	wrdreg s24  }
0xbe: {  	[dreg:$0x3] =	wrdreg $0x9  }
0xbf: {  	_ =	task.clear_ibuf [dreg:s22], $0x4FFFF;
	_ =	strace $0x90000049  }
0xc0: {  	s29 =	simm.s32 $0x9;
	_ =	strace $0x8000004B  }
0xc1: {  	_ =	swait.ge [sflag:s29], $0x1  }
0xc2: {  	[sflag:s29] =	ssyncadd.s32 $0xFFFFFFFF  }
0xc3: {  	_ =	strace $0x9000004B  }
0xc4: {  	_ =	sfence  }
0xc5: {  	s30 =	sld [smem:$0x0];
	_ =	sdelay $0x2  }
0xc6: {  	s31 =	sshll.u32 s1, $0xD;
	s1 =	sshrl.u32 s1, $0x2  }
0xc7: {  	s4 =	sand.u32 $0x4000, s31;
	s1 =	sadd.s32 s1, s30  }
0xc8: {  	s0 =	sor.u32 s4, s0;
	s1 =	sshll.u32 s1, $0x11  }
0xc9: {  	s0 =	sor.u32 s1, s0  }
0xca: {  	s0 =	sadd.s32 $0x8F2B, s0  }
0xcb: {  	[sflag:s0] =	ssyncadd.remote.s32 $0x1  }
0xcc: {  	_ =	sfence.sel $0xFFFF  }
0xcd: {  	[dreg:$0x0] =	wrdreg $0xFFFFFFFF;
	(pc) =	sbr.abs _section_cstart, $3  }
0xce: {  	[dreg:$0x1] =	wrdreg $0xFFFFFFFF  }
0xcf: {  	_ =	task.clear_ibuf [dreg:s22], $0x2FFFF;
	_ =	strace $0x9FFFFFFF  }
0xd0: {  	(tm) =	ssettm $0x7FFFFFFF  }
0xd1: {  	_ =	shalt  }
tec
execute0_lowered:
.L_overlay_start_1:
0x0: {  	(tag) =	ssettag $0x1  }
0x1: {  	v3 =	vlaneseq.u32;
	v5 =	vimm.s32 $0x65432100  }
0x2: {  	v6 =	vimm.s32 $0xEDCBA987;
	v8 =	vimm.s32 $0xDCBA9876;
	v9 =	vimm.s32 $0x54321000  }
0x3: {  	v10 =	vimm.s32 $0xBA987654;
	v11 =	vimm.s32 $0xE40000;
	v12 =	vimm.s32 $0x32100000  }
0x4: {  	vm0 =	vmmov $0x3;
	vm1 =	vmmov $0xf;
	vm2 =	vcmask $0x3F30  }
0x5: {  	v7 =	vunpack.c.l.s4.s8 v5;
	v6 =	vunpack.c.l.s4.s8 v6;
	v5 =	vimm.s32 $0x0  }
0x6: {  	v8 =	vunpack.c.l.s4.s8 v8;
	v9 =	vunpack.c.l.s4.s8 v9;
	v10 =	vunpack.c.l.s4.s8 v10  }
0x7: {  	s1 =	srdreg.scid;
	s0 =	stileid.u32;
	v11 =	vunpack.c.l.s2.s4 v11;
	v12 =	vunpack.c.l.s4.s8 v12;
	v13 =	vor.u32 $0x30, v3  }
0x8: {  	s3 =	sand.u32 $0x1, s1;
	s29 =	sshll.u32 s0, $0x1;
	v14 =	vor.u32 $0x40, v3;
	v15 =	vor.u32 $0x50, v3;
	v16 =	vor.u32 $0x60, v3  }
0x9: {  	s30 =	sor.u32 $0x2710, s0;
	v17 =	vor.u32 $0x70, v3;
	v18 =	vor.u32 $0x80, v3;
	v19 =	vor.u32 $0x90, v3;
	s6 =	sor.u32 s3, s29  }
0xa: {  	v2 =	vmov s30;
	s1 =	smul.u32 $0x138, s6;
	v7 =	vunpack.c.0.s8.s32 v7;
	v6 =	vunpack.c.0.s8.s32 v6  }
0xb: {  	s31 =	sshll.u32 s6, $0x4;
	v8 =	vunpack.c.0.s8.s32 v8;
	v9 =	vunpack.c.0.s8.s32 v9;
	v11 =	vunpack.c.l.s4.s8 v11  }
0xc: {  	s5 =	rddreg [dreg:$0x0];
	v10 =	vunpack.c.0.s8.s32 v10;
	v4 =	vor.u32 s31, v3;
	v0 =	vmov s1  }
0xd: {  	s2 =	simm.s32 $0x0;
	s9 =	simm.s32 $0x1000;
	s10 =	simm.s32 $0x2100;
	v6 =	vand.u32 $0xF, v6;
	v8 =	vand.u32 $0xF, v8;
	v11 =	vunpack.c.0.s8.s32 v11  }
0xe: {  	s11 =	simm.s32 $0x0;
	[smem:$0x7FF] =	sst s2;
	s4 =	sadd.s32 $0x14A00, s5;
	v6 =	vcombine.low v7, v6;
	v7 =	vcombine.low v9, v8;
	v8 =	vunpack.c.0.s8.s32 v12  }
0xf: {  	s15 =	simm.s32 $0x0;
	s7 =	ssub.s32 $0x2, s3;
	s3 =	sadd.s32 $0xA1D400, s5;
	v1 =	vadd.s32 $0x138, v0;
	v9 =	vand.u32 $0xF, v10;
	v10 =	vimm.s32 $0x7060504  }
0x10: {  	s5 =	sadd.s32 $0xB5D400, s5;
	p0 =	seq.s32 s6, $0x1F;
	s8 =	sshrl.u32 s7, $0x1;
	v12 =	vor.u32 $0x20, v3;
	v8 =	vcombine.low v8, v9;
	v9 =	vunpack.c.0.s8.s32 v10  }
0x11: {  	s6 =	smul.u32 $0x50, s6;
	s7 =	ssub.s32 s7, s8;
	s8 =	simm.s32 $0x1;
	v1 =	vpsel p0, $0x2710, v1;
	v10 =	vand.u32 $0x3, v11;
	v11 =	vor.u32 $0x10, v3  }
0x12: {  	s1 =	rddreg [dreg:$0x1];
	_ =	strace $0x8000004A;
	s7 =	smax.u32 s7, $0x1;
	v9 =	vsel vm2, v9, v10;
	vm2 =	vmmov $0xff;
	v10 =	vimm.s32 $0xF  }
.LBB2_1:
0x13: {  	s12 =	simm.s32 $0x0  }
.LBB2_2:
0x14: {  	s13 =	smul.u32 $0xFA0, s12;
	_ =	sdelay $0x1  }
0x15: {  	s14 =	sshrl.u32 s13, $0x3  }
0x16: {  	s14 =	sadd.s32 s4, s14  }
0x17: {  	[tilespmem:s15], [sflag:$0x1] =	stream.linear.gather [hbm4b:s14+s15], $0xFA0, $0x38;
	[tilespmem:$0x3200] =	vst v63  }
0x18: {  	_ =	swait.ge [sflag:s8], $0xFA0  }
0x19: {  	[sflag:s8] =	ssyncset.done $0x0  }
0x1a: {  	s30 =	simm.s32 $0x0;
	[sflag:s8] =	ssyncadd.s32 $0xFFFFF060  }
0x1b: {  	v21 =	vld [tilespmem:s30+$0x0];
	_ =	sdelay $0x4  }
0x1c: {  	vm3 =	vge.s32 v21, v0;
	vm4 =	vlt.s32 v21, v1  }
0x1d: {  	vm4 =	vmand vm3, vm4  }
0x1e: {  	v20 =	vsel vm4, $0x1, v5  }
0x1f: {  	v22 =	vperm.xlane v20, v6  }
0x20: {  	vm3 =	veq.s32 v3, $0x0  }
0x21: {  	v22 =	vsel vm3, $0x0, v22  }
0x22: {  	v20 =	vadd.s32 v20, v22  }
0x23: {  	v22 =	vperm.xlane v20, v7;
	_ =	sdelay $0x1  }
0x24: {  	v22 =	vsel vm0, $0x0, v22  }
0x25: {  	v20 =	vadd.s32 v22, v20  }
0x26: {  	v22 =	vperm.xlane v20, v8;
	_ =	sdelay $0x1  }
0x27: {  	v22 =	vsel vm1, $0x0, v22  }
0x28: {  	v20 =	vadd.s32 v22, v20  }
0x29: {  	v22 =	vperm.xlane v20, v9;
	_ =	sdelay $0x1  }
0x2a: {  	v23 =	vimm.s32 $0x0;
	v24 =	vsel vm4, $0xFFFFFFFF, v5;
	v22 =	vsel vm2, $0x0, v22  }
0x2b: {  	v22 =	vadd.s32 v22, v20;
	v20 =	vadd.s32 v24, v23  }
0x2c: {  	v24 =	vadd.s32 v22, v20;
	_ =	sdelay $0x3  }
0x2d: {  	v20 =	vor.u32 s13, v3  }
0x2e: {  	v22 =	vperm.xlane v22, v10;
	[tilespmem:v24+s9+$0x0] =	vst.idx.msk vm4, v20  }
0x2f: {  	s31 =	simm.s32 $0x10;
	[tilespmem:v24+s10+$0x0] =	vst.idx.msk vm4, v21  }
0x30: {  	s13 =	simm.s32 $0x80;
	v22 =	vadd.s32 v23, v22;
	v21 =	vld [tilespmem:s31+$0x0]  }
.LBB2_3:
0x31: {  	p0 =	sne.s32 s13, $0x3E40;
	_ =	sdelay $0x3  }
0x32: {  	vm4 =	vge.s32 v21, v0;
	vm5 =	vlt.s32 v21, v1  }
0x33: {  	vm4 =	vmand vm4, vm5  }
0x34: {  	v23 =	vsel vm4, $0xFFFFFFFF, v5;
	v24 =	vsel vm4, $0x1, v5  }
0x35: {  	v25 =	vperm.xlane v24, v6;
	_ =	sdelay $0x1  }
0x36: {  	v25 =	vsel vm3, $0x0, v25  }
0x37: {  	v24 =	vadd.s32 v24, v25  }
0x38: {  	v25 =	vperm.xlane v24, v7;
	_ =	sdelay $0x1  }
0x39: {  	v25 =	vsel vm0, $0x0, v25  }
0x3a: {  	v24 =	vadd.s32 v25, v24  }
0x3b: {  	v25 =	vperm.xlane v24, v8;
	_ =	sdelay $0x1  }
0x3c: {  	v25 =	vsel vm1, $0x0, v25  }
0x3d: {  	v24 =	vadd.s32 v25, v24  }
0x3e: {  	v25 =	vperm.xlane v24, v9;
	_ =	sdelay $0x1  }
0x3f: {  	v25 =	vsel vm2, $0x0, v25  }
0x40: {  	v23 =	vadd.s32 v23, v22;
	v24 =	vadd.s32 v25, v24  }
0x41: {  	v23 =	vadd.s32 v24, v23;
	v24 =	vperm.xlane v24, v10;
	_ =	sdelay $0x1  }
0x42: {  	v22 =	vadd.s32 v22, v24  }
.Ltmp0:
0x43: {  	(pc) =	sbr.rel @p0 .LBB2_3-.Ltmp0, $4  }
0x44: {  	v20 =	vadd.s32 $0x10, v20  }
0x45: {  	[tilespmem:v23+s9+$0x0] =	vst.idx.msk vm4, v20  }
0x46: {  	s14 =	sshra.s32 s13, $0x2;
	[tilespmem:v23+s10+$0x0] =	vst.idx.msk vm4, v21  }
0x47: {  	s13 =	sadd.s32 $0x40, s13;
	v21 =	vld [tilespmem:s14+$0x0]  }
0x48: {  	_ =	sdelay $0x3  }
0x49: {  	vm3 =	vge.s32 v21, v0;
	vm4 =	vlt.s32 v21, v1  }
0x4a: {  	vm3 =	vmand vm3, vm4  }
0x4b: {  	v23 =	vsel vm3, $0x1, v5  }
0x4c: {  	v24 =	vperm.xlane v23, v6  }
0x4d: {  	vm15 =	veq.s32 v3, $0x0  }
0x4e: {  	v24 =	vsel vm15, $0x0, v24  }
0x4f: {  	v23 =	vadd.s32 v23, v24  }
0x50: {  	v24 =	vperm.xlane v23, v7;
	_ =	sdelay $0x1  }
0x51: {  	v24 =	vsel vm0, $0x0, v24  }
0x52: {  	v23 =	vadd.s32 v24, v23  }
0x53: {  	v24 =	vperm.xlane v23, v8;
	_ =	sdelay $0x1  }
0x54: {  	v24 =	vsel vm1, $0x0, v24  }
0x55: {  	v23 =	vadd.s32 v24, v23  }
0x56: {  	v24 =	vperm.xlane v23, v9;
	_ =	sdelay $0x1  }
0x57: {  	v24 =	vsel vm2, $0x0, v24  }
0x58: {  	v25 =	vsel vm3, $0xFFFFFFFF, v5;
	v23 =	vadd.s32 v24, v23  }
0x59: {  	v55 =	vadd.s32 v25, v22;
	v56 =	vperm.xlane v23, v10  }
0x5a: {  	v23 =	vadd.s32 v23, v55  }
0x5b: {  	v57 =	vadd.s32 v22, v56  }
0x5c: {  	v58 =	vadd.s32 v3, v57;
	_ =	sdelay $0x1  }
0x5d: {  	v20 =	vadd.s32 $0x10, v20;
	v25 =	vadd.s32 v11, v57  }
0x5e: {  	[tilespmem:v23+s9+$0x0] =	vst.idx.msk vm3, v20  }
0x5f: {  	v20 =	vadd.s32 v12, v57;
	[tilespmem:v23+s10+$0x0] =	vst.idx.msk vm3, v21  }
0x60: {  	[tilespmem:v58+s9+$0x0] =	vst.idx.msk $0xffff, v4  }
0x61: {  	v59 =	vadd.s32 v13, v57;
	[tilespmem:v58+s10+$0x0] =	vst.idx.msk $0xffff, v2  }
0x62: {  	[tilespmem:v25+s9+$0x0] =	vst.idx.msk $0xffff, v4  }
0x63: {  	v60 =	vadd.s32 v14, v57;
	[tilespmem:v25+s10+$0x0] =	vst.idx.msk $0xffff, v2  }
0x64: {  	[tilespmem:v20+s9+$0x0] =	vst.idx.msk $0xffff, v4  }
0x65: {  	[tilespmem:v20+s10+$0x0] =	vst.idx.msk $0xffff, v2;
	v20 =	vadd.s32 v15, v57  }
0x66: {  	[tilespmem:v59+s9+$0x0] =	vst.idx.msk $0xffff, v4  }
0x67: {  	v61 =	vadd.s32 v16, v57;
	[tilespmem:v59+s10+$0x0] =	vst.idx.msk $0xffff, v2  }
0x68: {  	[tilespmem:v60+s9+$0x0] =	vst.idx.msk $0xffff, v4  }
0x69: {  	v62 =	vadd.s32 v17, v57;
	[tilespmem:v60+s10+$0x0] =	vst.idx.msk $0xffff, v2  }
0x6a: {  	[tilespmem:v20+s9+$0x0] =	vst.idx.msk $0xffff, v4  }
0x6b: {  	[tilespmem:v20+s10+$0x0] =	vst.idx.msk $0xffff, v2;
	v20 =	vadd.s32 v18, v57  }
0x6c: {  	[tilespmem:v61+s9+$0x0] =	vst.idx.msk $0xffff, v4  }
0x6d: {  	v63 =	vadd.s32 v19, v57;
	[tilespmem:v61+s10+$0x0] =	vst.idx.msk $0xffff, v2  }
0x6e: {  	[tilespmem:v62+s9+$0x0] =	vst.idx.msk $0xffff, v4  }
0x6f: {  	[tilespmem:v62+s10+$0x0] =	vst.idx.msk $0xffff, v2  }
0x70: {  	[tilespmem:v20+s9+$0x0] =	vst.idx.msk $0xffff, v4  }
0x71: {  	s13 =	sadd.s32 s6, s12;
	[tilespmem:v20+s10+$0x0] =	vst.idx.msk $0xffff, v2  }
0x72: {  	s13 =	sshll.u32 s13, $0x9;
	[tilespmem:v63+s9+$0x0] =	vst.idx.msk $0xffff, v4  }
0x73: {  	s14 =	sadd.s32 s3, s13;
	[tilespmem:v63+s10+$0x0] =	vst.idx.msk $0xffff, v2  }
0x74: {  	[hbm4b:s14+s2] =	stream.linear.scatter [tilespmem:s9], [sflag:$0x1], $0x1000, $0x38;
	[tilespmem:$0x3200] =	vst v63  }
0x75: {  	s12 =	sadd.s32 $0x1, s12;
	_ =	swait.ge [sflag:s8], $0x1000  }
0x76: {  	p0 =	sne.s32 s12, $0x50;
	[sflag:s8] =	ssyncset.done $0x0  }
.Ltmp1:
0x77: {  	s13 =	sadd.s32 s5, s13;
	[sflag:s8] =	ssyncadd.s32 $0xFFFFF000;
	(pc) =	sbr.rel @p0 .LBB2_2-.Ltmp1, $4  }
0x78: {  	[hbm4b:s13+s2] =	stream.linear.scatter [tilespmem:s10], [sflag:$0x1], $0x1000, $0x38;
	[tilespmem:$0x3200] =	vst v63  }
0x79: {  	_ =	swait.ge [sflag:s8], $0x1000  }
0x7a: {  	[sflag:s8] =	ssyncset.done $0x0  }
0x7b: {  	[sflag:s8] =	ssyncadd.s32 $0xFFFFF000  }
0x7c: {  	s11 =	sadd.s32 $0x1, s11  }
0x7d: {  	p0 =	sne.s32 s11, s7  }
.Ltmp2:
0x7e: {  	_ = 	snop;
	(pc) =	sbr.rel @p0 .LBB2_1-.Ltmp2, $1  }
0x7f: {  	_ =	sdelay $0x3  }
0x80: {  	_ =	sfence.sel $0x180000  }
0x81: {  	[bflag:$0x0] =	sbarrier.arrive $0xFFFF  }
0x82: {  	p0 =	sne.s32 s0, $0x0;
	_ =	strace $0x9000004A  }
0x83: {  	s0 =	sadd.s32 @!p0 $0x100000, s1;
	[bflag:$0x2] =	sbarrier.arrive $0xFFFF  }
0x84: {  	[sflag:s0] =	ssyncadd.tile.s32 @!p0 $0x1;
	_ =	shalt  }
.Lfunc_end2:
_tile_overlayer_lowered:
.L_overlay_start_2:
0x85: {  	(tag) =	ssettag $0x2  }
0x86: {  	s0 =	rddreg [dreg:$0x0];
	s2 =	stileid.u32  }
0x87: {  	s1 =	rddreg [dreg:$0x1];
	p0 =	sne.s32 s2, $0x0  }
0x88: {  	s3 =	rddreg [dreg:$0x2];
	[bflag:$0x3] =	sbarrier.arrive $0xFFFF;
	s2 =	simm.s32 @!p0 $0x1C01  }
0x89: {  	[timem:s3], [sflag:s2] =	dma.local @!p0 [hbm:s0], s1  }
0x8a: {  	s0 =	simm.s32 @!p0 $0x1  }
0x8b: {  	_ =	swait.ge @!p0 [sflag:s0], s1  }
0x8c: {  	s1 =	ssub.s32 @!p0 $0x0, s1;
	[sflag:s0] =	ssyncset.done @!p0 $0x0  }
0x8d: {  	[sflag:s0] =	ssyncadd.s32 @!p0 s1  }
0x8e: {  	[bflag:$0x3] =	sbarrier.arrive $0xFFFF  }
0x8f: {  	_ =	shalt  }

// kernel: kernel.29.cloned.1.call-start
scs
__scs_entry_jumppad:
0x0: {  	(pc) =	sbr.rel $0x88, $3  }
0x1: {  	(tag) =	ssettag $0x0;
	lr =	simm.s32 $0x1  }
0x2: {  	[smem:$0x3F1E] =	sst lr;
	_ =	strace $0xD0000000  }
0x3: {  	_ = 	snop  }
0x4: {  	_ = 	snop  }
0x5: {  	_ = 	snop  }
0x6: {  	_ = 	snop  }
0x7: {  	_ = 	snop  }
__scs_overlays_trampoline_lowered:
0x8: {  	[smem:$0x3F2D] =	sst s0  }
0x9: {  	[smem:$0x3F2E] =	sst s1  }
0xa: {  	[smem:$0x3F2F] =	sst s2  }
0xb: {  	[smem:$0x3F30] =	sst s3  }
0xc: {  	[smem:$0x3F31] =	sst s4  }
0xd: {  	[smem:$0x3F32] =	sst s5  }
0xe: {  	[smem:$0x3F33] =	sst s6  }
0xf: {  	[smem:$0x3F34] =	sst s7  }
0x10: {  	[smem:$0x3F35] =	sst s8  }
0x11: {  	[smem:$0x3F36] =	sst s9;
	s0 =	simm.s32 @!p0 $0x0  }
0x12: {  	s1 =	sld [smem:$0x3F1C];
	s0 =	simm.s32 @p0 $0x1  }
0x13: {  	[smem:$0x3F37] =	sst s0;
	s0 =	simm.s32 @!p1 $0x0  }
0x14: {  	s2 =	sld [smem:$0x3F1B];
	s0 =	simm.s32 @p1 $0x1  }
0x15: {  	[smem:$0x3F38] =	sst s0;
	s0 =	simm.s32 @!p2 $0x0  }
0x16: {  	s3 =	sld [smem:$0x3FDB];
	s0 =	simm.s32 @p2 $0x1  }
0x17: {  	s4 =	simm.s32 $0x1BF5;
	[smem:$0x3F3A] =	sst s0  }
0x18: {  	s0 =	sld [smem:$0x3F1D];
	_ =	swait.ge [sflag:s4], $0x0  }
0x19: {  	s7 =	sld [smem:$0x3F1E]  }
0x1a: {  	s8 =	sadd.s32 $0xFFFFE003, lr  }
0x1b: {  	s9 =	sadd.s32 $0xFFFFFEF7, lr;
	s5 =	simm.s32 $0xFFFFFFFF;
	p2 =	slt.u32 s8, $0xFFFFF086  }
0x1c: {  	p1 =	slt.u32 s9, $0xF7A;
	s5 =	simm.s32 @!p2 $0x0  }
0x1d: {  	s5 =	simm.s32 @p1 $0x1;
	p0 =	seq.s32 s7, s2  }
0x1e: {  	s7 =	smul.u32 @!p0 $0xF7A, s2;
	p2 =	seq.s32 @!p0 s5, $0x0  }
0x1f: {  	s9 =	smul.u32 $0xF7A, s1;
	s8 =	simm.s32 @!p0 $0x1BF5;
	p2 =	por !p2, p0  }
0x20: {  	[sflag:s8] =	ssyncset.s32 @!p0 $0xFFFFF086;
	s6 =	sadd.s32 @!p0 s3, s7;
	s7 =	simm.s32 @!p0 $0x108  }
0x21: {  	s3 =	sadd.s32 s3, s9;
	s6 =	sadd.s32 @!p0 $0x88, s6;
	s7 =	simm.s32 @p2 $0x1082  }
0x22: {  	[simem:s7], [sflag:s8] =	dma.local @!p0 [hbm:s6], $0xF7A  }
0x23: {  	s9 =	sor.u32 $0xD0000000, s2;
	s6 =	simm.s32 $0x108;
	_ =	swait.ge @!p0 [sflag:s8], $0x0  }
0x24: {  	s3 =	sadd.s32 $0x88, s3;
	s6 =	simm.s32 @!p1 $0x1082;
	[sflag:s4] =	ssyncset.s32 $0xFFFFF086  }
0x25: {  	[simem:s6], [sflag:s4] =	dma.local [hbm:s3], $0xF7A  }
0x26: {  	[smem:$0x3F1E] =	sst s1;
	(tag) =	ssettag s2;
	_ =	strace s9  }
0x27: {  	s1 =	sld [smem:$0x3F2E]  }
0x28: {  	s2 =	sld [smem:$0x3F2F]  }
0x29: {  	s4 =	sld [smem:$0x3F31]  }
0x2a: {  	p0 =	seq.s32 s5, $0x0;
	s5 =	sld [smem:$0x3F32]  }
0x2b: {  	s6 =	sld [smem:$0x3F33]  }
0x2c: {  	s7 =	sld [smem:$0x3F34]  }
0x2d: {  	s3 =	simm.s32 $0x108;
	s8 =	sld [smem:$0x3F35]  }
0x2e: {  	s3 =	simm.s32 @!p0 $0x1082;
	s9 =	sld [smem:$0x3F36]  }
0x2f: {  	lr =	sadd.s32 s0, s3;
	s0 =	sld [smem:$0x3F2D]  }
0x30: {  	s3 =	sld [smem:$0x3F30]  }
0x31: {  	[smem:$0x3F39] =	sst s10  }
0x32: {  	s10 =	sld [smem:$0x3F37];
	_ =	sdelay $0x3  }
0x33: {  	p0 =	seq.s32 s10, $0x1;
	s10 =	sld [smem:$0x3F39];
	_ =	sdelay $0x3  }
0x34: {  	[smem:$0x3F39] =	sst s10  }
0x35: {  	s10 =	sld [smem:$0x3F38];
	_ =	sdelay $0x3  }
0x36: {  	p1 =	seq.s32 s10, $0x1;
	s10 =	sld [smem:$0x3F39];
	_ =	sdelay $0x3  }
0x37: {  	[smem:$0x3F39] =	sst s10  }
0x38: {  	s10 =	sld [smem:$0x3F3A]  }
0x39: {  	_ = 	snop;
	(pc) =	sbr.ind lr, $3  }
0x3a: {  	_ = 	snop  }
0x3b: {  	_ = 	snop  }
0x3c: {  	p2 =	seq.s32 s10, $0x1;
	s10 =	sld [smem:$0x3F39]  }
0x3d: {  	_ =	shalt  }
0x3e: {  	_ =	shalt  }
0x3f: {  	_ =	shalt  }
0x40: {  	_ =	shalt  }
0x41: {  	_ =	shalt  }
0x42: {  	_ =	shalt  }
0x43: {  	_ =	shalt  }
0x44: {  	_ =	shalt  }
0x45: {  	_ =	shalt  }
0x46: {  	_ =	shalt  }
0x47: {  	_ =	shalt  }
0x48: {  	_ =	shalt  }
0x49: {  	_ =	shalt  }
0x4a: {  	_ =	shalt  }
0x4b: {  	_ =	shalt  }
0x4c: {  	_ =	shalt  }
0x4d: {  	_ =	shalt  }
0x4e: {  	_ =	shalt  }
0x4f: {  	_ =	shalt  }
0x50: {  	_ =	shalt  }
0x51: {  	_ =	shalt  }
0x52: {  	_ =	shalt  }
0x53: {  	_ =	shalt  }
0x54: {  	_ =	shalt  }
0x55: {  	_ =	shalt  }
0x56: {  	_ =	shalt  }
0x57: {  	_ =	shalt  }
0x58: {  	_ =	shalt  }
0x59: {  	_ =	shalt  }
0x5a: {  	_ =	shalt  }
0x5b: {  	_ =	shalt  }
0x5c: {  	_ =	shalt  }
0x5d: {  	_ =	shalt  }
0x5e: {  	_ =	shalt  }
0x5f: {  	_ =	shalt  }
0x60: {  	_ =	shalt  }
0x61: {  	_ =	shalt  }
0x62: {  	_ =	shalt  }
0x63: {  	_ =	shalt  }
0x64: {  	_ =	shalt  }
0x65: {  	_ =	shalt  }
0x66: {  	_ =	shalt  }
0x67: {  	_ =	shalt  }
0x68: {  	_ =	shalt  }
0x69: {  	_ =	shalt  }
0x6a: {  	_ =	shalt  }
0x6b: {  	_ =	shalt  }
0x6c: {  	_ =	shalt  }
0x6d: {  	_ =	shalt  }
0x6e: {  	_ =	shalt  }
0x6f: {  	_ =	shalt  }
0x70: {  	_ =	shalt  }
0x71: {  	_ =	shalt  }
0x72: {  	_ =	shalt  }
0x73: {  	_ =	shalt  }
0x74: {  	_ =	shalt  }
0x75: {  	_ =	shalt  }
0x76: {  	_ =	shalt  }
0x77: {  	_ =	shalt  }
0x78: {  	_ =	shalt  }
0x79: {  	_ =	shalt  }
0x7a: {  	_ =	shalt  }
0x7b: {  	_ =	shalt  }
0x7c: {  	_ =	shalt  }
0x7d: {  	_ =	shalt  }
0x7e: {  	_ =	shalt  }
0x7f: {  	_ =	shalt  }
0x80: {  	_ =	shalt  }
0x81: {  	_ =	shalt  }
0x82: {  	_ =	shalt  }
0x83: {  	_ =	shalt  }
0x84: {  	_ =	shalt  }
0x85: {  	_ =	shalt  }
0x86: {  	_ =	shalt  }
0x87: {  	_ =	shalt  }
.Lfunc_end0:
.L_simem_size_0:
called_computation.1_lowered:
.L_overlay_start_0:
0x88: {  	s2 =	sld [smem:$0x3FD9]  }
0x89: {  	s3 =	sld [smem:$0x3FFE];
	_ =	sdelay $0x1  }
0x8a: {  	s1 =	srdreg.scid  }
0x8b: {  	s0 =	sand.u32 $0x1, s1  }
0x8c: {  	s16 =	sshll.u32 s0, $0xA;
	s2 =	sadd.s32 s3, s2  }
0x8d: {  	s2 =	sadd.s32 s2, s16  }
0x8e: {  	[smem:$0x3F45] =	sst s2  }
0x8f: {  	_ = 	snop  }
0x90: {  	(tm) =	ssettm $0x1  }
0x91: {  	s17 =	sld [smem:$0x3FFB];
	_ =	sdelay $0x3  }
0x92: {  	_ =	strace s17  }
0x93: {  	s2 =	sld [smem:$0x3FFC];
	_ =	sdelay $0x3  }
0x94: {  	_ =	strace s2  }
0x95: {  	s2 =	sld [smem:$0x3FFD];
	_ =	sdelay $0x3  }
0x96: {  	_ =	strace s2  }
0x97: {  	_ =	strace $0x8FFFFFFF  }
0x98: {  	s18 =	sld [smem:$0x3FDB];
	_ =	sdelay $0x1  }
0x99: {  	s19 =	simm.s32 $_scs_section_size  }
0x9a: {  	s4 =	simm.s32 $_size__tile_overlayer_lowered;
	s5 =	simm.s32 $_tile_overlayer_lowered  }
0x9b: {  	s22 =	simm.s32 $0x1BFF;
	s21 =	sshll.u32 s5, $0x1;
	s2 =	sadd.s32 s19, s18  }
0x9c: {  	s6 =	simm.s32 $0x0;
	s20 =	sshll.u32 s4, $0x1;
	s4 =	sadd.s32 s21, s2  }
0x9d: {  	[timem:s6], [sflag:s22] =	dma.local [hbm:s4], s20  }
0x9e: {  	_ =	swait.ge [sflag:s22], s20  }
0x9f: {  	s3 =	ssub.s32 $0x0, s20;
	[sflag:s22] =	ssyncset.done $0x0  }
0xa0: {  	[sflag:s22] =	ssyncadd.s32 s3;
	_ =	sdelay $0x1  }
0xa1: {  	s23 =	simm.s32 $0x1B8B  }
0xa2: {  	_ =	swait.ge [sflag:s23], $0x1  }
0xa3: {  	[sflag:s23] =	ssyncset.done $0x0  }
0xa4: {  	s25 =	simm.s32 $0x1B8E;
	s24 =	sld [smem:$0x3FFE];
	[sflag:s23] =	ssyncadd.s32 $0xFFFFFFFF  }
0xa5: {  	s26 =	simm.s32 $execute0_lowered;
	[smem:$0x3FD2] =	sst s25  }
0xa6: {  	s4 =	sshll.u32 s26, $0x1;
	_ =	strace $0x80000046;
	[dreg:$0x1] =	wrdreg $0xFFFFFFFF  }
0xa7: {  	s28 =	simm.s32 $_size_execute0_lowered;
	s2 =	sadd.s32 s2, s4;
	[dreg:$0x0] =	wrdreg $0x0  }
0xa8: {  	s4 =	sshll.u32 s28, $0x1;
	[dreg:$0x2] =	wrdreg s2  }
0xa9: {  	[dreg:$0x3] =	wrdreg s4  }
0xaa: {  	[dreg:$0x4] =	wrdreg $0xC0  }
0xab: {  	_ =	task [dreg:s6], $0x5FFFF  }
0xac: {  	[dreg:$0x1] =	wrdreg $0xFFFFFFFF  }
0xad: {  	[dreg:$0x0] =	wrdreg $0x60  }
0xae: {  	[dreg:$0x2] =	wrdreg s24  }
0xaf: {  	[dreg:$0x3] =	wrdreg $0xA  }
0xb0: {  	_ =	task.clear_ibuf [dreg:s6], $0x4FFFF;
	_ =	strace $0x90000046  }
0xb1: {  	s29 =	simm.s32 $0xA;
	_ =	strace $0x80000048  }
0xb2: {  	_ =	swait.ge [sflag:s29], $0x1  }
0xb3: {  	[sflag:s29] =	ssyncadd.s32 $0xFFFFFFFF  }
0xb4: {  	_ =	strace $0x90000048  }
0xb5: {  	_ =	sfence  }
0xb6: {  	s30 =	sld [smem:$0x0];
	_ =	sdelay $0x2  }
0xb7: {  	s31 =	sshll.u32 s1, $0xD;
	s1 =	sshrl.u32 s1, $0x2  }
0xb8: {  	s3 =	sand.u32 $0x4000, s31;
	s1 =	sadd.s32 s1, s30  }
0xb9: {  	s0 =	sor.u32 s3, s0;
	s1 =	sshll.u32 s1, $0x11  }
0xba: {  	s0 =	sor.u32 s1, s0  }
0xbb: {  	s0 =	sadd.s32 $0x8F2B, s0  }
0xbc: {  	[sflag:s0] =	ssyncadd.remote.s32 $0x1  }
0xbd: {  	_ =	sfence.sel $0xFFFF  }
0xbe: {  	[dreg:$0x0] =	wrdreg $0xFFFFFFFF;
	(pc) =	sbr.abs _section_cstart, $3  }
0xbf: {  	[dreg:$0x1] =	wrdreg $0xFFFFFFFF  }
0xc0: {  	_ =	task.clear_ibuf [dreg:s6], $0x2FFFF;
	_ =	strace $0x9FFFFFFF  }
0xc1: {  	(tm) =	ssettm $0x7FFFFFFF  }
tec
execute0_lowered:
.L_overlay_start_1:
0x0: {  	(tag) =	ssettag $0x1  }
0x1: {  	s4 =	rddreg [dreg:$0x0]  }
0x2: {  	s0 =	rddreg [dreg:$0x1]  }
0x3: {  	s3 =	srdreg.scid;
	s1 =	stileid.u32;
	s2 =	simm.s32 $0x0  }
0x4: {  	s10 =	simm.s32 $0x1;
	s11 =	simm.s32 $0x0;
	s6 =	smul.u32 $0x9C40, s1  }
0x5: {  	s5 =	sand.u32 $0x1, s3;
	[smem:$0x7FF] =	sst s2;
	s8 =	smul.u32 $0x9C400, s1  }
0x6: {  	s3 =	sadd.s32 $0x32200, s4;
	s7 =	smul.u32 $0x4E20, s5;
	s9 =	ssub.s32 $0x2, s5  }
0x7: {  	_ =	strace $0x80000047;
	s5 =	smul.u32 $0x4E200, s5;
	s31 =	sshrl.u32 s9, $0x1  }
0x8: {  	s30 =	sadd.s32 s8, s4;
	s6 =	sadd.s32 s7, s6;
	s8 =	ssub.s32 s9, s31  }
0x9: {  	s5 =	sadd.s32 s5, s30;
	s7 =	simm.s32 $0x2;
	s6 =	sshrl.u32 s6, $0x3  }
0xa: {  	s9 =	simm.s32 $0x80;
	s5 =	sadd.s32 $0x59400, s5;
	s6 =	sadd.s32 s6, s4  }
0xb: {  	s4 =	smax.u32 s8, $0x1;
	s8 =	simm.s32 $0x50;
	s6 =	sadd.s32 $0x1E800, s6  }
.LBB2_1:
0xc: {  	s12 =	sadd.s32 $0x0, s6  }
0xd: {  	[tilespmem:s2], [sflag:$0x2] =	stream.linear.gather [hbm4b:s12+s2], $0x50, $0x38;
	[tilespmem:$0x2880] =	vst v63  }
0xe: {  	_ =	swait.ge [sflag:s7], $0x50  }
0xf: {  	[sflag:s7] =	ssyncset.done $0x0  }
0x10: {  	[sflag:s7] =	ssyncadd.s32 $0xFFFFFFB0  }
0x11: {  	[tilespmem:s9], [sflag:$0x1] =	stream.indirect.gather [hbm4b:s3+s8], $0x80, s2, s8, $0xb8;
	[tilespmem:$0x2880] =	vst v63  }
0x12: {  	_ =	swait.ge [sflag:s10], $0x2800  }
0x13: {  	[sflag:s10] =	ssyncset.done $0x0  }
0x14: {  	[sflag:s10] =	ssyncadd.s32 $0xFFFFD800  }
0x15: {  	[hbm4b:s5+s2] =	stream.linear.scatter [tilespmem:s9], [sflag:$0x2], $0x2800, $0x38;
	[tilespmem:$0x2880] =	vst v63  }
0x16: {  	s13 =	simm.s32 $0xA;
	_ =	swait.ge [sflag:s7], $0x2800  }
0x17: {  	s14 =	simm.s32 $0x14;
	s12 =	sadd.s32 $0x500, s5;
	[sflag:s7] =	ssyncset.done $0x0  }
.LBB2_2:
0x18: {  	s15 =	sadd.s32 s13, s6  }
0x19: {  	[sflag:s7] =	ssyncadd.s32 $0xFFFFD800;
	s13 =	smov.u32 s14;
	s16 =	sadd.s32 $0xA, s14  }
0x1a: {  	[tilespmem:s2], [sflag:$0x2] =	stream.linear.gather [hbm4b:s15+s2], $0x50, $0x38;
	[tilespmem:$0x2880] =	vst v63  }
0x1b: {  	p0 =	sne.s32 s14, $0x9BA;
	_ =	swait.ge [sflag:s7], $0x50  }
0x1c: {  	[sflag:s7] =	ssyncset.done $0x0  }
0x1d: {  	[sflag:s7] =	ssyncadd.s32 $0xFFFFFFB0  }
0x1e: {  	[tilespmem:s9], [sflag:$0x1] =	stream.indirect.gather [hbm4b:s3+s8], $0x80, s2, s8, $0xb8;
	[tilespmem:$0x2880] =	vst v63  }
0x1f: {  	_ =	swait.ge [sflag:s10], $0x2800  }
.Ltmp0:
0x20: {  	[sflag:s10] =	ssyncset.done $0x0;
	(pc) =	sbr.rel @p0 .LBB2_2-.Ltmp0, $4  }
0x21: {  	[sflag:s10] =	ssyncadd.s32 $0xFFFFD800  }
0x22: {  	[hbm4b:s12+s2] =	stream.linear.scatter [tilespmem:s9], [sflag:$0x2], $0x2800, $0x38;
	[tilespmem:$0x2880] =	vst v63  }
0x23: {  	_ =	swait.ge [sflag:s7], $0x2800  }
0x24: {  	s14 =	smov.u32 s16;
	s12 =	sadd.s32 $0x500, s12;
	[sflag:s7] =	ssyncset.done $0x0  }
0x25: {  	s13 =	sadd.s32 s13, s6;
	[sflag:s7] =	ssyncadd.s32 $0xFFFFD800  }
0x26: {  	[tilespmem:s2], [sflag:$0x2] =	stream.linear.gather [hbm4b:s13+s2], $0x50, $0x38;
	[tilespmem:$0x2880] =	vst v63  }
0x27: {  	_ =	swait.ge [sflag:s7], $0x50  }
0x28: {  	[sflag:s7] =	ssyncset.done $0x0  }
0x29: {  	[sflag:s7] =	ssyncadd.s32 $0xFFFFFFB0  }
0x2a: {  	[tilespmem:s9], [sflag:$0x1] =	stream.indirect.gather [hbm4b:s3+s8], $0x80, s2, s8, $0xb8;
	[tilespmem:$0x2880] =	vst v63  }
0x2b: {  	s11 =	sadd.s32 $0x1, s11;
	_ =	swait.ge [sflag:s10], $0x2800  }
0x2c: {  	p0 =	sne.s32 s11, s4;
	[sflag:s10] =	ssyncset.done $0x0  }
.Ltmp1:
0x2d: {  	[sflag:s10] =	ssyncadd.s32 $0xFFFFD800;
	(pc) =	sbr.rel @p0 .LBB2_1-.Ltmp1, $4  }
0x2e: {  	[hbm4b:s12+s2] =	stream.linear.scatter [tilespmem:s9], [sflag:$0x2], $0x2800, $0x38;
	[tilespmem:$0x2880] =	vst v63  }
0x2f: {  	_ =	swait.ge [sflag:s7], $0x2800  }
0x30: {  	[sflag:s7] =	ssyncset.done $0x0  }
0x31: {  	[sflag:s7] =	ssyncadd.s32 $0xFFFFD800  }
0x32: {  	_ =	sfence.sel $0x180000  }
0x33: {  	[bflag:$0x0] =	sbarrier.arrive $0xFFFF  }
0x34: {  	p0 =	sne.s32 s1, $0x0;
	_ =	strace $0x90000047  }
0x35: {  	s0 =	sadd.s32 @!p0 $0x100000, s0;
	[bflag:$0x2] =	sbarrier.arrive $0xFFFF  }
0x36: {  	[sflag:s0] =	ssyncadd.tile.s32 @!p0 $0x1;
	_ =	shalt  }
.Lfunc_end2:
_tile_overlayer_lowered:
.L_overlay_start_2:
0x37: {  	(tag) =	ssettag $0x2  }
0x38: {  	s0 =	rddreg [dreg:$0x0];
	s2 =	stileid.u32  }
0x39: {  	s1 =	rddreg [dreg:$0x1];
	p0 =	sne.s32 s2, $0x0  }
0x3a: {  	s3 =	rddreg [dreg:$0x2];
	[bflag:$0x3] =	sbarrier.arrive $0xFFFF;
	s2 =	simm.s32 @!p0 $0x1C02  }
0x3b: {  	[timem:s3], [sflag:s2] =	dma.local @!p0 [hbm:s0], s1  }
0x3c: {  	s0 =	simm.s32 @!p0 $0x2  }
0x3d: {  	_ =	swait.ge @!p0 [sflag:s0], s1  }
0x3e: {  	s1 =	ssub.s32 @!p0 $0x0, s1;
	[sflag:s0] =	ssyncset.done @!p0 $0x0  }
0x3f: {  	[sflag:s0] =	ssyncadd.s32 @!p0 s1  }
0x40: {  	[bflag:$0x3] =	sbarrier.arrive $0xFFFF  }
0x41: {  	_ =	shalt  }

// kernel: kernel.32.cloned.1.call-start
scs
__scs_entry_jumppad:
0x0: {  	(pc) =	sbr.rel $0x88, $3  }
0x1: {  	(tag) =	ssettag $0x0;
	lr =	simm.s32 $0x1  }
0x2: {  	[smem:$0x3F1E] =	sst lr;
	_ =	strace $0xD0000000  }
0x3: {  	_ = 	snop  }
0x4: {  	_ = 	snop  }
0x5: {  	_ = 	snop  }
0x6: {  	_ = 	snop  }
0x7: {  	_ = 	snop  }
__scs_overlays_trampoline_lowered:
0x8: {  	[smem:$0x3F2D] =	sst s0  }
0x9: {  	[smem:$0x3F2E] =	sst s1  }
0xa: {  	[smem:$0x3F2F] =	sst s2  }
0xb: {  	[smem:$0x3F30] =	sst s3  }
0xc: {  	[smem:$0x3F31] =	sst s4  }
0xd: {  	[smem:$0x3F32] =	sst s5  }
0xe: {  	[smem:$0x3F33] =	sst s6  }
0xf: {  	[smem:$0x3F34] =	sst s7  }
0x10: {  	[smem:$0x3F35] =	sst s8  }
0x11: {  	[smem:$0x3F36] =	sst s9;
	s0 =	simm.s32 @!p0 $0x0  }
0x12: {  	s1 =	sld [smem:$0x3F1C];
	s0 =	simm.s32 @p0 $0x1  }
0x13: {  	[smem:$0x3F37] =	sst s0;
	s0 =	simm.s32 @!p1 $0x0  }
0x14: {  	s2 =	sld [smem:$0x3F1B];
	s0 =	simm.s32 @p1 $0x1  }
0x15: {  	[smem:$0x3F38] =	sst s0;
	s0 =	simm.s32 @!p2 $0x0  }
0x16: {  	s3 =	sld [smem:$0x3FDB];
	s0 =	simm.s32 @p2 $0x1  }
0x17: {  	s4 =	simm.s32 $0x1BF5;
	[smem:$0x3F3A] =	sst s0  }
0x18: {  	s0 =	sld [smem:$0x3F1D];
	_ =	swait.ge [sflag:s4], $0x0  }
0x19: {  	s7 =	sld [smem:$0x3F1E]  }
0x1a: {  	s8 =	sadd.s32 $0xFFFFE003, lr  }
0x1b: {  	s9 =	sadd.s32 $0xFFFFFEF7, lr;
	s5 =	simm.s32 $0xFFFFFFFF;
	p2 =	slt.u32 s8, $0xFFFFF086  }
0x1c: {  	p1 =	slt.u32 s9, $0xF7A;
	s5 =	simm.s32 @!p2 $0x0  }
0x1d: {  	s5 =	simm.s32 @p1 $0x1;
	p0 =	seq.s32 s7, s2  }
0x1e: {  	s7 =	smul.u32 @!p0 $0xF7A, s2;
	p2 =	seq.s32 @!p0 s5, $0x0  }
0x1f: {  	s9 =	smul.u32 $0xF7A, s1;
	s8 =	simm.s32 @!p0 $0x1BF5;
	p2 =	por !p2, p0  }
0x20: {  	[sflag:s8] =	ssyncset.s32 @!p0 $0xFFFFF086;
	s6 =	sadd.s32 @!p0 s3, s7;
	s7 =	simm.s32 @!p0 $0x108  }
0x21: {  	s3 =	sadd.s32 s3, s9;
	s6 =	sadd.s32 @!p0 $0x88, s6;
	s7 =	simm.s32 @p2 $0x1082  }
0x22: {  	[simem:s7], [sflag:s8] =	dma.local @!p0 [hbm:s6], $0xF7A  }
0x23: {  	s9 =	sor.u32 $0xD0000000, s2;
	s6 =	simm.s32 $0x108;
	_ =	swait.ge @!p0 [sflag:s8], $0x0  }
0x24: {  	s3 =	sadd.s32 $0x88, s3;
	s6 =	simm.s32 @!p1 $0x1082;
	[sflag:s4] =	ssyncset.s32 $0xFFFFF086  }
0x25: {  	[simem:s6], [sflag:s4] =	dma.local [hbm:s3], $0xF7A  }
0x26: {  	[smem:$0x3F1E] =	sst s1;
	(tag) =	ssettag s2;
	_ =	strace s9  }
0x27: {  	s1 =	sld [smem:$0x3F2E]  }
0x28: {  	s2 =	sld [smem:$0x3F2F]  }
0x29: {  	s4 =	sld [smem:$0x3F31]  }
0x2a: {  	p0 =	seq.s32 s5, $0x0;
	s5 =	sld [smem:$0x3F32]  }
0x2b: {  	s6 =	sld [smem:$0x3F33]  }
0x2c: {  	s7 =	sld [smem:$0x3F34]  }
0x2d: {  	s3 =	simm.s32 $0x108;
	s8 =	sld [smem:$0x3F35]  }
0x2e: {  	s3 =	simm.s32 @!p0 $0x1082;
	s9 =	sld [smem:$0x3F36]  }
0x2f: {  	lr =	sadd.s32 s0, s3;
	s0 =	sld [smem:$0x3F2D]  }
0x30: {  	s3 =	sld [smem:$0x3F30]  }
0x31: {  	[smem:$0x3F39] =	sst s10  }
0x32: {  	s10 =	sld [smem:$0x3F37];
	_ =	sdelay $0x3  }
0x33: {  	p0 =	seq.s32 s10, $0x1;
	s10 =	sld [smem:$0x3F39];
	_ =	sdelay $0x3  }
0x34: {  	[smem:$0x3F39] =	sst s10  }
0x35: {  	s10 =	sld [smem:$0x3F38];
	_ =	sdelay $0x3  }
0x36: {  	p1 =	seq.s32 s10, $0x1;
	s10 =	sld [smem:$0x3F39];
	_ =	sdelay $0x3  }
0x37: {  	[smem:$0x3F39] =	sst s10  }
0x38: {  	s10 =	sld [smem:$0x3F3A]  }
0x39: {  	_ = 	snop;
	(pc) =	sbr.ind lr, $3  }
0x3a: {  	_ = 	snop  }
0x3b: {  	_ = 	snop  }
0x3c: {  	p2 =	seq.s32 s10, $0x1;
	s10 =	sld [smem:$0x3F39]  }
0x3d: {  	_ =	shalt  }
0x3e: {  	_ =	shalt  }
0x3f: {  	_ =	shalt  }
0x40: {  	_ =	shalt  }
0x41: {  	_ =	shalt  }
0x42: {  	_ =	shalt  }
0x43: {  	_ =	shalt  }
0x44: {  	_ =	shalt  }
0x45: {  	_ =	shalt  }
0x46: {  	_ =	shalt  }
0x47: {  	_ =	shalt  }
0x48: {  	_ =	shalt  }
0x49: {  	_ =	shalt  }
0x4a: {  	_ =	shalt  }
0x4b: {  	_ =	shalt  }
0x4c: {  	_ =	shalt  }
0x4d: {  	_ =	shalt  }
0x4e: {  	_ =	shalt  }
0x4f: {  	_ =	shalt  }
0x50: {  	_ =	shalt  }
0x51: {  	_ =	shalt  }
0x52: {  	_ =	shalt  }
0x53: {  	_ =	shalt  }
0x54: {  	_ =	shalt  }
0x55: {  	_ =	shalt  }
0x56: {  	_ =	shalt  }
0x57: {  	_ =	shalt  }
0x58: {  	_ =	shalt  }
0x59: {  	_ =	shalt  }
0x5a: {  	_ =	shalt  }
0x5b: {  	_ =	shalt  }
0x5c: {  	_ =	shalt  }
0x5d: {  	_ =	shalt  }
0x5e: {  	_ =	shalt  }
0x5f: {  	_ =	shalt  }
0x60: {  	_ =	shalt  }
0x61: {  	_ =	shalt  }
0x62: {  	_ =	shalt  }
0x63: {  	_ =	shalt  }
0x64: {  	_ =	shalt  }
0x65: {  	_ =	shalt  }
0x66: {  	_ =	shalt  }
0x67: {  	_ =	shalt  }
0x68: {  	_ =	shalt  }
0x69: {  	_ =	shalt  }
0x6a: {  	_ =	shalt  }
0x6b: {  	_ =	shalt  }
0x6c: {  	_ =	shalt  }
0x6d: {  	_ =	shalt  }
0x6e: {  	_ =	shalt  }
0x6f: {  	_ =	shalt  }
0x70: {  	_ =	shalt  }
0x71: {  	_ =	shalt  }
0x72: {  	_ =	shalt  }
0x73: {  	_ =	shalt  }
0x74: {  	_ =	shalt  }
0x75: {  	_ =	shalt  }
0x76: {  	_ =	shalt  }
0x77: {  	_ =	shalt  }
0x78: {  	_ =	shalt  }
0x79: {  	_ =	shalt  }
0x7a: {  	_ =	shalt  }
0x7b: {  	_ =	shalt  }
0x7c: {  	_ =	shalt  }
0x7d: {  	_ =	shalt  }
0x7e: {  	_ =	shalt  }
0x7f: {  	_ =	shalt  }
0x80: {  	_ =	shalt  }
0x81: {  	_ =	shalt  }
0x82: {  	_ =	shalt  }
0x83: {  	_ =	shalt  }
0x84: {  	_ =	shalt  }
0x85: {  	_ =	shalt  }
0x86: {  	_ =	shalt  }
0x87: {  	_ =	shalt  }
.Lfunc_end0:
.L_simem_size_0:
called_computation.2_lowered:
.L_overlay_start_0:
0x88: {  	s2 =	sld [smem:$0x3FD9]  }
0x89: {  	s3 =	sld [smem:$0x3FFE];
	_ =	sdelay $0x1  }
0x8a: {  	s1 =	srdreg.scid  }
0x8b: {  	s0 =	sand.u32 $0x1, s1  }
0x8c: {  	s16 =	sshll.u32 s0, $0xA;
	s2 =	sadd.s32 s3, s2  }
0x8d: {  	s2 =	sadd.s32 s2, s16  }
0x8e: {  	[smem:$0x3F45] =	sst s2  }
0x8f: {  	_ = 	snop  }
0x90: {  	(tm) =	ssettm $0x1  }
0x91: {  	s17 =	sld [smem:$0x3FFB];
	_ =	sdelay $0x3  }
0x92: {  	_ =	strace s17  }
0x93: {  	s2 =	sld [smem:$0x3FFC];
	_ =	sdelay $0x3  }
0x94: {  	_ =	strace s2  }
0x95: {  	s2 =	sld [smem:$0x3FFD];
	_ =	sdelay $0x3  }
0x96: {  	_ =	strace s2  }
0x97: {  	_ =	strace $0x8FFFFFFF  }
0x98: {  	s18 =	sld [smem:$0x3FDB];
	_ =	sdelay $0x1  }
0x99: {  	s19 =	simm.s32 $_scs_section_size  }
0x9a: {  	s4 =	simm.s32 $_size__tile_overlayer_lowered;
	s5 =	simm.s32 $_tile_overlayer_lowered  }
0x9b: {  	s22 =	simm.s32 $0x1BFF;
	s21 =	sshll.u32 s5, $0x1;
	s2 =	sadd.s32 s19, s18  }
0x9c: {  	s6 =	simm.s32 $0x0;
	s20 =	sshll.u32 s4, $0x1;
	s4 =	sadd.s32 s21, s2  }
0x9d: {  	[timem:s6], [sflag:s22] =	dma.local [hbm:s4], s20  }
0x9e: {  	_ =	swait.ge [sflag:s22], s20  }
0x9f: {  	s3 =	ssub.s32 $0x0, s20;
	[sflag:s22] =	ssyncset.done $0x0  }
0xa0: {  	[sflag:s22] =	ssyncadd.s32 s3;
	_ =	sdelay $0x1  }
0xa1: {  	s23 =	simm.s32 $0x1B8B  }
0xa2: {  	_ =	swait.ge [sflag:s23], $0x1  }
0xa3: {  	[sflag:s23] =	ssyncset.done $0x0  }
0xa4: {  	s25 =	simm.s32 $0x1B8E;
	s24 =	sld [smem:$0x3FFE];
	[sflag:s23] =	ssyncadd.s32 $0xFFFFFFFF  }
0xa5: {  	s26 =	simm.s32 $execute0_lowered;
	[smem:$0x3FD2] =	sst s25  }
0xa6: {  	s4 =	sshll.u32 s26, $0x1;
	_ =	strace $0x8000004C;
	[dreg:$0x1] =	wrdreg $0xFFFFFFFF  }
0xa7: {  	s28 =	simm.s32 $_size_execute0_lowered;
	s2 =	sadd.s32 s2, s4;
	[dreg:$0x0] =	wrdreg $0x0  }
0xa8: {  	s4 =	sshll.u32 s28, $0x1;
	[dreg:$0x2] =	wrdreg s2  }
0xa9: {  	[dreg:$0x3] =	wrdreg s4  }
0xaa: {  	[dreg:$0x4] =	wrdreg $0xC0  }
0xab: {  	_ =	task [dreg:s6], $0x5FFFF  }
0xac: {  	[dreg:$0x1] =	wrdreg $0xFFFFFFFF  }
0xad: {  	[dreg:$0x0] =	wrdreg $0x60  }
0xae: {  	[dreg:$0x2] =	wrdreg s24  }
0xaf: {  	[dreg:$0x3] =	wrdreg $0x41000  }
0xb0: {  	[dreg:$0x4] =	wrdreg $0x9  }
0xb1: {  	_ =	task.clear_ibuf [dreg:s6], $0x5FFFF;
	_ =	strace $0x9000004C  }
0xb2: {  	s29 =	simm.s32 $0x9;
	_ =	strace $0x8000004E  }
0xb3: {  	_ =	swait.ge [sflag:s29], $0x1  }
0xb4: {  	[sflag:s29] =	ssyncadd.s32 $0xFFFFFFFF  }
0xb5: {  	_ =	strace $0x9000004E  }
0xb6: {  	_ =	sfence  }
0xb7: {  	s30 =	sld [smem:$0x0];
	_ =	sdelay $0x2  }
0xb8: {  	s31 =	sshll.u32 s1, $0xD;
	s1 =	sshrl.u32 s1, $0x2  }
0xb9: {  	s3 =	sand.u32 $0x4000, s31;
	s1 =	sadd.s32 s1, s30  }
0xba: {  	s0 =	sor.u32 s3, s0;
	s1 =	sshll.u32 s1, $0x11  }
0xbb: {  	s0 =	sor.u32 s1, s0  }
0xbc: {  	s0 =	sadd.s32 $0x8F2B, s0  }
0xbd: {  	[sflag:s0] =	ssyncadd.remote.s32 $0x1  }
0xbe: {  	_ =	sfence.sel $0xFFFF  }
0xbf: {  	[dreg:$0x0] =	wrdreg $0xFFFFFFFF;
	(pc) =	sbr.abs _section_cstart, $3  }
0xc0: {  	[dreg:$0x1] =	wrdreg $0xFFFFFFFF  }
0xc1: {  	_ =	task.clear_ibuf [dreg:s6], $0x2FFFF;
	_ =	strace $0x9FFFFFFF  }
0xc2: {  	(tm) =	ssettm $0x7FFFFFFF  }
0xc3: {  	_ =	shalt  }
tec
execute0_lowered:
.L_overlay_start_1:
0x0: {  	(tag) =	ssettag $0x1  }
0x1: {  	s10 =	rddreg [dreg:$0x0]  }
0x2: {  	s1 =	rddreg [dreg:$0x1]  }
0x3: {  	s0 =	rddreg [dreg:$0x2];
	s2 =	simm.s32 $0x0;
	s13 =	stileid.u32  }
0x4: {  	s3 =	srdreg.scid;
	s18 =	simm.s32 $0x1;
	[smem:$0x7FF] =	sst s2  }
0x5: {  	s11 =	sand.u32 $0x1, s3;
	s6 =	smul.u32 $0x2700, s13;
	s3 =	sadd.s32 $0x117F400, s10  }
0x6: {  	s26 =	sshll.u32 s13, $0x1;
	s4 =	sadd.s32 $0xA1D400, s10;
	s9 =	smul.u32 $0x4E000, s13  }
0x7: {  	s5 =	sadd.s32 $0xB5D400, s10;
	s29 =	sshll.u32 s13, $0x6;
	s16 =	sadd.s32 $0x138000, s1  }
0x8: {  	s17 =	smul.u32 $0xA0000, s13;
	s21 =	sadd.s32 $0x12E400, s1;
	p0 =	sne.s32 s13, $0x0  }
0x9: {  	_ =	strace $0x8000004D;
	s19 =	sor.u32 s11, s26;
	s31 =	smul.u32 $0x50000, s11  }
0xa: {  	s8 =	ssub.s32 $0x2, s11;
	s7 =	smul.u32 $0x1380, s19;
	s6 =	sadd.s32 s6, s10  }
0xb: {  	s12 =	sshrl.u32 s8, $0x1;
	s28 =	sshrl.u32 s9, $0x2;
	s30 =	smul.u32 $0x27000, s19  }
0xc: {  	p1 =	seq.s32 s19, $0x1F;
	s12 =	ssub.s32 s8, s12;
	s15 =	sadd.s32 s28, s1  }
0xd: {  	s6 =	sadd.s32 $0xC9D400, s6;
	s8 =	sadd.s32 $0xCC4400, s10;
	s19 =	sshrl.u32 @p1 s21, $0x3  }
0xe: {  	s21 =	simm.s32 $0x0;
	s14 =	sadd.s32 s7, s10;
	s7 =	sor.u32 $0x1C02, s29  }
0xf: {  	s9 =	sshrl.u32 s30, $0x2;
	s10 =	sadd.s32 $0xCEA280, s10;
	s11 =	smax.u32 s12, $0x1  }
0x10: {  	s12 =	sadd.s32 s31, s17;
	s13 =	sshrl.u32 s15, $0x3;
	s15 =	sshrl.u32 @!p0 s16, $0x3  }
0x11: {  	s16 =	simm.s32 $0x80;
	s17 =	simm.s32 $0x100;
	s20 =	sadd.s32 s9, s1  }
0x12: {  	v0 =	vimm.f32 $0.0e+00;
	s9 =	sadd.s32 $0xCC4600, s14;
	s14 =	simm.s32 $0x2;
	s20 =	sshrl.u32 @!p1 s20, $0x3  }
.LBB2_1:
0x13: {  	[spmem:s13], [sflag:s7] =	dma.local [hbm:s6], $0x2700  }
0x14: {  	_ =	swait.ge [sflag:s14], $0x2700  }
0x15: {  	[sflag:s14] =	ssyncset.done $0x0  }
0x16: {  	s22 =	simm.s32 @!p0 $0x2;
	[sflag:s14] =	ssyncadd.s32 $0xFFFFD900  }
0x17: {  	[spmem:s15], [sflag:s7] =	dma.local @!p0 [hbm:s8], $0x200  }
0x18: {  	_ =	swait.ge @!p0 [sflag:s22], $0x200  }
0x19: {  	[sflag:s22] =	ssyncset.done @!p0 $0x0  }
0x1a: {  	[sflag:s22] =	ssyncadd.s32 @!p0 $0xFFFFFE00  }
0x1b: {  	s23 =	simm.s32 $0x0;
	s22 =	smov.u32 s12;
	[bflag:$0x0] =	sbarrier.arrive $0xFFFF  }
.LBB2_2:
0x1c: {  	s24 =	smov.u32 s22  }
.LBB2_3:
0x1d: {  	s25 =	sshrl.u32 s24, $0x3  }
0x1e: {  	s26 =	sadd.s32 s4, s25  }
0x1f: {  	[tilespmem:s2], [sflag:$0x2] =	stream.linear.gather [hbm4b:s26+s2], $0x80, $0x38;
	[tilespmem:$0x17A00] =	vst v63  }
0x20: {  	_ =	swait.ge [sflag:s14], $0x80  }
0x21: {  	[sflag:s14] =	ssyncset.done $0x0  }
0x22: {  	s25 =	sadd.s32 s5, s25;
	[sflag:s14] =	ssyncadd.s32 $0xFFFFFF80  }
0x23: {  	[tilespmem:s16], [sflag:$0x2] =	stream.linear.gather [hbm4b:s25+s2], $0x80, $0x38;
	[tilespmem:$0x17A00] =	vst v63  }
0x24: {  	_ =	swait.ge [sflag:s14], $0x80  }
0x25: {  	[sflag:s14] =	ssyncset.done $0x0  }
0x26: {  	[sflag:s14] =	ssyncadd.s32 $0xFFFFFF80  }
0x27: {  	[tilespmem:s17], [sflag:$0x1] =	stream.indirect.gather [hbm4b:s3+s16], $0x80, s2, s16, $0xb8;
	[tilespmem:$0x17A00] =	vst v63  }
0x28: {  	_ =	swait.ge [sflag:s18], $0x4000  }
0x29: {  	[sflag:s18] =	ssyncset.done $0x0  }
0x2a: {  	[sflag:s18] =	ssyncadd.s32 $0xFFFFC000  }
0x2b: {  	[spmem:s1] =	stream.indirect.scatter.add.f32 [tilespmem:s17], [sflag:$0x2], $0x80, s16, s16, $0xb8;
	[tilespmem:$0x17A00] =	vst v63  }
0x2c: {  	_ =	swait.ge [sflag:s14], $0x4000  }
0x2d: {  	[sflag:s14] =	ssyncset.done $0x0  }
0x2e: {  	[sflag:s14] =	ssyncadd.s32 $0xFFFFC000  }
0x2f: {  	_ =	sdelay $0x7ff  }
0x30: {  	_ =	sdelay $0x700  }
0x31: {  	v1 =	vld [tilespmem:$0xF0];
	_ =	sdelay $0x4  }
0x32: {  	vm0 =	vgt.s32 v1, $0x270F  }
0x33: {  	v1 =	vsel vm0, $0x3F800000, v0  }
0x34: {  	(xrf0) =	vmax.scan.msk.f32 $0xffff, v1;
	_ =	sdelay $0x5  }
0x35: {  	v1, _, _ =	vpop (xrf0)  }
0x36: {  	(v2sf) =	vpush v1, $0xF;
	_ =	sdelay $0xe  }
0x37: {  	s31 =	spop (v2sf)  }
0x38: {  	p2 =	sgt.f32 s31, $0.0e+00  }
.Ltmp0:
0x39: {  	_ = 	snop;
	(pc) =	sbr.rel @!p2 .LBB2_3-.Ltmp0, $2  }
0x3a: {  	_ =	sdelay $0x2  }
0x3b: {  	s24 =	sadd.s32 $0x80, s24  }
0x3c: {  	s23 =	sadd.s32 $0x1, s23  }
0x3d: {  	p2 =	sne.s32 s23, $0x50  }
.Ltmp1:
0x3e: {  	_ = 	snop;
	(pc) =	sbr.rel @p2 .LBB2_2-.Ltmp1, $2  }
0x3f: {  	_ =	sdelay $0x2  }
0x40: {  	s22 =	sadd.s32 $0x1000, s22  }
0x41: {  	[bflag:$0x0] =	sbarrier.arrive $0xFFFF;
	s22 =	simm.s32 @p1 $0x2  }
0x42: {  	[hbm:s10], [sflag:s7] =	dma.local @p1 [spmem:s19], $0x1480  }
0x43: {  	s21 =	sadd.s32 $0x1, s21;
	_ =	swait.ge @p1 [sflag:s22], $0x1480  }
0x44: {  	p2 =	sne.s32 s21, s11;
	[sflag:s22] =	ssyncset.done @p1 $0x0  }
.Ltmp2:
0x45: {  	[sflag:s22] =	ssyncadd.s32 @p1 $0xFFFFEB80;
	s22 =	simm.s32 @!p1 $0x2;
	(pc) =	sbr.rel @p2 .LBB2_1-.Ltmp2, $4  }
0x46: {  	[hbm:s9], [sflag:s7] =	dma.local @!p1 [spmem:s20], $0x1380  }
0x47: {  	_ =	swait.ge @!p1 [sflag:s22], $0x1380  }
0x48: {  	[sflag:s22] =	ssyncset.done @!p1 $0x0  }
0x49: {  	[sflag:s22] =	ssyncadd.s32 @!p1 $0xFFFFEC80  }
0x4a: {  	_ =	sfence.sel $0x180000  }
0x4b: {  	[bflag:$0x0] =	sbarrier.arrive $0xFFFF  }
0x4c: {  	_ =	strace $0x9000004D  }
0x4d: {  	s0 =	sadd.s32 @!p0 $0x100000, s0;
	[bflag:$0x2] =	sbarrier.arrive $0xFFFF  }
0x4e: {  	[sflag:s0] =	ssyncadd.tile.s32 @!p0 $0x1;
	_ =	shalt  }
.Lfunc_end2:
_tile_overlayer_lowered:
.L_overlay_start_2:
0x4f: {  	(tag) =	ssettag $0x2  }
0x50: {  	s0 =	rddreg [dreg:$0x0];
	s2 =	stileid.u32  }
0x51: {  	s1 =	rddreg [dreg:$0x1];
	p0 =	sne.s32 s2, $0x0  }
0x52: {  	s3 =	rddreg [dreg:$0x2];
	[bflag:$0x3] =	sbarrier.arrive $0xFFFF;
	s2 =	simm.s32 @!p0 $0x1C02  }
0x53: {  	[timem:s3], [sflag:s2] =	dma.local @!p0 [hbm:s0], s1  }
0x54: {  	s0 =	simm.s32 @!p0 $0x2  }
0x55: {  	_ =	swait.ge @!p0 [sflag:s0], s1  }
0x56: {  	s1 =	ssub.s32 @!p0 $0x0, s1;
	[sflag:s0] =	ssyncset.done @!p0 $0x0  }
0x57: {  	[sflag:s0] =	ssyncadd.s32 @!p0 s1  }
0x58: {  	[bflag:$0x3] =	sbarrier.arrive $0xFFFF  }
0x59: {  	_ =	shalt  }

// kernel: kernel.35.cloned.1.call-start
scs
__scs_entry_jumppad:
0x0: {  	(pc) =	sbr.rel $0x88, $3  }
0x1: {  	(tag) =	ssettag $0x0;
	lr =	simm.s32 $0x1  }
0x2: {  	[smem:$0x3F1E] =	sst lr;
	_ =	strace $0xD0000000  }
0x3: {  	_ = 	snop  }
0x4: {  	_ = 	snop  }
0x5: {  	_ = 	snop  }
0x6: {  	_ = 	snop  }
0x7: {  	_ = 	snop  }
__scs_overlays_trampoline_lowered:
0x8: {  	[smem:$0x3F2D] =	sst s0  }
0x9: {  	[smem:$0x3F2E] =	sst s1  }
0xa: {  	[smem:$0x3F2F] =	sst s2  }
0xb: {  	[smem:$0x3F30] =	sst s3  }
0xc: {  	[smem:$0x3F31] =	sst s4  }
0xd: {  	[smem:$0x3F32] =	sst s5  }
0xe: {  	[smem:$0x3F33] =	sst s6  }
0xf: {  	[smem:$0x3F34] =	sst s7  }
0x10: {  	[smem:$0x3F35] =	sst s8  }
0x11: {  	[smem:$0x3F36] =	sst s9;
	s0 =	simm.s32 @!p0 $0x0  }
0x12: {  	s1 =	sld [smem:$0x3F1C];
	s0 =	simm.s32 @p0 $0x1  }
0x13: {  	[smem:$0x3F37] =	sst s0;
	s0 =	simm.s32 @!p1 $0x0  }
0x14: {  	s2 =	sld [smem:$0x3F1B];
	s0 =	simm.s32 @p1 $0x1  }
0x15: {  	[smem:$0x3F38] =	sst s0;
	s0 =	simm.s32 @!p2 $0x0  }
0x16: {  	s3 =	sld [smem:$0x3FDB];
	s0 =	simm.s32 @p2 $0x1  }
0x17: {  	s4 =	simm.s32 $0x1BF5;
	[smem:$0x3F3A] =	sst s0  }
0x18: {  	s0 =	sld [smem:$0x3F1D];
	_ =	swait.ge [sflag:s4], $0x0  }
0x19: {  	s7 =	sld [smem:$0x3F1E]  }
0x1a: {  	s8 =	sadd.s32 $0xFFFFE003, lr  }
0x1b: {  	s9 =	sadd.s32 $0xFFFFFEF7, lr;
	s5 =	simm.s32 $0xFFFFFFFF;
	p2 =	slt.u32 s8, $0xFFFFF086  }
0x1c: {  	p1 =	slt.u32 s9, $0xF7A;
	s5 =	simm.s32 @!p2 $0x0  }
0x1d: {  	s5 =	simm.s32 @p1 $0x1;
	p0 =	seq.s32 s7, s2  }
0x1e: {  	s7 =	smul.u32 @!p0 $0xF7A, s2;
	p2 =	seq.s32 @!p0 s5, $0x0  }
0x1f: {  	s9 =	smul.u32 $0xF7A, s1;
	s8 =	simm.s32 @!p0 $0x1BF5;
	p2 =	por !p2, p0  }
0x20: {  	[sflag:s8] =	ssyncset.s32 @!p0 $0xFFFFF086;
	s6 =	sadd.s32 @!p0 s3, s7;
	s7 =	simm.s32 @!p0 $0x108  }
0x21: {  	s3 =	sadd.s32 s3, s9;
	s6 =	sadd.s32 @!p0 $0x88, s6;
	s7 =	simm.s32 @p2 $0x1082  }
0x22: {  	[simem:s7], [sflag:s8] =	dma.local @!p0 [hbm:s6], $0xF7A  }
0x23: {  	s9 =	sor.u32 $0xD0000000, s2;
	s6 =	simm.s32 $0x108;
	_ =	swait.ge @!p0 [sflag:s8], $0x0  }
0x24: {  	s3 =	sadd.s32 $0x88, s3;
	s6 =	simm.s32 @!p1 $0x1082;
	[sflag:s4] =	ssyncset.s32 $0xFFFFF086  }
0x25: {  	[simem:s6], [sflag:s4] =	dma.local [hbm:s3], $0xF7A  }
0x26: {  	[smem:$0x3F1E] =	sst s1;
	(tag) =	ssettag s2;
	_ =	strace s9  }
0x27: {  	s1 =	sld [smem:$0x3F2E]  }
0x28: {  	s2 =	sld [smem:$0x3F2F]  }
0x29: {  	s4 =	sld [smem:$0x3F31]  }
0x2a: {  	p0 =	seq.s32 s5, $0x0;
	s5 =	sld [smem:$0x3F32]  }
0x2b: {  	s6 =	sld [smem:$0x3F33]  }
0x2c: {  	s7 =	sld [smem:$0x3F34]  }
0x2d: {  	s3 =	simm.s32 $0x108;
	s8 =	sld [smem:$0x3F35]  }
0x2e: {  	s3 =	simm.s32 @!p0 $0x1082;
	s9 =	sld [smem:$0x3F36]  }
0x2f: {  	lr =	sadd.s32 s0, s3;
	s0 =	sld [smem:$0x3F2D]  }
0x30: {  	s3 =	sld [smem:$0x3F30]  }
0x31: {  	[smem:$0x3F39] =	sst s10  }
0x32: {  	s10 =	sld [smem:$0x3F37];
	_ =	sdelay $0x3  }
0x33: {  	p0 =	seq.s32 s10, $0x1;
	s10 =	sld [smem:$0x3F39];
	_ =	sdelay $0x3  }
0x34: {  	[smem:$0x3F39] =	sst s10  }
0x35: {  	s10 =	sld [smem:$0x3F38];
	_ =	sdelay $0x3  }
0x36: {  	p1 =	seq.s32 s10, $0x1;
	s10 =	sld [smem:$0x3F39];
	_ =	sdelay $0x3  }
0x37: {  	[smem:$0x3F39] =	sst s10  }
0x38: {  	s10 =	sld [smem:$0x3F3A]  }
0x39: {  	_ = 	snop;
	(pc) =	sbr.ind lr, $3  }
0x3a: {  	_ = 	snop  }
0x3b: {  	_ = 	snop  }
0x3c: {  	p2 =	seq.s32 s10, $0x1;
	s10 =	sld [smem:$0x3F39]  }
0x3d: {  	_ =	shalt  }
0x3e: {  	_ =	shalt  }
0x3f: {  	_ =	shalt  }
0x40: {  	_ =	shalt  }
0x41: {  	_ =	shalt  }
0x42: {  	_ =	shalt  }
0x43: {  	_ =	shalt  }
0x44: {  	_ =	shalt  }
0x45: {  	_ =	shalt  }
0x46: {  	_ =	shalt  }
0x47: {  	_ =	shalt  }
0x48: {  	_ =	shalt  }
0x49: {  	_ =	shalt  }
0x4a: {  	_ =	shalt  }
0x4b: {  	_ =	shalt  }
0x4c: {  	_ =	shalt  }
0x4d: {  	_ =	shalt  }
0x4e: {  	_ =	shalt  }
0x4f: {  	_ =	shalt  }
0x50: {  	_ =	shalt  }
0x51: {  	_ =	shalt  }
0x52: {  	_ =	shalt  }
0x53: {  	_ =	shalt  }
0x54: {  	_ =	shalt  }
0x55: {  	_ =	shalt  }
0x56: {  	_ =	shalt  }
0x57: {  	_ =	shalt  }
0x58: {  	_ =	shalt  }
0x59: {  	_ =	shalt  }
0x5a: {  	_ =	shalt  }
0x5b: {  	_ =	shalt  }
0x5c: {  	_ =	shalt  }
0x5d: {  	_ =	shalt  }
0x5e: {  	_ =	shalt  }
0x5f: {  	_ =	shalt  }
0x60: {  	_ =	shalt  }
0x61: {  	_ =	shalt  }
0x62: {  	_ =	shalt  }
0x63: {  	_ =	shalt  }
0x64: {  	_ =	shalt  }
0x65: {  	_ =	shalt  }
0x66: {  	_ =	shalt  }
0x67: {  	_ =	shalt  }
0x68: {  	_ =	shalt  }
0x69: {  	_ =	shalt  }
0x6a: {  	_ =	shalt  }
0x6b: {  	_ =	shalt  }
0x6c: {  	_ =	shalt  }
0x6d: {  	_ =	shalt  }
0x6e: {  	_ =	shalt  }
0x6f: {  	_ =	shalt  }
0x70: {  	_ =	shalt  }
0x71: {  	_ =	shalt  }
0x72: {  	_ =	shalt  }
0x73: {  	_ =	shalt  }
0x74: {  	_ =	shalt  }
0x75: {  	_ =	shalt  }
0x76: {  	_ =	shalt  }
0x77: {  	_ =	shalt  }
0x78: {  	_ =	shalt  }
0x79: {  	_ =	shalt  }
0x7a: {  	_ =	shalt  }
0x7b: {  	_ =	shalt  }
0x7c: {  	_ =	shalt  }
0x7d: {  	_ =	shalt  }
0x7e: {  	_ =	shalt  }
0x7f: {  	_ =	shalt  }
0x80: {  	_ =	shalt  }
0x81: {  	_ =	shalt  }
0x82: {  	_ =	shalt  }
0x83: {  	_ =	shalt  }
0x84: {  	_ =	shalt  }
0x85: {  	_ =	shalt  }
0x86: {  	_ =	shalt  }
0x87: {  	_ =	shalt  }
.Lfunc_end0:
.L_simem_size_0:
called_computation.3_lowered:
.L_overlay_start_0:
0x88: {  	s2 =	sld [smem:$0x3FD9]  }
0x89: {  	s3 =	sld [smem:$0x3FFE];
	_ =	sdelay $0x1  }
0x8a: {  	s1 =	srdreg.scid  }
0x8b: {  	s0 =	sand.u32 $0x1, s1  }
0x8c: {  	s16 =	sshll.u32 s0, $0xA;
	s2 =	sadd.s32 s3, s2  }
0x8d: {  	s2 =	sadd.s32 s2, s16  }
0x8e: {  	[smem:$0x3F45] =	sst s2  }
0x8f: {  	_ = 	snop  }
0x90: {  	(tm) =	ssettm $0x1  }
0x91: {  	s17 =	sld [smem:$0x3FFB];
	_ =	sdelay $0x3  }
0x92: {  	_ =	strace s17  }
0x93: {  	s2 =	sld [smem:$0x3FFC];
	_ =	sdelay $0x3  }
0x94: {  	_ =	strace s2  }
0x95: {  	s2 =	sld [smem:$0x3FFD];
	_ =	sdelay $0x3  }
0x96: {  	_ =	strace s2  }
0x97: {  	_ =	strace $0x8FFFFFFF  }
0x98: {  	s18 =	sld [smem:$0x3FDB];
	_ =	sdelay $0x1  }
0x99: {  	s19 =	simm.s32 $_scs_section_size  }
0x9a: {  	s4 =	simm.s32 $_size__tile_overlayer_lowered;
	s5 =	simm.s32 $_tile_overlayer_lowered  }
0x9b: {  	s22 =	simm.s32 $0x1BFF;
	s21 =	sshll.u32 s5, $0x1;
	s2 =	sadd.s32 s19, s18  }
0x9c: {  	s6 =	simm.s32 $0x0;
	s20 =	sshll.u32 s4, $0x1;
	s4 =	sadd.s32 s21, s2  }
0x9d: {  	[timem:s6], [sflag:s22] =	dma.local [hbm:s4], s20  }
0x9e: {  	_ =	swait.ge [sflag:s22], s20  }
0x9f: {  	s3 =	ssub.s32 $0x0, s20;
	[sflag:s22] =	ssyncset.done $0x0  }
0xa0: {  	[sflag:s22] =	ssyncadd.s32 s3;
	_ =	sdelay $0x1  }
0xa1: {  	s23 =	simm.s32 $0x1B8B  }
0xa2: {  	_ =	swait.ge [sflag:s23], $0x1  }
0xa3: {  	[sflag:s23] =	ssyncset.done $0x0  }
0xa4: {  	s25 =	simm.s32 $0x1B8E;
	s24 =	sld [smem:$0x3FFE];
	[sflag:s23] =	ssyncadd.s32 $0xFFFFFFFF  }
0xa5: {  	s26 =	simm.s32 $execute0_lowered;
	[smem:$0x3FD2] =	sst s25  }
0xa6: {  	s4 =	sshll.u32 s26, $0x1;
	_ =	strace $0x8000004F;
	[dreg:$0x1] =	wrdreg $0xFFFFFFFF  }
0xa7: {  	s28 =	simm.s32 $_size_execute0_lowered;
	s2 =	sadd.s32 s2, s4;
	[dreg:$0x0] =	wrdreg $0x0  }
0xa8: {  	s4 =	sshll.u32 s28, $0x1;
	[dreg:$0x2] =	wrdreg s2  }
0xa9: {  	[dreg:$0x3] =	wrdreg s4  }
0xaa: {  	[dreg:$0x4] =	wrdreg $0xC0  }
0xab: {  	_ =	task [dreg:s6], $0x5FFFF  }
0xac: {  	[dreg:$0x1] =	wrdreg $0xFFFFFFFF  }
0xad: {  	[dreg:$0x0] =	wrdreg $0x60  }
0xae: {  	[dreg:$0x2] =	wrdreg s24  }
0xaf: {  	[dreg:$0x3] =	wrdreg $0x9  }
0xb0: {  	_ =	task.clear_ibuf [dreg:s6], $0x4FFFF;
	_ =	strace $0x9000004F  }
0xb1: {  	s29 =	simm.s32 $0x9;
	_ =	strace $0x80000051  }
0xb2: {  	_ =	swait.ge [sflag:s29], $0x1  }
0xb3: {  	[sflag:s29] =	ssyncadd.s32 $0xFFFFFFFF  }
0xb4: {  	_ =	strace $0x90000051  }
0xb5: {  	_ =	sfence  }
0xb6: {  	s30 =	sld [smem:$0x0];
	_ =	sdelay $0x2  }
0xb7: {  	s31 =	sshll.u32 s1, $0xD;
	s1 =	sshrl.u32 s1, $0x2  }
0xb8: {  	s3 =	sand.u32 $0x4000, s31;
	s1 =	sadd.s32 s1, s30  }
0xb9: {  	s0 =	sor.u32 s3, s0;
	s1 =	sshll.u32 s1, $0x11  }
0xba: {  	s0 =	sor.u32 s1, s0  }
0xbb: {  	s0 =	sadd.s32 $0x8F2B, s0  }
0xbc: {  	[sflag:s0] =	ssyncadd.remote.s32 $0x1  }
0xbd: {  	_ =	sfence.sel $0xFFFF  }
0xbe: {  	[dreg:$0x0] =	wrdreg $0xFFFFFFFF;
	(pc) =	sbr.abs _section_cstart, $3  }
0xbf: {  	[dreg:$0x1] =	wrdreg $0xFFFFFFFF  }
0xc0: {  	_ =	task.clear_ibuf [dreg:s6], $0x2FFFF;
	_ =	strace $0x9FFFFFFF  }
0xc1: {  	(tm) =	ssettm $0x7FFFFFFF  }
tec
execute0_lowered:
.L_overlay_start_1:
0x0: {  	(tag) =	ssettag $0x1  }
0x1: {  	s4 =	rddreg [dreg:$0x0]  }
0x2: {  	s0 =	rddreg [dreg:$0x1]  }
0x3: {  	s3 =	srdreg.scid;
	s1 =	stileid.u32;
	s2 =	simm.s32 $0x0  }
0x4: {  	s10 =	simm.s32 $0x1;
	s11 =	simm.s32 $0x0;
	s6 =	smul.u32 $0x9C40, s1  }
0x5: {  	s5 =	sand.u32 $0x1, s3;
	[smem:$0x7FF] =	sst s2;
	s8 =	smul.u32 $0x9C400, s1  }
0x6: {  	s3 =	sadd.s32 $0xCC4600, s4;
	s7 =	smul.u32 $0x4E20, s5;
	s9 =	ssub.s32 $0x2, s5  }
0x7: {  	_ =	strace $0x80000050;
	s5 =	smul.u32 $0x4E200, s5;
	s31 =	sshrl.u32 s9, $0x1  }
0x8: {  	s30 =	sadd.s32 s8, s4;
	s6 =	sadd.s32 s7, s6;
	s8 =	ssub.s32 s9, s31  }
0x9: {  	s5 =	sadd.s32 s5, s30;
	s7 =	simm.s32 $0x2;
	s6 =	sshrl.u32 s6, $0x3  }
0xa: {  	s9 =	simm.s32 $0x80;
	s5 =	sadd.s32 $0x32200, s5;
	s6 =	sadd.s32 s6, s4  }
0xb: {  	s4 =	smax.u32 s8, $0x1;
	s8 =	simm.s32 $0x50;
	s6 =	sadd.s32 $0x1E800, s6  }
.LBB2_1:
0xc: {  	s12 =	sadd.s32 $0x0, s6  }
0xd: {  	[tilespmem:s2], [sflag:$0x2] =	stream.linear.gather [hbm4b:s12+s2], $0x50, $0x38;
	[tilespmem:$0x2880] =	vst v63  }
0xe: {  	_ =	swait.ge [sflag:s7], $0x50  }
0xf: {  	[sflag:s7] =	ssyncset.done $0x0  }
0x10: {  	[sflag:s7] =	ssyncadd.s32 $0xFFFFFFB0  }
0x11: {  	[tilespmem:s9], [sflag:$0x1] =	stream.indirect.gather [hbm4b:s3+s8], $0x80, s2, s8, $0xb8;
	[tilespmem:$0x2880] =	vst v63  }
0x12: {  	_ =	swait.ge [sflag:s10], $0x2800  }
0x13: {  	[sflag:s10] =	ssyncset.done $0x0  }
0x14: {  	[sflag:s10] =	ssyncadd.s32 $0xFFFFD800  }
0x15: {  	[hbm4b:s5+s2] =	stream.linear.scatter [tilespmem:s9], [sflag:$0x2], $0x2800, $0x38;
	[tilespmem:$0x2880] =	vst v63  }
0x16: {  	s13 =	simm.s32 $0xA;
	_ =	swait.ge [sflag:s7], $0x2800  }
0x17: {  	s14 =	simm.s32 $0x14;
	s12 =	sadd.s32 $0x500, s5;
	[sflag:s7] =	ssyncset.done $0x0  }
.LBB2_2:
0x18: {  	s15 =	sadd.s32 s13, s6  }
0x19: {  	[sflag:s7] =	ssyncadd.s32 $0xFFFFD800;
	s13 =	smov.u32 s14;
	s16 =	sadd.s32 $0xA, s14  }
0x1a: {  	[tilespmem:s2], [sflag:$0x2] =	stream.linear.gather [hbm4b:s15+s2], $0x50, $0x38;
	[tilespmem:$0x2880] =	vst v63  }
0x1b: {  	p0 =	sne.s32 s14, $0x9BA;
	_ =	swait.ge [sflag:s7], $0x50  }
0x1c: {  	[sflag:s7] =	ssyncset.done $0x0  }
0x1d: {  	[sflag:s7] =	ssyncadd.s32 $0xFFFFFFB0  }
0x1e: {  	[tilespmem:s9], [sflag:$0x1] =	stream.indirect.gather [hbm4b:s3+s8], $0x80, s2, s8, $0xb8;
	[tilespmem:$0x2880] =	vst v63  }
0x1f: {  	_ =	swait.ge [sflag:s10], $0x2800  }
.Ltmp0:
0x20: {  	[sflag:s10] =	ssyncset.done $0x0;
	(pc) =	sbr.rel @p0 .LBB2_2-.Ltmp0, $4  }
0x21: {  	[sflag:s10] =	ssyncadd.s32 $0xFFFFD800  }
0x22: {  	[hbm4b:s12+s2] =	stream.linear.scatter [tilespmem:s9], [sflag:$0x2], $0x2800, $0x38;
	[tilespmem:$0x2880] =	vst v63  }
0x23: {  	_ =	swait.ge [sflag:s7], $0x2800  }
0x24: {  	s14 =	smov.u32 s16;
	s12 =	sadd.s32 $0x500, s12;
	[sflag:s7] =	ssyncset.done $0x0  }
0x25: {  	s13 =	sadd.s32 s13, s6;
	[sflag:s7] =	ssyncadd.s32 $0xFFFFD800  }
0x26: {  	[tilespmem:s2], [sflag:$0x2] =	stream.linear.gather [hbm4b:s13+s2], $0x50, $0x38;
	[tilespmem:$0x2880] =	vst v63  }
0x27: {  	_ =	swait.ge [sflag:s7], $0x50  }
0x28: {  	[sflag:s7] =	ssyncset.done $0x0  }
0x29: {  	[sflag:s7] =	ssyncadd.s32 $0xFFFFFFB0  }
0x2a: {  	[tilespmem:s9], [sflag:$0x1] =	stream.indirect.gather [hbm4b:s3+s8], $0x80, s2, s8, $0xb8;
	[tilespmem:$0x2880] =	vst v63  }
0x2b: {  	s11 =	sadd.s32 $0x1, s11;
	_ =	swait.ge [sflag:s10], $0x2800  }
0x2c: {  	p0 =	sne.s32 s11, s4;
	[sflag:s10] =	ssyncset.done $0x0  }
.Ltmp1:
0x2d: {  	[sflag:s10] =	ssyncadd.s32 $0xFFFFD800;
	(pc) =	sbr.rel @p0 .LBB2_1-.Ltmp1, $4  }
0x2e: {  	[hbm4b:s12+s2] =	stream.linear.scatter [tilespmem:s9], [sflag:$0x2], $0x2800, $0x38;
	[tilespmem:$0x2880] =	vst v63  }
0x2f: {  	_ =	swait.ge [sflag:s7], $0x2800  }
0x30: {  	[sflag:s7] =	ssyncset.done $0x0  }
0x31: {  	[sflag:s7] =	ssyncadd.s32 $0xFFFFD800  }
0x32: {  	_ =	sfence.sel $0x180000  }
0x33: {  	[bflag:$0x0] =	sbarrier.arrive $0xFFFF  }
0x34: {  	p0 =	sne.s32 s1, $0x0;
	_ =	strace $0x90000050  }
0x35: {  	s0 =	sadd.s32 @!p0 $0x100000, s0;
	[bflag:$0x2] =	sbarrier.arrive $0xFFFF  }
0x36: {  	[sflag:s0] =	ssyncadd.tile.s32 @!p0 $0x1;
	_ =	shalt  }
.Lfunc_end2:
_tile_overlayer_lowered:
.L_overlay_start_2:
0x37: {  	(tag) =	ssettag $0x2  }
0x38: {  	s0 =	rddreg [dreg:$0x0];
	s2 =	stileid.u32  }
0x39: {  	s1 =	rddreg [dreg:$0x1];
	p0 =	sne.s32 s2, $0x0  }
0x3a: {  	s3 =	rddreg [dreg:$0x2];
	[bflag:$0x3] =	sbarrier.arrive $0xFFFF;
	s2 =	simm.s32 @!p0 $0x1C02  }
0x3b: {  	[timem:s3], [sflag:s2] =	dma.local @!p0 [hbm:s0], s1  }
0x3c: {  	s0 =	simm.s32 @!p0 $0x2  }
0x3d: {  	_ =	swait.ge @!p0 [sflag:s0], s1  }
0x3e: {  	s1 =	ssub.s32 @!p0 $0x0, s1;
	[sflag:s0] =	ssyncset.done @!p0 $0x0  }
0x3f: {  	[sflag:s0] =	ssyncadd.s32 @!p0 s1  }
0x40: {  	[bflag:$0x3] =	sbarrier.arrive $0xFFFF  }
0x41: {  	_ =	shalt  }

// kernel: kernel.38.cloned.1.call-start
scs
__scs_entry_jumppad:
0x0: {  	(pc) =	sbr.rel $0x88, $3  }
0x1: {  	(tag) =	ssettag $0x0;
	lr =	simm.s32 $0x1  }
0x2: {  	[smem:$0x3F1E] =	sst lr;
	_ =	strace $0xD0000000  }
0x3: {  	_ = 	snop  }
0x4: {  	_ = 	snop  }
0x5: {  	_ = 	snop  }
0x6: {  	_ = 	snop  }
0x7: {  	_ = 	snop  }
__scs_overlays_trampoline_lowered:
0x8: {  	[smem:$0x3F2D] =	sst s0  }
0x9: {  	[smem:$0x3F2E] =	sst s1  }
0xa: {  	[smem:$0x3F2F] =	sst s2  }
0xb: {  	[smem:$0x3F30] =	sst s3  }
0xc: {  	[smem:$0x3F31] =	sst s4  }
0xd: {  	[smem:$0x3F32] =	sst s5  }
0xe: {  	[smem:$0x3F33] =	sst s6  }
0xf: {  	[smem:$0x3F34] =	sst s7  }
0x10: {  	[smem:$0x3F35] =	sst s8  }
0x11: {  	[smem:$0x3F36] =	sst s9;
	s0 =	simm.s32 @!p0 $0x0  }
0x12: {  	s1 =	sld [smem:$0x3F1C];
	s0 =	simm.s32 @p0 $0x1  }
0x13: {  	[smem:$0x3F37] =	sst s0;
	s0 =	simm.s32 @!p1 $0x0  }
0x14: {  	s2 =	sld [smem:$0x3F1B];
	s0 =	simm.s32 @p1 $0x1  }
0x15: {  	[smem:$0x3F38] =	sst s0;
	s0 =	simm.s32 @!p2 $0x0  }
0x16: {  	s3 =	sld [smem:$0x3FDB];
	s0 =	simm.s32 @p2 $0x1  }
0x17: {  	s4 =	simm.s32 $0x1BF5;
	[smem:$0x3F3A] =	sst s0  }
0x18: {  	s0 =	sld [smem:$0x3F1D];
	_ =	swait.ge [sflag:s4], $0x0  }
0x19: {  	s7 =	sld [smem:$0x3F1E]  }
0x1a: {  	s8 =	sadd.s32 $0xFFFFE003, lr  }
0x1b: {  	s9 =	sadd.s32 $0xFFFFFEF7, lr;
	s5 =	simm.s32 $0xFFFFFFFF;
	p2 =	slt.u32 s8, $0xFFFFF086  }
0x1c: {  	p1 =	slt.u32 s9, $0xF7A;
	s5 =	simm.s32 @!p2 $0x0  }
0x1d: {  	s5 =	simm.s32 @p1 $0x1;
	p0 =	seq.s32 s7, s2  }
0x1e: {  	s7 =	smul.u32 @!p0 $0xF7A, s2;
	p2 =	seq.s32 @!p0 s5, $0x0  }
0x1f: {  	s9 =	smul.u32 $0xF7A, s1;
	s8 =	simm.s32 @!p0 $0x1BF5;
	p2 =	por !p2, p0  }
0x20: {  	[sflag:s8] =	ssyncset.s32 @!p0 $0xFFFFF086;
	s6 =	sadd.s32 @!p0 s3, s7;
	s7 =	simm.s32 @!p0 $0x108  }
0x21: {  	s3 =	sadd.s32 s3, s9;
	s6 =	sadd.s32 @!p0 $0x88, s6;
	s7 =	simm.s32 @p2 $0x1082  }
0x22: {  	[simem:s7], [sflag:s8] =	dma.local @!p0 [hbm:s6], $0xF7A  }
0x23: {  	s9 =	sor.u32 $0xD0000000, s2;
	s6 =	simm.s32 $0x108;
	_ =	swait.ge @!p0 [sflag:s8], $0x0  }
0x24: {  	s3 =	sadd.s32 $0x88, s3;
	s6 =	simm.s32 @!p1 $0x1082;
	[sflag:s4] =	ssyncset.s32 $0xFFFFF086  }
0x25: {  	[simem:s6], [sflag:s4] =	dma.local [hbm:s3], $0xF7A  }
0x26: {  	[smem:$0x3F1E] =	sst s1;
	(tag) =	ssettag s2;
	_ =	strace s9  }
0x27: {  	s1 =	sld [smem:$0x3F2E]  }
0x28: {  	s2 =	sld [smem:$0x3F2F]  }
0x29: {  	s4 =	sld [smem:$0x3F31]  }
0x2a: {  	p0 =	seq.s32 s5, $0x0;
	s5 =	sld [smem:$0x3F32]  }
0x2b: {  	s6 =	sld [smem:$0x3F33]  }
0x2c: {  	s7 =	sld [smem:$0x3F34]  }
0x2d: {  	s3 =	simm.s32 $0x108;
	s8 =	sld [smem:$0x3F35]  }
0x2e: {  	s3 =	simm.s32 @!p0 $0x1082;
	s9 =	sld [smem:$0x3F36]  }
0x2f: {  	lr =	sadd.s32 s0, s3;
	s0 =	sld [smem:$0x3F2D]  }
0x30: {  	s3 =	sld [smem:$0x3F30]  }
0x31: {  	[smem:$0x3F39] =	sst s10  }
0x32: {  	s10 =	sld [smem:$0x3F37];
	_ =	sdelay $0x3  }
0x33: {  	p0 =	seq.s32 s10, $0x1;
	s10 =	sld [smem:$0x3F39];
	_ =	sdelay $0x3  }
0x34: {  	[smem:$0x3F39] =	sst s10  }
0x35: {  	s10 =	sld [smem:$0x3F38];
	_ =	sdelay $0x3  }
0x36: {  	p1 =	seq.s32 s10, $0x1;
	s10 =	sld [smem:$0x3F39];
	_ =	sdelay $0x3  }
0x37: {  	[smem:$0x3F39] =	sst s10  }
0x38: {  	s10 =	sld [smem:$0x3F3A]  }
0x39: {  	_ = 	snop;
	(pc) =	sbr.ind lr, $3  }
0x3a: {  	_ = 	snop  }
0x3b: {  	_ = 	snop  }
0x3c: {  	p2 =	seq.s32 s10, $0x1;
	s10 =	sld [smem:$0x3F39]  }
0x3d: {  	_ =	shalt  }
0x3e: {  	_ =	shalt  }
0x3f: {  	_ =	shalt  }
0x40: {  	_ =	shalt  }
0x41: {  	_ =	shalt  }
0x42: {  	_ =	shalt  }
0x43: {  	_ =	shalt  }
0x44: {  	_ =	shalt  }
0x45: {  	_ =	shalt  }
0x46: {  	_ =	shalt  }
0x47: {  	_ =	shalt  }
0x48: {  	_ =	shalt  }
0x49: {  	_ =	shalt  }
0x4a: {  	_ =	shalt  }
0x4b: {  	_ =	shalt  }
0x4c: {  	_ =	shalt  }
0x4d: {  	_ =	shalt  }
0x4e: {  	_ =	shalt  }
0x4f: {  	_ =	shalt  }
0x50: {  	_ =	shalt  }
0x51: {  	_ =	shalt  }
0x52: {  	_ =	shalt  }
0x53: {  	_ =	shalt  }
0x54: {  	_ =	shalt  }
0x55: {  	_ =	shalt  }
0x56: {  	_ =	shalt  }
0x57: {  	_ =	shalt  }
0x58: {  	_ =	shalt  }
0x59: {  	_ =	shalt  }
0x5a: {  	_ =	shalt  }
0x5b: {  	_ =	shalt  }
0x5c: {  	_ =	shalt  }
0x5d: {  	_ =	shalt  }
0x5e: {  	_ =	shalt  }
0x5f: {  	_ =	shalt  }
0x60: {  	_ =	shalt  }
0x61: {  	_ =	shalt  }
0x62: {  	_ =	shalt  }
0x63: {  	_ =	shalt  }
0x64: {  	_ =	shalt  }
0x65: {  	_ =	shalt  }
0x66: {  	_ =	shalt  }
0x67: {  	_ =	shalt  }
0x68: {  	_ =	shalt  }
0x69: {  	_ =	shalt  }
0x6a: {  	_ =	shalt  }
0x6b: {  	_ =	shalt  }
0x6c: {  	_ =	shalt  }
0x6d: {  	_ =	shalt  }
0x6e: {  	_ =	shalt  }
0x6f: {  	_ =	shalt  }
0x70: {  	_ =	shalt  }
0x71: {  	_ =	shalt  }
0x72: {  	_ =	shalt  }
0x73: {  	_ =	shalt  }
0x74: {  	_ =	shalt  }
0x75: {  	_ =	shalt  }
0x76: {  	_ =	shalt  }
0x77: {  	_ =	shalt  }
0x78: {  	_ =	shalt  }
0x79: {  	_ =	shalt  }
0x7a: {  	_ =	shalt  }
0x7b: {  	_ =	shalt  }
0x7c: {  	_ =	shalt  }
0x7d: {  	_ =	shalt  }
0x7e: {  	_ =	shalt  }
0x7f: {  	_ =	shalt  }
0x80: {  	_ =	shalt  }
0x81: {  	_ =	shalt  }
0x82: {  	_ =	shalt  }
0x83: {  	_ =	shalt  }
0x84: {  	_ =	shalt  }
0x85: {  	_ =	shalt  }
0x86: {  	_ =	shalt  }
0x87: {  	_ =	shalt  }
.Lfunc_end0:
.L_simem_size_0:
called_computation.4_lowered:
.L_overlay_start_0:
0x88: {  	s2 =	sld [smem:$0x3FD9]  }
0x89: {  	s3 =	sld [smem:$0x3FFE];
	_ =	sdelay $0x1  }
0x8a: {  	s1 =	srdreg.scid  }
0x8b: {  	s0 =	sand.u32 $0x1, s1  }
0x8c: {  	s16 =	sshll.u32 s0, $0xA;
	s2 =	sadd.s32 s3, s2  }
0x8d: {  	s2 =	sadd.s32 s2, s16  }
0x8e: {  	[smem:$0x3F45] =	sst s2  }
0x8f: {  	_ = 	snop  }
0x90: {  	(tm) =	ssettm $0x1  }
0x91: {  	s17 =	sld [smem:$0x3FFB];
	_ =	sdelay $0x3  }
0x92: {  	_ =	strace s17  }
0x93: {  	s2 =	sld [smem:$0x3FFC];
	_ =	sdelay $0x3  }
0x94: {  	_ =	strace s2  }
0x95: {  	s2 =	sld [smem:$0x3FFD];
	_ =	sdelay $0x3  }
0x96: {  	_ =	strace s2  }
0x97: {  	_ =	strace $0x8FFFFFFF  }
0x98: {  	s18 =	sld [smem:$0x3FDB];
	_ =	sdelay $0x1  }
0x99: {  	s19 =	simm.s32 $_scs_section_size  }
0x9a: {  	s4 =	simm.s32 $_size__tile_overlayer_lowered;
	s5 =	simm.s32 $_tile_overlayer_lowered  }
0x9b: {  	s22 =	simm.s32 $0x1BFF;
	s21 =	sshll.u32 s5, $0x1;
	s2 =	sadd.s32 s19, s18  }
0x9c: {  	s6 =	simm.s32 $0x0;
	s20 =	sshll.u32 s4, $0x1;
	s4 =	sadd.s32 s21, s2  }
0x9d: {  	[timem:s6], [sflag:s22] =	dma.local [hbm:s4], s20  }
0x9e: {  	_ =	swait.ge [sflag:s22], s20  }
0x9f: {  	s3 =	ssub.s32 $0x0, s20;
	[sflag:s22] =	ssyncset.done $0x0  }
0xa0: {  	[sflag:s22] =	ssyncadd.s32 s3;
	_ =	sdelay $0x1  }
0xa1: {  	s23 =	simm.s32 $0x1B8B  }
0xa2: {  	_ =	swait.ge [sflag:s23], $0x1  }
0xa3: {  	[sflag:s23] =	ssyncset.done $0x0  }
0xa4: {  	s25 =	simm.s32 $0x1B8E;
	s24 =	sld [smem:$0x3FFE];
	[sflag:s23] =	ssyncadd.s32 $0xFFFFFFFF  }
0xa5: {  	s26 =	simm.s32 $execute0_lowered;
	[smem:$0x3FD2] =	sst s25  }
0xa6: {  	s4 =	sshll.u32 s26, $0x1;
	_ =	strace $0x80000052;
	[dreg:$0x1] =	wrdreg $0xFFFFFFFF  }
0xa7: {  	s28 =	simm.s32 $_size_execute0_lowered;
	s2 =	sadd.s32 s2, s4;
	[dreg:$0x0] =	wrdreg $0x0  }
0xa8: {  	s4 =	sshll.u32 s28, $0x1;
	[dreg:$0x2] =	wrdreg s2  }
0xa9: {  	[dreg:$0x3] =	wrdreg s4  }
0xaa: {  	[dreg:$0x4] =	wrdreg $0xC0  }
0xab: {  	_ =	task [dreg:s6], $0x5FFFF  }
0xac: {  	[dreg:$0x1] =	wrdreg $0xFFFFFFFF  }
0xad: {  	[dreg:$0x0] =	wrdreg $0x60  }
0xae: {  	[dreg:$0x2] =	wrdreg s24  }
0xaf: {  	[dreg:$0x3] =	wrdreg $0x41000  }
0xb0: {  	[dreg:$0x4] =	wrdreg $0x9  }
0xb1: {  	_ =	task.clear_ibuf [dreg:s6], $0x5FFFF;
	_ =	strace $0x90000052  }
0xb2: {  	s29 =	simm.s32 $0x9;
	_ =	strace $0x80000054  }
0xb3: {  	_ =	swait.ge [sflag:s29], $0x1  }
0xb4: {  	[sflag:s29] =	ssyncadd.s32 $0xFFFFFFFF  }
0xb5: {  	_ =	strace $0x90000054  }
0xb6: {  	_ =	sfence  }
0xb7: {  	s30 =	sld [smem:$0x0];
	_ =	sdelay $0x2  }
0xb8: {  	s31 =	sshll.u32 s1, $0xD;
	s1 =	sshrl.u32 s1, $0x2  }
0xb9: {  	s3 =	sand.u32 $0x4000, s31;
	s1 =	sadd.s32 s1, s30  }
0xba: {  	s0 =	sor.u32 s3, s0;
	s1 =	sshll.u32 s1, $0x11  }
0xbb: {  	s0 =	sor.u32 s1, s0  }
0xbc: {  	s0 =	sadd.s32 $0x8F2B, s0  }
0xbd: {  	[sflag:s0] =	ssyncadd.remote.s32 $0x1  }
0xbe: {  	_ =	sfence.sel $0xFFFF  }
0xbf: {  	[dreg:$0x0] =	wrdreg $0xFFFFFFFF;
	(pc) =	sbr.abs _section_cstart, $3  }
0xc0: {  	[dreg:$0x1] =	wrdreg $0xFFFFFFFF  }
0xc1: {  	_ =	task.clear_ibuf [dreg:s6], $0x2FFFF;
	_ =	strace $0x9FFFFFFF  }
0xc2: {  	(tm) =	ssettm $0x7FFFFFFF  }
0xc3: {  	_ =	shalt  }
tec
execute0_lowered:
.L_overlay_start_1:
0x0: {  	(tag) =	ssettag $0x1  }
0x1: {  	s10 =	rddreg [dreg:$0x0]  }
0x2: {  	s1 =	rddreg [dreg:$0x1]  }
0x3: {  	s0 =	rddreg [dreg:$0x2];
	s2 =	simm.s32 $0x0;
	s13 =	stileid.u32  }
0x4: {  	s3 =	srdreg.scid;
	s18 =	simm.s32 $0x1;
	[smem:$0x7FF] =	sst s2  }
0x5: {  	s11 =	sand.u32 $0x1, s3;
	s6 =	smul.u32 $0x2700, s13;
	s3 =	sadd.s32 $0x1661400, s10  }
0x6: {  	s26 =	sshll.u32 s13, $0x1;
	s4 =	sadd.s32 $0xA1D400, s10;
	s9 =	smul.u32 $0x4E000, s13  }
0x7: {  	s5 =	sadd.s32 $0xB5D400, s10;
	s29 =	sshll.u32 s13, $0x6;
	s16 =	sadd.s32 $0x138000, s1  }
0x8: {  	s17 =	smul.u32 $0xA0000, s13;
	s21 =	sadd.s32 $0x12E400, s1;
	p0 =	sne.s32 s13, $0x0  }
0x9: {  	_ =	strace $0x80000053;
	s19 =	sor.u32 s11, s26;
	s31 =	smul.u32 $0x50000, s11  }
0xa: {  	s8 =	ssub.s32 $0x2, s11;
	s7 =	smul.u32 $0x1380, s19;
	s6 =	sadd.s32 s6, s10  }
0xb: {  	s12 =	sshrl.u32 s8, $0x1;
	s28 =	sshrl.u32 s9, $0x2;
	s30 =	smul.u32 $0x27000, s19  }
0xc: {  	p1 =	seq.s32 s19, $0x1F;
	s12 =	ssub.s32 s8, s12;
	s15 =	sadd.s32 s28, s1  }
0xd: {  	s6 =	sadd.s32 $0xC9D400, s6;
	s8 =	sadd.s32 $0xCC4400, s10;
	s19 =	sshrl.u32 @p1 s21, $0x3  }
0xe: {  	s21 =	simm.s32 $0x0;
	s14 =	sadd.s32 s7, s10;
	s7 =	sor.u32 $0x1C02, s29  }
0xf: {  	s9 =	sshrl.u32 s30, $0x2;
	s10 =	sadd.s32 $0xD11480, s10;
	s11 =	smax.u32 s12, $0x1  }
0x10: {  	s12 =	sadd.s32 s31, s17;
	s13 =	sshrl.u32 s15, $0x3;
	s15 =	sshrl.u32 @!p0 s16, $0x3  }
0x11: {  	s16 =	simm.s32 $0x80;
	s17 =	simm.s32 $0x100;
	s20 =	sadd.s32 s9, s1  }
0x12: {  	v0 =	vimm.f32 $0.0e+00;
	s9 =	sadd.s32 $0xCEB800, s14;
	s14 =	simm.s32 $0x2;
	s20 =	sshrl.u32 @!p1 s20, $0x3  }
.LBB2_1:
0x13: {  	[spmem:s13], [sflag:s7] =	dma.local [hbm:s6], $0x2700  }
0x14: {  	_ =	swait.ge [sflag:s14], $0x2700  }
0x15: {  	[sflag:s14] =	ssyncset.done $0x0  }
0x16: {  	s22 =	simm.s32 @!p0 $0x2;
	[sflag:s14] =	ssyncadd.s32 $0xFFFFD900  }
0x17: {  	[spmem:s15], [sflag:s7] =	dma.local @!p0 [hbm:s8], $0x200  }
0x18: {  	_ =	swait.ge @!p0 [sflag:s22], $0x200  }
0x19: {  	[sflag:s22] =	ssyncset.done @!p0 $0x0  }
0x1a: {  	[sflag:s22] =	ssyncadd.s32 @!p0 $0xFFFFFE00  }
0x1b: {  	s23 =	simm.s32 $0x0;
	s22 =	smov.u32 s12;
	[bflag:$0x0] =	sbarrier.arrive $0xFFFF  }
.LBB2_2:
0x1c: {  	s24 =	smov.u32 s22  }
.LBB2_3:
0x1d: {  	s25 =	sshrl.u32 s24, $0x3  }
0x1e: {  	s26 =	sadd.s32 s4, s25  }
0x1f: {  	[tilespmem:s2], [sflag:$0x2] =	stream.linear.gather [hbm4b:s26+s2], $0x80, $0x38;
	[tilespmem:$0x17A00] =	vst v63  }
0x20: {  	_ =	swait.ge [sflag:s14], $0x80  }
0x21: {  	[sflag:s14] =	ssyncset.done $0x0  }
0x22: {  	s25 =	sadd.s32 s5, s25;
	[sflag:s14] =	ssyncadd.s32 $0xFFFFFF80  }
0x23: {  	[tilespmem:s16], [sflag:$0x2] =	stream.linear.gather [hbm4b:s25+s2], $0x80, $0x38;
	[tilespmem:$0x17A00] =	vst v63  }
0x24: {  	_ =	swait.ge [sflag:s14], $0x80  }
0x25: {  	[sflag:s14] =	ssyncset.done $0x0  }
0x26: {  	[sflag:s14] =	ssyncadd.s32 $0xFFFFFF80  }
0x27: {  	[tilespmem:s17], [sflag:$0x1] =	stream.indirect.gather [hbm4b:s3+s16], $0x80, s2, s16, $0xb8;
	[tilespmem:$0x17A00] =	vst v63  }
0x28: {  	_ =	swait.ge [sflag:s18], $0x4000  }
0x29: {  	[sflag:s18] =	ssyncset.done $0x0  }
0x2a: {  	[sflag:s18] =	ssyncadd.s32 $0xFFFFC000  }
0x2b: {  	[spmem:s1] =	stream.indirect.scatter.add.f32 [tilespmem:s17], [sflag:$0x2], $0x80, s16, s16, $0xb8;
	[tilespmem:$0x17A00] =	vst v63  }
0x2c: {  	_ =	swait.ge [sflag:s14], $0x4000  }
0x2d: {  	[sflag:s14] =	ssyncset.done $0x0  }
0x2e: {  	[sflag:s14] =	ssyncadd.s32 $0xFFFFC000  }
0x2f: {  	_ =	sdelay $0x7ff  }
0x30: {  	_ =	sdelay $0x700  }
0x31: {  	v1 =	vld [tilespmem:$0xF0];
	_ =	sdelay $0x4  }
0x32: {  	vm0 =	vgt.s32 v1, $0x270F  }
0x33: {  	v1 =	vsel vm0, $0x3F800000, v0  }
0x34: {  	(xrf0) =	vmax.scan.msk.f32 $0xffff, v1;
	_ =	sdelay $0x5  }
0x35: {  	v1, _, _ =	vpop (xrf0)  }
0x36: {  	(v2sf) =	vpush v1, $0xF;
	_ =	sdelay $0xe  }
0x37: {  	s31 =	spop (v2sf)  }
0x38: {  	p2 =	sgt.f32 s31, $0.0e+00  }
.Ltmp0:
0x39: {  	_ = 	snop;
	(pc) =	sbr.rel @!p2 .LBB2_3-.Ltmp0, $2  }
0x3a: {  	_ =	sdelay $0x2  }
0x3b: {  	s24 =	sadd.s32 $0x80, s24  }
0x3c: {  	s23 =	sadd.s32 $0x1, s23  }
0x3d: {  	p2 =	sne.s32 s23, $0x50  }
.Ltmp1:
0x3e: {  	_ = 	snop;
	(pc) =	sbr.rel @p2 .LBB2_2-.Ltmp1, $2  }
0x3f: {  	_ =	sdelay $0x2  }
0x40: {  	s22 =	sadd.s32 $0x1000, s22  }
0x41: {  	[bflag:$0x0] =	sbarrier.arrive $0xFFFF;
	s22 =	simm.s32 @p1 $0x2  }
0x42: {  	[hbm:s10], [sflag:s7] =	dma.local @p1 [spmem:s19], $0x1480  }
0x43: {  	s21 =	sadd.s32 $0x1, s21;
	_ =	swait.ge @p1 [sflag:s22], $0x1480  }
0x44: {  	p2 =	sne.s32 s21, s11;
	[sflag:s22] =	ssyncset.done @p1 $0x0  }
.Ltmp2:
0x45: {  	[sflag:s22] =	ssyncadd.s32 @p1 $0xFFFFEB80;
	s22 =	simm.s32 @!p1 $0x2;
	(pc) =	sbr.rel @p2 .LBB2_1-.Ltmp2, $4  }
0x46: {  	[hbm:s9], [sflag:s7] =	dma.local @!p1 [spmem:s20], $0x1380  }
0x47: {  	_ =	swait.ge @!p1 [sflag:s22], $0x1380  }
0x48: {  	[sflag:s22] =	ssyncset.done @!p1 $0x0  }
0x49: {  	[sflag:s22] =	ssyncadd.s32 @!p1 $0xFFFFEC80  }
0x4a: {  	_ =	sfence.sel $0x180000  }
0x4b: {  	[bflag:$0x0] =	sbarrier.arrive $0xFFFF  }
0x4c: {  	_ =	strace $0x90000053  }
0x4d: {  	s0 =	sadd.s32 @!p0 $0x100000, s0;
	[bflag:$0x2] =	sbarrier.arrive $0xFFFF  }
0x4e: {  	[sflag:s0] =	ssyncadd.tile.s32 @!p0 $0x1;
	_ =	shalt  }
.Lfunc_end2:
_tile_overlayer_lowered:
.L_overlay_start_2:
0x4f: {  	(tag) =	ssettag $0x2  }
0x50: {  	s0 =	rddreg [dreg:$0x0];
	s2 =	stileid.u32  }
0x51: {  	s1 =	rddreg [dreg:$0x1];
	p0 =	sne.s32 s2, $0x0  }
0x52: {  	s3 =	rddreg [dreg:$0x2];
	[bflag:$0x3] =	sbarrier.arrive $0xFFFF;
	s2 =	simm.s32 @!p0 $0x1C02  }
0x53: {  	[timem:s3], [sflag:s2] =	dma.local @!p0 [hbm:s0], s1  }
0x54: {  	s0 =	simm.s32 @!p0 $0x2  }
0x55: {  	_ =	swait.ge @!p0 [sflag:s0], s1  }
0x56: {  	s1 =	ssub.s32 @!p0 $0x0, s1;
	[sflag:s0] =	ssyncset.done @!p0 $0x0  }
0x57: {  	[sflag:s0] =	ssyncadd.s32 @!p0 s1  }
0x58: {  	[bflag:$0x3] =	sbarrier.arrive $0xFFFF  }
0x59: {  	_ =	shalt  }

// kernel: kernel.41.cloned.1.call-start
scs
__scs_entry_jumppad:
0x0: {  	(pc) =	sbr.rel $0x88, $3  }
0x1: {  	(tag) =	ssettag $0x0;
	lr =	simm.s32 $0x1  }
0x2: {  	[smem:$0x3F1E] =	sst lr;
	_ =	strace $0xD0000000  }
0x3: {  	_ = 	snop  }
0x4: {  	_ = 	snop  }
0x5: {  	_ = 	snop  }
0x6: {  	_ = 	snop  }
0x7: {  	_ = 	snop  }
__scs_overlays_trampoline_lowered:
0x8: {  	[smem:$0x3F2D] =	sst s0  }
0x9: {  	[smem:$0x3F2E] =	sst s1  }
0xa: {  	[smem:$0x3F2F] =	sst s2  }
0xb: {  	[smem:$0x3F30] =	sst s3  }
0xc: {  	[smem:$0x3F31] =	sst s4  }
0xd: {  	[smem:$0x3F32] =	sst s5  }
0xe: {  	[smem:$0x3F33] =	sst s6  }
0xf: {  	[smem:$0x3F34] =	sst s7  }
0x10: {  	[smem:$0x3F35] =	sst s8  }
0x11: {  	[smem:$0x3F36] =	sst s9;
	s0 =	simm.s32 @!p0 $0x0  }
0x12: {  	s1 =	sld [smem:$0x3F1C];
	s0 =	simm.s32 @p0 $0x1  }
0x13: {  	[smem:$0x3F37] =	sst s0;
	s0 =	simm.s32 @!p1 $0x0  }
0x14: {  	s2 =	sld [smem:$0x3F1B];
	s0 =	simm.s32 @p1 $0x1  }
0x15: {  	[smem:$0x3F38] =	sst s0;
	s0 =	simm.s32 @!p2 $0x0  }
0x16: {  	s3 =	sld [smem:$0x3FDB];
	s0 =	simm.s32 @p2 $0x1  }
0x17: {  	s4 =	simm.s32 $0x1BF5;
	[smem:$0x3F3A] =	sst s0  }
0x18: {  	s0 =	sld [smem:$0x3F1D];
	_ =	swait.ge [sflag:s4], $0x0  }
0x19: {  	s7 =	sld [smem:$0x3F1E]  }
0x1a: {  	s8 =	sadd.s32 $0xFFFFE003, lr  }
0x1b: {  	s9 =	sadd.s32 $0xFFFFFEF7, lr;
	s5 =	simm.s32 $0xFFFFFFFF;
	p2 =	slt.u32 s8, $0xFFFFF086  }
0x1c: {  	p1 =	slt.u32 s9, $0xF7A;
	s5 =	simm.s32 @!p2 $0x0  }
0x1d: {  	s5 =	simm.s32 @p1 $0x1;
	p0 =	seq.s32 s7, s2  }
0x1e: {  	s7 =	smul.u32 @!p0 $0xF7A, s2;
	p2 =	seq.s32 @!p0 s5, $0x0  }
0x1f: {  	s9 =	smul.u32 $0xF7A, s1;
	s8 =	simm.s32 @!p0 $0x1BF5;
	p2 =	por !p2, p0  }
0x20: {  	[sflag:s8] =	ssyncset.s32 @!p0 $0xFFFFF086;
	s6 =	sadd.s32 @!p0 s3, s7;
	s7 =	simm.s32 @!p0 $0x108  }
0x21: {  	s3 =	sadd.s32 s3, s9;
	s6 =	sadd.s32 @!p0 $0x88, s6;
	s7 =	simm.s32 @p2 $0x1082  }
0x22: {  	[simem:s7], [sflag:s8] =	dma.local @!p0 [hbm:s6], $0xF7A  }
0x23: {  	s9 =	sor.u32 $0xD0000000, s2;
	s6 =	simm.s32 $0x108;
	_ =	swait.ge @!p0 [sflag:s8], $0x0  }
0x24: {  	s3 =	sadd.s32 $0x88, s3;
	s6 =	simm.s32 @!p1 $0x1082;
	[sflag:s4] =	ssyncset.s32 $0xFFFFF086  }
0x25: {  	[simem:s6], [sflag:s4] =	dma.local [hbm:s3], $0xF7A  }
0x26: {  	[smem:$0x3F1E] =	sst s1;
	(tag) =	ssettag s2;
	_ =	strace s9  }
0x27: {  	s1 =	sld [smem:$0x3F2E]  }
0x28: {  	s2 =	sld [smem:$0x3F2F]  }
0x29: {  	s4 =	sld [smem:$0x3F31]  }
0x2a: {  	p0 =	seq.s32 s5, $0x0;
	s5 =	sld [smem:$0x3F32]  }
0x2b: {  	s6 =	sld [smem:$0x3F33]  }
0x2c: {  	s7 =	sld [smem:$0x3F34]  }
0x2d: {  	s3 =	simm.s32 $0x108;
	s8 =	sld [smem:$0x3F35]  }
0x2e: {  	s3 =	simm.s32 @!p0 $0x1082;
	s9 =	sld [smem:$0x3F36]  }
0x2f: {  	lr =	sadd.s32 s0, s3;
	s0 =	sld [smem:$0x3F2D]  }
0x30: {  	s3 =	sld [smem:$0x3F30]  }
0x31: {  	[smem:$0x3F39] =	sst s10  }
0x32: {  	s10 =	sld [smem:$0x3F37];
	_ =	sdelay $0x3  }
0x33: {  	p0 =	seq.s32 s10, $0x1;
	s10 =	sld [smem:$0x3F39];
	_ =	sdelay $0x3  }
0x34: {  	[smem:$0x3F39] =	sst s10  }
0x35: {  	s10 =	sld [smem:$0x3F38];
	_ =	sdelay $0x3  }
0x36: {  	p1 =	seq.s32 s10, $0x1;
	s10 =	sld [smem:$0x3F39];
	_ =	sdelay $0x3  }
0x37: {  	[smem:$0x3F39] =	sst s10  }
0x38: {  	s10 =	sld [smem:$0x3F3A]  }
0x39: {  	_ = 	snop;
	(pc) =	sbr.ind lr, $3  }
0x3a: {  	_ = 	snop  }
0x3b: {  	_ = 	snop  }
0x3c: {  	p2 =	seq.s32 s10, $0x1;
	s10 =	sld [smem:$0x3F39]  }
0x3d: {  	_ =	shalt  }
0x3e: {  	_ =	shalt  }
0x3f: {  	_ =	shalt  }
0x40: {  	_ =	shalt  }
0x41: {  	_ =	shalt  }
0x42: {  	_ =	shalt  }
0x43: {  	_ =	shalt  }
0x44: {  	_ =	shalt  }
0x45: {  	_ =	shalt  }
0x46: {  	_ =	shalt  }
0x47: {  	_ =	shalt  }
0x48: {  	_ =	shalt  }
0x49: {  	_ =	shalt  }
0x4a: {  	_ =	shalt  }
0x4b: {  	_ =	shalt  }
0x4c: {  	_ =	shalt  }
0x4d: {  	_ =	shalt  }
0x4e: {  	_ =	shalt  }
0x4f: {  	_ =	shalt  }
0x50: {  	_ =	shalt  }
0x51: {  	_ =	shalt  }
0x52: {  	_ =	shalt  }
0x53: {  	_ =	shalt  }
0x54: {  	_ =	shalt  }
0x55: {  	_ =	shalt  }
0x56: {  	_ =	shalt  }
0x57: {  	_ =	shalt  }
0x58: {  	_ =	shalt  }
0x59: {  	_ =	shalt  }
0x5a: {  	_ =	shalt  }
0x5b: {  	_ =	shalt  }
0x5c: {  	_ =	shalt  }
0x5d: {  	_ =	shalt  }
0x5e: {  	_ =	shalt  }
0x5f: {  	_ =	shalt  }
0x60: {  	_ =	shalt  }
0x61: {  	_ =	shalt  }
0x62: {  	_ =	shalt  }
0x63: {  	_ =	shalt  }
0x64: {  	_ =	shalt  }
0x65: {  	_ =	shalt  }
0x66: {  	_ =	shalt  }
0x67: {  	_ =	shalt  }
0x68: {  	_ =	shalt  }
0x69: {  	_ =	shalt  }
0x6a: {  	_ =	shalt  }
0x6b: {  	_ =	shalt  }
0x6c: {  	_ =	shalt  }
0x6d: {  	_ =	shalt  }
0x6e: {  	_ =	shalt  }
0x6f: {  	_ =	shalt  }
0x70: {  	_ =	shalt  }
0x71: {  	_ =	shalt  }
0x72: {  	_ =	shalt  }
0x73: {  	_ =	shalt  }
0x74: {  	_ =	shalt  }
0x75: {  	_ =	shalt  }
0x76: {  	_ =	shalt  }
0x77: {  	_ =	shalt  }
0x78: {  	_ =	shalt  }
0x79: {  	_ =	shalt  }
0x7a: {  	_ =	shalt  }
0x7b: {  	_ =	shalt  }
0x7c: {  	_ =	shalt  }
0x7d: {  	_ =	shalt  }
0x7e: {  	_ =	shalt  }
0x7f: {  	_ =	shalt  }
0x80: {  	_ =	shalt  }
0x81: {  	_ =	shalt  }
0x82: {  	_ =	shalt  }
0x83: {  	_ =	shalt  }
0x84: {  	_ =	shalt  }
0x85: {  	_ =	shalt  }
0x86: {  	_ =	shalt  }
0x87: {  	_ =	shalt  }
.Lfunc_end0:
.L_simem_size_0:
called_computation.5_lowered:
.L_overlay_start_0:
0x88: {  	s2 =	sld [smem:$0x3FD9]  }
0x89: {  	s3 =	sld [smem:$0x3FFE];
	_ =	sdelay $0x1  }
0x8a: {  	s1 =	srdreg.scid  }
0x8b: {  	s0 =	sand.u32 $0x1, s1  }
0x8c: {  	s16 =	sshll.u32 s0, $0xA;
	s2 =	sadd.s32 s3, s2  }
0x8d: {  	s2 =	sadd.s32 s2, s16  }
0x8e: {  	[smem:$0x3F45] =	sst s2  }
0x8f: {  	_ = 	snop  }
0x90: {  	(tm) =	ssettm $0x1  }
0x91: {  	s17 =	sld [smem:$0x3FFB];
	_ =	sdelay $0x3  }
0x92: {  	_ =	strace s17  }
0x93: {  	s2 =	sld [smem:$0x3FFC];
	_ =	sdelay $0x3  }
0x94: {  	_ =	strace s2  }
0x95: {  	s2 =	sld [smem:$0x3FFD];
	_ =	sdelay $0x3  }
0x96: {  	_ =	strace s2  }
0x97: {  	_ =	strace $0x8FFFFFFF  }
0x98: {  	s18 =	sld [smem:$0x3FDB];
	_ =	sdelay $0x1  }
0x99: {  	s19 =	simm.s32 $_scs_section_size  }
0x9a: {  	s4 =	simm.s32 $_size__tile_overlayer_lowered;
	s5 =	simm.s32 $_tile_overlayer_lowered  }
0x9b: {  	s22 =	simm.s32 $0x1BFF;
	s21 =	sshll.u32 s5, $0x1;
	s2 =	sadd.s32 s19, s18  }
0x9c: {  	s6 =	simm.s32 $0x0;
	s20 =	sshll.u32 s4, $0x1;
	s4 =	sadd.s32 s21, s2  }
0x9d: {  	[timem:s6], [sflag:s22] =	dma.local [hbm:s4], s20  }
0x9e: {  	_ =	swait.ge [sflag:s22], s20  }
0x9f: {  	s3 =	ssub.s32 $0x0, s20;
	[sflag:s22] =	ssyncset.done $0x0  }
0xa0: {  	[sflag:s22] =	ssyncadd.s32 s3;
	_ =	sdelay $0x1  }
0xa1: {  	s23 =	simm.s32 $0x1B8B  }
0xa2: {  	_ =	swait.ge [sflag:s23], $0x1  }
0xa3: {  	[sflag:s23] =	ssyncset.done $0x0  }
0xa4: {  	s25 =	simm.s32 $0x1B8E;
	s24 =	sld [smem:$0x3FFE];
	[sflag:s23] =	ssyncadd.s32 $0xFFFFFFFF  }
0xa5: {  	s26 =	simm.s32 $execute0_lowered;
	[smem:$0x3FD2] =	sst s25  }
0xa6: {  	s4 =	sshll.u32 s26, $0x1;
	_ =	strace $0x80000055;
	[dreg:$0x1] =	wrdreg $0xFFFFFFFF  }
0xa7: {  	s28 =	simm.s32 $_size_execute0_lowered;
	s2 =	sadd.s32 s2, s4;
	[dreg:$0x0] =	wrdreg $0x0  }
0xa8: {  	s4 =	sshll.u32 s28, $0x1;
	[dreg:$0x2] =	wrdreg s2  }
0xa9: {  	[dreg:$0x3] =	wrdreg s4  }
0xaa: {  	[dreg:$0x4] =	wrdreg $0xC0  }
0xab: {  	_ =	task [dreg:s6], $0x5FFFF  }
0xac: {  	[dreg:$0x1] =	wrdreg $0xFFFFFFFF  }
0xad: {  	[dreg:$0x0] =	wrdreg $0x60  }
0xae: {  	[dreg:$0x2] =	wrdreg s24  }
0xaf: {  	[dreg:$0x3] =	wrdreg $0x9  }
0xb0: {  	_ =	task.clear_ibuf [dreg:s6], $0x4FFFF;
	_ =	strace $0x90000055  }
0xb1: {  	s29 =	simm.s32 $0x9;
	_ =	strace $0x80000057  }
0xb2: {  	_ =	swait.ge [sflag:s29], $0x1  }
0xb3: {  	[sflag:s29] =	ssyncadd.s32 $0xFFFFFFFF  }
0xb4: {  	_ =	strace $0x90000057  }
0xb5: {  	_ =	sfence  }
0xb6: {  	s30 =	sld [smem:$0x0];
	_ =	sdelay $0x2  }
0xb7: {  	s31 =	sshll.u32 s1, $0xD;
	s1 =	sshrl.u32 s1, $0x2  }
0xb8: {  	s3 =	sand.u32 $0x4000, s31;
	s1 =	sadd.s32 s1, s30  }
0xb9: {  	s0 =	sor.u32 s3, s0;
	s1 =	sshll.u32 s1, $0x11  }
0xba: {  	s0 =	sor.u32 s1, s0  }
0xbb: {  	s0 =	sadd.s32 $0x8F2B, s0  }
0xbc: {  	[sflag:s0] =	ssyncadd.remote.s32 $0x1  }
0xbd: {  	_ =	sfence.sel $0xFFFF  }
0xbe: {  	[dreg:$0x0] =	wrdreg $0xFFFFFFFF;
	(pc) =	sbr.abs _section_cstart, $3  }
0xbf: {  	[dreg:$0x1] =	wrdreg $0xFFFFFFFF  }
0xc0: {  	_ =	task.clear_ibuf [dreg:s6], $0x2FFFF;
	_ =	strace $0x9FFFFFFF  }
0xc1: {  	(tm) =	ssettm $0x7FFFFFFF  }
tec
execute0_lowered:
.L_overlay_start_1:
0x0: {  	(tag) =	ssettag $0x1  }
0x1: {  	s4 =	rddreg [dreg:$0x0]  }
0x2: {  	s0 =	rddreg [dreg:$0x1]  }
0x3: {  	s3 =	srdreg.scid;
	s1 =	stileid.u32;
	s2 =	simm.s32 $0x0  }
0x4: {  	s10 =	simm.s32 $0x1;
	s11 =	simm.s32 $0x0;
	s6 =	smul.u32 $0x9C40, s1  }
0x5: {  	s5 =	sand.u32 $0x1, s3;
	[smem:$0x7FF] =	sst s2;
	s8 =	smul.u32 $0x9C400, s1  }
0x6: {  	s3 =	sadd.s32 $0xCC4600, s4;
	s7 =	smul.u32 $0x4E20, s5;
	s9 =	ssub.s32 $0x2, s5  }
0x7: {  	_ =	strace $0x80000056;
	s5 =	smul.u32 $0x4E200, s5;
	s31 =	sshrl.u32 s9, $0x1  }
0x8: {  	s30 =	sadd.s32 s8, s4;
	s6 =	sadd.s32 s7, s6;
	s8 =	ssub.s32 s9, s31  }
0x9: {  	s5 =	sadd.s32 s5, s30;
	s7 =	simm.s32 $0x2;
	s6 =	sshrl.u32 s6, $0x3  }
0xa: {  	s9 =	simm.s32 $0x80;
	s5 =	sadd.s32 $0x32200, s5;
	s6 =	sadd.s32 s6, s4  }
0xb: {  	s4 =	smax.u32 s8, $0x1;
	s8 =	simm.s32 $0x50;
	s6 =	sadd.s32 $0x1E800, s6  }
.LBB2_1:
0xc: {  	s12 =	sadd.s32 $0x0, s6  }
0xd: {  	[tilespmem:s2], [sflag:$0x2] =	stream.linear.gather [hbm4b:s12+s2], $0x50, $0x38;
	[tilespmem:$0x2880] =	vst v63  }
0xe: {  	_ =	swait.ge [sflag:s7], $0x50  }
0xf: {  	[sflag:s7] =	ssyncset.done $0x0  }
0x10: {  	[sflag:s7] =	ssyncadd.s32 $0xFFFFFFB0  }
0x11: {  	[tilespmem:s9], [sflag:$0x1] =	stream.indirect.gather [hbm4b:s3+s8], $0x80, s2, s8, $0xb8;
	[tilespmem:$0x2880] =	vst v63  }
0x12: {  	_ =	swait.ge [sflag:s10], $0x2800  }
0x13: {  	[sflag:s10] =	ssyncset.done $0x0  }
0x14: {  	[sflag:s10] =	ssyncadd.s32 $0xFFFFD800  }
0x15: {  	[hbm4b:s5+s2] =	stream.linear.scatter [tilespmem:s9], [sflag:$0x2], $0x2800, $0x38;
	[tilespmem:$0x2880] =	vst v63  }
0x16: {  	s13 =	simm.s32 $0xA;
	_ =	swait.ge [sflag:s7], $0x2800  }
0x17: {  	s14 =	simm.s32 $0x14;
	s12 =	sadd.s32 $0x500, s5;
	[sflag:s7] =	ssyncset.done $0x0  }
.LBB2_2:
0x18: {  	s15 =	sadd.s32 s13, s6  }
0x19: {  	[sflag:s7] =	ssyncadd.s32 $0xFFFFD800;
	s13 =	smov.u32 s14;
	s16 =	sadd.s32 $0xA, s14  }
0x1a: {  	[tilespmem:s2], [sflag:$0x2] =	stream.linear.gather [hbm4b:s15+s2], $0x50, $0x38;
	[tilespmem:$0x2880] =	vst v63  }
0x1b: {  	p0 =	sne.s32 s14, $0x9BA;
	_ =	swait.ge [sflag:s7], $0x50  }
0x1c: {  	[sflag:s7] =	ssyncset.done $0x0  }
0x1d: {  	[sflag:s7] =	ssyncadd.s32 $0xFFFFFFB0  }
0x1e: {  	[tilespmem:s9], [sflag:$0x1] =	stream.indirect.gather [hbm4b:s3+s8], $0x80, s2, s8, $0xb8;
	[tilespmem:$0x2880] =	vst v63  }
0x1f: {  	_ =	swait.ge [sflag:s10], $0x2800  }
.Ltmp0:
0x20: {  	[sflag:s10] =	ssyncset.done $0x0;
	(pc) =	sbr.rel @p0 .LBB2_2-.Ltmp0, $4  }
0x21: {  	[sflag:s10] =	ssyncadd.s32 $0xFFFFD800  }
0x22: {  	[hbm4b:s12+s2] =	stream.linear.scatter [tilespmem:s9], [sflag:$0x2], $0x2800, $0x38;
	[tilespmem:$0x2880] =	vst v63  }
0x23: {  	_ =	swait.ge [sflag:s7], $0x2800  }
0x24: {  	s14 =	smov.u32 s16;
	s12 =	sadd.s32 $0x500, s12;
	[sflag:s7] =	ssyncset.done $0x0  }
0x25: {  	s13 =	sadd.s32 s13, s6;
	[sflag:s7] =	ssyncadd.s32 $0xFFFFD800  }
0x26: {  	[tilespmem:s2], [sflag:$0x2] =	stream.linear.gather [hbm4b:s13+s2], $0x50, $0x38;
	[tilespmem:$0x2880] =	vst v63  }
0x27: {  	_ =	swait.ge [sflag:s7], $0x50  }
0x28: {  	[sflag:s7] =	ssyncset.done $0x0  }
0x29: {  	[sflag:s7] =	ssyncadd.s32 $0xFFFFFFB0  }
0x2a: {  	[tilespmem:s9], [sflag:$0x1] =	stream.indirect.gather [hbm4b:s3+s8], $0x80, s2, s8, $0xb8;
	[tilespmem:$0x2880] =	vst v63  }
0x2b: {  	s11 =	sadd.s32 $0x1, s11;
	_ =	swait.ge [sflag:s10], $0x2800  }
0x2c: {  	p0 =	sne.s32 s11, s4;
	[sflag:s10] =	ssyncset.done $0x0  }
.Ltmp1:
0x2d: {  	[sflag:s10] =	ssyncadd.s32 $0xFFFFD800;
	(pc) =	sbr.rel @p0 .LBB2_1-.Ltmp1, $4  }
0x2e: {  	[hbm4b:s12+s2] =	stream.linear.scatter [tilespmem:s9], [sflag:$0x2], $0x2800, $0x38;
	[tilespmem:$0x2880] =	vst v63  }
0x2f: {  	_ =	swait.ge [sflag:s7], $0x2800  }
0x30: {  	[sflag:s7] =	ssyncset.done $0x0  }
0x31: {  	[sflag:s7] =	ssyncadd.s32 $0xFFFFD800  }
0x32: {  	_ =	sfence.sel $0x180000  }
0x33: {  	[bflag:$0x0] =	sbarrier.arrive $0xFFFF  }
0x34: {  	p0 =	sne.s32 s1, $0x0;
	_ =	strace $0x90000056  }
0x35: {  	s0 =	sadd.s32 @!p0 $0x100000, s0;
	[bflag:$0x2] =	sbarrier.arrive $0xFFFF  }
0x36: {  	[sflag:s0] =	ssyncadd.tile.s32 @!p0 $0x1;
	_ =	shalt  }
.Lfunc_end2:
_tile_overlayer_lowered:
.L_overlay_start_2:
0x37: {  	(tag) =	ssettag $0x2  }
0x38: {  	s0 =	rddreg [dreg:$0x0];
	s2 =	stileid.u32  }
0x39: {  	s1 =	rddreg [dreg:$0x1];
	p0 =	sne.s32 s2, $0x0  }
0x3a: {  	s3 =	rddreg [dreg:$0x2];
	[bflag:$0x3] =	sbarrier.arrive $0xFFFF;
	s2 =	simm.s32 @!p0 $0x1C02  }
0x3b: {  	[timem:s3], [sflag:s2] =	dma.local @!p0 [hbm:s0], s1  }
0x3c: {  	s0 =	simm.s32 @!p0 $0x2  }
0x3d: {  	_ =	swait.ge @!p0 [sflag:s0], s1  }
0x3e: {  	s1 =	ssub.s32 @!p0 $0x0, s1;
	[sflag:s0] =	ssyncset.done @!p0 $0x0  }
0x3f: {  	[sflag:s0] =	ssyncadd.s32 @!p0 s1  }
0x40: {  	[bflag:$0x3] =	sbarrier.arrive $0xFFFF  }
0x41: {  	_ =	shalt  }

// kernel: kernel.44.cloned.1.call-start
scs
__scs_entry_jumppad:
0x0: {  	(pc) =	sbr.rel $0x88, $3  }
0x1: {  	(tag) =	ssettag $0x0;
	lr =	simm.s32 $0x1  }
0x2: {  	[smem:$0x3F1E] =	sst lr;
	_ =	strace $0xD0000000  }
0x3: {  	_ = 	snop  }
0x4: {  	_ = 	snop  }
0x5: {  	_ = 	snop  }
0x6: {  	_ = 	snop  }
0x7: {  	_ = 	snop  }
__scs_overlays_trampoline_lowered:
0x8: {  	[smem:$0x3F2D] =	sst s0  }
0x9: {  	[smem:$0x3F2E] =	sst s1  }
0xa: {  	[smem:$0x3F2F] =	sst s2  }
0xb: {  	[smem:$0x3F30] =	sst s3  }
0xc: {  	[smem:$0x3F31] =	sst s4  }
0xd: {  	[smem:$0x3F32] =	sst s5  }
0xe: {  	[smem:$0x3F33] =	sst s6  }
0xf: {  	[smem:$0x3F34] =	sst s7  }
0x10: {  	[smem:$0x3F35] =	sst s8  }
0x11: {  	[smem:$0x3F36] =	sst s9;
	s0 =	simm.s32 @!p0 $0x0  }
0x12: {  	s1 =	sld [smem:$0x3F1C];
	s0 =	simm.s32 @p0 $0x1  }
0x13: {  	[smem:$0x3F37] =	sst s0;
	s0 =	simm.s32 @!p1 $0x0  }
0x14: {  	s2 =	sld [smem:$0x3F1B];
	s0 =	simm.s32 @p1 $0x1  }
0x15: {  	[smem:$0x3F38] =	sst s0;
	s0 =	simm.s32 @!p2 $0x0  }
0x16: {  	s3 =	sld [smem:$0x3FDB];
	s0 =	simm.s32 @p2 $0x1  }
0x17: {  	s4 =	simm.s32 $0x1BF5;
	[smem:$0x3F3A] =	sst s0  }
0x18: {  	s0 =	sld [smem:$0x3F1D];
	_ =	swait.ge [sflag:s4], $0x0  }
0x19: {  	s7 =	sld [smem:$0x3F1E]  }
0x1a: {  	s8 =	sadd.s32 $0xFFFFE003, lr  }
0x1b: {  	s9 =	sadd.s32 $0xFFFFFEF7, lr;
	s5 =	simm.s32 $0xFFFFFFFF;
	p2 =	slt.u32 s8, $0xFFFFF086  }
0x1c: {  	p1 =	slt.u32 s9, $0xF7A;
	s5 =	simm.s32 @!p2 $0x0  }
0x1d: {  	s5 =	simm.s32 @p1 $0x1;
	p0 =	seq.s32 s7, s2  }
0x1e: {  	s7 =	smul.u32 @!p0 $0xF7A, s2;
	p2 =	seq.s32 @!p0 s5, $0x0  }
0x1f: {  	s9 =	smul.u32 $0xF7A, s1;
	s8 =	simm.s32 @!p0 $0x1BF5;
	p2 =	por !p2, p0  }
0x20: {  	[sflag:s8] =	ssyncset.s32 @!p0 $0xFFFFF086;
	s6 =	sadd.s32 @!p0 s3, s7;
	s7 =	simm.s32 @!p0 $0x108  }
0x21: {  	s3 =	sadd.s32 s3, s9;
	s6 =	sadd.s32 @!p0 $0x88, s6;
	s7 =	simm.s32 @p2 $0x1082  }
0x22: {  	[simem:s7], [sflag:s8] =	dma.local @!p0 [hbm:s6], $0xF7A  }
0x23: {  	s9 =	sor.u32 $0xD0000000, s2;
	s6 =	simm.s32 $0x108;
	_ =	swait.ge @!p0 [sflag:s8], $0x0  }
0x24: {  	s3 =	sadd.s32 $0x88, s3;
	s6 =	simm.s32 @!p1 $0x1082;
	[sflag:s4] =	ssyncset.s32 $0xFFFFF086  }
0x25: {  	[simem:s6], [sflag:s4] =	dma.local [hbm:s3], $0xF7A  }
0x26: {  	[smem:$0x3F1E] =	sst s1;
	(tag) =	ssettag s2;
	_ =	strace s9  }
0x27: {  	s1 =	sld [smem:$0x3F2E]  }
0x28: {  	s2 =	sld [smem:$0x3F2F]  }
0x29: {  	s4 =	sld [smem:$0x3F31]  }
0x2a: {  	p0 =	seq.s32 s5, $0x0;
	s5 =	sld [smem:$0x3F32]  }
0x2b: {  	s6 =	sld [smem:$0x3F33]  }
0x2c: {  	s7 =	sld [smem:$0x3F34]  }
0x2d: {  	s3 =	simm.s32 $0x108;
	s8 =	sld [smem:$0x3F35]  }
0x2e: {  	s3 =	simm.s32 @!p0 $0x1082;
	s9 =	sld [smem:$0x3F36]  }
0x2f: {  	lr =	sadd.s32 s0, s3;
	s0 =	sld [smem:$0x3F2D]  }
0x30: {  	s3 =	sld [smem:$0x3F30]  }
0x31: {  	[smem:$0x3F39] =	sst s10  }
0x32: {  	s10 =	sld [smem:$0x3F37];
	_ =	sdelay $0x3  }
0x33: {  	p0 =	seq.s32 s10, $0x1;
	s10 =	sld [smem:$0x3F39];
	_ =	sdelay $0x3  }
0x34: {  	[smem:$0x3F39] =	sst s10  }
0x35: {  	s10 =	sld [smem:$0x3F38];
	_ =	sdelay $0x3  }
0x36: {  	p1 =	seq.s32 s10, $0x1;
	s10 =	sld [smem:$0x3F39];
	_ =	sdelay $0x3  }
0x37: {  	[smem:$0x3F39] =	sst s10  }
0x38: {  	s10 =	sld [smem:$0x3F3A]  }
0x39: {  	_ = 	snop;
	(pc) =	sbr.ind lr, $3  }
0x3a: {  	_ = 	snop  }
0x3b: {  	_ = 	snop  }
0x3c: {  	p2 =	seq.s32 s10, $0x1;
	s10 =	sld [smem:$0x3F39]  }
0x3d: {  	_ =	shalt  }
0x3e: {  	_ =	shalt  }
0x3f: {  	_ =	shalt  }
0x40: {  	_ =	shalt  }
0x41: {  	_ =	shalt  }
0x42: {  	_ =	shalt  }
0x43: {  	_ =	shalt  }
0x44: {  	_ =	shalt  }
0x45: {  	_ =	shalt  }
0x46: {  	_ =	shalt  }
0x47: {  	_ =	shalt  }
0x48: {  	_ =	shalt  }
0x49: {  	_ =	shalt  }
0x4a: {  	_ =	shalt  }
0x4b: {  	_ =	shalt  }
0x4c: {  	_ =	shalt  }
0x4d: {  	_ =	shalt  }
0x4e: {  	_ =	shalt  }
0x4f: {  	_ =	shalt  }
0x50: {  	_ =	shalt  }
0x51: {  	_ =	shalt  }
0x52: {  	_ =	shalt  }
0x53: {  	_ =	shalt  }
0x54: {  	_ =	shalt  }
0x55: {  	_ =	shalt  }
0x56: {  	_ =	shalt  }
0x57: {  	_ =	shalt  }
0x58: {  	_ =	shalt  }
0x59: {  	_ =	shalt  }
0x5a: {  	_ =	shalt  }
0x5b: {  	_ =	shalt  }
0x5c: {  	_ =	shalt  }
0x5d: {  	_ =	shalt  }
0x5e: {  	_ =	shalt  }
0x5f: {  	_ =	shalt  }
0x60: {  	_ =	shalt  }
0x61: {  	_ =	shalt  }
0x62: {  	_ =	shalt  }
0x63: {  	_ =	shalt  }
0x64: {  	_ =	shalt  }
0x65: {  	_ =	shalt  }
0x66: {  	_ =	shalt  }
0x67: {  	_ =	shalt  }
0x68: {  	_ =	shalt  }
0x69: {  	_ =	shalt  }
0x6a: {  	_ =	shalt  }
0x6b: {  	_ =	shalt  }
0x6c: {  	_ =	shalt  }
0x6d: {  	_ =	shalt  }
0x6e: {  	_ =	shalt  }
0x6f: {  	_ =	shalt  }
0x70: {  	_ =	shalt  }
0x71: {  	_ =	shalt  }
0x72: {  	_ =	shalt  }
0x73: {  	_ =	shalt  }
0x74: {  	_ =	shalt  }
0x75: {  	_ =	shalt  }
0x76: {  	_ =	shalt  }
0x77: {  	_ =	shalt  }
0x78: {  	_ =	shalt  }
0x79: {  	_ =	shalt  }
0x7a: {  	_ =	shalt  }
0x7b: {  	_ =	shalt  }
0x7c: {  	_ =	shalt  }
0x7d: {  	_ =	shalt  }
0x7e: {  	_ =	shalt  }
0x7f: {  	_ =	shalt  }
0x80: {  	_ =	shalt  }
0x81: {  	_ =	shalt  }
0x82: {  	_ =	shalt  }
0x83: {  	_ =	shalt  }
0x84: {  	_ =	shalt  }
0x85: {  	_ =	shalt  }
0x86: {  	_ =	shalt  }
0x87: {  	_ =	shalt  }
.Lfunc_end0:
.L_simem_size_0:
called_computation.6_lowered:
.L_overlay_start_0:
0x88: {  	s2 =	sld [smem:$0x3FD9]  }
0x89: {  	s3 =	sld [smem:$0x3FFE];
	_ =	sdelay $0x1  }
0x8a: {  	s1 =	srdreg.scid  }
0x8b: {  	s0 =	sand.u32 $0x1, s1  }
0x8c: {  	s16 =	sshll.u32 s0, $0xA;
	s2 =	sadd.s32 s3, s2  }
0x8d: {  	s2 =	sadd.s32 s2, s16  }
0x8e: {  	[smem:$0x3F45] =	sst s2  }
0x8f: {  	_ = 	snop  }
0x90: {  	(tm) =	ssettm $0x1  }
0x91: {  	s17 =	sld [smem:$0x3FFB];
	_ =	sdelay $0x3  }
0x92: {  	_ =	strace s17  }
0x93: {  	s2 =	sld [smem:$0x3FFC];
	_ =	sdelay $0x3  }
0x94: {  	_ =	strace s2  }
0x95: {  	s2 =	sld [smem:$0x3FFD];
	_ =	sdelay $0x3  }
0x96: {  	_ =	strace s2  }
0x97: {  	_ =	strace $0x8FFFFFFF  }
0x98: {  	s18 =	sld [smem:$0x3FDB];
	_ =	sdelay $0x1  }
0x99: {  	s19 =	simm.s32 $_scs_section_size  }
0x9a: {  	s4 =	simm.s32 $_size__tile_overlayer_lowered;
	s5 =	simm.s32 $_tile_overlayer_lowered  }
0x9b: {  	s22 =	simm.s32 $0x1BFF;
	s21 =	sshll.u32 s5, $0x1;
	s2 =	sadd.s32 s19, s18  }
0x9c: {  	s6 =	simm.s32 $0x0;
	s20 =	sshll.u32 s4, $0x1;
	s4 =	sadd.s32 s21, s2  }
0x9d: {  	[timem:s6], [sflag:s22] =	dma.local [hbm:s4], s20  }
0x9e: {  	_ =	swait.ge [sflag:s22], s20  }
0x9f: {  	s3 =	ssub.s32 $0x0, s20;
	[sflag:s22] =	ssyncset.done $0x0  }
0xa0: {  	[sflag:s22] =	ssyncadd.s32 s3;
	_ =	sdelay $0x1  }
0xa1: {  	s23 =	simm.s32 $0x1B8B  }
0xa2: {  	_ =	swait.ge [sflag:s23], $0x1  }
0xa3: {  	[sflag:s23] =	ssyncset.done $0x0  }
0xa4: {  	s25 =	simm.s32 $0x1B8E;
	s24 =	sld [smem:$0x3FFE];
	[sflag:s23] =	ssyncadd.s32 $0xFFFFFFFF  }
0xa5: {  	s26 =	simm.s32 $execute0_lowered;
	[smem:$0x3FD2] =	sst s25  }
0xa6: {  	s4 =	sshll.u32 s26, $0x1;
	_ =	strace $0x80000058;
	[dreg:$0x1] =	wrdreg $0xFFFFFFFF  }
0xa7: {  	s28 =	simm.s32 $_size_execute0_lowered;
	s2 =	sadd.s32 s2, s4;
	[dreg:$0x0] =	wrdreg $0x0  }
0xa8: {  	s4 =	sshll.u32 s28, $0x1;
	[dreg:$0x2] =	wrdreg s2  }
0xa9: {  	[dreg:$0x3] =	wrdreg s4  }
0xaa: {  	[dreg:$0x4] =	wrdreg $0xC0  }
0xab: {  	_ =	task [dreg:s6], $0x5FFFF  }
0xac: {  	[dreg:$0x1] =	wrdreg $0xFFFFFFFF  }
0xad: {  	[dreg:$0x0] =	wrdreg $0x60  }
0xae: {  	[dreg:$0x2] =	wrdreg s24  }
0xaf: {  	[dreg:$0x3] =	wrdreg $0x41000  }
0xb0: {  	[dreg:$0x4] =	wrdreg $0x9  }
0xb1: {  	_ =	task.clear_ibuf [dreg:s6], $0x5FFFF;
	_ =	strace $0x90000058  }
0xb2: {  	s29 =	simm.s32 $0x9;
	_ =	strace $0x8000005A  }
0xb3: {  	_ =	swait.ge [sflag:s29], $0x1  }
0xb4: {  	[sflag:s29] =	ssyncadd.s32 $0xFFFFFFFF  }
0xb5: {  	_ =	strace $0x9000005A  }
0xb6: {  	_ =	sfence  }
0xb7: {  	s30 =	sld [smem:$0x0];
	_ =	sdelay $0x2  }
0xb8: {  	s31 =	sshll.u32 s1, $0xD;
	s1 =	sshrl.u32 s1, $0x2  }
0xb9: {  	s3 =	sand.u32 $0x4000, s31;
	s1 =	sadd.s32 s1, s30  }
0xba: {  	s0 =	sor.u32 s3, s0;
	s1 =	sshll.u32 s1, $0x11  }
0xbb: {  	s0 =	sor.u32 s1, s0  }
0xbc: {  	s0 =	sadd.s32 $0x8F2B, s0  }
0xbd: {  	[sflag:s0] =	ssyncadd.remote.s32 $0x1  }
0xbe: {  	_ =	sfence.sel $0xFFFF  }
0xbf: {  	[dreg:$0x0] =	wrdreg $0xFFFFFFFF;
	(pc) =	sbr.abs _section_cstart, $3  }
0xc0: {  	[dreg:$0x1] =	wrdreg $0xFFFFFFFF  }
0xc1: {  	_ =	task.clear_ibuf [dreg:s6], $0x2FFFF;
	_ =	strace $0x9FFFFFFF  }
0xc2: {  	(tm) =	ssettm $0x7FFFFFFF  }
0xc3: {  	_ =	shalt  }
tec
execute0_lowered:
.L_overlay_start_1:
0x0: {  	(tag) =	ssettag $0x1  }
0x1: {  	s10 =	rddreg [dreg:$0x0]  }
0x2: {  	s1 =	rddreg [dreg:$0x1]  }
0x3: {  	s0 =	rddreg [dreg:$0x2];
	s2 =	simm.s32 $0x0;
	s13 =	stileid.u32  }
0x4: {  	s3 =	srdreg.scid;
	s18 =	simm.s32 $0x1;
	[smem:$0x7FF] =	sst s2  }
0x5: {  	s11 =	sand.u32 $0x1, s3;
	s6 =	smul.u32 $0x2700, s13;
	s3 =	sadd.s32 $0xCEB800, s10  }
0x6: {  	s26 =	sshll.u32 s13, $0x1;
	s4 =	sadd.s32 $0xA1D400, s10;
	s9 =	smul.u32 $0x4E000, s13  }
0x7: {  	s5 =	sadd.s32 $0xB5D400, s10;
	s29 =	sshll.u32 s13, $0x6;
	s16 =	sadd.s32 $0x138000, s1  }
0x8: {  	s17 =	smul.u32 $0xA0000, s13;
	s21 =	sadd.s32 $0x12E400, s1;
	p0 =	sne.s32 s13, $0x0  }
0x9: {  	_ =	strace $0x80000059;
	s19 =	sor.u32 s11, s26;
	s31 =	smul.u32 $0x50000, s11  }
0xa: {  	s8 =	ssub.s32 $0x2, s11;
	s7 =	smul.u32 $0x1380, s19;
	s6 =	sadd.s32 s6, s10  }
0xb: {  	s12 =	sshrl.u32 s8, $0x1;
	s28 =	sshrl.u32 s9, $0x2;
	s30 =	smul.u32 $0x27000, s19  }
0xc: {  	p1 =	seq.s32 s19, $0x1F;
	s12 =	ssub.s32 s8, s12;
	s15 =	sadd.s32 s28, s1  }
0xd: {  	s6 =	sadd.s32 $0xC9D400, s6;
	s8 =	sadd.s32 $0xCC4400, s10;
	s19 =	sshrl.u32 @p1 s21, $0x3  }
0xe: {  	s21 =	simm.s32 $0x0;
	s14 =	sadd.s32 s7, s10;
	s7 =	sor.u32 $0x1C02, s29  }
0xf: {  	s9 =	sshrl.u32 s30, $0x2;
	s10 =	sadd.s32 $0x57E80, s10;
	s11 =	smax.u32 s12, $0x1  }
0x10: {  	s12 =	sadd.s32 s31, s17;
	s13 =	sshrl.u32 s15, $0x3;
	s15 =	sshrl.u32 @!p0 s16, $0x3  }
0x11: {  	s16 =	simm.s32 $0x80;
	s17 =	simm.s32 $0x100;
	s20 =	sadd.s32 s9, s1  }
0x12: {  	v0 =	vimm.f32 $0.0e+00;
	s9 =	sadd.s32 $0x32200, s14;
	s14 =	simm.s32 $0x2;
	s20 =	sshrl.u32 @!p1 s20, $0x3  }
.LBB2_1:
0x13: {  	[spmem:s13], [sflag:s7] =	dma.local [hbm:s6], $0x2700  }
0x14: {  	_ =	swait.ge [sflag:s14], $0x2700  }
0x15: {  	[sflag:s14] =	ssyncset.done $0x0  }
0x16: {  	s22 =	simm.s32 @!p0 $0x2;
	[sflag:s14] =	ssyncadd.s32 $0xFFFFD900  }
0x17: {  	[spmem:s15], [sflag:s7] =	dma.local @!p0 [hbm:s8], $0x200  }
0x18: {  	_ =	swait.ge @!p0 [sflag:s22], $0x200  }
0x19: {  	[sflag:s22] =	ssyncset.done @!p0 $0x0  }
0x1a: {  	[sflag:s22] =	ssyncadd.s32 @!p0 $0xFFFFFE00  }
0x1b: {  	s23 =	simm.s32 $0x0;
	s22 =	smov.u32 s12;
	[bflag:$0x0] =	sbarrier.arrive $0xFFFF  }
.LBB2_2:
0x1c: {  	s24 =	smov.u32 s22  }
.LBB2_3:
0x1d: {  	s25 =	sshrl.u32 s24, $0x3  }
0x1e: {  	s26 =	sadd.s32 s4, s25  }
0x1f: {  	[tilespmem:s2], [sflag:$0x2] =	stream.linear.gather [hbm4b:s26+s2], $0x80, $0x38;
	[tilespmem:$0x17A00] =	vst v63  }
0x20: {  	_ =	swait.ge [sflag:s14], $0x80  }
0x21: {  	[sflag:s14] =	ssyncset.done $0x0  }
0x22: {  	s25 =	sadd.s32 s5, s25;
	[sflag:s14] =	ssyncadd.s32 $0xFFFFFF80  }
0x23: {  	[tilespmem:s16], [sflag:$0x2] =	stream.linear.gather [hbm4b:s25+s2], $0x80, $0x38;
	[tilespmem:$0x17A00] =	vst v63  }
0x24: {  	_ =	swait.ge [sflag:s14], $0x80  }
0x25: {  	[sflag:s14] =	ssyncset.done $0x0  }
0x26: {  	[sflag:s14] =	ssyncadd.s32 $0xFFFFFF80  }
0x27: {  	[tilespmem:s17], [sflag:$0x1] =	stream.indirect.gather [hbm4b:s3+s16], $0x80, s2, s16, $0xb8;
	[tilespmem:$0x17A00] =	vst v63  }
0x28: {  	_ =	swait.ge [sflag:s18], $0x4000  }
0x29: {  	[sflag:s18] =	ssyncset.done $0x0  }
0x2a: {  	[sflag:s18] =	ssyncadd.s32 $0xFFFFC000  }
0x2b: {  	[spmem:s1] =	stream.indirect.scatter.add.f32 [tilespmem:s17], [sflag:$0x2], $0x80, s16, s16, $0xb8;
	[tilespmem:$0x17A00] =	vst v63  }
0x2c: {  	_ =	swait.ge [sflag:s14], $0x4000  }
0x2d: {  	[sflag:s14] =	ssyncset.done $0x0  }
0x2e: {  	[sflag:s14] =	ssyncadd.s32 $0xFFFFC000  }
0x2f: {  	_ =	sdelay $0x7ff  }
0x30: {  	_ =	sdelay $0x700  }
0x31: {  	v1 =	vld [tilespmem:$0xF0];
	_ =	sdelay $0x4  }
0x32: {  	vm0 =	vgt.s32 v1, $0x270F  }
0x33: {  	v1 =	vsel vm0, $0x3F800000, v0  }
0x34: {  	(xrf0) =	vmax.scan.msk.f32 $0xffff, v1;
	_ =	sdelay $0x5  }
0x35: {  	v1, _, _ =	vpop (xrf0)  }
0x36: {  	(v2sf) =	vpush v1, $0xF;
	_ =	sdelay $0xe  }
0x37: {  	s31 =	spop (v2sf)  }
0x38: {  	p2 =	sgt.f32 s31, $0.0e+00  }
.Ltmp0:
0x39: {  	_ = 	snop;
	(pc) =	sbr.rel @!p2 .LBB2_3-.Ltmp0, $2  }
0x3a: {  	_ =	sdelay $0x2  }
0x3b: {  	s24 =	sadd.s32 $0x80, s24  }
0x3c: {  	s23 =	sadd.s32 $0x1, s23  }
0x3d: {  	p2 =	sne.s32 s23, $0x50  }
.Ltmp1:
0x3e: {  	_ = 	snop;
	(pc) =	sbr.rel @p2 .LBB2_2-.Ltmp1, $2  }
0x3f: {  	_ =	sdelay $0x2  }
0x40: {  	s22 =	sadd.s32 $0x1000, s22  }
0x41: {  	[bflag:$0x0] =	sbarrier.arrive $0xFFFF;
	s22 =	simm.s32 @p1 $0x2  }
0x42: {  	[hbm:s10], [sflag:s7] =	dma.local @p1 [spmem:s19], $0x1480  }
0x43: {  	s21 =	sadd.s32 $0x1, s21;
	_ =	swait.ge @p1 [sflag:s22], $0x1480  }
0x44: {  	p2 =	sne.s32 s21, s11;
	[sflag:s22] =	ssyncset.done @p1 $0x0  }
.Ltmp2:
0x45: {  	[sflag:s22] =	ssyncadd.s32 @p1 $0xFFFFEB80;
	s22 =	simm.s32 @!p1 $0x2;
	(pc) =	sbr.rel @p2 .LBB2_1-.Ltmp2, $4  }
0x46: {  	[hbm:s9], [sflag:s7] =	dma.local @!p1 [spmem:s20], $0x1380  }
0x47: {  	_ =	swait.ge @!p1 [sflag:s22], $0x1380  }
0x48: {  	[sflag:s22] =	ssyncset.done @!p1 $0x0  }
0x49: {  	[sflag:s22] =	ssyncadd.s32 @!p1 $0xFFFFEC80  }
0x4a: {  	_ =	sfence.sel $0x180000  }
0x4b: {  	[bflag:$0x0] =	sbarrier.arrive $0xFFFF  }
0x4c: {  	_ =	strace $0x90000059  }
0x4d: {  	s0 =	sadd.s32 @!p0 $0x100000, s0;
	[bflag:$0x2] =	sbarrier.arrive $0xFFFF  }
0x4e: {  	[sflag:s0] =	ssyncadd.tile.s32 @!p0 $0x1;
	_ =	shalt  }
.Lfunc_end2:
_tile_overlayer_lowered:
.L_overlay_start_2:
0x4f: {  	(tag) =	ssettag $0x2  }
0x50: {  	s0 =	rddreg [dreg:$0x0];
	s2 =	stileid.u32  }
0x51: {  	s1 =	rddreg [dreg:$0x1];
	p0 =	sne.s32 s2, $0x0  }
0x52: {  	s3 =	rddreg [dreg:$0x2];
	[bflag:$0x3] =	sbarrier.arrive $0xFFFF;
	s2 =	simm.s32 @!p0 $0x1C02  }
0x53: {  	[timem:s3], [sflag:s2] =	dma.local @!p0 [hbm:s0], s1  }
0x54: {  	s0 =	simm.s32 @!p0 $0x2  }
0x55: {  	_ =	swait.ge @!p0 [sflag:s0], s1  }
0x56: {  	s1 =	ssub.s32 @!p0 $0x0, s1;
	[sflag:s0] =	ssyncset.done @!p0 $0x0  }
0x57: {  	[sflag:s0] =	ssyncadd.s32 @!p0 s1  }
0x58: {  	[bflag:$0x3] =	sbarrier.arrive $0xFFFF  }
0x59: {  	_ =	shalt  }

// kernel: kernel.47.cloned.1.call-start
scs
__scs_entry_jumppad:
0x0: {  	(pc) =	sbr.rel $0x88, $3  }
0x1: {  	(tag) =	ssettag $0x0;
	lr =	simm.s32 $0x1  }
0x2: {  	[smem:$0x3F1E] =	sst lr;
	_ =	strace $0xD0000000  }
0x3: {  	_ = 	snop  }
0x4: {  	_ = 	snop  }
0x5: {  	_ = 	snop  }
0x6: {  	_ = 	snop  }
0x7: {  	_ = 	snop  }
__scs_overlays_trampoline_lowered:
0x8: {  	[smem:$0x3F2D] =	sst s0  }
0x9: {  	[smem:$0x3F2E] =	sst s1  }
0xa: {  	[smem:$0x3F2F] =	sst s2  }
0xb: {  	[smem:$0x3F30] =	sst s3  }
0xc: {  	[smem:$0x3F31] =	sst s4  }
0xd: {  	[smem:$0x3F32] =	sst s5  }
0xe: {  	[smem:$0x3F33] =	sst s6  }
0xf: {  	[smem:$0x3F34] =	sst s7  }
0x10: {  	[smem:$0x3F35] =	sst s8  }
0x11: {  	[smem:$0x3F36] =	sst s9;
	s0 =	simm.s32 @!p0 $0x0  }
0x12: {  	s1 =	sld [smem:$0x3F1C];
	s0 =	simm.s32 @p0 $0x1  }
0x13: {  	[smem:$0x3F37] =	sst s0;
	s0 =	simm.s32 @!p1 $0x0  }
0x14: {  	s2 =	sld [smem:$0x3F1B];
	s0 =	simm.s32 @p1 $0x1  }
0x15: {  	[smem:$0x3F38] =	sst s0;
	s0 =	simm.s32 @!p2 $0x0  }
0x16: {  	s3 =	sld [smem:$0x3FDB];
	s0 =	simm.s32 @p2 $0x1  }
0x17: {  	s4 =	simm.s32 $0x1BF5;
	[smem:$0x3F3A] =	sst s0  }
0x18: {  	s0 =	sld [smem:$0x3F1D];
	_ =	swait.ge [sflag:s4], $0x0  }
0x19: {  	s7 =	sld [smem:$0x3F1E]  }
0x1a: {  	s8 =	sadd.s32 $0xFFFFE003, lr  }
0x1b: {  	s9 =	sadd.s32 $0xFFFFFEF7, lr;
	s5 =	simm.s32 $0xFFFFFFFF;
	p2 =	slt.u32 s8, $0xFFFFF086  }
0x1c: {  	p1 =	slt.u32 s9, $0xF7A;
	s5 =	simm.s32 @!p2 $0x0  }
0x1d: {  	s5 =	simm.s32 @p1 $0x1;
	p0 =	seq.s32 s7, s2  }
0x1e: {  	s7 =	smul.u32 @!p0 $0xF7A, s2;
	p2 =	seq.s32 @!p0 s5, $0x0  }
0x1f: {  	s9 =	smul.u32 $0xF7A, s1;
	s8 =	simm.s32 @!p0 $0x1BF5;
	p2 =	por !p2, p0  }
0x20: {  	[sflag:s8] =	ssyncset.s32 @!p0 $0xFFFFF086;
	s6 =	sadd.s32 @!p0 s3, s7;
	s7 =	simm.s32 @!p0 $0x108  }
0x21: {  	s3 =	sadd.s32 s3, s9;
	s6 =	sadd.s32 @!p0 $0x88, s6;
	s7 =	simm.s32 @p2 $0x1082  }
0x22: {  	[simem:s7], [sflag:s8] =	dma.local @!p0 [hbm:s6], $0xF7A  }
0x23: {  	s9 =	sor.u32 $0xD0000000, s2;
	s6 =	simm.s32 $0x108;
	_ =	swait.ge @!p0 [sflag:s8], $0x0  }
0x24: {  	s3 =	sadd.s32 $0x88, s3;
	s6 =	simm.s32 @!p1 $0x1082;
	[sflag:s4] =	ssyncset.s32 $0xFFFFF086  }
0x25: {  	[simem:s6], [sflag:s4] =	dma.local [hbm:s3], $0xF7A  }
0x26: {  	[smem:$0x3F1E] =	sst s1;
	(tag) =	ssettag s2;
	_ =	strace s9  }
0x27: {  	s1 =	sld [smem:$0x3F2E]  }
0x28: {  	s2 =	sld [smem:$0x3F2F]  }
0x29: {  	s4 =	sld [smem:$0x3F31]  }
0x2a: {  	p0 =	seq.s32 s5, $0x0;
	s5 =	sld [smem:$0x3F32]  }
0x2b: {  	s6 =	sld [smem:$0x3F33]  }
0x2c: {  	s7 =	sld [smem:$0x3F34]  }
0x2d: {  	s3 =	simm.s32 $0x108;
	s8 =	sld [smem:$0x3F35]  }
0x2e: {  	s3 =	simm.s32 @!p0 $0x1082;
	s9 =	sld [smem:$0x3F36]  }
0x2f: {  	lr =	sadd.s32 s0, s3;
	s0 =	sld [smem:$0x3F2D]  }
0x30: {  	s3 =	sld [smem:$0x3F30]  }
0x31: {  	[smem:$0x3F39] =	sst s10  }
0x32: {  	s10 =	sld [smem:$0x3F37];
	_ =	sdelay $0x3  }
0x33: {  	p0 =	seq.s32 s10, $0x1;
	s10 =	sld [smem:$0x3F39];
	_ =	sdelay $0x3  }
0x34: {  	[smem:$0x3F39] =	sst s10  }
0x35: {  	s10 =	sld [smem:$0x3F38];
	_ =	sdelay $0x3  }
0x36: {  	p1 =	seq.s32 s10, $0x1;
	s10 =	sld [smem:$0x3F39];
	_ =	sdelay $0x3  }
0x37: {  	[smem:$0x3F39] =	sst s10  }
0x38: {  	s10 =	sld [smem:$0x3F3A]  }
0x39: {  	_ = 	snop;
	(pc) =	sbr.ind lr, $3  }
0x3a: {  	_ = 	snop  }
0x3b: {  	_ = 	snop  }
0x3c: {  	p2 =	seq.s32 s10, $0x1;
	s10 =	sld [smem:$0x3F39]  }
0x3d: {  	_ =	shalt  }
0x3e: {  	_ =	shalt  }
0x3f: {  	_ =	shalt  }
0x40: {  	_ =	shalt  }
0x41: {  	_ =	shalt  }
0x42: {  	_ =	shalt  }
0x43: {  	_ =	shalt  }
0x44: {  	_ =	shalt  }
0x45: {  	_ =	shalt  }
0x46: {  	_ =	shalt  }
0x47: {  	_ =	shalt  }
0x48: {  	_ =	shalt  }
0x49: {  	_ =	shalt  }
0x4a: {  	_ =	shalt  }
0x4b: {  	_ =	shalt  }
0x4c: {  	_ =	shalt  }
0x4d: {  	_ =	shalt  }
0x4e: {  	_ =	shalt  }
0x4f: {  	_ =	shalt  }
0x50: {  	_ =	shalt  }
0x51: {  	_ =	shalt  }
0x52: {  	_ =	shalt  }
0x53: {  	_ =	shalt  }
0x54: {  	_ =	shalt  }
0x55: {  	_ =	shalt  }
0x56: {  	_ =	shalt  }
0x57: {  	_ =	shalt  }
0x58: {  	_ =	shalt  }
0x59: {  	_ =	shalt  }
0x5a: {  	_ =	shalt  }
0x5b: {  	_ =	shalt  }
0x5c: {  	_ =	shalt  }
0x5d: {  	_ =	shalt  }
0x5e: {  	_ =	shalt  }
0x5f: {  	_ =	shalt  }
0x60: {  	_ =	shalt  }
0x61: {  	_ =	shalt  }
0x62: {  	_ =	shalt  }
0x63: {  	_ =	shalt  }
0x64: {  	_ =	shalt  }
0x65: {  	_ =	shalt  }
0x66: {  	_ =	shalt  }
0x67: {  	_ =	shalt  }
0x68: {  	_ =	shalt  }
0x69: {  	_ =	shalt  }
0x6a: {  	_ =	shalt  }
0x6b: {  	_ =	shalt  }
0x6c: {  	_ =	shalt  }
0x6d: {  	_ =	shalt  }
0x6e: {  	_ =	shalt  }
0x6f: {  	_ =	shalt  }
0x70: {  	_ =	shalt  }
0x71: {  	_ =	shalt  }
0x72: {  	_ =	shalt  }
0x73: {  	_ =	shalt  }
0x74: {  	_ =	shalt  }
0x75: {  	_ =	shalt  }
0x76: {  	_ =	shalt  }
0x77: {  	_ =	shalt  }
0x78: {  	_ =	shalt  }
0x79: {  	_ =	shalt  }
0x7a: {  	_ =	shalt  }
0x7b: {  	_ =	shalt  }
0x7c: {  	_ =	shalt  }
0x7d: {  	_ =	shalt  }
0x7e: {  	_ =	shalt  }
0x7f: {  	_ =	shalt  }
0x80: {  	_ =	shalt  }
0x81: {  	_ =	shalt  }
0x82: {  	_ =	shalt  }
0x83: {  	_ =	shalt  }
0x84: {  	_ =	shalt  }
0x85: {  	_ =	shalt  }
0x86: {  	_ =	shalt  }
0x87: {  	_ =	shalt  }
.Lfunc_end0:
.L_simem_size_0:
called_computation.7_lowered:
.L_overlay_start_0:
0x88: {  	s2 =	sld [smem:$0x3FD9]  }
0x89: {  	s3 =	sld [smem:$0x3FFE];
	_ =	sdelay $0x1  }
0x8a: {  	s1 =	srdreg.scid  }
0x8b: {  	s0 =	sand.u32 $0x1, s1  }
0x8c: {  	s16 =	sshll.u32 s0, $0xA;
	s2 =	sadd.s32 s3, s2  }
0x8d: {  	s2 =	sadd.s32 s2, s16  }
0x8e: {  	[smem:$0x3F45] =	sst s2  }
0x8f: {  	_ = 	snop  }
0x90: {  	(tm) =	ssettm $0x1  }
0x91: {  	s17 =	sld [smem:$0x3FFB];
	_ =	sdelay $0x3  }
0x92: {  	_ =	strace s17  }
0x93: {  	s2 =	sld [smem:$0x3FFC];
	_ =	sdelay $0x3  }
0x94: {  	_ =	strace s2  }
0x95: {  	s2 =	sld [smem:$0x3FFD];
	_ =	sdelay $0x3  }
0x96: {  	_ =	strace s2  }
0x97: {  	_ =	strace $0x8FFFFFFF  }
0x98: {  	s18 =	sld [smem:$0x3FDB];
	_ =	sdelay $0x1  }
0x99: {  	s19 =	simm.s32 $_scs_section_size  }
0x9a: {  	s4 =	simm.s32 $_size__tile_overlayer_lowered;
	s5 =	simm.s32 $_tile_overlayer_lowered  }
0x9b: {  	s22 =	simm.s32 $0x1BFF;
	s21 =	sshll.u32 s5, $0x1;
	s2 =	sadd.s32 s19, s18  }
0x9c: {  	s6 =	simm.s32 $0x0;
	s20 =	sshll.u32 s4, $0x1;
	s4 =	sadd.s32 s21, s2  }
0x9d: {  	[timem:s6], [sflag:s22] =	dma.local [hbm:s4], s20  }
0x9e: {  	_ =	swait.ge [sflag:s22], s20  }
0x9f: {  	s3 =	ssub.s32 $0x0, s20;
	[sflag:s22] =	ssyncset.done $0x0  }
0xa0: {  	[sflag:s22] =	ssyncadd.s32 s3;
	_ =	sdelay $0x1  }
0xa1: {  	s23 =	simm.s32 $0x1B8B  }
0xa2: {  	_ =	swait.ge [sflag:s23], $0x1  }
0xa3: {  	[sflag:s23] =	ssyncset.done $0x0  }
0xa4: {  	s25 =	simm.s32 $0x1B8E;
	s24 =	sld [smem:$0x3FFE];
	[sflag:s23] =	ssyncadd.s32 $0xFFFFFFFF  }
0xa5: {  	s26 =	simm.s32 $execute0_lowered;
	[smem:$0x3FD2] =	sst s25  }
0xa6: {  	s4 =	sshll.u32 s26, $0x1;
	_ =	strace $0x8000005B;
	[dreg:$0x1] =	wrdreg $0xFFFFFFFF  }
0xa7: {  	s28 =	simm.s32 $_size_execute0_lowered;
	s2 =	sadd.s32 s2, s4;
	[dreg:$0x0] =	wrdreg $0x0  }
0xa8: {  	s4 =	sshll.u32 s28, $0x1;
	[dreg:$0x2] =	wrdreg s2  }
0xa9: {  	[dreg:$0x3] =	wrdreg s4  }
0xaa: {  	[dreg:$0x4] =	wrdreg $0xC0  }
0xab: {  	_ =	task [dreg:s6], $0x5FFFF  }
0xac: {  	[dreg:$0x1] =	wrdreg $0xFFFFFFFF  }
0xad: {  	[dreg:$0x0] =	wrdreg $0x60  }
0xae: {  	[dreg:$0x2] =	wrdreg s24  }
0xaf: {  	[dreg:$0x3] =	wrdreg $0x9  }
0xb0: {  	_ =	task.clear_ibuf [dreg:s6], $0x4FFFF;
	_ =	strace $0x9000005B  }
0xb1: {  	s29 =	simm.s32 $0x9;
	_ =	strace $0x8000005D  }
0xb2: {  	_ =	swait.ge [sflag:s29], $0x1  }
0xb3: {  	[sflag:s29] =	ssyncadd.s32 $0xFFFFFFFF  }
0xb4: {  	_ =	strace $0x9000005D  }
0xb5: {  	_ =	sfence  }
0xb6: {  	s30 =	sld [smem:$0x0];
	_ =	sdelay $0x2  }
0xb7: {  	s31 =	sshll.u32 s1, $0xD;
	s1 =	sshrl.u32 s1, $0x2  }
0xb8: {  	s3 =	sand.u32 $0x4000, s31;
	s1 =	sadd.s32 s1, s30  }
0xb9: {  	s0 =	sor.u32 s3, s0;
	s1 =	sshll.u32 s1, $0x11  }
0xba: {  	s0 =	sor.u32 s1, s0  }
0xbb: {  	s0 =	sadd.s32 $0x8F2B, s0  }
0xbc: {  	[sflag:s0] =	ssyncadd.remote.s32 $0x1  }
0xbd: {  	_ =	sfence.sel $0xFFFF  }
0xbe: {  	[dreg:$0x0] =	wrdreg $0xFFFFFFFF;
	(pc) =	sbr.abs _section_cstart, $3  }
0xbf: {  	[dreg:$0x1] =	wrdreg $0xFFFFFFFF  }
0xc0: {  	_ =	task.clear_ibuf [dreg:s6], $0x2FFFF;
	_ =	strace $0x9FFFFFFF  }
0xc1: {  	(tm) =	ssettm $0x7FFFFFFF  }
tec
execute0_lowered:
.L_overlay_start_1:
0x0: {  	(tag) =	ssettag $0x1  }
0x1: {  	s4 =	rddreg [dreg:$0x0]  }
0x2: {  	s0 =	rddreg [dreg:$0x1]  }
0x3: {  	s3 =	srdreg.scid;
	s1 =	stileid.u32;
	s2 =	simm.s32 $0x0  }
0x4: {  	s10 =	simm.s32 $0x1;
	s11 =	simm.s32 $0x0;
	s6 =	smul.u32 $0x9C40, s1  }
0x5: {  	s5 =	sand.u32 $0x1, s3;
	[smem:$0x7FF] =	sst s2;
	s8 =	smul.u32 $0x9C400, s1  }
0x6: {  	s3 =	sadd.s32 $0xCC4600, s4;
	s7 =	smul.u32 $0x4E20, s5;
	s9 =	ssub.s32 $0x2, s5  }
0x7: {  	_ =	strace $0x8000005C;
	s5 =	smul.u32 $0x4E200, s5;
	s31 =	sshrl.u32 s9, $0x1  }
0x8: {  	s30 =	sadd.s32 s8, s4;
	s6 =	sadd.s32 s7, s6;
	s8 =	ssub.s32 s9, s31  }
0x9: {  	s5 =	sadd.s32 s5, s30;
	s7 =	simm.s32 $0x2;
	s6 =	sshrl.u32 s6, $0x3  }
0xa: {  	s9 =	simm.s32 $0x80;
	s5 =	sadd.s32 $0x32200, s5;
	s6 =	sadd.s32 s6, s4  }
0xb: {  	s4 =	smax.u32 s8, $0x1;
	s8 =	simm.s32 $0x50;
	s6 =	sadd.s32 $0x1E800, s6  }
.LBB2_1:
0xc: {  	s12 =	sadd.s32 $0x0, s6  }
0xd: {  	[tilespmem:s2], [sflag:$0x2] =	stream.linear.gather [hbm4b:s12+s2], $0x50, $0x38;
	[tilespmem:$0x2880] =	vst v63  }
0xe: {  	_ =	swait.ge [sflag:s7], $0x50  }
0xf: {  	[sflag:s7] =	ssyncset.done $0x0  }
0x10: {  	[sflag:s7] =	ssyncadd.s32 $0xFFFFFFB0  }
0x11: {  	[tilespmem:s9], [sflag:$0x1] =	stream.indirect.gather [hbm4b:s3+s8], $0x80, s2, s8, $0xb8;
	[tilespmem:$0x2880] =	vst v63  }
0x12: {  	_ =	swait.ge [sflag:s10], $0x2800  }
0x13: {  	[sflag:s10] =	ssyncset.done $0x0  }
0x14: {  	[sflag:s10] =	ssyncadd.s32 $0xFFFFD800  }
0x15: {  	[hbm4b:s5+s2] =	stream.linear.scatter [tilespmem:s9], [sflag:$0x2], $0x2800, $0x38;
	[tilespmem:$0x2880] =	vst v63  }
0x16: {  	s13 =	simm.s32 $0xA;
	_ =	swait.ge [sflag:s7], $0x2800  }
0x17: {  	s14 =	simm.s32 $0x14;
	s12 =	sadd.s32 $0x500, s5;
	[sflag:s7] =	ssyncset.done $0x0  }
.LBB2_2:
0x18: {  	s15 =	sadd.s32 s13, s6  }
0x19: {  	[sflag:s7] =	ssyncadd.s32 $0xFFFFD800;
	s13 =	smov.u32 s14;
	s16 =	sadd.s32 $0xA, s14  }
0x1a: {  	[tilespmem:s2], [sflag:$0x2] =	stream.linear.gather [hbm4b:s15+s2], $0x50, $0x38;
	[tilespmem:$0x2880] =	vst v63  }
0x1b: {  	p0 =	sne.s32 s14, $0x9BA;
	_ =	swait.ge [sflag:s7], $0x50  }
0x1c: {  	[sflag:s7] =	ssyncset.done $0x0  }
0x1d: {  	[sflag:s7] =	ssyncadd.s32 $0xFFFFFFB0  }
0x1e: {  	[tilespmem:s9], [sflag:$0x1] =	stream.indirect.gather [hbm4b:s3+s8], $0x80, s2, s8, $0xb8;
	[tilespmem:$0x2880] =	vst v63  }
0x1f: {  	_ =	swait.ge [sflag:s10], $0x2800  }
.Ltmp0:
0x20: {  	[sflag:s10] =	ssyncset.done $0x0;
	(pc) =	sbr.rel @p0 .LBB2_2-.Ltmp0, $4  }
0x21: {  	[sflag:s10] =	ssyncadd.s32 $0xFFFFD800  }
0x22: {  	[hbm4b:s12+s2] =	stream.linear.scatter [tilespmem:s9], [sflag:$0x2], $0x2800, $0x38;
	[tilespmem:$0x2880] =	vst v63  }
0x23: {  	_ =	swait.ge [sflag:s7], $0x2800  }
0x24: {  	s14 =	smov.u32 s16;
	s12 =	sadd.s32 $0x500, s12;
	[sflag:s7] =	ssyncset.done $0x0  }
0x25: {  	s13 =	sadd.s32 s13, s6;
	[sflag:s7] =	ssyncadd.s32 $0xFFFFD800  }
0x26: {  	[tilespmem:s2], [sflag:$0x2] =	stream.linear.gather [hbm4b:s13+s2], $0x50, $0x38;
	[tilespmem:$0x2880] =	vst v63  }
0x27: {  	_ =	swait.ge [sflag:s7], $0x50  }
0x28: {  	[sflag:s7] =	ssyncset.done $0x0  }
0x29: {  	[sflag:s7] =	ssyncadd.s32 $0xFFFFFFB0  }
0x2a: {  	[tilespmem:s9], [sflag:$0x1] =	stream.indirect.gather [hbm4b:s3+s8], $0x80, s2, s8, $0xb8;
	[tilespmem:$0x2880] =	vst v63  }
0x2b: {  	s11 =	sadd.s32 $0x1, s11;
	_ =	swait.ge [sflag:s10], $0x2800  }
0x2c: {  	p0 =	sne.s32 s11, s4;
	[sflag:s10] =	ssyncset.done $0x0  }
.Ltmp1:
0x2d: {  	[sflag:s10] =	ssyncadd.s32 $0xFFFFD800;
	(pc) =	sbr.rel @p0 .LBB2_1-.Ltmp1, $4  }
0x2e: {  	[hbm4b:s12+s2] =	stream.linear.scatter [tilespmem:s9], [sflag:$0x2], $0x2800, $0x38;
	[tilespmem:$0x2880] =	vst v63  }
0x2f: {  	_ =	swait.ge [sflag:s7], $0x2800  }
0x30: {  	[sflag:s7] =	ssyncset.done $0x0  }
0x31: {  	[sflag:s7] =	ssyncadd.s32 $0xFFFFD800  }
0x32: {  	_ =	sfence.sel $0x180000  }
0x33: {  	[bflag:$0x0] =	sbarrier.arrive $0xFFFF  }
0x34: {  	p0 =	sne.s32 s1, $0x0;
	_ =	strace $0x9000005C  }
0x35: {  	s0 =	sadd.s32 @!p0 $0x100000, s0;
	[bflag:$0x2] =	sbarrier.arrive $0xFFFF  }
0x36: {  	[sflag:s0] =	ssyncadd.tile.s32 @!p0 $0x1;
	_ =	shalt  }
.Lfunc_end2:
_tile_overlayer_lowered:
.L_overlay_start_2:
0x37: {  	(tag) =	ssettag $0x2  }
0x38: {  	s0 =	rddreg [dreg:$0x0];
	s2 =	stileid.u32  }
0x39: {  	s1 =	rddreg [dreg:$0x1];
	p0 =	sne.s32 s2, $0x0  }
0x3a: {  	s3 =	rddreg [dreg:$0x2];
	[bflag:$0x3] =	sbarrier.arrive $0xFFFF;
	s2 =	simm.s32 @!p0 $0x1C02  }
0x3b: {  	[timem:s3], [sflag:s2] =	dma.local @!p0 [hbm:s0], s1  }
0x3c: {  	s0 =	simm.s32 @!p0 $0x2  }
0x3d: {  	_ =	swait.ge @!p0 [sflag:s0], s1  }
0x3e: {  	s1 =	ssub.s32 @!p0 $0x0, s1;
	[sflag:s0] =	ssyncset.done @!p0 $0x0  }
0x3f: {  	[sflag:s0] =	ssyncadd.s32 @!p0 s1  }
0x40: {  	[bflag:$0x3] =	sbarrier.arrive $0xFFFF  }
0x41: {  	_ =	shalt  }

// kernel: kernel.50.cloned.1.call-start
scs
__scs_entry_jumppad:
0x0: {  	(pc) =	sbr.rel $0x88, $3  }
0x1: {  	(tag) =	ssettag $0x0;
	lr =	simm.s32 $0x1  }
0x2: {  	[smem:$0x3F1E] =	sst lr;
	_ =	strace $0xD0000000  }
0x3: {  	_ = 	snop  }
0x4: {  	_ = 	snop  }
0x5: {  	_ = 	snop  }
0x6: {  	_ = 	snop  }
0x7: {  	_ = 	snop  }
__scs_overlays_trampoline_lowered:
0x8: {  	[smem:$0x3F2D] =	sst s0  }
0x9: {  	[smem:$0x3F2E] =	sst s1  }
0xa: {  	[smem:$0x3F2F] =	sst s2  }
0xb: {  	[smem:$0x3F30] =	sst s3  }
0xc: {  	[smem:$0x3F31] =	sst s4  }
0xd: {  	[smem:$0x3F32] =	sst s5  }
0xe: {  	[smem:$0x3F33] =	sst s6  }
0xf: {  	[smem:$0x3F34] =	sst s7  }
0x10: {  	[smem:$0x3F35] =	sst s8  }
0x11: {  	[smem:$0x3F36] =	sst s9;
	s0 =	simm.s32 @!p0 $0x0  }
0x12: {  	s1 =	sld [smem:$0x3F1C];
	s0 =	simm.s32 @p0 $0x1  }
0x13: {  	[smem:$0x3F37] =	sst s0;
	s0 =	simm.s32 @!p1 $0x0  }
0x14: {  	s2 =	sld [smem:$0x3F1B];
	s0 =	simm.s32 @p1 $0x1  }
0x15: {  	[smem:$0x3F38] =	sst s0;
	s0 =	simm.s32 @!p2 $0x0  }
0x16: {  	s3 =	sld [smem:$0x3FDB];
	s0 =	simm.s32 @p2 $0x1  }
0x17: {  	s4 =	simm.s32 $0x1BF5;
	[smem:$0x3F3A] =	sst s0  }
0x18: {  	s0 =	sld [smem:$0x3F1D];
	_ =	swait.ge [sflag:s4], $0x0  }
0x19: {  	s7 =	sld [smem:$0x3F1E]  }
0x1a: {  	s8 =	sadd.s32 $0xFFFFE003, lr  }
0x1b: {  	s9 =	sadd.s32 $0xFFFFFEF7, lr;
	s5 =	simm.s32 $0xFFFFFFFF;
	p2 =	slt.u32 s8, $0xFFFFF086  }
0x1c: {  	p1 =	slt.u32 s9, $0xF7A;
	s5 =	simm.s32 @!p2 $0x0  }
0x1d: {  	s5 =	simm.s32 @p1 $0x1;
	p0 =	seq.s32 s7, s2  }
0x1e: {  	s7 =	smul.u32 @!p0 $0xF7A, s2;
	p2 =	seq.s32 @!p0 s5, $0x0  }
0x1f: {  	s9 =	smul.u32 $0xF7A, s1;
	s8 =	simm.s32 @!p0 $0x1BF5;
	p2 =	por !p2, p0  }
0x20: {  	[sflag:s8] =	ssyncset.s32 @!p0 $0xFFFFF086;
	s6 =	sadd.s32 @!p0 s3, s7;
	s7 =	simm.s32 @!p0 $0x108  }
0x21: {  	s3 =	sadd.s32 s3, s9;
	s6 =	sadd.s32 @!p0 $0x88, s6;
	s7 =	simm.s32 @p2 $0x1082  }
0x22: {  	[simem:s7], [sflag:s8] =	dma.local @!p0 [hbm:s6], $0xF7A  }
0x23: {  	s9 =	sor.u32 $0xD0000000, s2;
	s6 =	simm.s32 $0x108;
	_ =	swait.ge @!p0 [sflag:s8], $0x0  }
0x24: {  	s3 =	sadd.s32 $0x88, s3;
	s6 =	simm.s32 @!p1 $0x1082;
	[sflag:s4] =	ssyncset.s32 $0xFFFFF086  }
0x25: {  	[simem:s6], [sflag:s4] =	dma.local [hbm:s3], $0xF7A  }
0x26: {  	[smem:$0x3F1E] =	sst s1;
	(tag) =	ssettag s2;
	_ =	strace s9  }
0x27: {  	s1 =	sld [smem:$0x3F2E]  }
0x28: {  	s2 =	sld [smem:$0x3F2F]  }
0x29: {  	s4 =	sld [smem:$0x3F31]  }
0x2a: {  	p0 =	seq.s32 s5, $0x0;
	s5 =	sld [smem:$0x3F32]  }
0x2b: {  	s6 =	sld [smem:$0x3F33]  }
0x2c: {  	s7 =	sld [smem:$0x3F34]  }
0x2d: {  	s3 =	simm.s32 $0x108;
	s8 =	sld [smem:$0x3F35]  }
0x2e: {  	s3 =	simm.s32 @!p0 $0x1082;
	s9 =	sld [smem:$0x3F36]  }
0x2f: {  	lr =	sadd.s32 s0, s3;
	s0 =	sld [smem:$0x3F2D]  }
0x30: {  	s3 =	sld [smem:$0x3F30]  }
0x31: {  	[smem:$0x3F39] =	sst s10  }
0x32: {  	s10 =	sld [smem:$0x3F37];
	_ =	sdelay $0x3  }
0x33: {  	p0 =	seq.s32 s10, $0x1;
	s10 =	sld [smem:$0x3F39];
	_ =	sdelay $0x3  }
0x34: {  	[smem:$0x3F39] =	sst s10  }
0x35: {  	s10 =	sld [smem:$0x3F38];
	_ =	sdelay $0x3  }
0x36: {  	p1 =	seq.s32 s10, $0x1;
	s10 =	sld [smem:$0x3F39];
	_ =	sdelay $0x3  }
0x37: {  	[smem:$0x3F39] =	sst s10  }
0x38: {  	s10 =	sld [smem:$0x3F3A]  }
0x39: {  	_ = 	snop;
	(pc) =	sbr.ind lr, $3  }
0x3a: {  	_ = 	snop  }
0x3b: {  	_ = 	snop  }
0x3c: {  	p2 =	seq.s32 s10, $0x1;
	s10 =	sld [smem:$0x3F39]  }
0x3d: {  	_ =	shalt  }
0x3e: {  	_ =	shalt  }
0x3f: {  	_ =	shalt  }
0x40: {  	_ =	shalt  }
0x41: {  	_ =	shalt  }
0x42: {  	_ =	shalt  }
0x43: {  	_ =	shalt  }
0x44: {  	_ =	shalt  }
0x45: {  	_ =	shalt  }
0x46: {  	_ =	shalt  }
0x47: {  	_ =	shalt  }
0x48: {  	_ =	shalt  }
0x49: {  	_ =	shalt  }
0x4a: {  	_ =	shalt  }
0x4b: {  	_ =	shalt  }
0x4c: {  	_ =	shalt  }
0x4d: {  	_ =	shalt  }
0x4e: {  	_ =	shalt  }
0x4f: {  	_ =	shalt  }
0x50: {  	_ =	shalt  }
0x51: {  	_ =	shalt  }
0x52: {  	_ =	shalt  }
0x53: {  	_ =	shalt  }
0x54: {  	_ =	shalt  }
0x55: {  	_ =	shalt  }
0x56: {  	_ =	shalt  }
0x57: {  	_ =	shalt  }
0x58: {  	_ =	shalt  }
0x59: {  	_ =	shalt  }
0x5a: {  	_ =	shalt  }
0x5b: {  	_ =	shalt  }
0x5c: {  	_ =	shalt  }
0x5d: {  	_ =	shalt  }
0x5e: {  	_ =	shalt  }
0x5f: {  	_ =	shalt  }
0x60: {  	_ =	shalt  }
0x61: {  	_ =	shalt  }
0x62: {  	_ =	shalt  }
0x63: {  	_ =	shalt  }
0x64: {  	_ =	shalt  }
0x65: {  	_ =	shalt  }
0x66: {  	_ =	shalt  }
0x67: {  	_ =	shalt  }
0x68: {  	_ =	shalt  }
0x69: {  	_ =	shalt  }
0x6a: {  	_ =	shalt  }
0x6b: {  	_ =	shalt  }
0x6c: {  	_ =	shalt  }
0x6d: {  	_ =	shalt  }
0x6e: {  	_ =	shalt  }
0x6f: {  	_ =	shalt  }
0x70: {  	_ =	shalt  }
0x71: {  	_ =	shalt  }
0x72: {  	_ =	shalt  }
0x73: {  	_ =	shalt  }
0x74: {  	_ =	shalt  }
0x75: {  	_ =	shalt  }
0x76: {  	_ =	shalt  }
0x77: {  	_ =	shalt  }
0x78: {  	_ =	shalt  }
0x79: {  	_ =	shalt  }
0x7a: {  	_ =	shalt  }
0x7b: {  	_ =	shalt  }
0x7c: {  	_ =	shalt  }
0x7d: {  	_ =	shalt  }
0x7e: {  	_ =	shalt  }
0x7f: {  	_ =	shalt  }
0x80: {  	_ =	shalt  }
0x81: {  	_ =	shalt  }
0x82: {  	_ =	shalt  }
0x83: {  	_ =	shalt  }
0x84: {  	_ =	shalt  }
0x85: {  	_ =	shalt  }
0x86: {  	_ =	shalt  }
0x87: {  	_ =	shalt  }
.Lfunc_end0:
.L_simem_size_0:
called_computation.8_lowered:
.L_overlay_start_0:
0x88: {  	s2 =	sld [smem:$0x3FD9]  }
0x89: {  	s3 =	sld [smem:$0x3FFE];
	_ =	sdelay $0x1  }
0x8a: {  	s1 =	srdreg.scid  }
0x8b: {  	s0 =	sand.u32 $0x1, s1  }
0x8c: {  	s16 =	sshll.u32 s0, $0xA;
	s2 =	sadd.s32 s3, s2  }
0x8d: {  	s2 =	sadd.s32 s2, s16  }
0x8e: {  	[smem:$0x3F45] =	sst s2  }
0x8f: {  	_ = 	snop  }
0x90: {  	(tm) =	ssettm $0x1  }
0x91: {  	s17 =	sld [smem:$0x3FFB];
	_ =	sdelay $0x3  }
0x92: {  	_ =	strace s17  }
0x93: {  	s2 =	sld [smem:$0x3FFC];
	_ =	sdelay $0x3  }
0x94: {  	_ =	strace s2  }
0x95: {  	s2 =	sld [smem:$0x3FFD];
	_ =	sdelay $0x3  }
0x96: {  	_ =	strace s2  }
0x97: {  	_ =	strace $0x8FFFFFFF  }
0x98: {  	s18 =	sld [smem:$0x3FDB];
	_ =	sdelay $0x1  }
0x99: {  	s19 =	simm.s32 $_scs_section_size  }
0x9a: {  	s4 =	simm.s32 $_size__tile_overlayer_lowered;
	s5 =	simm.s32 $_tile_overlayer_lowered  }
0x9b: {  	s22 =	simm.s32 $0x1BFF;
	s21 =	sshll.u32 s5, $0x1;
	s2 =	sadd.s32 s19, s18  }
0x9c: {  	s6 =	simm.s32 $0x0;
	s20 =	sshll.u32 s4, $0x1;
	s4 =	sadd.s32 s21, s2  }
0x9d: {  	[timem:s6], [sflag:s22] =	dma.local [hbm:s4], s20  }
0x9e: {  	_ =	swait.ge [sflag:s22], s20  }
0x9f: {  	s3 =	ssub.s32 $0x0, s20;
	[sflag:s22] =	ssyncset.done $0x0  }
0xa0: {  	[sflag:s22] =	ssyncadd.s32 s3;
	_ =	sdelay $0x1  }
0xa1: {  	s23 =	simm.s32 $0x1B8B  }
0xa2: {  	_ =	swait.ge [sflag:s23], $0x1  }
0xa3: {  	[sflag:s23] =	ssyncset.done $0x0  }
0xa4: {  	s25 =	simm.s32 $0x1B8E;
	s24 =	sld [smem:$0x3FFE];
	[sflag:s23] =	ssyncadd.s32 $0xFFFFFFFF  }
0xa5: {  	s26 =	simm.s32 $execute0_lowered;
	[smem:$0x3FD2] =	sst s25  }
0xa6: {  	s4 =	sshll.u32 s26, $0x1;
	_ =	strace $0x8000005E;
	[dreg:$0x1] =	wrdreg $0xFFFFFFFF  }
0xa7: {  	s28 =	simm.s32 $_size_execute0_lowered;
	s2 =	sadd.s32 s2, s4;
	[dreg:$0x0] =	wrdreg $0x0  }
0xa8: {  	s4 =	sshll.u32 s28, $0x1;
	[dreg:$0x2] =	wrdreg s2  }
0xa9: {  	[dreg:$0x3] =	wrdreg s4  }
0xaa: {  	[dreg:$0x4] =	wrdreg $0xC0  }
0xab: {  	_ =	task [dreg:s6], $0x5FFFF  }
0xac: {  	[dreg:$0x1] =	wrdreg $0xFFFFFFFF  }
0xad: {  	[dreg:$0x0] =	wrdreg $0x60  }
0xae: {  	[dreg:$0x2] =	wrdreg s24  }
0xaf: {  	[dreg:$0x3] =	wrdreg $0x41000  }
0xb0: {  	[dreg:$0x4] =	wrdreg $0x9  }
0xb1: {  	_ =	task.clear_ibuf [dreg:s6], $0x5FFFF;
	_ =	strace $0x9000005E  }
0xb2: {  	s29 =	simm.s32 $0x9;
	_ =	strace $0x80000060  }
0xb3: {  	_ =	swait.ge [sflag:s29], $0x1  }
0xb4: {  	[sflag:s29] =	ssyncadd.s32 $0xFFFFFFFF  }
0xb5: {  	_ =	strace $0x90000060  }
0xb6: {  	_ =	sfence  }
0xb7: {  	s30 =	sld [smem:$0x0];
	_ =	sdelay $0x2  }
0xb8: {  	s31 =	sshll.u32 s1, $0xD;
	s1 =	sshrl.u32 s1, $0x2  }
0xb9: {  	s3 =	sand.u32 $0x4000, s31;
	s1 =	sadd.s32 s1, s30  }
0xba: {  	s0 =	sor.u32 s3, s0;
	s1 =	sshll.u32 s1, $0x11  }
0xbb: {  	s0 =	sor.u32 s1, s0  }
0xbc: {  	s0 =	sadd.s32 $0x8F2B, s0  }
0xbd: {  	[sflag:s0] =	ssyncadd.remote.s32 $0x1  }
0xbe: {  	_ =	sfence.sel $0xFFFF  }
0xbf: {  	[dreg:$0x0] =	wrdreg $0xFFFFFFFF;
	(pc) =	sbr.abs _section_cstart, $3  }
0xc0: {  	[dreg:$0x1] =	wrdreg $0xFFFFFFFF  }
0xc1: {  	_ =	task.clear_ibuf [dreg:s6], $0x2FFFF;
	_ =	strace $0x9FFFFFFF  }
0xc2: {  	(tm) =	ssettm $0x7FFFFFFF  }
0xc3: {  	_ =	shalt  }
tec
execute0_lowered:
.L_overlay_start_1:
0x0: {  	(tag) =	ssettag $0x1  }
0x1: {  	s10 =	rddreg [dreg:$0x0]  }
0x2: {  	s1 =	rddreg [dreg:$0x1]  }
0x3: {  	s0 =	rddreg [dreg:$0x2];
	s2 =	simm.s32 $0x0;
	s13 =	stileid.u32  }
0x4: {  	s3 =	srdreg.scid;
	s18 =	simm.s32 $0x1;
	[smem:$0x7FF] =	sst s2  }
0x5: {  	s11 =	sand.u32 $0x1, s3;
	s6 =	smul.u32 $0x2700, s13;
	s3 =	sadd.s32 $0x11CD800, s10  }
0x6: {  	s26 =	sshll.u32 s13, $0x1;
	s4 =	sadd.s32 $0xA1D400, s10;
	s9 =	smul.u32 $0x4E000, s13  }
0x7: {  	s5 =	sadd.s32 $0xB5D400, s10;
	s29 =	sshll.u32 s13, $0x6;
	s16 =	sadd.s32 $0x138000, s1  }
0x8: {  	s17 =	smul.u32 $0xA0000, s13;
	s21 =	sadd.s32 $0x12E400, s1;
	p0 =	sne.s32 s13, $0x0  }
0x9: {  	_ =	strace $0x8000005F;
	s19 =	sor.u32 s11, s26;
	s31 =	smul.u32 $0x50000, s11  }
0xa: {  	s8 =	ssub.s32 $0x2, s11;
	s7 =	smul.u32 $0x1380, s19;
	s6 =	sadd.s32 s6, s10  }
0xb: {  	s12 =	sshrl.u32 s8, $0x1;
	s28 =	sshrl.u32 s9, $0x2;
	s30 =	smul.u32 $0x27000, s19  }
0xc: {  	p1 =	seq.s32 s19, $0x1F;
	s12 =	ssub.s32 s8, s12;
	s15 =	sadd.s32 s28, s1  }
0xd: {  	s6 =	sadd.s32 $0xC9D400, s6;
	s8 =	sadd.s32 $0xCC4400, s10;
	s19 =	sshrl.u32 @p1 s21, $0x3  }
0xe: {  	s21 =	simm.s32 $0x0;
	s14 =	sadd.s32 s7, s10;
	s7 =	sor.u32 $0x1C02, s29  }
0xf: {  	s9 =	sshrl.u32 s30, $0x2;
	s10 =	sadd.s32 $0xD11480, s10;
	s11 =	smax.u32 s12, $0x1  }
0x10: {  	s12 =	sadd.s32 s31, s17;
	s13 =	sshrl.u32 s15, $0x3;
	s15 =	sshrl.u32 @!p0 s16, $0x3  }
0x11: {  	s16 =	simm.s32 $0x80;
	s17 =	simm.s32 $0x100;
	s20 =	sadd.s32 s9, s1  }
0x12: {  	v0 =	vimm.f32 $0.0e+00;
	s9 =	sadd.s32 $0xCEB800, s14;
	s14 =	simm.s32 $0x2;
	s20 =	sshrl.u32 @!p1 s20, $0x3  }
.LBB2_1:
0x13: {  	[spmem:s13], [sflag:s7] =	dma.local [hbm:s6], $0x2700  }
0x14: {  	_ =	swait.ge [sflag:s14], $0x2700  }
0x15: {  	[sflag:s14] =	ssyncset.done $0x0  }
0x16: {  	s22 =	simm.s32 @!p0 $0x2;
	[sflag:s14] =	ssyncadd.s32 $0xFFFFD900  }
0x17: {  	[spmem:s15], [sflag:s7] =	dma.local @!p0 [hbm:s8], $0x200  }
0x18: {  	_ =	swait.ge @!p0 [sflag:s22], $0x200  }
0x19: {  	[sflag:s22] =	ssyncset.done @!p0 $0x0  }
0x1a: {  	[sflag:s22] =	ssyncadd.s32 @!p0 $0xFFFFFE00  }
0x1b: {  	s23 =	simm.s32 $0x0;
	s22 =	smov.u32 s12;
	[bflag:$0x0] =	sbarrier.arrive $0xFFFF  }
.LBB2_2:
0x1c: {  	s24 =	smov.u32 s22  }
.LBB2_3:
0x1d: {  	s25 =	sshrl.u32 s24, $0x3  }
0x1e: {  	s26 =	sadd.s32 s4, s25  }
0x1f: {  	[tilespmem:s2], [sflag:$0x2] =	stream.linear.gather [hbm4b:s26+s2], $0x80, $0x38;
	[tilespmem:$0x17A00] =	vst v63  }
0x20: {  	_ =	swait.ge [sflag:s14], $0x80  }
0x21: {  	[sflag:s14] =	ssyncset.done $0x0  }
0x22: {  	s25 =	sadd.s32 s5, s25;
	[sflag:s14] =	ssyncadd.s32 $0xFFFFFF80  }
0x23: {  	[tilespmem:s16], [sflag:$0x2] =	stream.linear.gather [hbm4b:s25+s2], $0x80, $0x38;
	[tilespmem:$0x17A00] =	vst v63  }
0x24: {  	_ =	swait.ge [sflag:s14], $0x80  }
0x25: {  	[sflag:s14] =	ssyncset.done $0x0  }
0x26: {  	[sflag:s14] =	ssyncadd.s32 $0xFFFFFF80  }
0x27: {  	[tilespmem:s17], [sflag:$0x1] =	stream.indirect.gather [hbm4b:s3+s16], $0x80, s2, s16, $0xb8;
	[tilespmem:$0x17A00] =	vst v63  }
0x28: {  	_ =	swait.ge [sflag:s18], $0x4000  }
0x29: {  	[sflag:s18] =	ssyncset.done $0x0  }
0x2a: {  	[sflag:s18] =	ssyncadd.s32 $0xFFFFC000  }
0x2b: {  	[spmem:s1] =	stream.indirect.scatter.add.f32 [tilespmem:s17], [sflag:$0x2], $0x80, s16, s16, $0xb8;
	[tilespmem:$0x17A00] =	vst v63  }
0x2c: {  	_ =	swait.ge [sflag:s14], $0x4000  }
0x2d: {  	[sflag:s14] =	ssyncset.done $0x0  }
0x2e: {  	[sflag:s14] =	ssyncadd.s32 $0xFFFFC000  }
0x2f: {  	_ =	sdelay $0x7ff  }
0x30: {  	_ =	sdelay $0x700  }
0x31: {  	v1 =	vld [tilespmem:$0xF0];
	_ =	sdelay $0x4  }
0x32: {  	vm0 =	vgt.s32 v1, $0x270F  }
0x33: {  	v1 =	vsel vm0, $0x3F800000, v0  }
0x34: {  	(xrf0) =	vmax.scan.msk.f32 $0xffff, v1;
	_ =	sdelay $0x5  }
0x35: {  	v1, _, _ =	vpop (xrf0)  }
0x36: {  	(v2sf) =	vpush v1, $0xF;
	_ =	sdelay $0xe  }
0x37: {  	s31 =	spop (v2sf)  }
0x38: {  	p2 =	sgt.f32 s31, $0.0e+00  }
.Ltmp0:
0x39: {  	_ = 	snop;
	(pc) =	sbr.rel @!p2 .LBB2_3-.Ltmp0, $2  }
0x3a: {  	_ =	sdelay $0x2  }
0x3b: {  	s24 =	sadd.s32 $0x80, s24  }
0x3c: {  	s23 =	sadd.s32 $0x1, s23  }
0x3d: {  	p2 =	sne.s32 s23, $0x50  }
.Ltmp1:
0x3e: {  	_ = 	snop;
	(pc) =	sbr.rel @p2 .LBB2_2-.Ltmp1, $2  }
0x3f: {  	_ =	sdelay $0x2  }
0x40: {  	s22 =	sadd.s32 $0x1000, s22  }
0x41: {  	[bflag:$0x0] =	sbarrier.arrive $0xFFFF;
	s22 =	simm.s32 @p1 $0x2  }
0x42: {  	[hbm:s10], [sflag:s7] =	dma.local @p1 [spmem:s19], $0x1480  }
0x43: {  	s21 =	sadd.s32 $0x1, s21;
	_ =	swait.ge @p1 [sflag:s22], $0x1480  }
0x44: {  	p2 =	sne.s32 s21, s11;
	[sflag:s22] =	ssyncset.done @p1 $0x0  }
.Ltmp2:
0x45: {  	[sflag:s22] =	ssyncadd.s32 @p1 $0xFFFFEB80;
	s22 =	simm.s32 @!p1 $0x2;
	(pc) =	sbr.rel @p2 .LBB2_1-.Ltmp2, $4  }
0x46: {  	[hbm:s9], [sflag:s7] =	dma.local @!p1 [spmem:s20], $0x1380  }
0x47: {  	_ =	swait.ge @!p1 [sflag:s22], $0x1380  }
0x48: {  	[sflag:s22] =	ssyncset.done @!p1 $0x0  }
0x49: {  	[sflag:s22] =	ssyncadd.s32 @!p1 $0xFFFFEC80  }
0x4a: {  	_ =	sfence.sel $0x180000  }
0x4b: {  	[bflag:$0x0] =	sbarrier.arrive $0xFFFF  }
0x4c: {  	_ =	strace $0x9000005F  }
0x4d: {  	s0 =	sadd.s32 @!p0 $0x100000, s0;
	[bflag:$0x2] =	sbarrier.arrive $0xFFFF  }
0x4e: {  	[sflag:s0] =	ssyncadd.tile.s32 @!p0 $0x1;
	_ =	shalt  }
.Lfunc_end2:
_tile_overlayer_lowered:
.L_overlay_start_2:
0x4f: {  	(tag) =	ssettag $0x2  }
0x50: {  	s0 =	rddreg [dreg:$0x0];
	s2 =	stileid.u32  }
0x51: {  	s1 =	rddreg [dreg:$0x1];
	p0 =	sne.s32 s2, $0x0  }
0x52: {  	s3 =	rddreg [dreg:$0x2];
	[bflag:$0x3] =	sbarrier.arrive $0xFFFF;
	s2 =	simm.s32 @!p0 $0x1C02  }
0x53: {  	[timem:s3], [sflag:s2] =	dma.local @!p0 [hbm:s0], s1  }
0x54: {  	s0 =	simm.s32 @!p0 $0x2  }
0x55: {  	_ =	swait.ge @!p0 [sflag:s0], s1  }
0x56: {  	s1 =	ssub.s32 @!p0 $0x0, s1;
	[sflag:s0] =	ssyncset.done @!p0 $0x0  }
0x57: {  	[sflag:s0] =	ssyncadd.s32 @!p0 s1  }
0x58: {  	[bflag:$0x3] =	sbarrier.arrive $0xFFFF  }
0x59: {  	_ =	shalt  }

// kernel: kernel.53.cloned.1.call-start
scs
__scs_entry_jumppad:
0x0: {  	(pc) =	sbr.rel $0x88, $3  }
0x1: {  	(tag) =	ssettag $0x0;
	lr =	simm.s32 $0x1  }
0x2: {  	[smem:$0x3F1E] =	sst lr;
	_ =	strace $0xD0000000  }
0x3: {  	_ = 	snop  }
0x4: {  	_ = 	snop  }
0x5: {  	_ = 	snop  }
0x6: {  	_ = 	snop  }
0x7: {  	_ = 	snop  }
__scs_overlays_trampoline_lowered:
0x8: {  	[smem:$0x3F2D] =	sst s0  }
0x9: {  	[smem:$0x3F2E] =	sst s1  }
0xa: {  	[smem:$0x3F2F] =	sst s2  }
0xb: {  	[smem:$0x3F30] =	sst s3  }
0xc: {  	[smem:$0x3F31] =	sst s4  }
0xd: {  	[smem:$0x3F32] =	sst s5  }
0xe: {  	[smem:$0x3F33] =	sst s6  }
0xf: {  	[smem:$0x3F34] =	sst s7  }
0x10: {  	[smem:$0x3F35] =	sst s8  }
0x11: {  	[smem:$0x3F36] =	sst s9;
	s0 =	simm.s32 @!p0 $0x0  }
0x12: {  	s1 =	sld [smem:$0x3F1C];
	s0 =	simm.s32 @p0 $0x1  }
0x13: {  	[smem:$0x3F37] =	sst s0;
	s0 =	simm.s32 @!p1 $0x0  }
0x14: {  	s2 =	sld [smem:$0x3F1B];
	s0 =	simm.s32 @p1 $0x1  }
0x15: {  	[smem:$0x3F38] =	sst s0;
	s0 =	simm.s32 @!p2 $0x0  }
0x16: {  	s3 =	sld [smem:$0x3FDB];
	s0 =	simm.s32 @p2 $0x1  }
0x17: {  	s4 =	simm.s32 $0x1BF5;
	[smem:$0x3F3A] =	sst s0  }
0x18: {  	s0 =	sld [smem:$0x3F1D];
	_ =	swait.ge [sflag:s4], $0x0  }
0x19: {  	s7 =	sld [smem:$0x3F1E]  }
0x1a: {  	s8 =	sadd.s32 $0xFFFFE003, lr  }
0x1b: {  	s9 =	sadd.s32 $0xFFFFFEF7, lr;
	s5 =	simm.s32 $0xFFFFFFFF;
	p2 =	slt.u32 s8, $0xFFFFF086  }
0x1c: {  	p1 =	slt.u32 s9, $0xF7A;
	s5 =	simm.s32 @!p2 $0x0  }
0x1d: {  	s5 =	simm.s32 @p1 $0x1;
	p0 =	seq.s32 s7, s2  }
0x1e: {  	s7 =	smul.u32 @!p0 $0xF7A, s2;
	p2 =	seq.s32 @!p0 s5, $0x0  }
0x1f: {  	s9 =	smul.u32 $0xF7A, s1;
	s8 =	simm.s32 @!p0 $0x1BF5;
	p2 =	por !p2, p0  }
0x20: {  	[sflag:s8] =	ssyncset.s32 @!p0 $0xFFFFF086;
	s6 =	sadd.s32 @!p0 s3, s7;
	s7 =	simm.s32 @!p0 $0x108  }
0x21: {  	s3 =	sadd.s32 s3, s9;
	s6 =	sadd.s32 @!p0 $0x88, s6;
	s7 =	simm.s32 @p2 $0x1082  }
0x22: {  	[simem:s7], [sflag:s8] =	dma.local @!p0 [hbm:s6], $0xF7A  }
0x23: {  	s9 =	sor.u32 $0xD0000000, s2;
	s6 =	simm.s32 $0x108;
	_ =	swait.ge @!p0 [sflag:s8], $0x0  }
0x24: {  	s3 =	sadd.s32 $0x88, s3;
	s6 =	simm.s32 @!p1 $0x1082;
	[sflag:s4] =	ssyncset.s32 $0xFFFFF086  }
0x25: {  	[simem:s6], [sflag:s4] =	dma.local [hbm:s3], $0xF7A  }
0x26: {  	[smem:$0x3F1E] =	sst s1;
	(tag) =	ssettag s2;
	_ =	strace s9  }
0x27: {  	s1 =	sld [smem:$0x3F2E]  }
0x28: {  	s2 =	sld [smem:$0x3F2F]  }
0x29: {  	s4 =	sld [smem:$0x3F31]  }
0x2a: {  	p0 =	seq.s32 s5, $0x0;
	s5 =	sld [smem:$0x3F32]  }
0x2b: {  	s6 =	sld [smem:$0x3F33]  }
0x2c: {  	s7 =	sld [smem:$0x3F34]  }
0x2d: {  	s3 =	simm.s32 $0x108;
	s8 =	sld [smem:$0x3F35]  }
0x2e: {  	s3 =	simm.s32 @!p0 $0x1082;
	s9 =	sld [smem:$0x3F36]  }
0x2f: {  	lr =	sadd.s32 s0, s3;
	s0 =	sld [smem:$0x3F2D]  }
0x30: {  	s3 =	sld [smem:$0x3F30]  }
0x31: {  	[smem:$0x3F39] =	sst s10  }
0x32: {  	s10 =	sld [smem:$0x3F37];
	_ =	sdelay $0x3  }
0x33: {  	p0 =	seq.s32 s10, $0x1;
	s10 =	sld [smem:$0x3F39];
	_ =	sdelay $0x3  }
0x34: {  	[smem:$0x3F39] =	sst s10  }
0x35: {  	s10 =	sld [smem:$0x3F38];
	_ =	sdelay $0x3  }
0x36: {  	p1 =	seq.s32 s10, $0x1;
	s10 =	sld [smem:$0x3F39];
	_ =	sdelay $0x3  }
0x37: {  	[smem:$0x3F39] =	sst s10  }
0x38: {  	s10 =	sld [smem:$0x3F3A]  }
0x39: {  	_ = 	snop;
	(pc) =	sbr.ind lr, $3  }
0x3a: {  	_ = 	snop  }
0x3b: {  	_ = 	snop  }
0x3c: {  	p2 =	seq.s32 s10, $0x1;
	s10 =	sld [smem:$0x3F39]  }
0x3d: {  	_ =	shalt  }
0x3e: {  	_ =	shalt  }
0x3f: {  	_ =	shalt  }
0x40: {  	_ =	shalt  }
0x41: {  	_ =	shalt  }
0x42: {  	_ =	shalt  }
0x43: {  	_ =	shalt  }
0x44: {  	_ =	shalt  }
0x45: {  	_ =	shalt  }
0x46: {  	_ =	shalt  }
0x47: {  	_ =	shalt  }
0x48: {  	_ =	shalt  }
0x49: {  	_ =	shalt  }
0x4a: {  	_ =	shalt  }
0x4b: {  	_ =	shalt  }
0x4c: {  	_ =	shalt  }
0x4d: {  	_ =	shalt  }
0x4e: {  	_ =	shalt  }
0x4f: {  	_ =	shalt  }
0x50: {  	_ =	shalt  }
0x51: {  	_ =	shalt  }
0x52: {  	_ =	shalt  }
0x53: {  	_ =	shalt  }
0x54: {  	_ =	shalt  }
0x55: {  	_ =	shalt  }
0x56: {  	_ =	shalt  }
0x57: {  	_ =	shalt  }
0x58: {  	_ =	shalt  }
0x59: {  	_ =	shalt  }
0x5a: {  	_ =	shalt  }
0x5b: {  	_ =	shalt  }
0x5c: {  	_ =	shalt  }
0x5d: {  	_ =	shalt  }
0x5e: {  	_ =	shalt  }
0x5f: {  	_ =	shalt  }
0x60: {  	_ =	shalt  }
0x61: {  	_ =	shalt  }
0x62: {  	_ =	shalt  }
0x63: {  	_ =	shalt  }
0x64: {  	_ =	shalt  }
0x65: {  	_ =	shalt  }
0x66: {  	_ =	shalt  }
0x67: {  	_ =	shalt  }
0x68: {  	_ =	shalt  }
0x69: {  	_ =	shalt  }
0x6a: {  	_ =	shalt  }
0x6b: {  	_ =	shalt  }
0x6c: {  	_ =	shalt  }
0x6d: {  	_ =	shalt  }
0x6e: {  	_ =	shalt  }
0x6f: {  	_ =	shalt  }
0x70: {  	_ =	shalt  }
0x71: {  	_ =	shalt  }
0x72: {  	_ =	shalt  }
0x73: {  	_ =	shalt  }
0x74: {  	_ =	shalt  }
0x75: {  	_ =	shalt  }
0x76: {  	_ =	shalt  }
0x77: {  	_ =	shalt  }
0x78: {  	_ =	shalt  }
0x79: {  	_ =	shalt  }
0x7a: {  	_ =	shalt  }
0x7b: {  	_ =	shalt  }
0x7c: {  	_ =	shalt  }
0x7d: {  	_ =	shalt  }
0x7e: {  	_ =	shalt  }
0x7f: {  	_ =	shalt  }
0x80: {  	_ =	shalt  }
0x81: {  	_ =	shalt  }
0x82: {  	_ =	shalt  }
0x83: {  	_ =	shalt  }
0x84: {  	_ =	shalt  }
0x85: {  	_ =	shalt  }
0x86: {  	_ =	shalt  }
0x87: {  	_ =	shalt  }
.Lfunc_end0:
.L_simem_size_0:
called_computation.9_lowered:
.L_overlay_start_0:
0x88: {  	s2 =	sld [smem:$0x3FD9]  }
0x89: {  	s3 =	sld [smem:$0x3FFE];
	_ =	sdelay $0x1  }
0x8a: {  	s1 =	srdreg.scid  }
0x8b: {  	s0 =	sand.u32 $0x1, s1  }
0x8c: {  	s16 =	sshll.u32 s0, $0xA;
	s2 =	sadd.s32 s3, s2  }
0x8d: {  	s2 =	sadd.s32 s2, s16  }
0x8e: {  	[smem:$0x3F45] =	sst s2  }
0x8f: {  	_ = 	snop  }
0x90: {  	(tm) =	ssettm $0x1  }
0x91: {  	s17 =	sld [smem:$0x3FFB];
	_ =	sdelay $0x3  }
0x92: {  	_ =	strace s17  }
0x93: {  	s2 =	sld [smem:$0x3FFC];
	_ =	sdelay $0x3  }
0x94: {  	_ =	strace s2  }
0x95: {  	s2 =	sld [smem:$0x3FFD];
	_ =	sdelay $0x3  }
0x96: {  	_ =	strace s2  }
0x97: {  	_ =	strace $0x8FFFFFFF  }
0x98: {  	s18 =	sld [smem:$0x3FDB];
	_ =	sdelay $0x1  }
0x99: {  	s19 =	simm.s32 $_scs_section_size  }
0x9a: {  	s4 =	simm.s32 $_size__tile_overlayer_lowered;
	s5 =	simm.s32 $_tile_overlayer_lowered  }
0x9b: {  	s22 =	simm.s32 $0x1BFF;
	s21 =	sshll.u32 s5, $0x1;
	s2 =	sadd.s32 s19, s18  }
0x9c: {  	s6 =	simm.s32 $0x0;
	s20 =	sshll.u32 s4, $0x1;
	s4 =	sadd.s32 s21, s2  }
0x9d: {  	[timem:s6], [sflag:s22] =	dma.local [hbm:s4], s20  }
0x9e: {  	_ =	swait.ge [sflag:s22], s20  }
0x9f: {  	s3 =	ssub.s32 $0x0, s20;
	[sflag:s22] =	ssyncset.done $0x0  }
0xa0: {  	[sflag:s22] =	ssyncadd.s32 s3;
	_ =	sdelay $0x1  }
0xa1: {  	s23 =	simm.s32 $0x1B8B  }
0xa2: {  	_ =	swait.ge [sflag:s23], $0x1  }
0xa3: {  	[sflag:s23] =	ssyncset.done $0x0  }
0xa4: {  	s25 =	simm.s32 $0x1B8E;
	s24 =	sld [smem:$0x3FFE];
	[sflag:s23] =	ssyncadd.s32 $0xFFFFFFFF  }
0xa5: {  	s26 =	simm.s32 $execute0_lowered;
	[smem:$0x3FD2] =	sst s25  }
0xa6: {  	s4 =	sshll.u32 s26, $0x1;
	_ =	strace $0x80000061;
	[dreg:$0x1] =	wrdreg $0xFFFFFFFF  }
0xa7: {  	s28 =	simm.s32 $_size_execute0_lowered;
	s2 =	sadd.s32 s2, s4;
	[dreg:$0x0] =	wrdreg $0x0  }
0xa8: {  	s4 =	sshll.u32 s28, $0x1;
	[dreg:$0x2] =	wrdreg s2  }
0xa9: {  	[dreg:$0x3] =	wrdreg s4  }
0xaa: {  	[dreg:$0x4] =	wrdreg $0xC0  }
0xab: {  	_ =	task [dreg:s6], $0x5FFFF  }
0xac: {  	[dreg:$0x1] =	wrdreg $0xFFFFFFFF  }
0xad: {  	[dreg:$0x0] =	wrdreg $0x60  }
0xae: {  	[dreg:$0x2] =	wrdreg s24  }
0xaf: {  	[dreg:$0x3] =	wrdreg $0x9  }
0xb0: {  	_ =	task.clear_ibuf [dreg:s6], $0x4FFFF;
	_ =	strace $0x90000061  }
0xb1: {  	s29 =	simm.s32 $0x9;
	_ =	strace $0x80000063  }
0xb2: {  	_ =	swait.ge [sflag:s29], $0x1  }
0xb3: {  	[sflag:s29] =	ssyncadd.s32 $0xFFFFFFFF  }
0xb4: {  	_ =	strace $0x90000063  }
0xb5: {  	_ =	sfence  }
0xb6: {  	s30 =	sld [smem:$0x0];
	_ =	sdelay $0x2  }
0xb7: {  	s31 =	sshll.u32 s1, $0xD;
	s1 =	sshrl.u32 s1, $0x2  }
0xb8: {  	s3 =	sand.u32 $0x4000, s31;
	s1 =	sadd.s32 s1, s30  }
0xb9: {  	s0 =	sor.u32 s3, s0;
	s1 =	sshll.u32 s1, $0x11  }
0xba: {  	s0 =	sor.u32 s1, s0  }
0xbb: {  	s0 =	sadd.s32 $0x8F2B, s0  }
0xbc: {  	[sflag:s0] =	ssyncadd.remote.s32 $0x1  }
0xbd: {  	_ =	sfence.sel $0xFFFF  }
0xbe: {  	[dreg:$0x0] =	wrdreg $0xFFFFFFFF;
	(pc) =	sbr.abs _section_cstart, $3  }
0xbf: {  	[dreg:$0x1] =	wrdreg $0xFFFFFFFF  }
0xc0: {  	_ =	task.clear_ibuf [dreg:s6], $0x2FFFF;
	_ =	strace $0x9FFFFFFF  }
0xc1: {  	(tm) =	ssettm $0x7FFFFFFF  }
tec
execute0_lowered:
.L_overlay_start_1:
0x0: {  	(tag) =	ssettag $0x1  }
0x1: {  	s4 =	rddreg [dreg:$0x0]  }
0x2: {  	s0 =	rddreg [dreg:$0x1]  }
0x3: {  	s3 =	srdreg.scid;
	s1 =	stileid.u32;
	s2 =	simm.s32 $0x0  }
0x4: {  	s10 =	simm.s32 $0x1;
	s11 =	simm.s32 $0x0;
	s6 =	smul.u32 $0x9C40, s1  }
0x5: {  	s5 =	sand.u32 $0x1, s3;
	[smem:$0x7FF] =	sst s2;
	s8 =	smul.u32 $0x9C400, s1  }
0x6: {  	s3 =	sadd.s32 $0xCC4600, s4;
	s7 =	smul.u32 $0x4E20, s5;
	s9 =	ssub.s32 $0x2, s5  }
0x7: {  	_ =	strace $0x80000062;
	s5 =	smul.u32 $0x4E200, s5;
	s31 =	sshrl.u32 s9, $0x1  }
0x8: {  	s30 =	sadd.s32 s8, s4;
	s6 =	sadd.s32 s7, s6;
	s8 =	ssub.s32 s9, s31  }
0x9: {  	s5 =	sadd.s32 s5, s30;
	s7 =	simm.s32 $0x2;
	s6 =	sshrl.u32 s6, $0x3  }
0xa: {  	s9 =	simm.s32 $0x80;
	s5 =	sadd.s32 $0x32200, s5;
	s6 =	sadd.s32 s6, s4  }
0xb: {  	s4 =	smax.u32 s8, $0x1;
	s8 =	simm.s32 $0x50;
	s6 =	sadd.s32 $0x1E800, s6  }
.LBB2_1:
0xc: {  	s12 =	sadd.s32 $0x0, s6  }
0xd: {  	[tilespmem:s2], [sflag:$0x2] =	stream.linear.gather [hbm4b:s12+s2], $0x50, $0x38;
	[tilespmem:$0x2880] =	vst v63  }
0xe: {  	_ =	swait.ge [sflag:s7], $0x50  }
0xf: {  	[sflag:s7] =	ssyncset.done $0x0  }
0x10: {  	[sflag:s7] =	ssyncadd.s32 $0xFFFFFFB0  }
0x11: {  	[tilespmem:s9], [sflag:$0x1] =	stream.indirect.gather [hbm4b:s3+s8], $0x80, s2, s8, $0xb8;
	[tilespmem:$0x2880] =	vst v63  }
0x12: {  	_ =	swait.ge [sflag:s10], $0x2800  }
0x13: {  	[sflag:s10] =	ssyncset.done $0x0  }
0x14: {  	[sflag:s10] =	ssyncadd.s32 $0xFFFFD800  }
0x15: {  	[hbm4b:s5+s2] =	stream.linear.scatter [tilespmem:s9], [sflag:$0x2], $0x2800, $0x38;
	[tilespmem:$0x2880] =	vst v63  }
0x16: {  	s13 =	simm.s32 $0xA;
	_ =	swait.ge [sflag:s7], $0x2800  }
0x17: {  	s14 =	simm.s32 $0x14;
	s12 =	sadd.s32 $0x500, s5;
	[sflag:s7] =	ssyncset.done $0x0  }
.LBB2_2:
0x18: {  	s15 =	sadd.s32 s13, s6  }
0x19: {  	[sflag:s7] =	ssyncadd.s32 $0xFFFFD800;
	s13 =	smov.u32 s14;
	s16 =	sadd.s32 $0xA, s14  }
0x1a: {  	[tilespmem:s2], [sflag:$0x2] =	stream.linear.gather [hbm4b:s15+s2], $0x50, $0x38;
	[tilespmem:$0x2880] =	vst v63  }
0x1b: {  	p0 =	sne.s32 s14, $0x9BA;
	_ =	swait.ge [sflag:s7], $0x50  }
0x1c: {  	[sflag:s7] =	ssyncset.done $0x0  }
0x1d: {  	[sflag:s7] =	ssyncadd.s32 $0xFFFFFFB0  }
0x1e: {  	[tilespmem:s9], [sflag:$0x1] =	stream.indirect.gather [hbm4b:s3+s8], $0x80, s2, s8, $0xb8;
	[tilespmem:$0x2880] =	vst v63  }
0x1f: {  	_ =	swait.ge [sflag:s10], $0x2800  }
.Ltmp0:
0x20: {  	[sflag:s10] =	ssyncset.done $0x0;
	(pc) =	sbr.rel @p0 .LBB2_2-.Ltmp0, $4  }
0x21: {  	[sflag:s10] =	ssyncadd.s32 $0xFFFFD800  }
0x22: {  	[hbm4b:s12+s2] =	stream.linear.scatter [tilespmem:s9], [sflag:$0x2], $0x2800, $0x38;
	[tilespmem:$0x2880] =	vst v63  }
0x23: {  	_ =	swait.ge [sflag:s7], $0x2800  }
0x24: {  	s14 =	smov.u32 s16;
	s12 =	sadd.s32 $0x500, s12;
	[sflag:s7] =	ssyncset.done $0x0  }
0x25: {  	s13 =	sadd.s32 s13, s6;
	[sflag:s7] =	ssyncadd.s32 $0xFFFFD800  }
0x26: {  	[tilespmem:s2], [sflag:$0x2] =	stream.linear.gather [hbm4b:s13+s2], $0x50, $0x38;
	[tilespmem:$0x2880] =	vst v63  }
0x27: {  	_ =	swait.ge [sflag:s7], $0x50  }
0x28: {  	[sflag:s7] =	ssyncset.done $0x0  }
0x29: {  	[sflag:s7] =	ssyncadd.s32 $0xFFFFFFB0  }
0x2a: {  	[tilespmem:s9], [sflag:$0x1] =	stream.indirect.gather [hbm4b:s3+s8], $0x80, s2, s8, $0xb8;
	[tilespmem:$0x2880] =	vst v63  }
0x2b: {  	s11 =	sadd.s32 $0x1, s11;
	_ =	swait.ge [sflag:s10], $0x2800  }
0x2c: {  	p0 =	sne.s32 s11, s4;
	[sflag:s10] =	ssyncset.done $0x0  }
.Ltmp1:
0x2d: {  	[sflag:s10] =	ssyncadd.s32 $0xFFFFD800;
	(pc) =	sbr.rel @p0 .LBB2_1-.Ltmp1, $4  }
0x2e: {  	[hbm4b:s12+s2] =	stream.linear.scatter [tilespmem:s9], [sflag:$0x2], $0x2800, $0x38;
	[tilespmem:$0x2880] =	vst v63  }
0x2f: {  	_ =	swait.ge [sflag:s7], $0x2800  }
0x30: {  	[sflag:s7] =	ssyncset.done $0x0  }
0x31: {  	[sflag:s7] =	ssyncadd.s32 $0xFFFFD800  }
0x32: {  	_ =	sfence.sel $0x180000  }
0x33: {  	[bflag:$0x0] =	sbarrier.arrive $0xFFFF  }
0x34: {  	p0 =	sne.s32 s1, $0x0;
	_ =	strace $0x90000062  }
0x35: {  	s0 =	sadd.s32 @!p0 $0x100000, s0;
	[bflag:$0x2] =	sbarrier.arrive $0xFFFF  }
0x36: {  	[sflag:s0] =	ssyncadd.tile.s32 @!p0 $0x1;
	_ =	shalt  }
.Lfunc_end2:
_tile_overlayer_lowered:
.L_overlay_start_2:
0x37: {  	(tag) =	ssettag $0x2  }
0x38: {  	s0 =	rddreg [dreg:$0x0];
	s2 =	stileid.u32  }
0x39: {  	s1 =	rddreg [dreg:$0x1];
	p0 =	sne.s32 s2, $0x0  }
0x3a: {  	s3 =	rddreg [dreg:$0x2];
	[bflag:$0x3] =	sbarrier.arrive $0xFFFF;
	s2 =	simm.s32 @!p0 $0x1C02  }
0x3b: {  	[timem:s3], [sflag:s2] =	dma.local @!p0 [hbm:s0], s1  }
0x3c: {  	s0 =	simm.s32 @!p0 $0x2  }
0x3d: {  	_ =	swait.ge @!p0 [sflag:s0], s1  }
0x3e: {  	s1 =	ssub.s32 @!p0 $0x0, s1;
	[sflag:s0] =	ssyncset.done @!p0 $0x0  }
0x3f: {  	[sflag:s0] =	ssyncadd.s32 @!p0 s1  }
0x40: {  	[bflag:$0x3] =	sbarrier.arrive $0xFFFF  }
0x41: {  	_ =	shalt  }

// kernel: kernel.56.cloned.1.call-start
scs
__scs_entry_jumppad:
0x0: {  	(pc) =	sbr.rel $0x88, $3  }
0x1: {  	(tag) =	ssettag $0x0;
	lr =	simm.s32 $0x1  }
0x2: {  	[smem:$0x3F1E] =	sst lr;
	_ =	strace $0xD0000000  }
0x3: {  	_ = 	snop  }
0x4: {  	_ = 	snop  }
0x5: {  	_ = 	snop  }
0x6: {  	_ = 	snop  }
0x7: {  	_ = 	snop  }
__scs_overlays_trampoline_lowered:
0x8: {  	[smem:$0x3F2D] =	sst s0  }
0x9: {  	[smem:$0x3F2E] =	sst s1  }
0xa: {  	[smem:$0x3F2F] =	sst s2  }
0xb: {  	[smem:$0x3F30] =	sst s3  }
0xc: {  	[smem:$0x3F31] =	sst s4  }
0xd: {  	[smem:$0x3F32] =	sst s5  }
0xe: {  	[smem:$0x3F33] =	sst s6  }
0xf: {  	[smem:$0x3F34] =	sst s7  }
0x10: {  	[smem:$0x3F35] =	sst s8  }
0x11: {  	[smem:$0x3F36] =	sst s9;
	s0 =	simm.s32 @!p0 $0x0  }
0x12: {  	s1 =	sld [smem:$0x3F1C];
	s0 =	simm.s32 @p0 $0x1  }
0x13: {  	[smem:$0x3F37] =	sst s0;
	s0 =	simm.s32 @!p1 $0x0  }
0x14: {  	s2 =	sld [smem:$0x3F1B];
	s0 =	simm.s32 @p1 $0x1  }
0x15: {  	[smem:$0x3F38] =	sst s0;
	s0 =	simm.s32 @!p2 $0x0  }
0x16: {  	s3 =	sld [smem:$0x3FDB];
	s0 =	simm.s32 @p2 $0x1  }
0x17: {  	s4 =	simm.s32 $0x1BF5;
	[smem:$0x3F3A] =	sst s0  }
0x18: {  	s0 =	sld [smem:$0x3F1D];
	_ =	swait.ge [sflag:s4], $0x0  }
0x19: {  	s7 =	sld [smem:$0x3F1E]  }
0x1a: {  	s8 =	sadd.s32 $0xFFFFE003, lr  }
0x1b: {  	s9 =	sadd.s32 $0xFFFFFEF7, lr;
	s5 =	simm.s32 $0xFFFFFFFF;
	p2 =	slt.u32 s8, $0xFFFFF086  }
0x1c: {  	p1 =	slt.u32 s9, $0xF7A;
	s5 =	simm.s32 @!p2 $0x0  }
0x1d: {  	s5 =	simm.s32 @p1 $0x1;
	p0 =	seq.s32 s7, s2  }
0x1e: {  	s7 =	smul.u32 @!p0 $0xF7A, s2;
	p2 =	seq.s32 @!p0 s5, $0x0  }
0x1f: {  	s9 =	smul.u32 $0xF7A, s1;
	s8 =	simm.s32 @!p0 $0x1BF5;
	p2 =	por !p2, p0  }
0x20: {  	[sflag:s8] =	ssyncset.s32 @!p0 $0xFFFFF086;
	s6 =	sadd.s32 @!p0 s3, s7;
	s7 =	simm.s32 @!p0 $0x108  }
0x21: {  	s3 =	sadd.s32 s3, s9;
	s6 =	sadd.s32 @!p0 $0x88, s6;
	s7 =	simm.s32 @p2 $0x1082  }
0x22: {  	[simem:s7], [sflag:s8] =	dma.local @!p0 [hbm:s6], $0xF7A  }
0x23: {  	s9 =	sor.u32 $0xD0000000, s2;
	s6 =	simm.s32 $0x108;
	_ =	swait.ge @!p0 [sflag:s8], $0x0  }
0x24: {  	s3 =	sadd.s32 $0x88, s3;
	s6 =	simm.s32 @!p1 $0x1082;
	[sflag:s4] =	ssyncset.s32 $0xFFFFF086  }
0x25: {  	[simem:s6], [sflag:s4] =	dma.local [hbm:s3], $0xF7A  }
0x26: {  	[smem:$0x3F1E] =	sst s1;
	(tag) =	ssettag s2;
	_ =	strace s9  }
0x27: {  	s1 =	sld [smem:$0x3F2E]  }
0x28: {  	s2 =	sld [smem:$0x3F2F]  }
0x29: {  	s4 =	sld [smem:$0x3F31]  }
0x2a: {  	p0 =	seq.s32 s5, $0x0;
	s5 =	sld [smem:$0x3F32]  }
0x2b: {  	s6 =	sld [smem:$0x3F33]  }
0x2c: {  	s7 =	sld [smem:$0x3F34]  }
0x2d: {  	s3 =	simm.s32 $0x108;
	s8 =	sld [smem:$0x3F35]  }
0x2e: {  	s3 =	simm.s32 @!p0 $0x1082;
	s9 =	sld [smem:$0x3F36]  }
0x2f: {  	lr =	sadd.s32 s0, s3;
	s0 =	sld [smem:$0x3F2D]  }
0x30: {  	s3 =	sld [smem:$0x3F30]  }
0x31: {  	[smem:$0x3F39] =	sst s10  }
0x32: {  	s10 =	sld [smem:$0x3F37];
	_ =	sdelay $0x3  }
0x33: {  	p0 =	seq.s32 s10, $0x1;
	s10 =	sld [smem:$0x3F39];
	_ =	sdelay $0x3  }
0x34: {  	[smem:$0x3F39] =	sst s10  }
0x35: {  	s10 =	sld [smem:$0x3F38];
	_ =	sdelay $0x3  }
0x36: {  	p1 =	seq.s32 s10, $0x1;
	s10 =	sld [smem:$0x3F39];
	_ =	sdelay $0x3  }
0x37: {  	[smem:$0x3F39] =	sst s10  }
0x38: {  	s10 =	sld [smem:$0x3F3A]  }
0x39: {  	_ = 	snop;
	(pc) =	sbr.ind lr, $3  }
0x3a: {  	_ = 	snop  }
0x3b: {  	_ = 	snop  }
0x3c: {  	p2 =	seq.s32 s10, $0x1;
	s10 =	sld [smem:$0x3F39]  }
0x3d: {  	_ =	shalt  }
0x3e: {  	_ =	shalt  }
0x3f: {  	_ =	shalt  }
0x40: {  	_ =	shalt  }
0x41: {  	_ =	shalt  }
0x42: {  	_ =	shalt  }
0x43: {  	_ =	shalt  }
0x44: {  	_ =	shalt  }
0x45: {  	_ =	shalt  }
0x46: {  	_ =	shalt  }
0x47: {  	_ =	shalt  }
0x48: {  	_ =	shalt  }
0x49: {  	_ =	shalt  }
0x4a: {  	_ =	shalt  }
0x4b: {  	_ =	shalt  }
0x4c: {  	_ =	shalt  }
0x4d: {  	_ =	shalt  }
0x4e: {  	_ =	shalt  }
0x4f: {  	_ =	shalt  }
0x50: {  	_ =	shalt  }
0x51: {  	_ =	shalt  }
0x52: {  	_ =	shalt  }
0x53: {  	_ =	shalt  }
0x54: {  	_ =	shalt  }
0x55: {  	_ =	shalt  }
0x56: {  	_ =	shalt  }
0x57: {  	_ =	shalt  }
0x58: {  	_ =	shalt  }
0x59: {  	_ =	shalt  }
0x5a: {  	_ =	shalt  }
0x5b: {  	_ =	shalt  }
0x5c: {  	_ =	shalt  }
0x5d: {  	_ =	shalt  }
0x5e: {  	_ =	shalt  }
0x5f: {  	_ =	shalt  }
0x60: {  	_ =	shalt  }
0x61: {  	_ =	shalt  }
0x62: {  	_ =	shalt  }
0x63: {  	_ =	shalt  }
0x64: {  	_ =	shalt  }
0x65: {  	_ =	shalt  }
0x66: {  	_ =	shalt  }
0x67: {  	_ =	shalt  }
0x68: {  	_ =	shalt  }
0x69: {  	_ =	shalt  }
0x6a: {  	_ =	shalt  }
0x6b: {  	_ =	shalt  }
0x6c: {  	_ =	shalt  }
0x6d: {  	_ =	shalt  }
0x6e: {  	_ =	shalt  }
0x6f: {  	_ =	shalt  }
0x70: {  	_ =	shalt  }
0x71: {  	_ =	shalt  }
0x72: {  	_ =	shalt  }
0x73: {  	_ =	shalt  }
0x74: {  	_ =	shalt  }
0x75: {  	_ =	shalt  }
0x76: {  	_ =	shalt  }
0x77: {  	_ =	shalt  }
0x78: {  	_ =	shalt  }
0x79: {  	_ =	shalt  }
0x7a: {  	_ =	shalt  }
0x7b: {  	_ =	shalt  }
0x7c: {  	_ =	shalt  }
0x7d: {  	_ =	shalt  }
0x7e: {  	_ =	shalt  }
0x7f: {  	_ =	shalt  }
0x80: {  	_ =	shalt  }
0x81: {  	_ =	shalt  }
0x82: {  	_ =	shalt  }
0x83: {  	_ =	shalt  }
0x84: {  	_ =	shalt  }
0x85: {  	_ =	shalt  }
0x86: {  	_ =	shalt  }
0x87: {  	_ =	shalt  }
.Lfunc_end0:
.L_simem_size_0:
called_computation.10_lowered:
.L_overlay_start_0:
0x88: {  	s2 =	sld [smem:$0x3FD9]  }
0x89: {  	s3 =	sld [smem:$0x3FFE];
	_ =	sdelay $0x1  }
0x8a: {  	s1 =	srdreg.scid  }
0x8b: {  	s0 =	sand.u32 $0x1, s1  }
0x8c: {  	s16 =	sshll.u32 s0, $0xA;
	s2 =	sadd.s32 s3, s2  }
0x8d: {  	s2 =	sadd.s32 s2, s16  }
0x8e: {  	[smem:$0x3F45] =	sst s2  }
0x8f: {  	_ = 	snop  }
0x90: {  	(tm) =	ssettm $0x1  }
0x91: {  	s17 =	sld [smem:$0x3FFB];
	_ =	sdelay $0x3  }
0x92: {  	_ =	strace s17  }
0x93: {  	s2 =	sld [smem:$0x3FFC];
	_ =	sdelay $0x3  }
0x94: {  	_ =	strace s2  }
0x95: {  	s2 =	sld [smem:$0x3FFD];
	_ =	sdelay $0x3  }
0x96: {  	_ =	strace s2  }
0x97: {  	_ =	strace $0x8FFFFFFF  }
0x98: {  	s18 =	sld [smem:$0x3FDB];
	_ =	sdelay $0x1  }
0x99: {  	s19 =	simm.s32 $_scs_section_size  }
0x9a: {  	s4 =	simm.s32 $_size__tile_overlayer_lowered;
	s5 =	simm.s32 $_tile_overlayer_lowered  }
0x9b: {  	s22 =	simm.s32 $0x1BFF;
	s21 =	sshll.u32 s5, $0x1;
	s2 =	sadd.s32 s19, s18  }
0x9c: {  	s6 =	simm.s32 $0x0;
	s20 =	sshll.u32 s4, $0x1;
	s4 =	sadd.s32 s21, s2  }
0x9d: {  	[timem:s6], [sflag:s22] =	dma.local [hbm:s4], s20  }
0x9e: {  	_ =	swait.ge [sflag:s22], s20  }
0x9f: {  	s3 =	ssub.s32 $0x0, s20;
	[sflag:s22] =	ssyncset.done $0x0  }
0xa0: {  	[sflag:s22] =	ssyncadd.s32 s3;
	_ =	sdelay $0x1  }
0xa1: {  	s23 =	simm.s32 $0x1B8B  }
0xa2: {  	_ =	swait.ge [sflag:s23], $0x1  }
0xa3: {  	[sflag:s23] =	ssyncset.done $0x0  }
0xa4: {  	s25 =	simm.s32 $0x1B8E;
	s24 =	sld [smem:$0x3FFE];
	[sflag:s23] =	ssyncadd.s32 $0xFFFFFFFF  }
0xa5: {  	s26 =	simm.s32 $execute0_lowered;
	[smem:$0x3FD2] =	sst s25  }
0xa6: {  	s4 =	sshll.u32 s26, $0x1;
	_ =	strace $0x80000064;
	[dreg:$0x1] =	wrdreg $0xFFFFFFFF  }
0xa7: {  	s28 =	simm.s32 $_size_execute0_lowered;
	s2 =	sadd.s32 s2, s4;
	[dreg:$0x0] =	wrdreg $0x0  }
0xa8: {  	s4 =	sshll.u32 s28, $0x1;
	[dreg:$0x2] =	wrdreg s2  }
0xa9: {  	[dreg:$0x3] =	wrdreg s4  }
0xaa: {  	[dreg:$0x4] =	wrdreg $0xC0  }
0xab: {  	_ =	task [dreg:s6], $0x5FFFF  }
0xac: {  	[dreg:$0x1] =	wrdreg $0xFFFFFFFF  }
0xad: {  	[dreg:$0x0] =	wrdreg $0x60  }
0xae: {  	[dreg:$0x2] =	wrdreg s24  }
0xaf: {  	[dreg:$0x3] =	wrdreg $0x41000  }
0xb0: {  	[dreg:$0x4] =	wrdreg $0x9  }
0xb1: {  	_ =	task.clear_ibuf [dreg:s6], $0x5FFFF;
	_ =	strace $0x90000064  }
0xb2: {  	s29 =	simm.s32 $0x9;
	_ =	strace $0x80000066  }
0xb3: {  	_ =	swait.ge [sflag:s29], $0x1  }
0xb4: {  	[sflag:s29] =	ssyncadd.s32 $0xFFFFFFFF  }
0xb5: {  	_ =	strace $0x90000066  }
0xb6: {  	_ =	sfence  }
0xb7: {  	s30 =	sld [smem:$0x0];
	_ =	sdelay $0x2  }
0xb8: {  	s31 =	sshll.u32 s1, $0xD;
	s1 =	sshrl.u32 s1, $0x2  }
0xb9: {  	s3 =	sand.u32 $0x4000, s31;
	s1 =	sadd.s32 s1, s30  }
0xba: {  	s0 =	sor.u32 s3, s0;
	s1 =	sshll.u32 s1, $0x11  }
0xbb: {  	s0 =	sor.u32 s1, s0  }
0xbc: {  	s0 =	sadd.s32 $0x8F2B, s0  }
0xbd: {  	[sflag:s0] =	ssyncadd.remote.s32 $0x1  }
0xbe: {  	_ =	sfence.sel $0xFFFF  }
0xbf: {  	[dreg:$0x0] =	wrdreg $0xFFFFFFFF;
	(pc) =	sbr.abs _section_cstart, $3  }
0xc0: {  	[dreg:$0x1] =	wrdreg $0xFFFFFFFF  }
0xc1: {  	_ =	task.clear_ibuf [dreg:s6], $0x2FFFF;
	_ =	strace $0x9FFFFFFF  }
0xc2: {  	(tm) =	ssettm $0x7FFFFFFF  }
0xc3: {  	_ =	shalt  }
tec
execute0_lowered:
.L_overlay_start_1:
0x0: {  	(tag) =	ssettag $0x1  }
0x1: {  	s10 =	rddreg [dreg:$0x0]  }
0x2: {  	s1 =	rddreg [dreg:$0x1]  }
0x3: {  	s0 =	rddreg [dreg:$0x2];
	s2 =	simm.s32 $0x0;
	s13 =	stileid.u32  }
0x4: {  	s3 =	srdreg.scid;
	s18 =	simm.s32 $0x1;
	[smem:$0x7FF] =	sst s2  }
0x5: {  	s11 =	sand.u32 $0x1, s3;
	s6 =	smul.u32 $0x2700, s13;
	s3 =	sadd.s32 $0xCEB800, s10  }
0x6: {  	s26 =	sshll.u32 s13, $0x1;
	s4 =	sadd.s32 $0xA1D400, s10;
	s9 =	smul.u32 $0x4E000, s13  }
0x7: {  	s5 =	sadd.s32 $0xB5D400, s10;
	s29 =	sshll.u32 s13, $0x6;
	s16 =	sadd.s32 $0x138000, s1  }
0x8: {  	s17 =	smul.u32 $0xA0000, s13;
	s21 =	sadd.s32 $0x12E400, s1;
	p0 =	sne.s32 s13, $0x0  }
0x9: {  	_ =	strace $0x80000065;
	s19 =	sor.u32 s11, s26;
	s31 =	smul.u32 $0x50000, s11  }
0xa: {  	s8 =	ssub.s32 $0x2, s11;
	s7 =	smul.u32 $0x1380, s19;
	s6 =	sadd.s32 s6, s10  }
0xb: {  	s12 =	sshrl.u32 s8, $0x1;
	s28 =	sshrl.u32 s9, $0x2;
	s30 =	smul.u32 $0x27000, s19  }
0xc: {  	p1 =	seq.s32 s19, $0x1F;
	s12 =	ssub.s32 s8, s12;
	s15 =	sadd.s32 s28, s1  }
0xd: {  	s6 =	sadd.s32 $0xC9D400, s6;
	s8 =	sadd.s32 $0xCC4400, s10;
	s19 =	sshrl.u32 @p1 s21, $0x3  }
0xe: {  	s21 =	simm.s32 $0x0;
	s14 =	sadd.s32 s7, s10;
	s7 =	sor.u32 $0x1C02, s29  }
0xf: {  	s9 =	sshrl.u32 s30, $0x2;
	s10 =	sadd.s32 $0x3A680, s10;
	s11 =	smax.u32 s12, $0x1  }
0x10: {  	s12 =	sadd.s32 s31, s17;
	s13 =	sshrl.u32 s15, $0x3;
	s15 =	sshrl.u32 @!p0 s16, $0x3  }
0x11: {  	s16 =	simm.s32 $0x80;
	s17 =	simm.s32 $0x100;
	s20 =	sadd.s32 s9, s1  }
0x12: {  	v0 =	vimm.f32 $0.0e+00;
	s9 =	sadd.s32 $0x14A00, s14;
	s14 =	simm.s32 $0x2;
	s20 =	sshrl.u32 @!p1 s20, $0x3  }
.LBB2_1:
0x13: {  	[spmem:s13], [sflag:s7] =	dma.local [hbm:s6], $0x2700  }
0x14: {  	_ =	swait.ge [sflag:s14], $0x2700  }
0x15: {  	[sflag:s14] =	ssyncset.done $0x0  }
0x16: {  	s22 =	simm.s32 @!p0 $0x2;
	[sflag:s14] =	ssyncadd.s32 $0xFFFFD900  }
0x17: {  	[spmem:s15], [sflag:s7] =	dma.local @!p0 [hbm:s8], $0x200  }
0x18: {  	_ =	swait.ge @!p0 [sflag:s22], $0x200  }
0x19: {  	[sflag:s22] =	ssyncset.done @!p0 $0x0  }
0x1a: {  	[sflag:s22] =	ssyncadd.s32 @!p0 $0xFFFFFE00  }
0x1b: {  	s23 =	simm.s32 $0x0;
	s22 =	smov.u32 s12;
	[bflag:$0x0] =	sbarrier.arrive $0xFFFF  }
.LBB2_2:
0x1c: {  	s24 =	smov.u32 s22  }
.LBB2_3:
0x1d: {  	s25 =	sshrl.u32 s24, $0x3  }
0x1e: {  	s26 =	sadd.s32 s4, s25  }
0x1f: {  	[tilespmem:s2], [sflag:$0x2] =	stream.linear.gather [hbm4b:s26+s2], $0x80, $0x38;
	[tilespmem:$0x17A00] =	vst v63  }
0x20: {  	_ =	swait.ge [sflag:s14], $0x80  }
0x21: {  	[sflag:s14] =	ssyncset.done $0x0  }
0x22: {  	s25 =	sadd.s32 s5, s25;
	[sflag:s14] =	ssyncadd.s32 $0xFFFFFF80  }
0x23: {  	[tilespmem:s16], [sflag:$0x2] =	stream.linear.gather [hbm4b:s25+s2], $0x80, $0x38;
	[tilespmem:$0x17A00] =	vst v63  }
0x24: {  	_ =	swait.ge [sflag:s14], $0x80  }
0x25: {  	[sflag:s14] =	ssyncset.done $0x0  }
0x26: {  	[sflag:s14] =	ssyncadd.s32 $0xFFFFFF80  }
0x27: {  	[tilespmem:s17], [sflag:$0x1] =	stream.indirect.gather [hbm4b:s3+s16], $0x80, s2, s16, $0xb8;
	[tilespmem:$0x17A00] =	vst v63  }
0x28: {  	_ =	swait.ge [sflag:s18], $0x4000  }
0x29: {  	[sflag:s18] =	ssyncset.done $0x0  }
0x2a: {  	[sflag:s18] =	ssyncadd.s32 $0xFFFFC000  }
0x2b: {  	[spmem:s1] =	stream.indirect.scatter.add.f32 [tilespmem:s17], [sflag:$0x2], $0x80, s16, s16, $0xb8;
	[tilespmem:$0x17A00] =	vst v63  }
0x2c: {  	_ =	swait.ge [sflag:s14], $0x4000  }
0x2d: {  	[sflag:s14] =	ssyncset.done $0x0  }
0x2e: {  	[sflag:s14] =	ssyncadd.s32 $0xFFFFC000  }
0x2f: {  	_ =	sdelay $0x7ff  }
0x30: {  	_ =	sdelay $0x700  }
0x31: {  	v1 =	vld [tilespmem:$0xF0];
	_ =	sdelay $0x4  }
0x32: {  	vm0 =	vgt.s32 v1, $0x270F  }
0x33: {  	v1 =	vsel vm0, $0x3F800000, v0  }
0x34: {  	(xrf0) =	vmax.scan.msk.f32 $0xffff, v1;
	_ =	sdelay $0x5  }
0x35: {  	v1, _, _ =	vpop (xrf0)  }
0x36: {  	(v2sf) =	vpush v1, $0xF;
	_ =	sdelay $0xe  }
0x37: {  	s31 =	spop (v2sf)  }
0x38: {  	p2 =	sgt.f32 s31, $0.0e+00  }
.Ltmp0:
0x39: {  	_ = 	snop;
	(pc) =	sbr.rel @!p2 .LBB2_3-.Ltmp0, $2  }
0x3a: {  	_ =	sdelay $0x2  }
0x3b: {  	s24 =	sadd.s32 $0x80, s24  }
0x3c: {  	s23 =	sadd.s32 $0x1, s23  }
0x3d: {  	p2 =	sne.s32 s23, $0x50  }
.Ltmp1:
0x3e: {  	_ = 	snop;
	(pc) =	sbr.rel @p2 .LBB2_2-.Ltmp1, $2  }
0x3f: {  	_ =	sdelay $0x2  }
0x40: {  	s22 =	sadd.s32 $0x1000, s22  }
0x41: {  	[bflag:$0x0] =	sbarrier.arrive $0xFFFF;
	s22 =	simm.s32 @p1 $0x2  }
0x42: {  	[hbm:s10], [sflag:s7] =	dma.local @p1 [spmem:s19], $0x1480  }
0x43: {  	s21 =	sadd.s32 $0x1, s21;
	_ =	swait.ge @p1 [sflag:s22], $0x1480  }
0x44: {  	p2 =	sne.s32 s21, s11;
	[sflag:s22] =	ssyncset.done @p1 $0x0  }
.Ltmp2:
0x45: {  	[sflag:s22] =	ssyncadd.s32 @p1 $0xFFFFEB80;
	s22 =	simm.s32 @!p1 $0x2;
	(pc) =	sbr.rel @p2 .LBB2_1-.Ltmp2, $4  }
0x46: {  	[hbm:s9], [sflag:s7] =	dma.local @!p1 [spmem:s20], $0x1380  }
0x47: {  	_ =	swait.ge @!p1 [sflag:s22], $0x1380  }
0x48: {  	[sflag:s22] =	ssyncset.done @!p1 $0x0  }
0x49: {  	[sflag:s22] =	ssyncadd.s32 @!p1 $0xFFFFEC80  }
0x4a: {  	_ =	sfence.sel $0x180000  }
0x4b: {  	[bflag:$0x0] =	sbarrier.arrive $0xFFFF  }
0x4c: {  	_ =	strace $0x90000065  }
0x4d: {  	s0 =	sadd.s32 @!p0 $0x100000, s0;
	[bflag:$0x2] =	sbarrier.arrive $0xFFFF  }
0x4e: {  	[sflag:s0] =	ssyncadd.tile.s32 @!p0 $0x1;
	_ =	shalt  }
.Lfunc_end2:
_tile_overlayer_lowered:
.L_overlay_start_2:
0x4f: {  	(tag) =	ssettag $0x2  }
0x50: {  	s0 =	rddreg [dreg:$0x0];
	s2 =	stileid.u32  }
0x51: {  	s1 =	rddreg [dreg:$0x1];
	p0 =	sne.s32 s2, $0x0  }
0x52: {  	s3 =	rddreg [dreg:$0x2];
	[bflag:$0x3] =	sbarrier.arrive $0xFFFF;
	s2 =	simm.s32 @!p0 $0x1C02  }
0x53: {  	[timem:s3], [sflag:s2] =	dma.local @!p0 [hbm:s0], s1  }
0x54: {  	s0 =	simm.s32 @!p0 $0x2  }
0x55: {  	_ =	swait.ge @!p0 [sflag:s0], s1  }
0x56: {  	s1 =	ssub.s32 @!p0 $0x0, s1;
	[sflag:s0] =	ssyncset.done @!p0 $0x0  }
0x57: {  	[sflag:s0] =	ssyncadd.s32 @!p0 s1  }
0x58: {  	[bflag:$0x3] =	sbarrier.arrive $0xFFFF  }
0x59: {  	_ =	shalt  }

</sc_bundles>
